<compile_context>
chip_gen: v7x
topology: tpu7x:2x2x1
jax: 0.10.2.dev20260603
libtpu: 0.0.44.dev20260713+nightly
codegen_flags: <defaults>
</compile_context>

<pallas_src>
import jax
import jax.numpy as jnp
from jax import lax
from jax.experimental import pallas as pl
from jax.experimental.pallas import tpu as pltpu
from jax.experimental.pallas import tpu_sc as plsc

_RATIO = 3.0
_EPS = 1e-06

_B = 4
_NPOS = 512 * 512
_NTILES = 16
_PER_TILE = _NPOS // _NTILES
_NB = 2048
_NB2 = 32
_L = 16
_HIST = _NB * _L
_ROW = _NB
_ROW2 = 128

_GATHER_DNUMS = lax.GatherDimensionNumbers(
    offset_dims=(), collapsed_slice_dims=(0,), start_index_map=(0,))


def _dg(v, idx):
    return lax.gather(v, idx[:, None], _GATHER_DNUMS, (1,),
                      mode=lax.GatherScatterMode.PROMISE_IN_BOUNDS)


_BH = 512
_G = 512 // _BH
_RB = _BH * 512 // 128


def _tc_body(pred_ref, t_ref, msk_ref, word_ref, stats_ref,
             sl_ref, sp_ref, macc_ref, lacc_ref):
    i = pl.program_id(0)
    j = pl.program_id(1)
    p = pred_ref[0]
    t = t_ref[0]
    mk = msk_ref[0]
    x = jnp.where(t > 0.5, p, 1.0 - p)
    loss = jnp.maximum(jnp.minimum(-jnp.log(x), 100.0), 0.0)
    pos = t * mk
    neg = (1.0 - t) * mk
    lacc_ref[j] = loss

    @pl.when(j == 0)
    def _():
        sl_ref[...] = loss
        sp_ref[...] = pos
        macc_ref[...] = neg

    @pl.when(j > 0)
    def _():
        sl_ref[...] = sl_ref[...] + loss
        sp_ref[...] = sp_ref[...] + pos
        macc_ref[...] = macc_ref[...] + neg

    @pl.when((i == 0) & (j == 0))
    def _():
        stats_ref[...] = jnp.zeros_like(stats_ref)

    @pl.when(j == _B - 1)
    def _():
        w = macc_ref[...].astype(jnp.int32)
        for jj in range(_B):
            bits = lax.bitcast_convert_type(lacc_ref[jj], jnp.int32)
            rnd = (bits + 0x8000) & jnp.int32(-65536)
            word_ref[pl.ds(jj * _RB, _RB), :] = (rnd | w).reshape(_RB, 128)
        stats_ref[0:1, :] = stats_ref[0:1, :] + jnp.sum(sp_ref[...])
        stats_ref[1:2, :] = stats_ref[1:2, :] + jnp.sum(macc_ref[...])
        stats_ref[2:3, :] = stats_ref[2:3, :] + jnp.sum(
            sl_ref[...] * sp_ref[...])


def _tc_stage(pred3, map3, mask3):
    in_spec = pl.BlockSpec((1, _BH, 512), lambda i, j: (j, i, 0))
    return pl.pallas_call(
        _tc_body,
        grid=(_G, _B),
        in_specs=[in_spec, in_spec, in_spec],
        out_specs=[
            pl.BlockSpec((_B * _RB, 128), lambda i, j: (i, 0)),
            pl.BlockSpec((8, 128), lambda i, j: (0, 0)),
        ],
        out_shape=[
            jax.ShapeDtypeStruct((_G * _B * _RB, 128), jnp.int32),
            jax.ShapeDtypeStruct((8, 128), jnp.float32),
        ],
        scratch_shapes=[
            pltpu.VMEM((_BH, 512), jnp.float32),
            pltpu.VMEM((_BH, 512), jnp.float32),
            pltpu.VMEM((_BH, 512), jnp.float32),
            pltpu.VMEM((_B, _BH, 512), jnp.float32),
        ],
    )(pred3, map3, mask3)


def _sc_body(word_hbm, stats_hbm, out_hbm,
             vbuf, hist_ref, red_ref, acc_ref,
             stats_buf, out_buf, shared, sem0, sem2):
    sid = lax.axis_index("s")
    cid = lax.axis_index("c")
    base = sid * (_B * _PER_TILE)

    _STRIPE = _B * _PER_TILE
    first_handles = [
        pltpu.async_copy(word_hbm.at[pl.ds(base + h * (_STRIPE // 4),
                                           _STRIPE // 4)],
                         vbuf.at[pl.ds(h * (_STRIPE // 4), _STRIPE // 4)],
                         sem0)
        for h in range(4)]
    pltpu.sync_copy(stats_hbm, stats_buf)
    pos_num = stats_buf[pl.ds(0, _L)]
    neg_count = stats_buf[pl.ds(128, _L)]
    pos_sum = stats_buf[pl.ds(256, _L)]
    k_sel = jnp.minimum(neg_count, pos_num * _RATIO)

    lane = lax.iota(jnp.int32, _L)
    zeros16 = jnp.zeros((_L,), jnp.float32)
    lane15 = jnp.full((_L,), _L - 1, jnp.int32)

    def splat_sum(v):
        for s in (1, 2, 4, 8):
            v = v + _dg(v, lane ^ s)
        return v

    def incl_prefix(v):
        r = v
        for s in (1, 2, 4, 8):
            g = _dg(r, jnp.maximum(lane - s, 0))
            r = r + jnp.where(lane >= s, g, zeros16)
        return r

    def zero_hist(nwords):
        @plsc.parallel_loop(0, nwords // _L, unroll=8)
        def _(i):
            hist_ref[pl.ds(i * _L, _L)] = zeros16

    def hist_pass(bstar_splat, lo, hi):
        @plsc.parallel_loop(lo // _L, hi // _L, unroll=4, carry=zeros16)
        def vb(i, sa):
            bits = vbuf[pl.ds(i * _L, _L)]
            b1 = bits >> 21
            wf = (bits & 7).astype(jnp.float32)
            if bstar_splat is None:
                plsc.addupdate_scatter(hist_ref, [lane * _NB + b1], wf)
            else:
                sel = b1 == bstar_splat
                b2 = (bits >> 16) & (_NB2 - 1)
                idx = lane * _NB2 + b2
                v = lax.bitcast_convert_type(bits & jnp.int32(-65536),
                                             jnp.float32)
                wv = wf * v
                plsc.addupdate_scatter(hist_ref, [idx], wf, mask=sel)
                plsc.addupdate_scatter(hist_ref, [idx + _NB2 * _L], wv,
                                       mask=sel)
                sa = sa + jnp.where(b1 > bstar_splat, wv, zeros16)
            return sa
        return vb

    def lane_reduce(nbins, with_sums):
        @plsc.parallel_loop(0, nbins // _L, unroll=2)
        def _(i):
            cacc = zeros16
            for l in range(_L):
                cacc = cacc + hist_ref[pl.ds(l * nbins + i * _L, _L)]
            red_ref[pl.ds(i * _L, _L)] = cacc
            if with_sums:
                sacc = zeros16
                for l in range(_L):
                    sacc = sacc + hist_ref[
                        pl.ds(nbins * _L + l * nbins + i * _L, _L)]
                red_ref[pl.ds(nbins + i * _L, _L)] = sacc

    def merge(width):
        pltpu.sync_copy(red_ref.at[pl.ds(0, width)],
                        shared.at[sid, pl.ds(0, width)])
        plsc.subcore_barrier()
        hs = [pltpu.async_copy(shared.at[r, pl.ds(0, width)],
                               hist_ref.at[pl.ds(r * width, width)], sem2)
              for r in range(_NTILES)]
        for h in hs:
            h.wait()

        @plsc.parallel_loop(0, width // _L, unroll=2)
        def _(i):
            o = i * _L
            a = hist_ref[pl.ds(o, _L)]
            for r in range(1, _NTILES):
                a = a + hist_ref[pl.ds(r * width + o, _L)]
            acc_ref[pl.ds(o, _L)] = a
        plsc.subcore_barrier()

    def scan(ktarget, nbins, with_sums):
        def tb(i, tot):
            return tot + acc_ref[pl.ds(i * _L, _L)]
        total = splat_sum(lax.fori_loop(0, nbins // _L, tb, zeros16))
        thresh = total - ktarget

        def sb(i, carry):
            run, nm = carry
            v = acc_ref[pl.ds(i * _L, _L)]
            incl = incl_prefix(v)
            cb = run + (incl - v)
            nm = nm + jnp.where(cb <= thresh, 1.0, 0.0)
            return run + _dg(incl, lane15), nm
        _, nmask = lax.fori_loop(0, nbins // _L, sb, (zeros16, zeros16))
        bstar = (splat_sum(nmask) - 1.0).astype(jnp.int32)

        def ab(i, carry):
            ca, sa = carry
            msk = (lane + i * _L) > bstar
            ca = ca + jnp.where(msk, acc_ref[pl.ds(i * _L, _L)], zeros16)
            if with_sums:
                sa = sa + jnp.where(msk, acc_ref[pl.ds(nbins + i * _L, _L)],
                                    zeros16)
            return ca, sa
        ca, sa = lax.fori_loop(0, nbins // _L, ab, (zeros16, zeros16))
        return bstar, splat_sum(ca), splat_sum(sa)

    zero_hist(_HIST)
    for h in range(4):
        first_handles[h].wait()
        hist_pass(None, h * (_STRIPE // 4), (h + 1) * (_STRIPE // 4))
    lane_reduce(_NB, False)
    merge(_ROW)
    bstar, cnt_a, _ = scan(k_sel, _NB, False)

    zero_hist(2 * _NB2 * _L)
    sa_vec = hist_pass(bstar, 0, _STRIPE)
    lane_reduce(_NB2, True)
    red_ref[pl.ds(2 * _NB2, _L)] = sa_vec
    merge(_ROW2)
    b2star, cnt_a2, sum_a2 = scan(k_sel - cnt_a, _NB2, True)
    sum_a = splat_sum(acc_ref[pl.ds(2 * _NB2, _L)])

    rem = (k_sel - cnt_a) - cnt_a2
    tbits = (bstar << 21) | (b2star << 16)
    that = lax.bitcast_convert_type(tbits, jnp.float32)
    neg_sum = sum_a + sum_a2 + jnp.where(rem > 0.0, rem * that, 0.0)
    result = (pos_sum + neg_sum) / (pos_num + k_sel + _EPS)
    out_buf[...] = result

    @pl.when((sid == 0) & (cid == 0))
    def _():
        pltpu.sync_copy(out_buf, out_hbm)


def _sc_select(word1d, stats1d):
    mesh = plsc.VectorSubcoreMesh(core_axis_name="c", subcore_axis_name="s")
    f32 = jnp.float32
    fn = pl.kernel(
        _sc_body,
        out_type=jax.ShapeDtypeStruct((_L,), f32),
        mesh=mesh,
        compiler_params=pltpu.CompilerParams(needs_layout_passes=False),
        scratch_types=[
            pltpu.VMEM((_B * _PER_TILE,), jnp.int32),
            pltpu.VMEM((_HIST,), f32),
            pltpu.VMEM((_ROW,), f32),
            pltpu.VMEM((_ROW,), f32),
            pltpu.VMEM((1024,), f32),
            pltpu.VMEM((_L,), f32),
            pltpu.VMEM_SHARED((_NTILES, _ROW), f32),
            pltpu.SemaphoreType.DMA,
            pltpu.SemaphoreType.DMA,
        ],
    )
    return fn(word1d, stats1d)


def kernel(pred, probMap, probMask):
    pred3 = pred.reshape(_B, 512, 512)
    map3 = probMap.reshape(_B, 512, 512)
    mask3 = probMask.reshape(_B, 512, 512)
    words, stats = _tc_stage(pred3, map3, mask3)
    out16 = _sc_select(words.reshape(-1), stats.reshape(-1))
    return out16[0]

# --- scband reference (transcript-rebuilt; emitter-appended) ---
"""Pipeline reference for scband-bce-loss-6476810682846 (READ-ONLY COPY).

The authoritative reference and input builder live on the scoring server;
editing this copy changes nothing except your own understanding.
"""

import jax, jax.numpy as jnp
import numpy as np

RATIO = 3.0
EPS = 1e-06


def _bce_no_reduction(p, t):
    # torch F.binary_cross_entropy clamps log terms at -100
    logp = jnp.clip(jnp.log(p), -100.0, None)
    log1mp = jnp.clip(jnp.log1p(-p), -100.0, None)
    return -(t * logp + (1.0 - t) * log1mp)


def setup_inputs(seed: int = 0) -> dict:
    key = jax.random.key(seed)
    k1, k2, k3 = jax.random.split(key, 3)
    pred = jax.random.uniform(k1, (4, 1, 512, 512), dtype=jnp.float32)
    probMap = jax.random.randint(k2, (4, 1, 512, 512), 0, 2).astype(jnp.float32)
    probMask = jax.random.randint(k3, (4, 1, 512, 512), 0, 2).astype(jnp.float32)
    return {"pred": pred, "probMap": probMap, "probMask": probMask}


def reference(pred, probMap, probMask):
    pos = (probMap * probMask).astype(jnp.uint8)
    neg = ((1.0 - probMap) * probMask).astype(jnp.uint8)
    loss = _bce_no_reduction(pred.astype(jnp.float32), probMap)[:, 0, :, :]
    posNum = jnp.sum(pos.astype(jnp.float32)).astype(jnp.int32)
    # loss is (B,H,W), pos is (B,1,H,W) -> broadcast to (B,B,H,W), faithful to torch
    posLoss = loss * pos.astype(jnp.float32)
    negNum = jnp.minimum(
        jnp.sum(neg.astype(jnp.int32)),
        (posNum.astype(jnp.float32) * RATIO).astype(jnp.int32),
    )
    negLoss = loss * neg.astype(jnp.float32)
    flat = negLoss.reshape(-1)
    negVals, _ = jax.lax.top_k(flat, flat.shape[0])
    negVals = jnp.where(jnp.arange(flat.shape[0]) < negNum, negVals, 0.0)
    out = (jnp.sum(posLoss) + jnp.sum(negVals)) / (posNum + negNum + EPS)
    return out

if __name__ == "__main__":
    import jax
    _d = setup_inputs()
    print(jax.jit(kernel)(*tuple(_d.values())))

</pallas_src>

<mosaic_0001>
#map = affine_map<(d0, d1) -> (0)>
module attributes {stable_mosaic.version = 14 : i64} {
  func.func @_sc_body(%arg0: i32, %arg1: i32, %arg2: memref<1048576xi32, #tpu.memory_space<hbm>>, %arg3: memref<1024xf32, #tpu.memory_space<hbm>>, %arg4: memref<16xf32, #tpu.memory_space<hbm>>, %arg5: memref<65536xi32, #tpu.memory_space<vmem>>, %arg6: memref<32768xf32, #tpu.memory_space<vmem>>, %arg7: memref<2048xf32, #tpu.memory_space<vmem>>, %arg8: memref<2048xf32, #tpu.memory_space<vmem>>, %arg9: memref<1024xf32, #tpu.memory_space<vmem>>, %arg10: memref<16xf32, #tpu.memory_space<vmem>>, %arg11: memref<16x2048xf32, #tpu.memory_space<vmem_shared>>, %arg12: memref<!tpu.dma_semaphore, #tpu.memory_space<semaphore_mem>>, %arg13: memref<!tpu.dma_semaphore, #tpu.memory_space<semaphore_mem>>) attributes {dimension_semantics = [#tpu.dimension_semantics<core_parallel>, #tpu.dimension_semantics<subcore_parallel>], iteration_bounds = array<i64: 2, 16>, scalar_prefetch = 0 : i64, scratch_operands = 9 : i64, tpu.core_type = #tpu.core_type<sc_vector_subcore>, window_params = [{transform_indices = #map}, {transform_indices = #map}, {transform_indices = #map}]} {
    %mul3A = arith.constant 65536 : i32
    %mul3A_0 = arith.muli %arg1, %mul3A : i32
    %add3A = arith.constant 0 : i32
    %add3A_1 = arith.addi %mul3A_0, %add3A : i32
    %dma_start3A = arith.constant 0 : i32
    %dma_start3A_2 = tpu.memref_slice %arg5[%dma_start3A] : memref<65536xi32, #tpu.memory_space<vmem>> -> memref<16384xi32, #tpu.memory_space<vmem>>
    %dma_start3A_3 = tpu.memref_slice %arg2[%add3A_1] : memref<1048576xi32, #tpu.memory_space<hbm>> -> memref<16384xi32, #tpu.memory_space<hbm>>
    %dma_start3A_4 = arith.constant 0 : i32
    %dma_start3A_5 = tpu.memref_slice %arg5[%dma_start3A_4] : memref<65536xi32, #tpu.memory_space<vmem>> -> memref<16384xi32, #tpu.memory_space<vmem>>
    %dma_start3A_6 = tpu.memref_slice %arg2[%add3A_1] : memref<1048576xi32, #tpu.memory_space<hbm>> -> memref<16384xi32, #tpu.memory_space<hbm>>
    tpu.enqueue_dma source(%dma_start3A_6 : memref<16384xi32, #tpu.memory_space<hbm>>) target(%dma_start3A_5 : memref<16384xi32, #tpu.memory_space<vmem>>) target_semaphore(%arg12 : memref<!tpu.dma_semaphore, #tpu.memory_space<semaphore_mem>>)
    %add3A_7 = arith.constant 16384 : i32
    %add3A_8 = arith.addi %mul3A_0, %add3A_7 : i32
    %dma_start3A_9 = arith.constant 16384 : i32
    %dma_start3A_10 = tpu.memref_slice %arg5[%dma_start3A_9] : memref<65536xi32, #tpu.memory_space<vmem>> -> memref<16384xi32, #tpu.memory_space<vmem>>
    %dma_start3A_11 = tpu.memref_slice %arg2[%add3A_8] : memref<1048576xi32, #tpu.memory_space<hbm>> -> memref<16384xi32, #tpu.memory_space<hbm>>
    %dma_start3A_12 = arith.constant 16384 : i32
    %dma_start3A_13 = tpu.memref_slice %arg5[%dma_start3A_12] : memref<65536xi32, #tpu.memory_space<vmem>> -> memref<16384xi32, #tpu.memory_space<vmem>>
    %dma_start3A_14 = tpu.memref_slice %arg2[%add3A_8] : memref<1048576xi32, #tpu.memory_space<hbm>> -> memref<16384xi32, #tpu.memory_space<hbm>>
    tpu.enqueue_dma source(%dma_start3A_14 : memref<16384xi32, #tpu.memory_space<hbm>>) target(%dma_start3A_13 : memref<16384xi32, #tpu.memory_space<vmem>>) target_semaphore(%arg12 : memref<!tpu.dma_semaphore, #tpu.memory_space<semaphore_mem>>)
    %add3A_15 = arith.constant 32768 : i32
    %add3A_16 = arith.addi %mul3A_0, %add3A_15 : i32
    %dma_start3A_17 = arith.constant 32768 : i32
    %dma_start3A_18 = tpu.memref_slice %arg5[%dma_start3A_17] : memref<65536xi32, #tpu.memory_space<vmem>> -> memref<16384xi32, #tpu.memory_space<vmem>>
    %dma_start3A_19 = tpu.memref_slice %arg2[%add3A_16] : memref<1048576xi32, #tpu.memory_space<hbm>> -> memref<16384xi32, #tpu.memory_space<hbm>>
    %dma_start3A_20 = arith.constant 32768 : i32
    %dma_start3A_21 = tpu.memref_slice %arg5[%dma_start3A_20] : memref<65536xi32, #tpu.memory_space<vmem>> -> memref<16384xi32, #tpu.memory_space<vmem>>
    %dma_start3A_22 = tpu.memref_slice %arg2[%add3A_16] : memref<1048576xi32, #tpu.memory_space<hbm>> -> memref<16384xi32, #tpu.memory_space<hbm>>
    tpu.enqueue_dma source(%dma_start3A_22 : memref<16384xi32, #tpu.memory_space<hbm>>) target(%dma_start3A_21 : memref<16384xi32, #tpu.memory_space<vmem>>) target_semaphore(%arg12 : memref<!tpu.dma_semaphore, #tpu.memory_space<semaphore_mem>>)
    %add3A_23 = arith.constant 49152 : i32
    %add3A_24 = arith.addi %mul3A_0, %add3A_23 : i32
    %dma_start3A_25 = arith.constant 49152 : i32
    %dma_start3A_26 = tpu.memref_slice %arg5[%dma_start3A_25] : memref<65536xi32, #tpu.memory_space<vmem>> -> memref<16384xi32, #tpu.memory_space<vmem>>
    %dma_start3A_27 = tpu.memref_slice %arg2[%add3A_24] : memref<1048576xi32, #tpu.memory_space<hbm>> -> memref<16384xi32, #tpu.memory_space<hbm>>
    %dma_start3A_28 = arith.constant 49152 : i32
    %dma_start3A_29 = tpu.memref_slice %arg5[%dma_start3A_28] : memref<65536xi32, #tpu.memory_space<vmem>> -> memref<16384xi32, #tpu.memory_space<vmem>>
    %dma_start3A_30 = tpu.memref_slice %arg2[%add3A_24] : memref<1048576xi32, #tpu.memory_space<hbm>> -> memref<16384xi32, #tpu.memory_space<hbm>>
    tpu.enqueue_dma source(%dma_start3A_30 : memref<16384xi32, #tpu.memory_space<hbm>>) target(%dma_start3A_29 : memref<16384xi32, #tpu.memory_space<vmem>>) target_semaphore(%arg12 : memref<!tpu.dma_semaphore, #tpu.memory_space<semaphore_mem>>)
    "tpu.region"() ({
      %run_scoped3A = tpu.sem_alloc : memref<!tpu.dma_semaphore, #tpu.memory_space<semaphore_mem>>
      tpu.enqueue_dma source(%arg3 : memref<1024xf32, #tpu.memory_space<hbm>>) target(%arg9 : memref<1024xf32, #tpu.memory_space<vmem>>) target_semaphore(%run_scoped3A : memref<!tpu.dma_semaphore, #tpu.memory_space<semaphore_mem>>)
      tpu.wait_dma2 semaphore(%run_scoped3A : memref<!tpu.dma_semaphore, #tpu.memory_space<semaphore_mem>>) src(%arg3 : memref<1024xf32, #tpu.memory_space<hbm>>) dst(%arg9 : memref<1024xf32, #tpu.memory_space<vmem>>)
      tpu.yield
    }) : () -> ()
    %get3A = arith.constant 0 : index
    %get3A_31 = tpu.vector_load %arg9[%get3A] {strides = array<i32>} : memref<1024xf32, #tpu.memory_space<vmem>>, vector<16xf32>,
    %get3A_32 = arith.constant 128 : index
    %get3A_33 = tpu.vector_load %arg9[%get3A_32] {strides = array<i32>} : memref<1024xf32, #tpu.memory_space<vmem>>, vector<16xf32>,
    %get3A_34 = arith.constant 256 : index
    %get3A_35 = tpu.vector_load %arg9[%get3A_34] {strides = array<i32>} : memref<1024xf32, #tpu.memory_space<vmem>>, vector<16xf32>,
    %mul3A_36 = arith.constant 3.000000e+00 : f32
    %mul3A_37 = vector.broadcast %mul3A_36 : f32 to vector<16xf32>
    %mul3A_38 = arith.mulf %get3A_31, %mul3A_37 : vector<16xf32>
    %min3A = arith.minimumf %get3A_33, %mul3A_38 : vector<16xf32>
    %iota3A = tpu.iota {dimensions = array<i32: 0>} : vector<16xi32>
    %broadcast_in_dim3A = arith.constant 0.000000e+00 : f32
    %broadcast_in_dim3A_39 = vector.broadcast %broadcast_in_dim3A : f32 to vector<16xf32>
    %broadcast_in_dim3A_40 = arith.constant 15 : i32
    %broadcast_in_dim3A_41 = vector.broadcast %broadcast_in_dim3A_40 : i32 to vector<16xi32>
    %parallel_loop3A = arith.constant 0 : i32
    %parallel_loop3A_42 = arith.constant 2048 : i32
    %parallel_loop3A_43 = arith.constant 1 : i32
    scf.for %parallel_loop3A_1131 = %parallel_loop3A to %parallel_loop3A_42 step %parallel_loop3A_43  : i32 {
      %parallel_loop3A_1132 = arith.constant 16 : i32
      %parallel_loop3A_1133 = arith.muli %parallel_loop3A_1131, %parallel_loop3A_1132 : i32
      %parallel_loop3A_1134 = arith.index_cast %parallel_loop3A_1133 : i32 to index
      %parallel_loop3A_1135 = tpu.vector_load %arg6[%parallel_loop3A_1134] {strides = array<i32>} : memref<32768xf32, #tpu.memory_space<vmem>>, vector<16xf32>,
      tpu.vector_store %arg6[%parallel_loop3A_1134], %broadcast_in_dim3A_39 {strides = array<i32>} : memref<32768xf32, #tpu.memory_space<vmem>>, vector<16xf32>,
    } {sc.loop_unroll_factor = 8 : i64, sc.parallel_access}
    %dma_wait3A = arith.constant 0 : i32
    %dma_wait3A_44 = tpu.memref_slice %arg5[%dma_wait3A] : memref<65536xi32, #tpu.memory_space<vmem>> -> memref<16384xi32, #tpu.memory_space<vmem>>
    %dma_wait3A_45 = tpu.memref_slice %arg2[%add3A_1] : memref<1048576xi32, #tpu.memory_space<hbm>> -> memref<16384xi32, #tpu.memory_space<hbm>>
    %dma_wait3A_46 = arith.constant 0 : i32
    %dma_wait3A_47 = tpu.memref_slice %arg5[%dma_wait3A_46] : memref<65536xi32, #tpu.memory_space<vmem>> -> memref<16384xi32, #tpu.memory_space<vmem>>
    %dma_wait3A_48 = tpu.memref_slice %arg2[%add3A_1] : memref<1048576xi32, #tpu.memory_space<hbm>> -> memref<16384xi32, #tpu.memory_space<hbm>>
    tpu.wait_dma2 semaphore(%arg12 : memref<!tpu.dma_semaphore, #tpu.memory_space<semaphore_mem>>) src(%dma_wait3A_48 : memref<16384xi32, #tpu.memory_space<hbm>>) dst(%dma_wait3A_47 : memref<16384xi32, #tpu.memory_space<vmem>>)
    %parallel_loop3A_49 = arith.constant 0 : i32
    %parallel_loop3A_50 = arith.constant 1024 : i32
    %parallel_loop3A_51 = arith.constant 1 : i32
    %parallel_loop3A_52 = scf.for %parallel_loop3A_1131 = %parallel_loop3A_49 to %parallel_loop3A_50 step %parallel_loop3A_51 iter_args(%parallel_loop3A_1132 = %broadcast_in_dim3A_39) -> (vector<16xf32>)  : i32 {
      %parallel_loop3A_1133 = arith.constant 16 : i32
      %parallel_loop3A_1134 = arith.muli %parallel_loop3A_1131, %parallel_loop3A_1133 : i32
      %parallel_loop3A_1135 = arith.index_cast %parallel_loop3A_1134 : i32 to index
      %parallel_loop3A_1136 = tpu.vector_load %arg5[%parallel_loop3A_1135] {strides = array<i32>} : memref<65536xi32, #tpu.memory_space<vmem>>, vector<16xi32>,
      %parallel_loop3A_1137 = arith.constant 21 : i32
      %parallel_loop3A_1138 = vector.broadcast %parallel_loop3A_1137 : i32 to vector<16xi32>
      %parallel_loop3A_1139 = arith.shrsi %parallel_loop3A_1136, %parallel_loop3A_1138 : vector<16xi32>
      %parallel_loop3A_1140 = arith.constant 7 : i32
      %parallel_loop3A_1141 = vector.broadcast %parallel_loop3A_1140 : i32 to vector<16xi32>
      %parallel_loop3A_1142 = arith.andi %parallel_loop3A_1136, %parallel_loop3A_1141 : vector<16xi32>
      %parallel_loop3A_1143 = arith.sitofp %parallel_loop3A_1142 : vector<16xi32> to vector<16xf32>
      %parallel_loop3A_1144 = arith.constant 2048 : i32
      %parallel_loop3A_1145 = vector.broadcast %parallel_loop3A_1144 : i32 to vector<16xi32>
      %parallel_loop3A_1146 = arith.muli %iota3A, %parallel_loop3A_1145 : vector<16xi32>
      %parallel_loop3A_1147 = arith.addi %parallel_loop3A_1146, %parallel_loop3A_1139 : vector<16xi32>
      tpu.vector_store_idx %arg6[%parallel_loop3A_1147], %parallel_loop3A_1143 {add = true} : memref<32768xf32, #tpu.memory_space<vmem>>[vector<16xi32>], vector<16xf32>,
      scf.yield %parallel_loop3A_1132 : vector<16xf32>
    } {sc.loop_unroll_factor = 4 : i64, sc.parallel_access}
    %dma_wait3A_53 = arith.constant 16384 : i32
    %dma_wait3A_54 = tpu.memref_slice %arg5[%dma_wait3A_53] : memref<65536xi32, #tpu.memory_space<vmem>> -> memref<16384xi32, #tpu.memory_space<vmem>>
    %dma_wait3A_55 = tpu.memref_slice %arg2[%add3A_8] : memref<1048576xi32, #tpu.memory_space<hbm>> -> memref<16384xi32, #tpu.memory_space<hbm>>
    %dma_wait3A_56 = arith.constant 16384 : i32
    %dma_wait3A_57 = tpu.memref_slice %arg5[%dma_wait3A_56] : memref<65536xi32, #tpu.memory_space<vmem>> -> memref<16384xi32, #tpu.memory_space<vmem>>
    %dma_wait3A_58 = tpu.memref_slice %arg2[%add3A_8] : memref<1048576xi32, #tpu.memory_space<hbm>> -> memref<16384xi32, #tpu.memory_space<hbm>>
    tpu.wait_dma2 semaphore(%arg12 : memref<!tpu.dma_semaphore, #tpu.memory_space<semaphore_mem>>) src(%dma_wait3A_58 : memref<16384xi32, #tpu.memory_space<hbm>>) dst(%dma_wait3A_57 : memref<16384xi32, #tpu.memory_space<vmem>>)
    %parallel_loop3A_59 = arith.constant 1024 : i32
    %parallel_loop3A_60 = arith.constant 2048 : i32
    %parallel_loop3A_61 = arith.constant 1 : i32
    %parallel_loop3A_62 = scf.for %parallel_loop3A_1131 = %parallel_loop3A_59 to %parallel_loop3A_60 step %parallel_loop3A_61 iter_args(%parallel_loop3A_1132 = %broadcast_in_dim3A_39) -> (vector<16xf32>)  : i32 {
      %parallel_loop3A_1133 = arith.constant 16 : i32
      %parallel_loop3A_1134 = arith.muli %parallel_loop3A_1131, %parallel_loop3A_1133 : i32
      %parallel_loop3A_1135 = arith.index_cast %parallel_loop3A_1134 : i32 to index
      %parallel_loop3A_1136 = tpu.vector_load %arg5[%parallel_loop3A_1135] {strides = array<i32>} : memref<65536xi32, #tpu.memory_space<vmem>>, vector<16xi32>,
      %parallel_loop3A_1137 = arith.constant 21 : i32
      %parallel_loop3A_1138 = vector.broadcast %parallel_loop3A_1137 : i32 to vector<16xi32>
      %parallel_loop3A_1139 = arith.shrsi %parallel_loop3A_1136, %parallel_loop3A_1138 : vector<16xi32>
      %parallel_loop3A_1140 = arith.constant 7 : i32
      %parallel_loop3A_1141 = vector.broadcast %parallel_loop3A_1140 : i32 to vector<16xi32>
      %parallel_loop3A_1142 = arith.andi %parallel_loop3A_1136, %parallel_loop3A_1141 : vector<16xi32>
      %parallel_loop3A_1143 = arith.sitofp %parallel_loop3A_1142 : vector<16xi32> to vector<16xf32>
      %parallel_loop3A_1144 = arith.constant 2048 : i32
      %parallel_loop3A_1145 = vector.broadcast %parallel_loop3A_1144 : i32 to vector<16xi32>
      %parallel_loop3A_1146 = arith.muli %iota3A, %parallel_loop3A_1145 : vector<16xi32>
      %parallel_loop3A_1147 = arith.addi %parallel_loop3A_1146, %parallel_loop3A_1139 : vector<16xi32>
      tpu.vector_store_idx %arg6[%parallel_loop3A_1147], %parallel_loop3A_1143 {add = true} : memref<32768xf32, #tpu.memory_space<vmem>>[vector<16xi32>], vector<16xf32>,
      scf.yield %parallel_loop3A_1132 : vector<16xf32>
    } {sc.loop_unroll_factor = 4 : i64, sc.parallel_access}
    %dma_wait3A_63 = arith.constant 32768 : i32
    %dma_wait3A_64 = tpu.memref_slice %arg5[%dma_wait3A_63] : memref<65536xi32, #tpu.memory_space<vmem>> -> memref<16384xi32, #tpu.memory_space<vmem>>
    %dma_wait3A_65 = tpu.memref_slice %arg2[%add3A_16] : memref<1048576xi32, #tpu.memory_space<hbm>> -> memref<16384xi32, #tpu.memory_space<hbm>>
    %dma_wait3A_66 = arith.constant 32768 : i32
    %dma_wait3A_67 = tpu.memref_slice %arg5[%dma_wait3A_66] : memref<65536xi32, #tpu.memory_space<vmem>> -> memref<16384xi32, #tpu.memory_space<vmem>>
    %dma_wait3A_68 = tpu.memref_slice %arg2[%add3A_16] : memref<1048576xi32, #tpu.memory_space<hbm>> -> memref<16384xi32, #tpu.memory_space<hbm>>
    tpu.wait_dma2 semaphore(%arg12 : memref<!tpu.dma_semaphore, #tpu.memory_space<semaphore_mem>>) src(%dma_wait3A_68 : memref<16384xi32, #tpu.memory_space<hbm>>) dst(%dma_wait3A_67 : memref<16384xi32, #tpu.memory_space<vmem>>)
    %parallel_loop3A_69 = arith.constant 2048 : i32
    %parallel_loop3A_70 = arith.constant 3072 : i32
    %parallel_loop3A_71 = arith.constant 1 : i32
    %parallel_loop3A_72 = scf.for %parallel_loop3A_1131 = %parallel_loop3A_69 to %parallel_loop3A_70 step %parallel_loop3A_71 iter_args(%parallel_loop3A_1132 = %broadcast_in_dim3A_39) -> (vector<16xf32>)  : i32 {
      %parallel_loop3A_1133 = arith.constant 16 : i32
      %parallel_loop3A_1134 = arith.muli %parallel_loop3A_1131, %parallel_loop3A_1133 : i32
      %parallel_loop3A_1135 = arith.index_cast %parallel_loop3A_1134 : i32 to index
      %parallel_loop3A_1136 = tpu.vector_load %arg5[%parallel_loop3A_1135] {strides = array<i32>} : memref<65536xi32, #tpu.memory_space<vmem>>, vector<16xi32>,
      %parallel_loop3A_1137 = arith.constant 21 : i32
      %parallel_loop3A_1138 = vector.broadcast %parallel_loop3A_1137 : i32 to vector<16xi32>
      %parallel_loop3A_1139 = arith.shrsi %parallel_loop3A_1136, %parallel_loop3A_1138 : vector<16xi32>
      %parallel_loop3A_1140 = arith.constant 7 : i32
      %parallel_loop3A_1141 = vector.broadcast %parallel_loop3A_1140 : i32 to vector<16xi32>
      %parallel_loop3A_1142 = arith.andi %parallel_loop3A_1136, %parallel_loop3A_1141 : vector<16xi32>
      %parallel_loop3A_1143 = arith.sitofp %parallel_loop3A_1142 : vector<16xi32> to vector<16xf32>
      %parallel_loop3A_1144 = arith.constant 2048 : i32
      %parallel_loop3A_1145 = vector.broadcast %parallel_loop3A_1144 : i32 to vector<16xi32>
      %parallel_loop3A_1146 = arith.muli %iota3A, %parallel_loop3A_1145 : vector<16xi32>
      %parallel_loop3A_1147 = arith.addi %parallel_loop3A_1146, %parallel_loop3A_1139 : vector<16xi32>
      tpu.vector_store_idx %arg6[%parallel_loop3A_1147], %parallel_loop3A_1143 {add = true} : memref<32768xf32, #tpu.memory_space<vmem>>[vector<16xi32>], vector<16xf32>,
      scf.yield %parallel_loop3A_1132 : vector<16xf32>
    } {sc.loop_unroll_factor = 4 : i64, sc.parallel_access}
    %dma_wait3A_73 = arith.constant 49152 : i32
    %dma_wait3A_74 = tpu.memref_slice %arg5[%dma_wait3A_73] : memref<65536xi32, #tpu.memory_space<vmem>> -> memref<16384xi32, #tpu.memory_space<vmem>>
    %dma_wait3A_75 = tpu.memref_slice %arg2[%add3A_24] : memref<1048576xi32, #tpu.memory_space<hbm>> -> memref<16384xi32, #tpu.memory_space<hbm>>
    %dma_wait3A_76 = arith.constant 49152 : i32
    %dma_wait3A_77 = tpu.memref_slice %arg5[%dma_wait3A_76] : memref<65536xi32, #tpu.memory_space<vmem>> -> memref<16384xi32, #tpu.memory_space<vmem>>
    %dma_wait3A_78 = tpu.memref_slice %arg2[%add3A_24] : memref<1048576xi32, #tpu.memory_space<hbm>> -> memref<16384xi32, #tpu.memory_space<hbm>>
    tpu.wait_dma2 semaphore(%arg12 : memref<!tpu.dma_semaphore, #tpu.memory_space<semaphore_mem>>) src(%dma_wait3A_78 : memref<16384xi32, #tpu.memory_space<hbm>>) dst(%dma_wait3A_77 : memref<16384xi32, #tpu.memory_space<vmem>>)
    %parallel_loop3A_79 = arith.constant 3072 : i32
    %parallel_loop3A_80 = arith.constant 4096 : i32
    %parallel_loop3A_81 = arith.constant 1 : i32
    %parallel_loop3A_82 = scf.for %parallel_loop3A_1131 = %parallel_loop3A_79 to %parallel_loop3A_80 step %parallel_loop3A_81 iter_args(%parallel_loop3A_1132 = %broadcast_in_dim3A_39) -> (vector<16xf32>)  : i32 {
      %parallel_loop3A_1133 = arith.constant 16 : i32
      %parallel_loop3A_1134 = arith.muli %parallel_loop3A_1131, %parallel_loop3A_1133 : i32
      %parallel_loop3A_1135 = arith.index_cast %parallel_loop3A_1134 : i32 to index
      %parallel_loop3A_1136 = tpu.vector_load %arg5[%parallel_loop3A_1135] {strides = array<i32>} : memref<65536xi32, #tpu.memory_space<vmem>>, vector<16xi32>,
      %parallel_loop3A_1137 = arith.constant 21 : i32
      %parallel_loop3A_1138 = vector.broadcast %parallel_loop3A_1137 : i32 to vector<16xi32>
      %parallel_loop3A_1139 = arith.shrsi %parallel_loop3A_1136, %parallel_loop3A_1138 : vector<16xi32>
      %parallel_loop3A_1140 = arith.constant 7 : i32
      %parallel_loop3A_1141 = vector.broadcast %parallel_loop3A_1140 : i32 to vector<16xi32>
      %parallel_loop3A_1142 = arith.andi %parallel_loop3A_1136, %parallel_loop3A_1141 : vector<16xi32>
      %parallel_loop3A_1143 = arith.sitofp %parallel_loop3A_1142 : vector<16xi32> to vector<16xf32>
      %parallel_loop3A_1144 = arith.constant 2048 : i32
      %parallel_loop3A_1145 = vector.broadcast %parallel_loop3A_1144 : i32 to vector<16xi32>
      %parallel_loop3A_1146 = arith.muli %iota3A, %parallel_loop3A_1145 : vector<16xi32>
      %parallel_loop3A_1147 = arith.addi %parallel_loop3A_1146, %parallel_loop3A_1139 : vector<16xi32>
      tpu.vector_store_idx %arg6[%parallel_loop3A_1147], %parallel_loop3A_1143 {add = true} : memref<32768xf32, #tpu.memory_space<vmem>>[vector<16xi32>], vector<16xf32>,
      scf.yield %parallel_loop3A_1132 : vector<16xf32>
    } {sc.loop_unroll_factor = 4 : i64, sc.parallel_access}
    %parallel_loop3A_83 = arith.constant 0 : i32
    %parallel_loop3A_84 = arith.constant 128 : i32
    %parallel_loop3A_85 = arith.constant 1 : i32
    scf.for %parallel_loop3A_1131 = %parallel_loop3A_83 to %parallel_loop3A_84 step %parallel_loop3A_85  : i32 {
      %parallel_loop3A_1132 = arith.constant 16 : i32
      %parallel_loop3A_1133 = arith.muli %parallel_loop3A_1131, %parallel_loop3A_1132 : i32
      %parallel_loop3A_1134 = arith.constant 0 : i32
      %parallel_loop3A_1135 = arith.addi %parallel_loop3A_1134, %parallel_loop3A_1133 : i32
      %parallel_loop3A_1136 = arith.index_cast %parallel_loop3A_1135 : i32 to index
      %parallel_loop3A_1137 = tpu.vector_load %arg6[%parallel_loop3A_1136] {strides = array<i32>} : memref<32768xf32, #tpu.memory_space<vmem>>, vector<16xf32>,
      %parallel_loop3A_1138 = arith.addf %broadcast_in_dim3A_39, %parallel_loop3A_1137 : vector<16xf32>
      %parallel_loop3A_1139 = arith.constant 16 : i32
      %parallel_loop3A_1140 = arith.muli %parallel_loop3A_1131, %parallel_loop3A_1139 : i32
      %parallel_loop3A_1141 = arith.constant 2048 : i32
      %parallel_loop3A_1142 = arith.addi %parallel_loop3A_1141, %parallel_loop3A_1140 : i32
      %parallel_loop3A_1143 = arith.index_cast %parallel_loop3A_1142 : i32 to index
      %parallel_loop3A_1144 = tpu.vector_load %arg6[%parallel_loop3A_1143] {strides = array<i32>} : memref<32768xf32, #tpu.memory_space<vmem>>, vector<16xf32>,
      %parallel_loop3A_1145 = arith.addf %parallel_loop3A_1138, %parallel_loop3A_1144 : vector<16xf32>
      %parallel_loop3A_1146 = arith.constant 16 : i32
      %parallel_loop3A_1147 = arith.muli %parallel_loop3A_1131, %parallel_loop3A_1146 : i32
      %parallel_loop3A_1148 = arith.constant 4096 : i32
      %parallel_loop3A_1149 = arith.addi %parallel_loop3A_1148, %parallel_loop3A_1147 : i32
      %parallel_loop3A_1150 = arith.index_cast %parallel_loop3A_1149 : i32 to index
      %parallel_loop3A_1151 = tpu.vector_load %arg6[%parallel_loop3A_1150] {strides = array<i32>} : memref<32768xf32, #tpu.memory_space<vmem>>, vector<16xf32>,
      %parallel_loop3A_1152 = arith.addf %parallel_loop3A_1145, %parallel_loop3A_1151 : vector<16xf32>
      %parallel_loop3A_1153 = arith.constant 16 : i32
      %parallel_loop3A_1154 = arith.muli %parallel_loop3A_1131, %parallel_loop3A_1153 : i32
      %parallel_loop3A_1155 = arith.constant 6144 : i32
      %parallel_loop3A_1156 = arith.addi %parallel_loop3A_1155, %parallel_loop3A_1154 : i32
      %parallel_loop3A_1157 = arith.index_cast %parallel_loop3A_1156 : i32 to index
      %parallel_loop3A_1158 = tpu.vector_load %arg6[%parallel_loop3A_1157] {strides = array<i32>} : memref<32768xf32, #tpu.memory_space<vmem>>, vector<16xf32>,
      %parallel_loop3A_1159 = arith.addf %parallel_loop3A_1152, %parallel_loop3A_1158 : vector<16xf32>
      %parallel_loop3A_1160 = arith.constant 16 : i32
      %parallel_loop3A_1161 = arith.muli %parallel_loop3A_1131, %parallel_loop3A_1160 : i32
      %parallel_loop3A_1162 = arith.constant 8192 : i32
      %parallel_loop3A_1163 = arith.addi %parallel_loop3A_1162, %parallel_loop3A_1161 : i32
      %parallel_loop3A_1164 = arith.index_cast %parallel_loop3A_1163 : i32 to index
      %parallel_loop3A_1165 = tpu.vector_load %arg6[%parallel_loop3A_1164] {strides = array<i32>} : memref<32768xf32, #tpu.memory_space<vmem>>, vector<16xf32>,
      %parallel_loop3A_1166 = arith.addf %parallel_loop3A_1159, %parallel_loop3A_1165 : vector<16xf32>
      %parallel_loop3A_1167 = arith.constant 16 : i32
      %parallel_loop3A_1168 = arith.muli %parallel_loop3A_1131, %parallel_loop3A_1167 : i32
      %parallel_loop3A_1169 = arith.constant 10240 : i32
      %parallel_loop3A_1170 = arith.addi %parallel_loop3A_1169, %parallel_loop3A_1168 : i32
      %parallel_loop3A_1171 = arith.index_cast %parallel_loop3A_1170 : i32 to index
      %parallel_loop3A_1172 = tpu.vector_load %arg6[%parallel_loop3A_1171] {strides = array<i32>} : memref<32768xf32, #tpu.memory_space<vmem>>, vector<16xf32>,
      %parallel_loop3A_1173 = arith.addf %parallel_loop3A_1166, %parallel_loop3A_1172 : vector<16xf32>
      %parallel_loop3A_1174 = arith.constant 16 : i32
      %parallel_loop3A_1175 = arith.muli %parallel_loop3A_1131, %parallel_loop3A_1174 : i32
      %parallel_loop3A_1176 = arith.constant 12288 : i32
      %parallel_loop3A_1177 = arith.addi %parallel_loop3A_1176, %parallel_loop3A_1175 : i32
      %parallel_loop3A_1178 = arith.index_cast %parallel_loop3A_1177 : i32 to index
      %parallel_loop3A_1179 = tpu.vector_load %arg6[%parallel_loop3A_1178] {strides = array<i32>} : memref<32768xf32, #tpu.memory_space<vmem>>, vector<16xf32>,
      %parallel_loop3A_1180 = arith.addf %parallel_loop3A_1173, %parallel_loop3A_1179 : vector<16xf32>
      %parallel_loop3A_1181 = arith.constant 16 : i32
      %parallel_loop3A_1182 = arith.muli %parallel_loop3A_1131, %parallel_loop3A_1181 : i32
      %parallel_loop3A_1183 = arith.constant 14336 : i32
      %parallel_loop3A_1184 = arith.addi %parallel_loop3A_1183, %parallel_loop3A_1182 : i32
      %parallel_loop3A_1185 = arith.index_cast %parallel_loop3A_1184 : i32 to index
      %parallel_loop3A_1186 = tpu.vector_load %arg6[%parallel_loop3A_1185] {strides = array<i32>} : memref<32768xf32, #tpu.memory_space<vmem>>, vector<16xf32>,
      %parallel_loop3A_1187 = arith.addf %parallel_loop3A_1180, %parallel_loop3A_1186 : vector<16xf32>
      %parallel_loop3A_1188 = arith.constant 16 : i32
      %parallel_loop3A_1189 = arith.muli %parallel_loop3A_1131, %parallel_loop3A_1188 : i32
      %parallel_loop3A_1190 = arith.constant 16384 : i32
      %parallel_loop3A_1191 = arith.addi %parallel_loop3A_1190, %parallel_loop3A_1189 : i32
      %parallel_loop3A_1192 = arith.index_cast %parallel_loop3A_1191 : i32 to index
      %parallel_loop3A_1193 = tpu.vector_load %arg6[%parallel_loop3A_1192] {strides = array<i32>} : memref<32768xf32, #tpu.memory_space<vmem>>, vector<16xf32>,
      %parallel_loop3A_1194 = arith.addf %parallel_loop3A_1187, %parallel_loop3A_1193 : vector<16xf32>
      %parallel_loop3A_1195 = arith.constant 16 : i32
      %parallel_loop3A_1196 = arith.muli %parallel_loop3A_1131, %parallel_loop3A_1195 : i32
      %parallel_loop3A_1197 = arith.constant 18432 : i32
      %parallel_loop3A_1198 = arith.addi %parallel_loop3A_1197, %parallel_loop3A_1196 : i32
      %parallel_loop3A_1199 = arith.index_cast %parallel_loop3A_1198 : i32 to index
      %parallel_loop3A_1200 = tpu.vector_load %arg6[%parallel_loop3A_1199] {strides = array<i32>} : memref<32768xf32, #tpu.memory_space<vmem>>, vector<16xf32>,
      %parallel_loop3A_1201 = arith.addf %parallel_loop3A_1194, %parallel_loop3A_1200 : vector<16xf32>
      %parallel_loop3A_1202 = arith.constant 16 : i32
      %parallel_loop3A_1203 = arith.muli %parallel_loop3A_1131, %parallel_loop3A_1202 : i32
      %parallel_loop3A_1204 = arith.constant 20480 : i32
      %parallel_loop3A_1205 = arith.addi %parallel_loop3A_1204, %parallel_loop3A_1203 : i32
      %parallel_loop3A_1206 = arith.index_cast %parallel_loop3A_1205 : i32 to index
      %parallel_loop3A_1207 = tpu.vector_load %arg6[%parallel_loop3A_1206] {strides = array<i32>} : memref<32768xf32, #tpu.memory_space<vmem>>, vector<16xf32>,
      %parallel_loop3A_1208 = arith.addf %parallel_loop3A_1201, %parallel_loop3A_1207 : vector<16xf32>
      %parallel_loop3A_1209 = arith.constant 16 : i32
      %parallel_loop3A_1210 = arith.muli %parallel_loop3A_1131, %parallel_loop3A_1209 : i32
      %parallel_loop3A_1211 = arith.constant 22528 : i32
      %parallel_loop3A_1212 = arith.addi %parallel_loop3A_1211, %parallel_loop3A_1210 : i32
      %parallel_loop3A_1213 = arith.index_cast %parallel_loop3A_1212 : i32 to index
      %parallel_loop3A_1214 = tpu.vector_load %arg6[%parallel_loop3A_1213] {strides = array<i32>} : memref<32768xf32, #tpu.memory_space<vmem>>, vector<16xf32>,
      %parallel_loop3A_1215 = arith.addf %parallel_loop3A_1208, %parallel_loop3A_1214 : vector<16xf32>
      %parallel_loop3A_1216 = arith.constant 16 : i32
      %parallel_loop3A_1217 = arith.muli %parallel_loop3A_1131, %parallel_loop3A_1216 : i32
      %parallel_loop3A_1218 = arith.constant 24576 : i32
      %parallel_loop3A_1219 = arith.addi %parallel_loop3A_1218, %parallel_loop3A_1217 : i32
      %parallel_loop3A_1220 = arith.index_cast %parallel_loop3A_1219 : i32 to index
      %parallel_loop3A_1221 = tpu.vector_load %arg6[%parallel_loop3A_1220] {strides = array<i32>} : memref<32768xf32, #tpu.memory_space<vmem>>, vector<16xf32>,
      %parallel_loop3A_1222 = arith.addf %parallel_loop3A_1215, %parallel_loop3A_1221 : vector<16xf32>
      %parallel_loop3A_1223 = arith.constant 16 : i32
      %parallel_loop3A_1224 = arith.muli %parallel_loop3A_1131, %parallel_loop3A_1223 : i32
      %parallel_loop3A_1225 = arith.constant 26624 : i32
      %parallel_loop3A_1226 = arith.addi %parallel_loop3A_1225, %parallel_loop3A_1224 : i32
      %parallel_loop3A_1227 = arith.index_cast %parallel_loop3A_1226 : i32 to index
      %parallel_loop3A_1228 = tpu.vector_load %arg6[%parallel_loop3A_1227] {strides = array<i32>} : memref<32768xf32, #tpu.memory_space<vmem>>, vector<16xf32>,
      %parallel_loop3A_1229 = arith.addf %parallel_loop3A_1222, %parallel_loop3A_1228 : vector<16xf32>
      %parallel_loop3A_1230 = arith.constant 16 : i32
      %parallel_loop3A_1231 = arith.muli %parallel_loop3A_1131, %parallel_loop3A_1230 : i32
      %parallel_loop3A_1232 = arith.constant 28672 : i32
      %parallel_loop3A_1233 = arith.addi %parallel_loop3A_1232, %parallel_loop3A_1231 : i32
      %parallel_loop3A_1234 = arith.index_cast %parallel_loop3A_1233 : i32 to index
      %parallel_loop3A_1235 = tpu.vector_load %arg6[%parallel_loop3A_1234] {strides = array<i32>} : memref<32768xf32, #tpu.memory_space<vmem>>, vector<16xf32>,
      %parallel_loop3A_1236 = arith.addf %parallel_loop3A_1229, %parallel_loop3A_1235 : vector<16xf32>
      %parallel_loop3A_1237 = arith.constant 16 : i32
      %parallel_loop3A_1238 = arith.muli %parallel_loop3A_1131, %parallel_loop3A_1237 : i32
      %parallel_loop3A_1239 = arith.constant 30720 : i32
      %parallel_loop3A_1240 = arith.addi %parallel_loop3A_1239, %parallel_loop3A_1238 : i32
      %parallel_loop3A_1241 = arith.index_cast %parallel_loop3A_1240 : i32 to index
      %parallel_loop3A_1242 = tpu.vector_load %arg6[%parallel_loop3A_1241] {strides = array<i32>} : memref<32768xf32, #tpu.memory_space<vmem>>, vector<16xf32>,
      %parallel_loop3A_1243 = arith.addf %parallel_loop3A_1236, %parallel_loop3A_1242 : vector<16xf32>
      %parallel_loop3A_1244 = arith.constant 16 : i32
      %parallel_loop3A_1245 = arith.muli %parallel_loop3A_1131, %parallel_loop3A_1244 : i32
      %parallel_loop3A_1246 = arith.index_cast %parallel_loop3A_1245 : i32 to index
      %parallel_loop3A_1247 = tpu.vector_load %arg7[%parallel_loop3A_1246] {strides = array<i32>} : memref<2048xf32, #tpu.memory_space<vmem>>, vector<16xf32>,
      tpu.vector_store %arg7[%parallel_loop3A_1246], %parallel_loop3A_1243 {strides = array<i32>} : memref<2048xf32, #tpu.memory_space<vmem>>, vector<16xf32>,
    } {sc.loop_unroll_factor = 2 : i64, sc.parallel_access}
    "tpu.region"() ({
      %run_scoped3A = tpu.sem_alloc : memref<!tpu.dma_semaphore, #tpu.memory_space<semaphore_mem>>
      %dma_start3A_1131 = arith.constant 0 : i32
      %dma_start3A_1132 = tpu.memref_slice %arg7[%dma_start3A_1131] : memref<2048xf32, #tpu.memory_space<vmem>> -> memref<2048xf32, #tpu.memory_space<vmem>>
      %dma_start3A_1133 = arith.constant 0 : i32
      %dma_start3A_1134 = tpu.memref_slice %arg11[%arg1, %dma_start3A_1133] : memref<16x2048xf32, #tpu.memory_space<vmem_shared>> -> memref<1x2048xf32, #tpu.memory_space<vmem_shared>>
      %dma_start3A_1135 = tpu.memref_squeeze %dma_start3A_1134 : memref<1x2048xf32, #tpu.memory_space<vmem_shared>> -> memref<2048xf32, #tpu.memory_space<vmem_shared>>
      %dma_start3A_1136 = arith.constant 0 : i32
      %dma_start3A_1137 = tpu.memref_slice %arg11[%arg1, %dma_start3A_1136] : memref<16x2048xf32, #tpu.memory_space<vmem_shared>> -> memref<1x2048xf32, #tpu.memory_space<vmem_shared>>
      %dma_start3A_1138 = tpu.memref_squeeze %dma_start3A_1137 : memref<1x2048xf32, #tpu.memory_space<vmem_shared>> -> memref<2048xf32, #tpu.memory_space<vmem_shared>>
      %dma_start3A_1139 = arith.constant 0 : i32
      %dma_start3A_1140 = tpu.memref_slice %arg7[%dma_start3A_1139] : memref<2048xf32, #tpu.memory_space<vmem>> -> memref<2048xf32, #tpu.memory_space<vmem>>
      tpu.enqueue_dma source(%dma_start3A_1140 : memref<2048xf32, #tpu.memory_space<vmem>>) target(%dma_start3A_1138 : memref<2048xf32, #tpu.memory_space<vmem_shared>>) target_semaphore(%run_scoped3A : memref<!tpu.dma_semaphore, #tpu.memory_space<semaphore_mem>>)
      %dma_wait3A_1141 = arith.constant 0 : i32
      %dma_wait3A_1142 = tpu.memref_slice %arg7[%dma_wait3A_1141] : memref<2048xf32, #tpu.memory_space<vmem>> -> memref<2048xf32, #tpu.memory_space<vmem>>
      %dma_wait3A_1143 = arith.constant 0 : i32
      %dma_wait3A_1144 = tpu.memref_slice %arg11[%arg1, %dma_wait3A_1143] : memref<16x2048xf32, #tpu.memory_space<vmem_shared>> -> memref<1x2048xf32, #tpu.memory_space<vmem_shared>>
      %dma_wait3A_1145 = tpu.memref_squeeze %dma_wait3A_1144 : memref<1x2048xf32, #tpu.memory_space<vmem_shared>> -> memref<2048xf32, #tpu.memory_space<vmem_shared>>
      %dma_wait3A_1146 = arith.constant 0 : i32
      %dma_wait3A_1147 = tpu.memref_slice %arg11[%arg1, %dma_wait3A_1146] : memref<16x2048xf32, #tpu.memory_space<vmem_shared>> -> memref<1x2048xf32, #tpu.memory_space<vmem_shared>>
      %dma_wait3A_1148 = tpu.memref_squeeze %dma_wait3A_1147 : memref<1x2048xf32, #tpu.memory_space<vmem_shared>> -> memref<2048xf32, #tpu.memory_space<vmem_shared>>
      %dma_wait3A_1149 = arith.constant 0 : i32
      %dma_wait3A_1150 = tpu.memref_slice %arg7[%dma_wait3A_1149] : memref<2048xf32, #tpu.memory_space<vmem>> -> memref<2048xf32, #tpu.memory_space<vmem>>
      tpu.wait_dma2 semaphore(%run_scoped3A : memref<!tpu.dma_semaphore, #tpu.memory_space<semaphore_mem>>) src(%dma_wait3A_1150 : memref<2048xf32, #tpu.memory_space<vmem>>) dst(%dma_wait3A_1148 : memref<2048xf32, #tpu.memory_space<vmem_shared>>)
      tpu.yield
    }) : () -> ()
    %barrier3A = arith.constant 0 : index
    tpu.barrier barrier_id(%barrier3A)
    %dma_start3A_86 = arith.constant 0 : i32
    %dma_start3A_87 = arith.constant 0 : i32
    %dma_start3A_88 = tpu.memref_slice %arg6[%dma_start3A_87] : memref<32768xf32, #tpu.memory_space<vmem>> -> memref<2048xf32, #tpu.memory_space<vmem>>
    %dma_start3A_89 = arith.constant 0 : i32
    %dma_start3A_90 = tpu.memref_slice %arg11[%dma_start3A_86, %dma_start3A_89] : memref<16x2048xf32, #tpu.memory_space<vmem_shared>> -> memref<1x2048xf32, #tpu.memory_space<vmem_shared>>
    %dma_start3A_91 = tpu.memref_squeeze %dma_start3A_90 : memref<1x2048xf32, #tpu.memory_space<vmem_shared>> -> memref<2048xf32, #tpu.memory_space<vmem_shared>>
    %dma_start3A_92 = arith.constant 0 : i32
    %dma_start3A_93 = tpu.memref_slice %arg6[%dma_start3A_92] : memref<32768xf32, #tpu.memory_space<vmem>> -> memref<2048xf32, #tpu.memory_space<vmem>>
    %dma_start3A_94 = arith.constant 0 : i32
    %dma_start3A_95 = tpu.memref_slice %arg11[%dma_start3A_86, %dma_start3A_94] : memref<16x2048xf32, #tpu.memory_space<vmem_shared>> -> memref<1x2048xf32, #tpu.memory_space<vmem_shared>>
    %dma_start3A_96 = tpu.memref_squeeze %dma_start3A_95 : memref<1x2048xf32, #tpu.memory_space<vmem_shared>> -> memref<2048xf32, #tpu.memory_space<vmem_shared>>
    tpu.enqueue_dma source(%dma_start3A_96 : memref<2048xf32, #tpu.memory_space<vmem_shared>>) target(%dma_start3A_93 : memref<2048xf32, #tpu.memory_space<vmem>>) target_semaphore(%arg13 : memref<!tpu.dma_semaphore, #tpu.memory_space<semaphore_mem>>)
    %dma_start3A_97 = arith.constant 1 : i32
    %dma_start3A_98 = arith.constant 2048 : i32
    %dma_start3A_99 = tpu.memref_slice %arg6[%dma_start3A_98] : memref<32768xf32, #tpu.memory_space<vmem>> -> memref<2048xf32, #tpu.memory_space<vmem>>
    %dma_start3A_100 = arith.constant 0 : i32
    %dma_start3A_101 = tpu.memref_slice %arg11[%dma_start3A_97, %dma_start3A_100] : memref<16x2048xf32, #tpu.memory_space<vmem_shared>> -> memref<1x2048xf32, #tpu.memory_space<vmem_shared>>
    %dma_start3A_102 = tpu.memref_squeeze %dma_start3A_101 : memref<1x2048xf32, #tpu.memory_space<vmem_shared>> -> memref<2048xf32, #tpu.memory_space<vmem_shared>>
    %dma_start3A_103 = arith.constant 2048 : i32
    %dma_start3A_104 = tpu.memref_slice %arg6[%dma_start3A_103] : memref<32768xf32, #tpu.memory_space<vmem>> -> memref<2048xf32, #tpu.memory_space<vmem>>
    %dma_start3A_105 = arith.constant 0 : i32
    %dma_start3A_106 = tpu.memref_slice %arg11[%dma_start3A_97, %dma_start3A_105] : memref<16x2048xf32, #tpu.memory_space<vmem_shared>> -> memref<1x2048xf32, #tpu.memory_space<vmem_shared>>
    %dma_start3A_107 = tpu.memref_squeeze %dma_start3A_106 : memref<1x2048xf32, #tpu.memory_space<vmem_shared>> -> memref<2048xf32, #tpu.memory_space<vmem_shared>>
    tpu.enqueue_dma source(%dma_start3A_107 : memref<2048xf32, #tpu.memory_space<vmem_shared>>) target(%dma_start3A_104 : memref<2048xf32, #tpu.memory_space<vmem>>) target_semaphore(%arg13 : memref<!tpu.dma_semaphore, #tpu.memory_space<semaphore_mem>>)
    %dma_start3A_108 = arith.constant 2 : i32
    %dma_start3A_109 = arith.constant 4096 : i32
    %dma_start3A_110 = tpu.memref_slice %arg6[%dma_start3A_109] : memref<32768xf32, #tpu.memory_space<vmem>> -> memref<2048xf32, #tpu.memory_space<vmem>>
    %dma_start3A_111 = arith.constant 0 : i32
    %dma_start3A_112 = tpu.memref_slice %arg11[%dma_start3A_108, %dma_start3A_111] : memref<16x2048xf32, #tpu.memory_space<vmem_shared>> -> memref<1x2048xf32, #tpu.memory_space<vmem_shared>>
    %dma_start3A_113 = tpu.memref_squeeze %dma_start3A_112 : memref<1x2048xf32, #tpu.memory_space<vmem_shared>> -> memref<2048xf32, #tpu.memory_space<vmem_shared>>
    %dma_start3A_114 = arith.constant 4096 : i32
    %dma_start3A_115 = tpu.memref_slice %arg6[%dma_start3A_114] : memref<32768xf32, #tpu.memory_space<vmem>> -> memref<2048xf32, #tpu.memory_space<vmem>>
    %dma_start3A_116 = arith.constant 0 : i32
    %dma_start3A_117 = tpu.memref_slice %arg11[%dma_start3A_108, %dma_start3A_116] : memref<16x2048xf32, #tpu.memory_space<vmem_shared>> -> memref<1x2048xf32, #tpu.memory_space<vmem_shared>>
    %dma_start3A_118 = tpu.memref_squeeze %dma_start3A_117 : memref<1x2048xf32, #tpu.memory_space<vmem_shared>> -> memref<2048xf32, #tpu.memory_space<vmem_shared>>
    tpu.enqueue_dma source(%dma_start3A_118 : memref<2048xf32, #tpu.memory_space<vmem_shared>>) target(%dma_start3A_115 : memref<2048xf32, #tpu.memory_space<vmem>>) target_semaphore(%arg13 : memref<!tpu.dma_semaphore, #tpu.memory_space<semaphore_mem>>)
    %dma_start3A_119 = arith.constant 3 : i32
    %dma_start3A_120 = arith.constant 6144 : i32
    %dma_start3A_121 = tpu.memref_slice %arg6[%dma_start3A_120] : memref<32768xf32, #tpu.memory_space<vmem>> -> memref<2048xf32, #tpu.memory_space<vmem>>
    %dma_start3A_122 = arith.constant 0 : i32
    %dma_start3A_123 = tpu.memref_slice %arg11[%dma_start3A_119, %dma_start3A_122] : memref<16x2048xf32, #tpu.memory_space<vmem_shared>> -> memref<1x2048xf32, #tpu.memory_space<vmem_shared>>
    %dma_start3A_124 = tpu.memref_squeeze %dma_start3A_123 : memref<1x2048xf32, #tpu.memory_space<vmem_shared>> -> memref<2048xf32, #tpu.memory_space<vmem_shared>>
    %dma_start3A_125 = arith.constant 6144 : i32
    %dma_start3A_126 = tpu.memref_slice %arg6[%dma_start3A_125] : memref<32768xf32, #tpu.memory_space<vmem>> -> memref<2048xf32, #tpu.memory_space<vmem>>
    %dma_start3A_127 = arith.constant 0 : i32
    %dma_start3A_128 = tpu.memref_slice %arg11[%dma_start3A_119, %dma_start3A_127] : memref<16x2048xf32, #tpu.memory_space<vmem_shared>> -> memref<1x2048xf32, #tpu.memory_space<vmem_shared>>
    %dma_start3A_129 = tpu.memref_squeeze %dma_start3A_128 : memref<1x2048xf32, #tpu.memory_space<vmem_shared>> -> memref<2048xf32, #tpu.memory_space<vmem_shared>>
    tpu.enqueue_dma source(%dma_start3A_129 : memref<2048xf32, #tpu.memory_space<vmem_shared>>) target(%dma_start3A_126 : memref<2048xf32, #tpu.memory_space<vmem>>) target_semaphore(%arg13 : memref<!tpu.dma_semaphore, #tpu.memory_space<semaphore_mem>>)
    %dma_start3A_130 = arith.constant 4 : i32
    %dma_start3A_131 = arith.constant 8192 : i32
    %dma_start3A_132 = tpu.memref_slice %arg6[%dma_start3A_131] : memref<32768xf32, #tpu.memory_space<vmem>> -> memref<2048xf32, #tpu.memory_space<vmem>>
    %dma_start3A_133 = arith.constant 0 : i32
    %dma_start3A_134 = tpu.memref_slice %arg11[%dma_start3A_130, %dma_start3A_133] : memref<16x2048xf32, #tpu.memory_space<vmem_shared>> -> memref<1x2048xf32, #tpu.memory_space<vmem_shared>>
    %dma_start3A_135 = tpu.memref_squeeze %dma_start3A_134 : memref<1x2048xf32, #tpu.memory_space<vmem_shared>> -> memref<2048xf32, #tpu.memory_space<vmem_shared>>
    %dma_start3A_136 = arith.constant 8192 : i32
    %dma_start3A_137 = tpu.memref_slice %arg6[%dma_start3A_136] : memref<32768xf32, #tpu.memory_space<vmem>> -> memref<2048xf32, #tpu.memory_space<vmem>>
    %dma_start3A_138 = arith.constant 0 : i32
    %dma_start3A_139 = tpu.memref_slice %arg11[%dma_start3A_130, %dma_start3A_138] : memref<16x2048xf32, #tpu.memory_space<vmem_shared>> -> memref<1x2048xf32, #tpu.memory_space<vmem_shared>>
    %dma_start3A_140 = tpu.memref_squeeze %dma_start3A_139 : memref<1x2048xf32, #tpu.memory_space<vmem_shared>> -> memref<2048xf32, #tpu.memory_space<vmem_shared>>
    tpu.enqueue_dma source(%dma_start3A_140 : memref<2048xf32, #tpu.memory_space<vmem_shared>>) target(%dma_start3A_137 : memref<2048xf32, #tpu.memory_space<vmem>>) target_semaphore(%arg13 : memref<!tpu.dma_semaphore, #tpu.memory_space<semaphore_mem>>)
    %dma_start3A_141 = arith.constant 5 : i32
    %dma_start3A_142 = arith.constant 10240 : i32
    %dma_start3A_143 = tpu.memref_slice %arg6[%dma_start3A_142] : memref<32768xf32, #tpu.memory_space<vmem>> -> memref<2048xf32, #tpu.memory_space<vmem>>
    %dma_start3A_144 = arith.constant 0 : i32
    %dma_start3A_145 = tpu.memref_slice %arg11[%dma_start3A_141, %dma_start3A_144] : memref<16x2048xf32, #tpu.memory_space<vmem_shared>> -> memref<1x2048xf32, #tpu.memory_space<vmem_shared>>
    %dma_start3A_146 = tpu.memref_squeeze %dma_start3A_145 : memref<1x2048xf32, #tpu.memory_space<vmem_shared>> -> memref<2048xf32, #tpu.memory_space<vmem_shared>>
    %dma_start3A_147 = arith.constant 10240 : i32
    %dma_start3A_148 = tpu.memref_slice %arg6[%dma_start3A_147] : memref<32768xf32, #tpu.memory_space<vmem>> -> memref<2048xf32, #tpu.memory_space<vmem>>
    %dma_start3A_149 = arith.constant 0 : i32
    %dma_start3A_150 = tpu.memref_slice %arg11[%dma_start3A_141, %dma_start3A_149] : memref<16x2048xf32, #tpu.memory_space<vmem_shared>> -> memref<1x2048xf32, #tpu.memory_space<vmem_shared>>
    %dma_start3A_151 = tpu.memref_squeeze %dma_start3A_150 : memref<1x2048xf32, #tpu.memory_space<vmem_shared>> -> memref<2048xf32, #tpu.memory_space<vmem_shared>>
    tpu.enqueue_dma source(%dma_start3A_151 : memref<2048xf32, #tpu.memory_space<vmem_shared>>) target(%dma_start3A_148 : memref<2048xf32, #tpu.memory_space<vmem>>) target_semaphore(%arg13 : memref<!tpu.dma_semaphore, #tpu.memory_space<semaphore_mem>>)
    %dma_start3A_152 = arith.constant 6 : i32
    %dma_start3A_153 = arith.constant 12288 : i32
    %dma_start3A_154 = tpu.memref_slice %arg6[%dma_start3A_153] : memref<32768xf32, #tpu.memory_space<vmem>> -> memref<2048xf32, #tpu.memory_space<vmem>>
    %dma_start3A_155 = arith.constant 0 : i32
    %dma_start3A_156 = tpu.memref_slice %arg11[%dma_start3A_152, %dma_start3A_155] : memref<16x2048xf32, #tpu.memory_space<vmem_shared>> -> memref<1x2048xf32, #tpu.memory_space<vmem_shared>>
    %dma_start3A_157 = tpu.memref_squeeze %dma_start3A_156 : memref<1x2048xf32, #tpu.memory_space<vmem_shared>> -> memref<2048xf32, #tpu.memory_space<vmem_shared>>
    %dma_start3A_158 = arith.constant 12288 : i32
    %dma_start3A_159 = tpu.memref_slice %arg6[%dma_start3A_158] : memref<32768xf32, #tpu.memory_space<vmem>> -> memref<2048xf32, #tpu.memory_space<vmem>>
    %dma_start3A_160 = arith.constant 0 : i32
    %dma_start3A_161 = tpu.memref_slice %arg11[%dma_start3A_152, %dma_start3A_160] : memref<16x2048xf32, #tpu.memory_space<vmem_shared>> -> memref<1x2048xf32, #tpu.memory_space<vmem_shared>>
    %dma_start3A_162 = tpu.memref_squeeze %dma_start3A_161 : memref<1x2048xf32, #tpu.memory_space<vmem_shared>> -> memref<2048xf32, #tpu.memory_space<vmem_shared>>
    tpu.enqueue_dma source(%dma_start3A_162 : memref<2048xf32, #tpu.memory_space<vmem_shared>>) target(%dma_start3A_159 : memref<2048xf32, #tpu.memory_space<vmem>>) target_semaphore(%arg13 : memref<!tpu.dma_semaphore, #tpu.memory_space<semaphore_mem>>)
    %dma_start3A_163 = arith.constant 7 : i32
    %dma_start3A_164 = arith.constant 14336 : i32
    %dma_start3A_165 = tpu.memref_slice %arg6[%dma_start3A_164] : memref<32768xf32, #tpu.memory_space<vmem>> -> memref<2048xf32, #tpu.memory_space<vmem>>
    %dma_start3A_166 = arith.constant 0 : i32
    %dma_start3A_167 = tpu.memref_slice %arg11[%dma_start3A_163, %dma_start3A_166] : memref<16x2048xf32, #tpu.memory_space<vmem_shared>> -> memref<1x2048xf32, #tpu.memory_space<vmem_shared>>
    %dma_start3A_168 = tpu.memref_squeeze %dma_start3A_167 : memref<1x2048xf32, #tpu.memory_space<vmem_shared>> -> memref<2048xf32, #tpu.memory_space<vmem_shared>>
    %dma_start3A_169 = arith.constant 14336 : i32
    %dma_start3A_170 = tpu.memref_slice %arg6[%dma_start3A_169] : memref<32768xf32, #tpu.memory_space<vmem>> -> memref<2048xf32, #tpu.memory_space<vmem>>
    %dma_start3A_171 = arith.constant 0 : i32
    %dma_start3A_172 = tpu.memref_slice %arg11[%dma_start3A_163, %dma_start3A_171] : memref<16x2048xf32, #tpu.memory_space<vmem_shared>> -> memref<1x2048xf32, #tpu.memory_space<vmem_shared>>
    %dma_start3A_173 = tpu.memref_squeeze %dma_start3A_172 : memref<1x2048xf32, #tpu.memory_space<vmem_shared>> -> memref<2048xf32, #tpu.memory_space<vmem_shared>>
    tpu.enqueue_dma source(%dma_start3A_173 : memref<2048xf32, #tpu.memory_space<vmem_shared>>) target(%dma_start3A_170 : memref<2048xf32, #tpu.memory_space<vmem>>) target_semaphore(%arg13 : memref<!tpu.dma_semaphore, #tpu.memory_space<semaphore_mem>>)
    %dma_start3A_174 = arith.constant 8 : i32
    %dma_start3A_175 = arith.constant 16384 : i32
    %dma_start3A_176 = tpu.memref_slice %arg6[%dma_start3A_175] : memref<32768xf32, #tpu.memory_space<vmem>> -> memref<2048xf32, #tpu.memory_space<vmem>>
    %dma_start3A_177 = arith.constant 0 : i32
    %dma_start3A_178 = tpu.memref_slice %arg11[%dma_start3A_174, %dma_start3A_177] : memref<16x2048xf32, #tpu.memory_space<vmem_shared>> -> memref<1x2048xf32, #tpu.memory_space<vmem_shared>>
    %dma_start3A_179 = tpu.memref_squeeze %dma_start3A_178 : memref<1x2048xf32, #tpu.memory_space<vmem_shared>> -> memref<2048xf32, #tpu.memory_space<vmem_shared>>
    %dma_start3A_180 = arith.constant 16384 : i32
    %dma_start3A_181 = tpu.memref_slice %arg6[%dma_start3A_180] : memref<32768xf32, #tpu.memory_space<vmem>> -> memref<2048xf32, #tpu.memory_space<vmem>>
    %dma_start3A_182 = arith.constant 0 : i32
    %dma_start3A_183 = tpu.memref_slice %arg11[%dma_start3A_174, %dma_start3A_182] : memref<16x2048xf32, #tpu.memory_space<vmem_shared>> -> memref<1x2048xf32, #tpu.memory_space<vmem_shared>>
    %dma_start3A_184 = tpu.memref_squeeze %dma_start3A_183 : memref<1x2048xf32, #tpu.memory_space<vmem_shared>> -> memref<2048xf32, #tpu.memory_space<vmem_shared>>
    tpu.enqueue_dma source(%dma_start3A_184 : memref<2048xf32, #tpu.memory_space<vmem_shared>>) target(%dma_start3A_181 : memref<2048xf32, #tpu.memory_space<vmem>>) target_semaphore(%arg13 : memref<!tpu.dma_semaphore, #tpu.memory_space<semaphore_mem>>)
    %dma_start3A_185 = arith.constant 9 : i32
    %dma_start3A_186 = arith.constant 18432 : i32
    %dma_start3A_187 = tpu.memref_slice %arg6[%dma_start3A_186] : memref<32768xf32, #tpu.memory_space<vmem>> -> memref<2048xf32, #tpu.memory_space<vmem>>
    %dma_start3A_188 = arith.constant 0 : i32
    %dma_start3A_189 = tpu.memref_slice %arg11[%dma_start3A_185, %dma_start3A_188] : memref<16x2048xf32, #tpu.memory_space<vmem_shared>> -> memref<1x2048xf32, #tpu.memory_space<vmem_shared>>
    %dma_start3A_190 = tpu.memref_squeeze %dma_start3A_189 : memref<1x2048xf32, #tpu.memory_space<vmem_shared>> -> memref<2048xf32, #tpu.memory_space<vmem_shared>>
    %dma_start3A_191 = arith.constant 18432 : i32
    %dma_start3A_192 = tpu.memref_slice %arg6[%dma_start3A_191] : memref<32768xf32, #tpu.memory_space<vmem>> -> memref<2048xf32, #tpu.memory_space<vmem>>
    %dma_start3A_193 = arith.constant 0 : i32
    %dma_start3A_194 = tpu.memref_slice %arg11[%dma_start3A_185, %dma_start3A_193] : memref<16x2048xf32, #tpu.memory_space<vmem_shared>> -> memref<1x2048xf32, #tpu.memory_space<vmem_shared>>
    %dma_start3A_195 = tpu.memref_squeeze %dma_start3A_194 : memref<1x2048xf32, #tpu.memory_space<vmem_shared>> -> memref<2048xf32, #tpu.memory_space<vmem_shared>>
    tpu.enqueue_dma source(%dma_start3A_195 : memref<2048xf32, #tpu.memory_space<vmem_shared>>) target(%dma_start3A_192 : memref<2048xf32, #tpu.memory_space<vmem>>) target_semaphore(%arg13 : memref<!tpu.dma_semaphore, #tpu.memory_space<semaphore_mem>>)
    %dma_start3A_196 = arith.constant 10 : i32
    %dma_start3A_197 = arith.constant 20480 : i32
    %dma_start3A_198 = tpu.memref_slice %arg6[%dma_start3A_197] : memref<32768xf32, #tpu.memory_space<vmem>> -> memref<2048xf32, #tpu.memory_space<vmem>>
    %dma_start3A_199 = arith.constant 0 : i32
    %dma_start3A_200 = tpu.memref_slice %arg11[%dma_start3A_196, %dma_start3A_199] : memref<16x2048xf32, #tpu.memory_space<vmem_shared>> -> memref<1x2048xf32, #tpu.memory_space<vmem_shared>>
    %dma_start3A_201 = tpu.memref_squeeze %dma_start3A_200 : memref<1x2048xf32, #tpu.memory_space<vmem_shared>> -> memref<2048xf32, #tpu.memory_space<vmem_shared>>
    %dma_start3A_202 = arith.constant 20480 : i32
    %dma_start3A_203 = tpu.memref_slice %arg6[%dma_start3A_202] : memref<32768xf32, #tpu.memory_space<vmem>> -> memref<2048xf32, #tpu.memory_space<vmem>>
    %dma_start3A_204 = arith.constant 0 : i32
    %dma_start3A_205 = tpu.memref_slice %arg11[%dma_start3A_196, %dma_start3A_204] : memref<16x2048xf32, #tpu.memory_space<vmem_shared>> -> memref<1x2048xf32, #tpu.memory_space<vmem_shared>>
    %dma_start3A_206 = tpu.memref_squeeze %dma_start3A_205 : memref<1x2048xf32, #tpu.memory_space<vmem_shared>> -> memref<2048xf32, #tpu.memory_space<vmem_shared>>
    tpu.enqueue_dma source(%dma_start3A_206 : memref<2048xf32, #tpu.memory_space<vmem_shared>>) target(%dma_start3A_203 : memref<2048xf32, #tpu.memory_space<vmem>>) target_semaphore(%arg13 : memref<!tpu.dma_semaphore, #tpu.memory_space<semaphore_mem>>)
    %dma_start3A_207 = arith.constant 11 : i32
    %dma_start3A_208 = arith.constant 22528 : i32
    %dma_start3A_209 = tpu.memref_slice %arg6[%dma_start3A_208] : memref<32768xf32, #tpu.memory_space<vmem>> -> memref<2048xf32, #tpu.memory_space<vmem>>
    %dma_start3A_210 = arith.constant 0 : i32
    %dma_start3A_211 = tpu.memref_slice %arg11[%dma_start3A_207, %dma_start3A_210] : memref<16x2048xf32, #tpu.memory_space<vmem_shared>> -> memref<1x2048xf32, #tpu.memory_space<vmem_shared>>
    %dma_start3A_212 = tpu.memref_squeeze %dma_start3A_211 : memref<1x2048xf32, #tpu.memory_space<vmem_shared>> -> memref<2048xf32, #tpu.memory_space<vmem_shared>>
    %dma_start3A_213 = arith.constant 22528 : i32
    %dma_start3A_214 = tpu.memref_slice %arg6[%dma_start3A_213] : memref<32768xf32, #tpu.memory_space<vmem>> -> memref<2048xf32, #tpu.memory_space<vmem>>
    %dma_start3A_215 = arith.constant 0 : i32
    %dma_start3A_216 = tpu.memref_slice %arg11[%dma_start3A_207, %dma_start3A_215] : memref<16x2048xf32, #tpu.memory_space<vmem_shared>> -> memref<1x2048xf32, #tpu.memory_space<vmem_shared>>
    %dma_start3A_217 = tpu.memref_squeeze %dma_start3A_216 : memref<1x2048xf32, #tpu.memory_space<vmem_shared>> -> memref<2048xf32, #tpu.memory_space<vmem_shared>>
    tpu.enqueue_dma source(%dma_start3A_217 : memref<2048xf32, #tpu.memory_space<vmem_shared>>) target(%dma_start3A_214 : memref<2048xf32, #tpu.memory_space<vmem>>) target_semaphore(%arg13 : memref<!tpu.dma_semaphore, #tpu.memory_space<semaphore_mem>>)
    %dma_start3A_218 = arith.constant 12 : i32
    %dma_start3A_219 = arith.constant 24576 : i32
    %dma_start3A_220 = tpu.memref_slice %arg6[%dma_start3A_219] : memref<32768xf32, #tpu.memory_space<vmem>> -> memref<2048xf32, #tpu.memory_space<vmem>>
    %dma_start3A_221 = arith.constant 0 : i32
    %dma_start3A_222 = tpu.memref_slice %arg11[%dma_start3A_218, %dma_start3A_221] : memref<16x2048xf32, #tpu.memory_space<vmem_shared>> -> memref<1x2048xf32, #tpu.memory_space<vmem_shared>>
    %dma_start3A_223 = tpu.memref_squeeze %dma_start3A_222 : memref<1x2048xf32, #tpu.memory_space<vmem_shared>> -> memref<2048xf32, #tpu.memory_space<vmem_shared>>
    %dma_start3A_224 = arith.constant 24576 : i32
    %dma_start3A_225 = tpu.memref_slice %arg6[%dma_start3A_224] : memref<32768xf32, #tpu.memory_space<vmem>> -> memref<2048xf32, #tpu.memory_space<vmem>>
    %dma_start3A_226 = arith.constant 0 : i32
    %dma_start3A_227 = tpu.memref_slice %arg11[%dma_start3A_218, %dma_start3A_226] : memref<16x2048xf32, #tpu.memory_space<vmem_shared>> -> memref<1x2048xf32, #tpu.memory_space<vmem_shared>>
    %dma_start3A_228 = tpu.memref_squeeze %dma_start3A_227 : memref<1x2048xf32, #tpu.memory_space<vmem_shared>> -> memref<2048xf32, #tpu.memory_space<vmem_shared>>
    tpu.enqueue_dma source(%dma_start3A_228 : memref<2048xf32, #tpu.memory_space<vmem_shared>>) target(%dma_start3A_225 : memref<2048xf32, #tpu.memory_space<vmem>>) target_semaphore(%arg13 : memref<!tpu.dma_semaphore, #tpu.memory_space<semaphore_mem>>)
    %dma_start3A_229 = arith.constant 13 : i32
    %dma_start3A_230 = arith.constant 26624 : i32
    %dma_start3A_231 = tpu.memref_slice %arg6[%dma_start3A_230] : memref<32768xf32, #tpu.memory_space<vmem>> -> memref<2048xf32, #tpu.memory_space<vmem>>
    %dma_start3A_232 = arith.constant 0 : i32
    %dma_start3A_233 = tpu.memref_slice %arg11[%dma_start3A_229, %dma_start3A_232] : memref<16x2048xf32, #tpu.memory_space<vmem_shared>> -> memref<1x2048xf32, #tpu.memory_space<vmem_shared>>
    %dma_start3A_234 = tpu.memref_squeeze %dma_start3A_233 : memref<1x2048xf32, #tpu.memory_space<vmem_shared>> -> memref<2048xf32, #tpu.memory_space<vmem_shared>>
    %dma_start3A_235 = arith.constant 26624 : i32
    %dma_start3A_236 = tpu.memref_slice %arg6[%dma_start3A_235] : memref<32768xf32, #tpu.memory_space<vmem>> -> memref<2048xf32, #tpu.memory_space<vmem>>
    %dma_start3A_237 = arith.constant 0 : i32
    %dma_start3A_238 = tpu.memref_slice %arg11[%dma_start3A_229, %dma_start3A_237] : memref<16x2048xf32, #tpu.memory_space<vmem_shared>> -> memref<1x2048xf32, #tpu.memory_space<vmem_shared>>
    %dma_start3A_239 = tpu.memref_squeeze %dma_start3A_238 : memref<1x2048xf32, #tpu.memory_space<vmem_shared>> -> memref<2048xf32, #tpu.memory_space<vmem_shared>>
    tpu.enqueue_dma source(%dma_start3A_239 : memref<2048xf32, #tpu.memory_space<vmem_shared>>) target(%dma_start3A_236 : memref<2048xf32, #tpu.memory_space<vmem>>) target_semaphore(%arg13 : memref<!tpu.dma_semaphore, #tpu.memory_space<semaphore_mem>>)
    %dma_start3A_240 = arith.constant 14 : i32
    %dma_start3A_241 = arith.constant 28672 : i32
    %dma_start3A_242 = tpu.memref_slice %arg6[%dma_start3A_241] : memref<32768xf32, #tpu.memory_space<vmem>> -> memref<2048xf32, #tpu.memory_space<vmem>>
    %dma_start3A_243 = arith.constant 0 : i32
    %dma_start3A_244 = tpu.memref_slice %arg11[%dma_start3A_240, %dma_start3A_243] : memref<16x2048xf32, #tpu.memory_space<vmem_shared>> -> memref<1x2048xf32, #tpu.memory_space<vmem_shared>>
    %dma_start3A_245 = tpu.memref_squeeze %dma_start3A_244 : memref<1x2048xf32, #tpu.memory_space<vmem_shared>> -> memref<2048xf32, #tpu.memory_space<vmem_shared>>
    %dma_start3A_246 = arith.constant 28672 : i32
    %dma_start3A_247 = tpu.memref_slice %arg6[%dma_start3A_246] : memref<32768xf32, #tpu.memory_space<vmem>> -> memref<2048xf32, #tpu.memory_space<vmem>>
    %dma_start3A_248 = arith.constant 0 : i32
    %dma_start3A_249 = tpu.memref_slice %arg11[%dma_start3A_240, %dma_start3A_248] : memref<16x2048xf32, #tpu.memory_space<vmem_shared>> -> memref<1x2048xf32, #tpu.memory_space<vmem_shared>>
    %dma_start3A_250 = tpu.memref_squeeze %dma_start3A_249 : memref<1x2048xf32, #tpu.memory_space<vmem_shared>> -> memref<2048xf32, #tpu.memory_space<vmem_shared>>
    tpu.enqueue_dma source(%dma_start3A_250 : memref<2048xf32, #tpu.memory_space<vmem_shared>>) target(%dma_start3A_247 : memref<2048xf32, #tpu.memory_space<vmem>>) target_semaphore(%arg13 : memref<!tpu.dma_semaphore, #tpu.memory_space<semaphore_mem>>)
    %dma_start3A_251 = arith.constant 15 : i32
    %dma_start3A_252 = arith.constant 30720 : i32
    %dma_start3A_253 = tpu.memref_slice %arg6[%dma_start3A_252] : memref<32768xf32, #tpu.memory_space<vmem>> -> memref<2048xf32, #tpu.memory_space<vmem>>
    %dma_start3A_254 = arith.constant 0 : i32
    %dma_start3A_255 = tpu.memref_slice %arg11[%dma_start3A_251, %dma_start3A_254] : memref<16x2048xf32, #tpu.memory_space<vmem_shared>> -> memref<1x2048xf32, #tpu.memory_space<vmem_shared>>
    %dma_start3A_256 = tpu.memref_squeeze %dma_start3A_255 : memref<1x2048xf32, #tpu.memory_space<vmem_shared>> -> memref<2048xf32, #tpu.memory_space<vmem_shared>>
    %dma_start3A_257 = arith.constant 30720 : i32
    %dma_start3A_258 = tpu.memref_slice %arg6[%dma_start3A_257] : memref<32768xf32, #tpu.memory_space<vmem>> -> memref<2048xf32, #tpu.memory_space<vmem>>
    %dma_start3A_259 = arith.constant 0 : i32
    %dma_start3A_260 = tpu.memref_slice %arg11[%dma_start3A_251, %dma_start3A_259] : memref<16x2048xf32, #tpu.memory_space<vmem_shared>> -> memref<1x2048xf32, #tpu.memory_space<vmem_shared>>
    %dma_start3A_261 = tpu.memref_squeeze %dma_start3A_260 : memref<1x2048xf32, #tpu.memory_space<vmem_shared>> -> memref<2048xf32, #tpu.memory_space<vmem_shared>>
    tpu.enqueue_dma source(%dma_start3A_261 : memref<2048xf32, #tpu.memory_space<vmem_shared>>) target(%dma_start3A_258 : memref<2048xf32, #tpu.memory_space<vmem>>) target_semaphore(%arg13 : memref<!tpu.dma_semaphore, #tpu.memory_space<semaphore_mem>>)
    %dma_wait3A_262 = arith.constant 0 : i32
    %dma_wait3A_263 = arith.constant 0 : i32
    %dma_wait3A_264 = tpu.memref_slice %arg6[%dma_wait3A_263] : memref<32768xf32, #tpu.memory_space<vmem>> -> memref<2048xf32, #tpu.memory_space<vmem>>
    %dma_wait3A_265 = arith.constant 0 : i32
    %dma_wait3A_266 = tpu.memref_slice %arg11[%dma_wait3A_262, %dma_wait3A_265] : memref<16x2048xf32, #tpu.memory_space<vmem_shared>> -> memref<1x2048xf32, #tpu.memory_space<vmem_shared>>
    %dma_wait3A_267 = tpu.memref_squeeze %dma_wait3A_266 : memref<1x2048xf32, #tpu.memory_space<vmem_shared>> -> memref<2048xf32, #tpu.memory_space<vmem_shared>>
    %dma_wait3A_268 = arith.constant 0 : i32
    %dma_wait3A_269 = tpu.memref_slice %arg6[%dma_wait3A_268] : memref<32768xf32, #tpu.memory_space<vmem>> -> memref<2048xf32, #tpu.memory_space<vmem>>
    %dma_wait3A_270 = arith.constant 0 : i32
    %dma_wait3A_271 = tpu.memref_slice %arg11[%dma_wait3A_262, %dma_wait3A_270] : memref<16x2048xf32, #tpu.memory_space<vmem_shared>> -> memref<1x2048xf32, #tpu.memory_space<vmem_shared>>
    %dma_wait3A_272 = tpu.memref_squeeze %dma_wait3A_271 : memref<1x2048xf32, #tpu.memory_space<vmem_shared>> -> memref<2048xf32, #tpu.memory_space<vmem_shared>>
    tpu.wait_dma2 semaphore(%arg13 : memref<!tpu.dma_semaphore, #tpu.memory_space<semaphore_mem>>) src(%dma_wait3A_272 : memref<2048xf32, #tpu.memory_space<vmem_shared>>) dst(%dma_wait3A_269 : memref<2048xf32, #tpu.memory_space<vmem>>)
    %dma_wait3A_273 = arith.constant 1 : i32
    %dma_wait3A_274 = arith.constant 2048 : i32
    %dma_wait3A_275 = tpu.memref_slice %arg6[%dma_wait3A_274] : memref<32768xf32, #tpu.memory_space<vmem>> -> memref<2048xf32, #tpu.memory_space<vmem>>
    %dma_wait3A_276 = arith.constant 0 : i32
    %dma_wait3A_277 = tpu.memref_slice %arg11[%dma_wait3A_273, %dma_wait3A_276] : memref<16x2048xf32, #tpu.memory_space<vmem_shared>> -> memref<1x2048xf32, #tpu.memory_space<vmem_shared>>
    %dma_wait3A_278 = tpu.memref_squeeze %dma_wait3A_277 : memref<1x2048xf32, #tpu.memory_space<vmem_shared>> -> memref<2048xf32, #tpu.memory_space<vmem_shared>>
    %dma_wait3A_279 = arith.constant 2048 : i32
    %dma_wait3A_280 = tpu.memref_slice %arg6[%dma_wait3A_279] : memref<32768xf32, #tpu.memory_space<vmem>> -> memref<2048xf32, #tpu.memory_space<vmem>>
    %dma_wait3A_281 = arith.constant 0 : i32
    %dma_wait3A_282 = tpu.memref_slice %arg11[%dma_wait3A_273, %dma_wait3A_281] : memref<16x2048xf32, #tpu.memory_space<vmem_shared>> -> memref<1x2048xf32, #tpu.memory_space<vmem_shared>>
    %dma_wait3A_283 = tpu.memref_squeeze %dma_wait3A_282 : memref<1x2048xf32, #tpu.memory_space<vmem_shared>> -> memref<2048xf32, #tpu.memory_space<vmem_shared>>
    tpu.wait_dma2 semaphore(%arg13 : memref<!tpu.dma_semaphore, #tpu.memory_space<semaphore_mem>>) src(%dma_wait3A_283 : memref<2048xf32, #tpu.memory_space<vmem_shared>>) dst(%dma_wait3A_280 : memref<2048xf32, #tpu.memory_space<vmem>>)
    %dma_wait3A_284 = arith.constant 2 : i32
    %dma_wait3A_285 = arith.constant 4096 : i32
    %dma_wait3A_286 = tpu.memref_slice %arg6[%dma_wait3A_285] : memref<32768xf32, #tpu.memory_space<vmem>> -> memref<2048xf32, #tpu.memory_space<vmem>>
    %dma_wait3A_287 = arith.constant 0 : i32
    %dma_wait3A_288 = tpu.memref_slice %arg11[%dma_wait3A_284, %dma_wait3A_287] : memref<16x2048xf32, #tpu.memory_space<vmem_shared>> -> memref<1x2048xf32, #tpu.memory_space<vmem_shared>>
    %dma_wait3A_289 = tpu.memref_squeeze %dma_wait3A_288 : memref<1x2048xf32, #tpu.memory_space<vmem_shared>> -> memref<2048xf32, #tpu.memory_space<vmem_shared>>
    %dma_wait3A_290 = arith.constant 4096 : i32
    %dma_wait3A_291 = tpu.memref_slice %arg6[%dma_wait3A_290] : memref<32768xf32, #tpu.memory_space<vmem>> -> memref<2048xf32, #tpu.memory_space<vmem>>
    %dma_wait3A_292 = arith.constant 0 : i32
    %dma_wait3A_293 = tpu.memref_slice %arg11[%dma_wait3A_284, %dma_wait3A_292] : memref<16x2048xf32, #tpu.memory_space<vmem_shared>> -> memref<1x2048xf32, #tpu.memory_space<vmem_shared>>
    %dma_wait3A_294 = tpu.memref_squeeze %dma_wait3A_293 : memref<1x2048xf32, #tpu.memory_space<vmem_shared>> -> memref<2048xf32, #tpu.memory_space<vmem_shared>>
    tpu.wait_dma2 semaphore(%arg13 : memref<!tpu.dma_semaphore, #tpu.memory_space<semaphore_mem>>) src(%dma_wait3A_294 : memref<2048xf32, #tpu.memory_space<vmem_shared>>) dst(%dma_wait3A_291 : memref<2048xf32, #tpu.memory_space<vmem>>)
    %dma_wait3A_295 = arith.constant 3 : i32
    %dma_wait3A_296 = arith.constant 6144 : i32
    %dma_wait3A_297 = tpu.memref_slice %arg6[%dma_wait3A_296] : memref<32768xf32, #tpu.memory_space<vmem>> -> memref<2048xf32, #tpu.memory_space<vmem>>
    %dma_wait3A_298 = arith.constant 0 : i32
    %dma_wait3A_299 = tpu.memref_slice %arg11[%dma_wait3A_295, %dma_wait3A_298] : memref<16x2048xf32, #tpu.memory_space<vmem_shared>> -> memref<1x2048xf32, #tpu.memory_space<vmem_shared>>
    %dma_wait3A_300 = tpu.memref_squeeze %dma_wait3A_299 : memref<1x2048xf32, #tpu.memory_space<vmem_shared>> -> memref<2048xf32, #tpu.memory_space<vmem_shared>>
    %dma_wait3A_301 = arith.constant 6144 : i32
    %dma_wait3A_302 = tpu.memref_slice %arg6[%dma_wait3A_301] : memref<32768xf32, #tpu.memory_space<vmem>> -> memref<2048xf32, #tpu.memory_space<vmem>>
    %dma_wait3A_303 = arith.constant 0 : i32
    %dma_wait3A_304 = tpu.memref_slice %arg11[%dma_wait3A_295, %dma_wait3A_303] : memref<16x2048xf32, #tpu.memory_space<vmem_shared>> -> memref<1x2048xf32, #tpu.memory_space<vmem_shared>>
    %dma_wait3A_305 = tpu.memref_squeeze %dma_wait3A_304 : memref<1x2048xf32, #tpu.memory_space<vmem_shared>> -> memref<2048xf32, #tpu.memory_space<vmem_shared>>
    tpu.wait_dma2 semaphore(%arg13 : memref<!tpu.dma_semaphore, #tpu.memory_space<semaphore_mem>>) src(%dma_wait3A_305 : memref<2048xf32, #tpu.memory_space<vmem_shared>>) dst(%dma_wait3A_302 : memref<2048xf32, #tpu.memory_space<vmem>>)
    %dma_wait3A_306 = arith.constant 4 : i32
    %dma_wait3A_307 = arith.constant 8192 : i32
    %dma_wait3A_308 = tpu.memref_slice %arg6[%dma_wait3A_307] : memref<32768xf32, #tpu.memory_space<vmem>> -> memref<2048xf32, #tpu.memory_space<vmem>>
    %dma_wait3A_309 = arith.constant 0 : i32
    %dma_wait3A_310 = tpu.memref_slice %arg11[%dma_wait3A_306, %dma_wait3A_309] : memref<16x2048xf32, #tpu.memory_space<vmem_shared>> -> memref<1x2048xf32, #tpu.memory_space<vmem_shared>>
    %dma_wait3A_311 = tpu.memref_squeeze %dma_wait3A_310 : memref<1x2048xf32, #tpu.memory_space<vmem_shared>> -> memref<2048xf32, #tpu.memory_space<vmem_shared>>
    %dma_wait3A_312 = arith.constant 8192 : i32
    %dma_wait3A_313 = tpu.memref_slice %arg6[%dma_wait3A_312] : memref<32768xf32, #tpu.memory_space<vmem>> -> memref<2048xf32, #tpu.memory_space<vmem>>
    %dma_wait3A_314 = arith.constant 0 : i32
    %dma_wait3A_315 = tpu.memref_slice %arg11[%dma_wait3A_306, %dma_wait3A_314] : memref<16x2048xf32, #tpu.memory_space<vmem_shared>> -> memref<1x2048xf32, #tpu.memory_space<vmem_shared>>
    %dma_wait3A_316 = tpu.memref_squeeze %dma_wait3A_315 : memref<1x2048xf32, #tpu.memory_space<vmem_shared>> -> memref<2048xf32, #tpu.memory_space<vmem_shared>>
    tpu.wait_dma2 semaphore(%arg13 : memref<!tpu.dma_semaphore, #tpu.memory_space<semaphore_mem>>) src(%dma_wait3A_316 : memref<2048xf32, #tpu.memory_space<vmem_shared>>) dst(%dma_wait3A_313 : memref<2048xf32, #tpu.memory_space<vmem>>)
    %dma_wait3A_317 = arith.constant 5 : i32
    %dma_wait3A_318 = arith.constant 10240 : i32
    %dma_wait3A_319 = tpu.memref_slice %arg6[%dma_wait3A_318] : memref<32768xf32, #tpu.memory_space<vmem>> -> memref<2048xf32, #tpu.memory_space<vmem>>
    %dma_wait3A_320 = arith.constant 0 : i32
    %dma_wait3A_321 = tpu.memref_slice %arg11[%dma_wait3A_317, %dma_wait3A_320] : memref<16x2048xf32, #tpu.memory_space<vmem_shared>> -> memref<1x2048xf32, #tpu.memory_space<vmem_shared>>
    %dma_wait3A_322 = tpu.memref_squeeze %dma_wait3A_321 : memref<1x2048xf32, #tpu.memory_space<vmem_shared>> -> memref<2048xf32, #tpu.memory_space<vmem_shared>>
    %dma_wait3A_323 = arith.constant 10240 : i32
    %dma_wait3A_324 = tpu.memref_slice %arg6[%dma_wait3A_323] : memref<32768xf32, #tpu.memory_space<vmem>> -> memref<2048xf32, #tpu.memory_space<vmem>>
    %dma_wait3A_325 = arith.constant 0 : i32
    %dma_wait3A_326 = tpu.memref_slice %arg11[%dma_wait3A_317, %dma_wait3A_325] : memref<16x2048xf32, #tpu.memory_space<vmem_shared>> -> memref<1x2048xf32, #tpu.memory_space<vmem_shared>>
    %dma_wait3A_327 = tpu.memref_squeeze %dma_wait3A_326 : memref<1x2048xf32, #tpu.memory_space<vmem_shared>> -> memref<2048xf32, #tpu.memory_space<vmem_shared>>
    tpu.wait_dma2 semaphore(%arg13 : memref<!tpu.dma_semaphore, #tpu.memory_space<semaphore_mem>>) src(%dma_wait3A_327 : memref<2048xf32, #tpu.memory_space<vmem_shared>>) dst(%dma_wait3A_324 : memref<2048xf32, #tpu.memory_space<vmem>>)
    %dma_wait3A_328 = arith.constant 6 : i32
    %dma_wait3A_329 = arith.constant 12288 : i32
    %dma_wait3A_330 = tpu.memref_slice %arg6[%dma_wait3A_329] : memref<32768xf32, #tpu.memory_space<vmem>> -> memref<2048xf32, #tpu.memory_space<vmem>>
    %dma_wait3A_331 = arith.constant 0 : i32
    %dma_wait3A_332 = tpu.memref_slice %arg11[%dma_wait3A_328, %dma_wait3A_331] : memref<16x2048xf32, #tpu.memory_space<vmem_shared>> -> memref<1x2048xf32, #tpu.memory_space<vmem_shared>>
    %dma_wait3A_333 = tpu.memref_squeeze %dma_wait3A_332 : memref<1x2048xf32, #tpu.memory_space<vmem_shared>> -> memref<2048xf32, #tpu.memory_space<vmem_shared>>
    %dma_wait3A_334 = arith.constant 12288 : i32
    %dma_wait3A_335 = tpu.memref_slice %arg6[%dma_wait3A_334] : memref<32768xf32, #tpu.memory_space<vmem>> -> memref<2048xf32, #tpu.memory_space<vmem>>
    %dma_wait3A_336 = arith.constant 0 : i32
    %dma_wait3A_337 = tpu.memref_slice %arg11[%dma_wait3A_328, %dma_wait3A_336] : memref<16x2048xf32, #tpu.memory_space<vmem_shared>> -> memref<1x2048xf32, #tpu.memory_space<vmem_shared>>
    %dma_wait3A_338 = tpu.memref_squeeze %dma_wait3A_337 : memref<1x2048xf32, #tpu.memory_space<vmem_shared>> -> memref<2048xf32, #tpu.memory_space<vmem_shared>>
    tpu.wait_dma2 semaphore(%arg13 : memref<!tpu.dma_semaphore, #tpu.memory_space<semaphore_mem>>) src(%dma_wait3A_338 : memref<2048xf32, #tpu.memory_space<vmem_shared>>) dst(%dma_wait3A_335 : memref<2048xf32, #tpu.memory_space<vmem>>)
    %dma_wait3A_339 = arith.constant 7 : i32
    %dma_wait3A_340 = arith.constant 14336 : i32
    %dma_wait3A_341 = tpu.memref_slice %arg6[%dma_wait3A_340] : memref<32768xf32, #tpu.memory_space<vmem>> -> memref<2048xf32, #tpu.memory_space<vmem>>
    %dma_wait3A_342 = arith.constant 0 : i32
    %dma_wait3A_343 = tpu.memref_slice %arg11[%dma_wait3A_339, %dma_wait3A_342] : memref<16x2048xf32, #tpu.memory_space<vmem_shared>> -> memref<1x2048xf32, #tpu.memory_space<vmem_shared>>
    %dma_wait3A_344 = tpu.memref_squeeze %dma_wait3A_343 : memref<1x2048xf32, #tpu.memory_space<vmem_shared>> -> memref<2048xf32, #tpu.memory_space<vmem_shared>>
    %dma_wait3A_345 = arith.constant 14336 : i32
    %dma_wait3A_346 = tpu.memref_slice %arg6[%dma_wait3A_345] : memref<32768xf32, #tpu.memory_space<vmem>> -> memref<2048xf32, #tpu.memory_space<vmem>>
    %dma_wait3A_347 = arith.constant 0 : i32
    %dma_wait3A_348 = tpu.memref_slice %arg11[%dma_wait3A_339, %dma_wait3A_347] : memref<16x2048xf32, #tpu.memory_space<vmem_shared>> -> memref<1x2048xf32, #tpu.memory_space<vmem_shared>>
    %dma_wait3A_349 = tpu.memref_squeeze %dma_wait3A_348 : memref<1x2048xf32, #tpu.memory_space<vmem_shared>> -> memref<2048xf32, #tpu.memory_space<vmem_shared>>
    tpu.wait_dma2 semaphore(%arg13 : memref<!tpu.dma_semaphore, #tpu.memory_space<semaphore_mem>>) src(%dma_wait3A_349 : memref<2048xf32, #tpu.memory_space<vmem_shared>>) dst(%dma_wait3A_346 : memref<2048xf32, #tpu.memory_space<vmem>>)
    %dma_wait3A_350 = arith.constant 8 : i32
    %dma_wait3A_351 = arith.constant 16384 : i32
    %dma_wait3A_352 = tpu.memref_slice %arg6[%dma_wait3A_351] : memref<32768xf32, #tpu.memory_space<vmem>> -> memref<2048xf32, #tpu.memory_space<vmem>>
    %dma_wait3A_353 = arith.constant 0 : i32
    %dma_wait3A_354 = tpu.memref_slice %arg11[%dma_wait3A_350, %dma_wait3A_353] : memref<16x2048xf32, #tpu.memory_space<vmem_shared>> -> memref<1x2048xf32, #tpu.memory_space<vmem_shared>>
    %dma_wait3A_355 = tpu.memref_squeeze %dma_wait3A_354 : memref<1x2048xf32, #tpu.memory_space<vmem_shared>> -> memref<2048xf32, #tpu.memory_space<vmem_shared>>
    %dma_wait3A_356 = arith.constant 16384 : i32
    %dma_wait3A_357 = tpu.memref_slice %arg6[%dma_wait3A_356] : memref<32768xf32, #tpu.memory_space<vmem>> -> memref<2048xf32, #tpu.memory_space<vmem>>
    %dma_wait3A_358 = arith.constant 0 : i32
    %dma_wait3A_359 = tpu.memref_slice %arg11[%dma_wait3A_350, %dma_wait3A_358] : memref<16x2048xf32, #tpu.memory_space<vmem_shared>> -> memref<1x2048xf32, #tpu.memory_space<vmem_shared>>
    %dma_wait3A_360 = tpu.memref_squeeze %dma_wait3A_359 : memref<1x2048xf32, #tpu.memory_space<vmem_shared>> -> memref<2048xf32, #tpu.memory_space<vmem_shared>>
    tpu.wait_dma2 semaphore(%arg13 : memref<!tpu.dma_semaphore, #tpu.memory_space<semaphore_mem>>) src(%dma_wait3A_360 : memref<2048xf32, #tpu.memory_space<vmem_shared>>) dst(%dma_wait3A_357 : memref<2048xf32, #tpu.memory_space<vmem>>)
    %dma_wait3A_361 = arith.constant 9 : i32
    %dma_wait3A_362 = arith.constant 18432 : i32
    %dma_wait3A_363 = tpu.memref_slice %arg6[%dma_wait3A_362] : memref<32768xf32, #tpu.memory_space<vmem>> -> memref<2048xf32, #tpu.memory_space<vmem>>
    %dma_wait3A_364 = arith.constant 0 : i32
    %dma_wait3A_365 = tpu.memref_slice %arg11[%dma_wait3A_361, %dma_wait3A_364] : memref<16x2048xf32, #tpu.memory_space<vmem_shared>> -> memref<1x2048xf32, #tpu.memory_space<vmem_shared>>
    %dma_wait3A_366 = tpu.memref_squeeze %dma_wait3A_365 : memref<1x2048xf32, #tpu.memory_space<vmem_shared>> -> memref<2048xf32, #tpu.memory_space<vmem_shared>>
    %dma_wait3A_367 = arith.constant 18432 : i32
    %dma_wait3A_368 = tpu.memref_slice %arg6[%dma_wait3A_367] : memref<32768xf32, #tpu.memory_space<vmem>> -> memref<2048xf32, #tpu.memory_space<vmem>>
    %dma_wait3A_369 = arith.constant 0 : i32
    %dma_wait3A_370 = tpu.memref_slice %arg11[%dma_wait3A_361, %dma_wait3A_369] : memref<16x2048xf32, #tpu.memory_space<vmem_shared>> -> memref<1x2048xf32, #tpu.memory_space<vmem_shared>>
    %dma_wait3A_371 = tpu.memref_squeeze %dma_wait3A_370 : memref<1x2048xf32, #tpu.memory_space<vmem_shared>> -> memref<2048xf32, #tpu.memory_space<vmem_shared>>
    tpu.wait_dma2 semaphore(%arg13 : memref<!tpu.dma_semaphore, #tpu.memory_space<semaphore_mem>>) src(%dma_wait3A_371 : memref<2048xf32, #tpu.memory_space<vmem_shared>>) dst(%dma_wait3A_368 : memref<2048xf32, #tpu.memory_space<vmem>>)
    %dma_wait3A_372 = arith.constant 10 : i32
    %dma_wait3A_373 = arith.constant 20480 : i32
    %dma_wait3A_374 = tpu.memref_slice %arg6[%dma_wait3A_373] : memref<32768xf32, #tpu.memory_space<vmem>> -> memref<2048xf32, #tpu.memory_space<vmem>>
    %dma_wait3A_375 = arith.constant 0 : i32
    %dma_wait3A_376 = tpu.memref_slice %arg11[%dma_wait3A_372, %dma_wait3A_375] : memref<16x2048xf32, #tpu.memory_space<vmem_shared>> -> memref<1x2048xf32, #tpu.memory_space<vmem_shared>>
    %dma_wait3A_377 = tpu.memref_squeeze %dma_wait3A_376 : memref<1x2048xf32, #tpu.memory_space<vmem_shared>> -> memref<2048xf32, #tpu.memory_space<vmem_shared>>
    %dma_wait3A_378 = arith.constant 20480 : i32
    %dma_wait3A_379 = tpu.memref_slice %arg6[%dma_wait3A_378] : memref<32768xf32, #tpu.memory_space<vmem>> -> memref<2048xf32, #tpu.memory_space<vmem>>
    %dma_wait3A_380 = arith.constant 0 : i32
    %dma_wait3A_381 = tpu.memref_slice %arg11[%dma_wait3A_372, %dma_wait3A_380] : memref<16x2048xf32, #tpu.memory_space<vmem_shared>> -> memref<1x2048xf32, #tpu.memory_space<vmem_shared>>
    %dma_wait3A_382 = tpu.memref_squeeze %dma_wait3A_381 : memref<1x2048xf32, #tpu.memory_space<vmem_shared>> -> memref<2048xf32, #tpu.memory_space<vmem_shared>>
    tpu.wait_dma2 semaphore(%arg13 : memref<!tpu.dma_semaphore, #tpu.memory_space<semaphore_mem>>) src(%dma_wait3A_382 : memref<2048xf32, #tpu.memory_space<vmem_shared>>) dst(%dma_wait3A_379 : memref<2048xf32, #tpu.memory_space<vmem>>)
    %dma_wait3A_383 = arith.constant 11 : i32
    %dma_wait3A_384 = arith.constant 22528 : i32
    %dma_wait3A_385 = tpu.memref_slice %arg6[%dma_wait3A_384] : memref<32768xf32, #tpu.memory_space<vmem>> -> memref<2048xf32, #tpu.memory_space<vmem>>
    %dma_wait3A_386 = arith.constant 0 : i32
    %dma_wait3A_387 = tpu.memref_slice %arg11[%dma_wait3A_383, %dma_wait3A_386] : memref<16x2048xf32, #tpu.memory_space<vmem_shared>> -> memref<1x2048xf32, #tpu.memory_space<vmem_shared>>
    %dma_wait3A_388 = tpu.memref_squeeze %dma_wait3A_387 : memref<1x2048xf32, #tpu.memory_space<vmem_shared>> -> memref<2048xf32, #tpu.memory_space<vmem_shared>>
    %dma_wait3A_389 = arith.constant 22528 : i32
    %dma_wait3A_390 = tpu.memref_slice %arg6[%dma_wait3A_389] : memref<32768xf32, #tpu.memory_space<vmem>> -> memref<2048xf32, #tpu.memory_space<vmem>>
    %dma_wait3A_391 = arith.constant 0 : i32
    %dma_wait3A_392 = tpu.memref_slice %arg11[%dma_wait3A_383, %dma_wait3A_391] : memref<16x2048xf32, #tpu.memory_space<vmem_shared>> -> memref<1x2048xf32, #tpu.memory_space<vmem_shared>>
    %dma_wait3A_393 = tpu.memref_squeeze %dma_wait3A_392 : memref<1x2048xf32, #tpu.memory_space<vmem_shared>> -> memref<2048xf32, #tpu.memory_space<vmem_shared>>
    tpu.wait_dma2 semaphore(%arg13 : memref<!tpu.dma_semaphore, #tpu.memory_space<semaphore_mem>>) src(%dma_wait3A_393 : memref<2048xf32, #tpu.memory_space<vmem_shared>>) dst(%dma_wait3A_390 : memref<2048xf32, #tpu.memory_space<vmem>>)
    %dma_wait3A_394 = arith.constant 12 : i32
    %dma_wait3A_395 = arith.constant 24576 : i32
    %dma_wait3A_396 = tpu.memref_slice %arg6[%dma_wait3A_395] : memref<32768xf32, #tpu.memory_space<vmem>> -> memref<2048xf32, #tpu.memory_space<vmem>>
    %dma_wait3A_397 = arith.constant 0 : i32
    %dma_wait3A_398 = tpu.memref_slice %arg11[%dma_wait3A_394, %dma_wait3A_397] : memref<16x2048xf32, #tpu.memory_space<vmem_shared>> -> memref<1x2048xf32, #tpu.memory_space<vmem_shared>>
    %dma_wait3A_399 = tpu.memref_squeeze %dma_wait3A_398 : memref<1x2048xf32, #tpu.memory_space<vmem_shared>> -> memref<2048xf32, #tpu.memory_space<vmem_shared>>
    %dma_wait3A_400 = arith.constant 24576 : i32
    %dma_wait3A_401 = tpu.memref_slice %arg6[%dma_wait3A_400] : memref<32768xf32, #tpu.memory_space<vmem>> -> memref<2048xf32, #tpu.memory_space<vmem>>
    %dma_wait3A_402 = arith.constant 0 : i32
    %dma_wait3A_403 = tpu.memref_slice %arg11[%dma_wait3A_394, %dma_wait3A_402] : memref<16x2048xf32, #tpu.memory_space<vmem_shared>> -> memref<1x2048xf32, #tpu.memory_space<vmem_shared>>
    %dma_wait3A_404 = tpu.memref_squeeze %dma_wait3A_403 : memref<1x2048xf32, #tpu.memory_space<vmem_shared>> -> memref<2048xf32, #tpu.memory_space<vmem_shared>>
    tpu.wait_dma2 semaphore(%arg13 : memref<!tpu.dma_semaphore, #tpu.memory_space<semaphore_mem>>) src(%dma_wait3A_404 : memref<2048xf32, #tpu.memory_space<vmem_shared>>) dst(%dma_wait3A_401 : memref<2048xf32, #tpu.memory_space<vmem>>)
    %dma_wait3A_405 = arith.constant 13 : i32
    %dma_wait3A_406 = arith.constant 26624 : i32
    %dma_wait3A_407 = tpu.memref_slice %arg6[%dma_wait3A_406] : memref<32768xf32, #tpu.memory_space<vmem>> -> memref<2048xf32, #tpu.memory_space<vmem>>
    %dma_wait3A_408 = arith.constant 0 : i32
    %dma_wait3A_409 = tpu.memref_slice %arg11[%dma_wait3A_405, %dma_wait3A_408] : memref<16x2048xf32, #tpu.memory_space<vmem_shared>> -> memref<1x2048xf32, #tpu.memory_space<vmem_shared>>
    %dma_wait3A_410 = tpu.memref_squeeze %dma_wait3A_409 : memref<1x2048xf32, #tpu.memory_space<vmem_shared>> -> memref<2048xf32, #tpu.memory_space<vmem_shared>>
    %dma_wait3A_411 = arith.constant 26624 : i32
    %dma_wait3A_412 = tpu.memref_slice %arg6[%dma_wait3A_411] : memref<32768xf32, #tpu.memory_space<vmem>> -> memref<2048xf32, #tpu.memory_space<vmem>>
    %dma_wait3A_413 = arith.constant 0 : i32
    %dma_wait3A_414 = tpu.memref_slice %arg11[%dma_wait3A_405, %dma_wait3A_413] : memref<16x2048xf32, #tpu.memory_space<vmem_shared>> -> memref<1x2048xf32, #tpu.memory_space<vmem_shared>>
    %dma_wait3A_415 = tpu.memref_squeeze %dma_wait3A_414 : memref<1x2048xf32, #tpu.memory_space<vmem_shared>> -> memref<2048xf32, #tpu.memory_space<vmem_shared>>
    tpu.wait_dma2 semaphore(%arg13 : memref<!tpu.dma_semaphore, #tpu.memory_space<semaphore_mem>>) src(%dma_wait3A_415 : memref<2048xf32, #tpu.memory_space<vmem_shared>>) dst(%dma_wait3A_412 : memref<2048xf32, #tpu.memory_space<vmem>>)
    %dma_wait3A_416 = arith.constant 14 : i32
    %dma_wait3A_417 = arith.constant 28672 : i32
    %dma_wait3A_418 = tpu.memref_slice %arg6[%dma_wait3A_417] : memref<32768xf32, #tpu.memory_space<vmem>> -> memref<2048xf32, #tpu.memory_space<vmem>>
    %dma_wait3A_419 = arith.constant 0 : i32
    %dma_wait3A_420 = tpu.memref_slice %arg11[%dma_wait3A_416, %dma_wait3A_419] : memref<16x2048xf32, #tpu.memory_space<vmem_shared>> -> memref<1x2048xf32, #tpu.memory_space<vmem_shared>>
    %dma_wait3A_421 = tpu.memref_squeeze %dma_wait3A_420 : memref<1x2048xf32, #tpu.memory_space<vmem_shared>> -> memref<2048xf32, #tpu.memory_space<vmem_shared>>
    %dma_wait3A_422 = arith.constant 28672 : i32
    %dma_wait3A_423 = tpu.memref_slice %arg6[%dma_wait3A_422] : memref<32768xf32, #tpu.memory_space<vmem>> -> memref<2048xf32, #tpu.memory_space<vmem>>
    %dma_wait3A_424 = arith.constant 0 : i32
    %dma_wait3A_425 = tpu.memref_slice %arg11[%dma_wait3A_416, %dma_wait3A_424] : memref<16x2048xf32, #tpu.memory_space<vmem_shared>> -> memref<1x2048xf32, #tpu.memory_space<vmem_shared>>
    %dma_wait3A_426 = tpu.memref_squeeze %dma_wait3A_425 : memref<1x2048xf32, #tpu.memory_space<vmem_shared>> -> memref<2048xf32, #tpu.memory_space<vmem_shared>>
    tpu.wait_dma2 semaphore(%arg13 : memref<!tpu.dma_semaphore, #tpu.memory_space<semaphore_mem>>) src(%dma_wait3A_426 : memref<2048xf32, #tpu.memory_space<vmem_shared>>) dst(%dma_wait3A_423 : memref<2048xf32, #tpu.memory_space<vmem>>)
    %dma_wait3A_427 = arith.constant 15 : i32
    %dma_wait3A_428 = arith.constant 30720 : i32
    %dma_wait3A_429 = tpu.memref_slice %arg6[%dma_wait3A_428] : memref<32768xf32, #tpu.memory_space<vmem>> -> memref<2048xf32, #tpu.memory_space<vmem>>
    %dma_wait3A_430 = arith.constant 0 : i32
    %dma_wait3A_431 = tpu.memref_slice %arg11[%dma_wait3A_427, %dma_wait3A_430] : memref<16x2048xf32, #tpu.memory_space<vmem_shared>> -> memref<1x2048xf32, #tpu.memory_space<vmem_shared>>
    %dma_wait3A_432 = tpu.memref_squeeze %dma_wait3A_431 : memref<1x2048xf32, #tpu.memory_space<vmem_shared>> -> memref<2048xf32, #tpu.memory_space<vmem_shared>>
    %dma_wait3A_433 = arith.constant 30720 : i32
    %dma_wait3A_434 = tpu.memref_slice %arg6[%dma_wait3A_433] : memref<32768xf32, #tpu.memory_space<vmem>> -> memref<2048xf32, #tpu.memory_space<vmem>>
    %dma_wait3A_435 = arith.constant 0 : i32
    %dma_wait3A_436 = tpu.memref_slice %arg11[%dma_wait3A_427, %dma_wait3A_435] : memref<16x2048xf32, #tpu.memory_space<vmem_shared>> -> memref<1x2048xf32, #tpu.memory_space<vmem_shared>>
    %dma_wait3A_437 = tpu.memref_squeeze %dma_wait3A_436 : memref<1x2048xf32, #tpu.memory_space<vmem_shared>> -> memref<2048xf32, #tpu.memory_space<vmem_shared>>
    tpu.wait_dma2 semaphore(%arg13 : memref<!tpu.dma_semaphore, #tpu.memory_space<semaphore_mem>>) src(%dma_wait3A_437 : memref<2048xf32, #tpu.memory_space<vmem_shared>>) dst(%dma_wait3A_434 : memref<2048xf32, #tpu.memory_space<vmem>>)
    %parallel_loop3A_438 = arith.constant 0 : i32
    %parallel_loop3A_439 = arith.constant 128 : i32
    %parallel_loop3A_440 = arith.constant 1 : i32
    scf.for %parallel_loop3A_1131 = %parallel_loop3A_438 to %parallel_loop3A_439 step %parallel_loop3A_440  : i32 {
      %parallel_loop3A_1132 = arith.constant 16 : i32
      %parallel_loop3A_1133 = arith.muli %parallel_loop3A_1131, %parallel_loop3A_1132 : i32
      %parallel_loop3A_1134 = arith.index_cast %parallel_loop3A_1133 : i32 to index
      %parallel_loop3A_1135 = tpu.vector_load %arg6[%parallel_loop3A_1134] {strides = array<i32>} : memref<32768xf32, #tpu.memory_space<vmem>>, vector<16xf32>,
      %parallel_loop3A_1136 = arith.constant 2048 : i32
      %parallel_loop3A_1137 = arith.addi %parallel_loop3A_1136, %parallel_loop3A_1133 : i32
      %parallel_loop3A_1138 = arith.index_cast %parallel_loop3A_1137 : i32 to index
      %parallel_loop3A_1139 = tpu.vector_load %arg6[%parallel_loop3A_1138] {strides = array<i32>} : memref<32768xf32, #tpu.memory_space<vmem>>, vector<16xf32>,
      %parallel_loop3A_1140 = arith.addf %parallel_loop3A_1135, %parallel_loop3A_1139 : vector<16xf32>
      %parallel_loop3A_1141 = arith.constant 4096 : i32
      %parallel_loop3A_1142 = arith.addi %parallel_loop3A_1141, %parallel_loop3A_1133 : i32
      %parallel_loop3A_1143 = arith.index_cast %parallel_loop3A_1142 : i32 to index
      %parallel_loop3A_1144 = tpu.vector_load %arg6[%parallel_loop3A_1143] {strides = array<i32>} : memref<32768xf32, #tpu.memory_space<vmem>>, vector<16xf32>,
      %parallel_loop3A_1145 = arith.addf %parallel_loop3A_1140, %parallel_loop3A_1144 : vector<16xf32>
      %parallel_loop3A_1146 = arith.constant 6144 : i32
      %parallel_loop3A_1147 = arith.addi %parallel_loop3A_1146, %parallel_loop3A_1133 : i32
      %parallel_loop3A_1148 = arith.index_cast %parallel_loop3A_1147 : i32 to index
      %parallel_loop3A_1149 = tpu.vector_load %arg6[%parallel_loop3A_1148] {strides = array<i32>} : memref<32768xf32, #tpu.memory_space<vmem>>, vector<16xf32>,
      %parallel_loop3A_1150 = arith.addf %parallel_loop3A_1145, %parallel_loop3A_1149 : vector<16xf32>
      %parallel_loop3A_1151 = arith.constant 8192 : i32
      %parallel_loop3A_1152 = arith.addi %parallel_loop3A_1151, %parallel_loop3A_1133 : i32
      %parallel_loop3A_1153 = arith.index_cast %parallel_loop3A_1152 : i32 to index
      %parallel_loop3A_1154 = tpu.vector_load %arg6[%parallel_loop3A_1153] {strides = array<i32>} : memref<32768xf32, #tpu.memory_space<vmem>>, vector<16xf32>,
      %parallel_loop3A_1155 = arith.addf %parallel_loop3A_1150, %parallel_loop3A_1154 : vector<16xf32>
      %parallel_loop3A_1156 = arith.constant 10240 : i32
      %parallel_loop3A_1157 = arith.addi %parallel_loop3A_1156, %parallel_loop3A_1133 : i32
      %parallel_loop3A_1158 = arith.index_cast %parallel_loop3A_1157 : i32 to index
      %parallel_loop3A_1159 = tpu.vector_load %arg6[%parallel_loop3A_1158] {strides = array<i32>} : memref<32768xf32, #tpu.memory_space<vmem>>, vector<16xf32>,
      %parallel_loop3A_1160 = arith.addf %parallel_loop3A_1155, %parallel_loop3A_1159 : vector<16xf32>
      %parallel_loop3A_1161 = arith.constant 12288 : i32
      %parallel_loop3A_1162 = arith.addi %parallel_loop3A_1161, %parallel_loop3A_1133 : i32
      %parallel_loop3A_1163 = arith.index_cast %parallel_loop3A_1162 : i32 to index
      %parallel_loop3A_1164 = tpu.vector_load %arg6[%parallel_loop3A_1163] {strides = array<i32>} : memref<32768xf32, #tpu.memory_space<vmem>>, vector<16xf32>,
      %parallel_loop3A_1165 = arith.addf %parallel_loop3A_1160, %parallel_loop3A_1164 : vector<16xf32>
      %parallel_loop3A_1166 = arith.constant 14336 : i32
      %parallel_loop3A_1167 = arith.addi %parallel_loop3A_1166, %parallel_loop3A_1133 : i32
      %parallel_loop3A_1168 = arith.index_cast %parallel_loop3A_1167 : i32 to index
      %parallel_loop3A_1169 = tpu.vector_load %arg6[%parallel_loop3A_1168] {strides = array<i32>} : memref<32768xf32, #tpu.memory_space<vmem>>, vector<16xf32>,
      %parallel_loop3A_1170 = arith.addf %parallel_loop3A_1165, %parallel_loop3A_1169 : vector<16xf32>
      %parallel_loop3A_1171 = arith.constant 16384 : i32
      %parallel_loop3A_1172 = arith.addi %parallel_loop3A_1171, %parallel_loop3A_1133 : i32
      %parallel_loop3A_1173 = arith.index_cast %parallel_loop3A_1172 : i32 to index
      %parallel_loop3A_1174 = tpu.vector_load %arg6[%parallel_loop3A_1173] {strides = array<i32>} : memref<32768xf32, #tpu.memory_space<vmem>>, vector<16xf32>,
      %parallel_loop3A_1175 = arith.addf %parallel_loop3A_1170, %parallel_loop3A_1174 : vector<16xf32>
      %parallel_loop3A_1176 = arith.constant 18432 : i32
      %parallel_loop3A_1177 = arith.addi %parallel_loop3A_1176, %parallel_loop3A_1133 : i32
      %parallel_loop3A_1178 = arith.index_cast %parallel_loop3A_1177 : i32 to index
      %parallel_loop3A_1179 = tpu.vector_load %arg6[%parallel_loop3A_1178] {strides = array<i32>} : memref<32768xf32, #tpu.memory_space<vmem>>, vector<16xf32>,
      %parallel_loop3A_1180 = arith.addf %parallel_loop3A_1175, %parallel_loop3A_1179 : vector<16xf32>
      %parallel_loop3A_1181 = arith.constant 20480 : i32
      %parallel_loop3A_1182 = arith.addi %parallel_loop3A_1181, %parallel_loop3A_1133 : i32
      %parallel_loop3A_1183 = arith.index_cast %parallel_loop3A_1182 : i32 to index
      %parallel_loop3A_1184 = tpu.vector_load %arg6[%parallel_loop3A_1183] {strides = array<i32>} : memref<32768xf32, #tpu.memory_space<vmem>>, vector<16xf32>,
      %parallel_loop3A_1185 = arith.addf %parallel_loop3A_1180, %parallel_loop3A_1184 : vector<16xf32>
      %parallel_loop3A_1186 = arith.constant 22528 : i32
      %parallel_loop3A_1187 = arith.addi %parallel_loop3A_1186, %parallel_loop3A_1133 : i32
      %parallel_loop3A_1188 = arith.index_cast %parallel_loop3A_1187 : i32 to index
      %parallel_loop3A_1189 = tpu.vector_load %arg6[%parallel_loop3A_1188] {strides = array<i32>} : memref<32768xf32, #tpu.memory_space<vmem>>, vector<16xf32>,
      %parallel_loop3A_1190 = arith.addf %parallel_loop3A_1185, %parallel_loop3A_1189 : vector<16xf32>
      %parallel_loop3A_1191 = arith.constant 24576 : i32
      %parallel_loop3A_1192 = arith.addi %parallel_loop3A_1191, %parallel_loop3A_1133 : i32
      %parallel_loop3A_1193 = arith.index_cast %parallel_loop3A_1192 : i32 to index
      %parallel_loop3A_1194 = tpu.vector_load %arg6[%parallel_loop3A_1193] {strides = array<i32>} : memref<32768xf32, #tpu.memory_space<vmem>>, vector<16xf32>,
      %parallel_loop3A_1195 = arith.addf %parallel_loop3A_1190, %parallel_loop3A_1194 : vector<16xf32>
      %parallel_loop3A_1196 = arith.constant 26624 : i32
      %parallel_loop3A_1197 = arith.addi %parallel_loop3A_1196, %parallel_loop3A_1133 : i32
      %parallel_loop3A_1198 = arith.index_cast %parallel_loop3A_1197 : i32 to index
      %parallel_loop3A_1199 = tpu.vector_load %arg6[%parallel_loop3A_1198] {strides = array<i32>} : memref<32768xf32, #tpu.memory_space<vmem>>, vector<16xf32>,
      %parallel_loop3A_1200 = arith.addf %parallel_loop3A_1195, %parallel_loop3A_1199 : vector<16xf32>
      %parallel_loop3A_1201 = arith.constant 28672 : i32
      %parallel_loop3A_1202 = arith.addi %parallel_loop3A_1201, %parallel_loop3A_1133 : i32
      %parallel_loop3A_1203 = arith.index_cast %parallel_loop3A_1202 : i32 to index
      %parallel_loop3A_1204 = tpu.vector_load %arg6[%parallel_loop3A_1203] {strides = array<i32>} : memref<32768xf32, #tpu.memory_space<vmem>>, vector<16xf32>,
      %parallel_loop3A_1205 = arith.addf %parallel_loop3A_1200, %parallel_loop3A_1204 : vector<16xf32>
      %parallel_loop3A_1206 = arith.constant 30720 : i32
      %parallel_loop3A_1207 = arith.addi %parallel_loop3A_1206, %parallel_loop3A_1133 : i32
      %parallel_loop3A_1208 = arith.index_cast %parallel_loop3A_1207 : i32 to index
      %parallel_loop3A_1209 = tpu.vector_load %arg6[%parallel_loop3A_1208] {strides = array<i32>} : memref<32768xf32, #tpu.memory_space<vmem>>, vector<16xf32>,
      %parallel_loop3A_1210 = arith.addf %parallel_loop3A_1205, %parallel_loop3A_1209 : vector<16xf32>
      %parallel_loop3A_1211 = arith.index_cast %parallel_loop3A_1133 : i32 to index
      %parallel_loop3A_1212 = tpu.vector_load %arg8[%parallel_loop3A_1211] {strides = array<i32>} : memref<2048xf32, #tpu.memory_space<vmem>>, vector<16xf32>,
      tpu.vector_store %arg8[%parallel_loop3A_1211], %parallel_loop3A_1210 {strides = array<i32>} : memref<2048xf32, #tpu.memory_space<vmem>>, vector<16xf32>,
    } {sc.loop_unroll_factor = 2 : i64, sc.parallel_access}
    %barrier3A_441 = arith.constant 0 : index
    tpu.barrier barrier_id(%barrier3A_441)
    %scan3A = arith.constant 0 : i32
    %scan3A_442 = arith.constant 128 : i32
    %scan3A_443 = arith.addi %scan3A, %scan3A_442 : i32
    %scan3A_444 = arith.constant 1 : i32
    %scan3A_445 = scf.for %scan3A_1131 = %scan3A to %scan3A_443 step %scan3A_444 iter_args(%scan3A_1132 = %broadcast_in_dim3A_39) -> (vector<16xf32>)  : i32 {
      %mul3A_1133 = arith.constant 16 : i32
      %mul3A_1134 = arith.muli %scan3A_1131, %mul3A_1133 : i32
      %get3A_1135 = arith.index_cast %mul3A_1134 : i32 to index
      %get3A_1136 = tpu.vector_load %arg8[%get3A_1135] {strides = array<i32>} : memref<2048xf32, #tpu.memory_space<vmem>>, vector<16xf32>,
      %add3A_1137 = arith.addf %scan3A_1132, %get3A_1136 : vector<16xf32>
      scf.yield %add3A_1137 : vector<16xf32>
    }
    %scan3A_446 = arith.constant 128 : i32
    %xor3A = arith.constant 1 : i32
    %xor3A_447 = vector.broadcast %xor3A : i32 to vector<16xi32>
    %xor3A_448 = arith.xori %iota3A, %xor3A_447 : vector<16xi32>
    %broadcast_in_dim3A_449 = vector.shape_cast %xor3A_448 : vector<16xi32> to vector<16x1xi32>
    %gather3A = vector.shape_cast %broadcast_in_dim3A_449 : vector<16x1xi32> to vector<16xi32>
    %gather3A_450 = tpu.dynamic_gather %scan3A_445[%gather3A] in [0] : vector<16xf32>, vector<16xi32> -> vector<16xf32>
    %add3A_451 = arith.addf %scan3A_445, %gather3A_450 : vector<16xf32>
    %xor3A_452 = arith.constant 2 : i32
    %xor3A_453 = vector.broadcast %xor3A_452 : i32 to vector<16xi32>
    %xor3A_454 = arith.xori %iota3A, %xor3A_453 : vector<16xi32>
    %broadcast_in_dim3A_455 = vector.shape_cast %xor3A_454 : vector<16xi32> to vector<16x1xi32>
    %gather3A_456 = vector.shape_cast %broadcast_in_dim3A_455 : vector<16x1xi32> to vector<16xi32>
    %gather3A_457 = tpu.dynamic_gather %add3A_451[%gather3A_456] in [0] : vector<16xf32>, vector<16xi32> -> vector<16xf32>
    %add3A_458 = arith.addf %add3A_451, %gather3A_457 : vector<16xf32>
    %xor3A_459 = arith.constant 4 : i32
    %xor3A_460 = vector.broadcast %xor3A_459 : i32 to vector<16xi32>
    %xor3A_461 = arith.xori %iota3A, %xor3A_460 : vector<16xi32>
    %broadcast_in_dim3A_462 = vector.shape_cast %xor3A_461 : vector<16xi32> to vector<16x1xi32>
    %gather3A_463 = vector.shape_cast %broadcast_in_dim3A_462 : vector<16x1xi32> to vector<16xi32>
    %gather3A_464 = tpu.dynamic_gather %add3A_458[%gather3A_463] in [0] : vector<16xf32>, vector<16xi32> -> vector<16xf32>
    %add3A_465 = arith.addf %add3A_458, %gather3A_464 : vector<16xf32>
    %xor3A_466 = arith.constant 8 : i32
    %xor3A_467 = vector.broadcast %xor3A_466 : i32 to vector<16xi32>
    %xor3A_468 = arith.xori %iota3A, %xor3A_467 : vector<16xi32>
    %broadcast_in_dim3A_469 = vector.shape_cast %xor3A_468 : vector<16xi32> to vector<16x1xi32>
    %gather3A_470 = vector.shape_cast %broadcast_in_dim3A_469 : vector<16x1xi32> to vector<16xi32>
    %gather3A_471 = tpu.dynamic_gather %add3A_465[%gather3A_470] in [0] : vector<16xf32>, vector<16xi32> -> vector<16xf32>
    %add3A_472 = arith.addf %add3A_465, %gather3A_471 : vector<16xf32>
    %sub3A = arith.subf %add3A_472, %min3A : vector<16xf32>
    %scan3A_473 = arith.constant 0 : i32
    %scan3A_474 = arith.constant 128 : i32
    %scan3A_475 = arith.addi %scan3A_473, %scan3A_474 : i32
    %scan3A_476 = arith.constant 1 : i32
    %scan3A_477:2 = scf.for %scan3A_1131 = %scan3A_473 to %scan3A_475 step %scan3A_476 iter_args(%scan3A_1132 = %broadcast_in_dim3A_39, %scan3A_1133 = %broadcast_in_dim3A_39) -> (vector<16xf32>, vector<16xf32>)  : i32 {
      %mul3A_1134 = arith.constant 16 : i32
      %mul3A_1135 = arith.muli %scan3A_1131, %mul3A_1134 : i32
      %get3A_1136 = arith.index_cast %mul3A_1135 : i32 to index
      %get3A_1137 = tpu.vector_load %arg8[%get3A_1136] {strides = array<i32>} : memref<2048xf32, #tpu.memory_space<vmem>>, vector<16xf32>,
      %sub3A_1138 = arith.constant 1 : i32
      %sub3A_1139 = vector.broadcast %sub3A_1138 : i32 to vector<16xi32>
      %sub3A_1140 = arith.subi %iota3A, %sub3A_1139 : vector<16xi32>
      %max3A = arith.constant 0 : i32
      %max3A_1141 = vector.broadcast %max3A : i32 to vector<16xi32>
      %max3A_1142 = arith.maxsi %sub3A_1140, %max3A_1141 : vector<16xi32>
      %broadcast_in_dim3A_1143 = vector.shape_cast %max3A_1142 : vector<16xi32> to vector<16x1xi32>
      %gather3A_1144 = vector.shape_cast %broadcast_in_dim3A_1143 : vector<16x1xi32> to vector<16xi32>
      %gather3A_1145 = tpu.dynamic_gather %get3A_1137[%gather3A_1144] in [0] : vector<16xf32>, vector<16xi32> -> vector<16xf32>
      %ge3A = arith.constant 1 : i32
      %ge3A_1146 = vector.broadcast %ge3A : i32 to vector<16xi32>
      %ge3A_1147 = arith.cmpi sge, %iota3A, %ge3A_1146 : vector<16xi32>
      %select_n3A_1148 = arith.select %ge3A_1147, %gather3A_1145, %broadcast_in_dim3A_39 : vector<16xi1>, vector<16xf32>
      %add3A_1149 = arith.addf %get3A_1137, %select_n3A_1148 : vector<16xf32>
      %sub3A_1150 = arith.constant 2 : i32
      %sub3A_1151 = vector.broadcast %sub3A_1150 : i32 to vector<16xi32>
      %sub3A_1152 = arith.subi %iota3A, %sub3A_1151 : vector<16xi32>
      %max3A_1153 = arith.constant 0 : i32
      %max3A_1154 = vector.broadcast %max3A_1153 : i32 to vector<16xi32>
      %max3A_1155 = arith.maxsi %sub3A_1152, %max3A_1154 : vector<16xi32>
      %broadcast_in_dim3A_1156 = vector.shape_cast %max3A_1155 : vector<16xi32> to vector<16x1xi32>
      %gather3A_1157 = vector.shape_cast %broadcast_in_dim3A_1156 : vector<16x1xi32> to vector<16xi32>
      %gather3A_1158 = tpu.dynamic_gather %add3A_1149[%gather3A_1157] in [0] : vector<16xf32>, vector<16xi32> -> vector<16xf32>
      %ge3A_1159 = arith.constant 2 : i32
      %ge3A_1160 = vector.broadcast %ge3A_1159 : i32 to vector<16xi32>
      %ge3A_1161 = arith.cmpi sge, %iota3A, %ge3A_1160 : vector<16xi32>
      %select_n3A_1162 = arith.select %ge3A_1161, %gather3A_1158, %broadcast_in_dim3A_39 : vector<16xi1>, vector<16xf32>
      %add3A_1163 = arith.addf %add3A_1149, %select_n3A_1162 : vector<16xf32>
      %sub3A_1164 = arith.constant 4 : i32
      %sub3A_1165 = vector.broadcast %sub3A_1164 : i32 to vector<16xi32>
      %sub3A_1166 = arith.subi %iota3A, %sub3A_1165 : vector<16xi32>
      %max3A_1167 = arith.constant 0 : i32
      %max3A_1168 = vector.broadcast %max3A_1167 : i32 to vector<16xi32>
      %max3A_1169 = arith.maxsi %sub3A_1166, %max3A_1168 : vector<16xi32>
      %broadcast_in_dim3A_1170 = vector.shape_cast %max3A_1169 : vector<16xi32> to vector<16x1xi32>
      %gather3A_1171 = vector.shape_cast %broadcast_in_dim3A_1170 : vector<16x1xi32> to vector<16xi32>
      %gather3A_1172 = tpu.dynamic_gather %add3A_1163[%gather3A_1171] in [0] : vector<16xf32>, vector<16xi32> -> vector<16xf32>
      %ge3A_1173 = arith.constant 4 : i32
      %ge3A_1174 = vector.broadcast %ge3A_1173 : i32 to vector<16xi32>
      %ge3A_1175 = arith.cmpi sge, %iota3A, %ge3A_1174 : vector<16xi32>
      %select_n3A_1176 = arith.select %ge3A_1175, %gather3A_1172, %broadcast_in_dim3A_39 : vector<16xi1>, vector<16xf32>
      %add3A_1177 = arith.addf %add3A_1163, %select_n3A_1176 : vector<16xf32>
      %sub3A_1178 = arith.constant 8 : i32
      %sub3A_1179 = vector.broadcast %sub3A_1178 : i32 to vector<16xi32>
      %sub3A_1180 = arith.subi %iota3A, %sub3A_1179 : vector<16xi32>
      %max3A_1181 = arith.constant 0 : i32
      %max3A_1182 = vector.broadcast %max3A_1181 : i32 to vector<16xi32>
      %max3A_1183 = arith.maxsi %sub3A_1180, %max3A_1182 : vector<16xi32>
      %broadcast_in_dim3A_1184 = vector.shape_cast %max3A_1183 : vector<16xi32> to vector<16x1xi32>
      %gather3A_1185 = vector.shape_cast %broadcast_in_dim3A_1184 : vector<16x1xi32> to vector<16xi32>
      %gather3A_1186 = tpu.dynamic_gather %add3A_1177[%gather3A_1185] in [0] : vector<16xf32>, vector<16xi32> -> vector<16xf32>
      %ge3A_1187 = arith.constant 8 : i32
      %ge3A_1188 = vector.broadcast %ge3A_1187 : i32 to vector<16xi32>
      %ge3A_1189 = arith.cmpi sge, %iota3A, %ge3A_1188 : vector<16xi32>
      %select_n3A_1190 = arith.select %ge3A_1189, %gather3A_1186, %broadcast_in_dim3A_39 : vector<16xi1>, vector<16xf32>
      %add3A_1191 = arith.addf %add3A_1177, %select_n3A_1190 : vector<16xf32>
      %sub3A_1192 = arith.subf %add3A_1191, %get3A_1137 : vector<16xf32>
      %add3A_1193 = arith.addf %scan3A_1132, %sub3A_1192 : vector<16xf32>
      %le3A = arith.cmpf ole, %add3A_1193, %sub3A : vector<16xf32>
      %jit3A_1194 = arith.constant 1.000000e+00 : f32
      %jit3A_1195 = arith.constant 0.000000e+00 : f32
      %broadcast_in_dim3A_1196 = vector.broadcast %jit3A_1194 : f32 to vector<16xf32>
      %broadcast_in_dim3A_1197 = vector.broadcast %jit3A_1195 : f32 to vector<16xf32>
      %select_n3A_1198 = arith.select %le3A, %broadcast_in_dim3A_1196, %broadcast_in_dim3A_1197 : vector<16xi1>, vector<16xf32>
      %add3A_1199 = arith.addf %scan3A_1133, %select_n3A_1198 : vector<16xf32>
      %broadcast_in_dim3A_1200 = vector.shape_cast %broadcast_in_dim3A_41 : vector<16xi32> to vector<16x1xi32>
      %gather3A_1201 = vector.shape_cast %broadcast_in_dim3A_1200 : vector<16x1xi32> to vector<16xi32>
      %gather3A_1202 = tpu.dynamic_gather %add3A_1191[%gather3A_1201] in [0] : vector<16xf32>, vector<16xi32> -> vector<16xf32>
      %add3A_1203 = arith.addf %scan3A_1132, %gather3A_1202 : vector<16xf32>
      scf.yield %add3A_1203, %add3A_1199 : vector<16xf32>, vector<16xf32>
    }
    %scan3A_478 = arith.constant 128 : i32
    %xor3A_479 = arith.constant 1 : i32
    %xor3A_480 = vector.broadcast %xor3A_479 : i32 to vector<16xi32>
    %xor3A_481 = arith.xori %iota3A, %xor3A_480 : vector<16xi32>
    %broadcast_in_dim3A_482 = vector.shape_cast %xor3A_481 : vector<16xi32> to vector<16x1xi32>
    %gather3A_483 = vector.shape_cast %broadcast_in_dim3A_482 : vector<16x1xi32> to vector<16xi32>
    %gather3A_484 = tpu.dynamic_gather %scan3A_477#1[%gather3A_483] in [0] : vector<16xf32>, vector<16xi32> -> vector<16xf32>
    %add3A_485 = arith.addf %scan3A_477#1, %gather3A_484 : vector<16xf32>
    %xor3A_486 = arith.constant 2 : i32
    %xor3A_487 = vector.broadcast %xor3A_486 : i32 to vector<16xi32>
    %xor3A_488 = arith.xori %iota3A, %xor3A_487 : vector<16xi32>
    %broadcast_in_dim3A_489 = vector.shape_cast %xor3A_488 : vector<16xi32> to vector<16x1xi32>
    %gather3A_490 = vector.shape_cast %broadcast_in_dim3A_489 : vector<16x1xi32> to vector<16xi32>
    %gather3A_491 = tpu.dynamic_gather %add3A_485[%gather3A_490] in [0] : vector<16xf32>, vector<16xi32> -> vector<16xf32>
    %add3A_492 = arith.addf %add3A_485, %gather3A_491 : vector<16xf32>
    %xor3A_493 = arith.constant 4 : i32
    %xor3A_494 = vector.broadcast %xor3A_493 : i32 to vector<16xi32>
    %xor3A_495 = arith.xori %iota3A, %xor3A_494 : vector<16xi32>
    %broadcast_in_dim3A_496 = vector.shape_cast %xor3A_495 : vector<16xi32> to vector<16x1xi32>
    %gather3A_497 = vector.shape_cast %broadcast_in_dim3A_496 : vector<16x1xi32> to vector<16xi32>
    %gather3A_498 = tpu.dynamic_gather %add3A_492[%gather3A_497] in [0] : vector<16xf32>, vector<16xi32> -> vector<16xf32>
    %add3A_499 = arith.addf %add3A_492, %gather3A_498 : vector<16xf32>
    %xor3A_500 = arith.constant 8 : i32
    %xor3A_501 = vector.broadcast %xor3A_500 : i32 to vector<16xi32>
    %xor3A_502 = arith.xori %iota3A, %xor3A_501 : vector<16xi32>
    %broadcast_in_dim3A_503 = vector.shape_cast %xor3A_502 : vector<16xi32> to vector<16x1xi32>
    %gather3A_504 = vector.shape_cast %broadcast_in_dim3A_503 : vector<16x1xi32> to vector<16xi32>
    %gather3A_505 = tpu.dynamic_gather %add3A_499[%gather3A_504] in [0] : vector<16xf32>, vector<16xi32> -> vector<16xf32>
    %add3A_506 = arith.addf %add3A_499, %gather3A_505 : vector<16xf32>
    %sub3A_507 = arith.constant 1.000000e+00 : f32
    %sub3A_508 = vector.broadcast %sub3A_507 : f32 to vector<16xf32>
    %sub3A_509 = arith.subf %add3A_506, %sub3A_508 : vector<16xf32>
    %convert_element_type3A = arith.fptosi %sub3A_509 : vector<16xf32> to vector<16xi32>
    %scan3A_510 = arith.constant 0 : i32
    %scan3A_511 = arith.constant 128 : i32
    %scan3A_512 = arith.addi %scan3A_510, %scan3A_511 : i32
    %scan3A_513 = arith.constant 1 : i32
    %scan3A_514 = scf.for %scan3A_1131 = %scan3A_510 to %scan3A_512 step %scan3A_513 iter_args(%scan3A_1132 = %broadcast_in_dim3A_39) -> (vector<16xf32>)  : i32 {
      %mul3A_1133 = arith.constant 16 : i32
      %mul3A_1134 = arith.muli %scan3A_1131, %mul3A_1133 : i32
      %add3A_1135 = vector.broadcast %mul3A_1134 : i32 to vector<16xi32>
      %add3A_1136 = arith.addi %iota3A, %add3A_1135 : vector<16xi32>
      %gt3A_1137 = arith.cmpi sgt, %add3A_1136, %convert_element_type3A : vector<16xi32>
      %mul3A_1138 = arith.constant 16 : i32
      %mul3A_1139 = arith.muli %scan3A_1131, %mul3A_1138 : i32
      %get3A_1140 = arith.index_cast %mul3A_1139 : i32 to index
      %get3A_1141 = tpu.vector_load %arg8[%get3A_1140] {strides = array<i32>} : memref<2048xf32, #tpu.memory_space<vmem>>, vector<16xf32>,
      %select_n3A_1142 = arith.select %gt3A_1137, %get3A_1141, %broadcast_in_dim3A_39 : vector<16xi1>, vector<16xf32>
      %add3A_1143 = arith.addf %scan3A_1132, %select_n3A_1142 : vector<16xf32>
      scf.yield %add3A_1143 : vector<16xf32>
    }
    %scan3A_515 = arith.constant 128 : i32
    %xor3A_516 = arith.constant 1 : i32
    %xor3A_517 = vector.broadcast %xor3A_516 : i32 to vector<16xi32>
    %xor3A_518 = arith.xori %iota3A, %xor3A_517 : vector<16xi32>
    %broadcast_in_dim3A_519 = vector.shape_cast %xor3A_518 : vector<16xi32> to vector<16x1xi32>
    %gather3A_520 = vector.shape_cast %broadcast_in_dim3A_519 : vector<16x1xi32> to vector<16xi32>
    %gather3A_521 = tpu.dynamic_gather %scan3A_514[%gather3A_520] in [0] : vector<16xf32>, vector<16xi32> -> vector<16xf32>
    %add3A_522 = arith.addf %scan3A_514, %gather3A_521 : vector<16xf32>
    %xor3A_523 = arith.constant 2 : i32
    %xor3A_524 = vector.broadcast %xor3A_523 : i32 to vector<16xi32>
    %xor3A_525 = arith.xori %iota3A, %xor3A_524 : vector<16xi32>
    %broadcast_in_dim3A_526 = vector.shape_cast %xor3A_525 : vector<16xi32> to vector<16x1xi32>
    %gather3A_527 = vector.shape_cast %broadcast_in_dim3A_526 : vector<16x1xi32> to vector<16xi32>
    %gather3A_528 = tpu.dynamic_gather %add3A_522[%gather3A_527] in [0] : vector<16xf32>, vector<16xi32> -> vector<16xf32>
    %add3A_529 = arith.addf %add3A_522, %gather3A_528 : vector<16xf32>
    %xor3A_530 = arith.constant 4 : i32
    %xor3A_531 = vector.broadcast %xor3A_530 : i32 to vector<16xi32>
    %xor3A_532 = arith.xori %iota3A, %xor3A_531 : vector<16xi32>
    %broadcast_in_dim3A_533 = vector.shape_cast %xor3A_532 : vector<16xi32> to vector<16x1xi32>
    %gather3A_534 = vector.shape_cast %broadcast_in_dim3A_533 : vector<16x1xi32> to vector<16xi32>
    %gather3A_535 = tpu.dynamic_gather %add3A_529[%gather3A_534] in [0] : vector<16xf32>, vector<16xi32> -> vector<16xf32>
    %add3A_536 = arith.addf %add3A_529, %gather3A_535 : vector<16xf32>
    %xor3A_537 = arith.constant 8 : i32
    %xor3A_538 = vector.broadcast %xor3A_537 : i32 to vector<16xi32>
    %xor3A_539 = arith.xori %iota3A, %xor3A_538 : vector<16xi32>
    %broadcast_in_dim3A_540 = vector.shape_cast %xor3A_539 : vector<16xi32> to vector<16x1xi32>
    %gather3A_541 = vector.shape_cast %broadcast_in_dim3A_540 : vector<16x1xi32> to vector<16xi32>
    %gather3A_542 = tpu.dynamic_gather %add3A_536[%gather3A_541] in [0] : vector<16xf32>, vector<16xi32> -> vector<16xf32>
    %add3A_543 = arith.addf %add3A_536, %gather3A_542 : vector<16xf32>
    %xor3A_544 = arith.constant 1 : i32
    %xor3A_545 = vector.broadcast %xor3A_544 : i32 to vector<16xi32>
    %xor3A_546 = arith.xori %iota3A, %xor3A_545 : vector<16xi32>
    %broadcast_in_dim3A_547 = vector.shape_cast %xor3A_546 : vector<16xi32> to vector<16x1xi32>
    %gather3A_548 = vector.shape_cast %broadcast_in_dim3A_547 : vector<16x1xi32> to vector<16xi32>
    %gather3A_549 = tpu.dynamic_gather %broadcast_in_dim3A_39[%gather3A_548] in [0] : vector<16xf32>, vector<16xi32> -> vector<16xf32>
    %add3A_550 = arith.addf %broadcast_in_dim3A_39, %gather3A_549 : vector<16xf32>
    %xor3A_551 = arith.constant 2 : i32
    %xor3A_552 = vector.broadcast %xor3A_551 : i32 to vector<16xi32>
    %xor3A_553 = arith.xori %iota3A, %xor3A_552 : vector<16xi32>
    %broadcast_in_dim3A_554 = vector.shape_cast %xor3A_553 : vector<16xi32> to vector<16x1xi32>
    %gather3A_555 = vector.shape_cast %broadcast_in_dim3A_554 : vector<16x1xi32> to vector<16xi32>
    %gather3A_556 = tpu.dynamic_gather %add3A_550[%gather3A_555] in [0] : vector<16xf32>, vector<16xi32> -> vector<16xf32>
    %add3A_557 = arith.addf %add3A_550, %gather3A_556 : vector<16xf32>
    %xor3A_558 = arith.constant 4 : i32
    %xor3A_559 = vector.broadcast %xor3A_558 : i32 to vector<16xi32>
    %xor3A_560 = arith.xori %iota3A, %xor3A_559 : vector<16xi32>
    %broadcast_in_dim3A_561 = vector.shape_cast %xor3A_560 : vector<16xi32> to vector<16x1xi32>
    %gather3A_562 = vector.shape_cast %broadcast_in_dim3A_561 : vector<16x1xi32> to vector<16xi32>
    %gather3A_563 = tpu.dynamic_gather %add3A_557[%gather3A_562] in [0] : vector<16xf32>, vector<16xi32> -> vector<16xf32>
    %add3A_564 = arith.addf %add3A_557, %gather3A_563 : vector<16xf32>
    %xor3A_565 = arith.constant 8 : i32
    %xor3A_566 = vector.broadcast %xor3A_565 : i32 to vector<16xi32>
    %xor3A_567 = arith.xori %iota3A, %xor3A_566 : vector<16xi32>
    %broadcast_in_dim3A_568 = vector.shape_cast %xor3A_567 : vector<16xi32> to vector<16x1xi32>
    %gather3A_569 = vector.shape_cast %broadcast_in_dim3A_568 : vector<16x1xi32> to vector<16xi32>
    %gather3A_570 = tpu.dynamic_gather %add3A_564[%gather3A_569] in [0] : vector<16xf32>, vector<16xi32> -> vector<16xf32>
    %add3A_571 = arith.addf %add3A_564, %gather3A_570 : vector<16xf32>
    %parallel_loop3A_572 = arith.constant 0 : i32
    %parallel_loop3A_573 = arith.constant 64 : i32
    %parallel_loop3A_574 = arith.constant 1 : i32
    scf.for %parallel_loop3A_1131 = %parallel_loop3A_572 to %parallel_loop3A_573 step %parallel_loop3A_574  : i32 {
      %parallel_loop3A_1132 = arith.constant 16 : i32
      %parallel_loop3A_1133 = arith.muli %parallel_loop3A_1131, %parallel_loop3A_1132 : i32
      %parallel_loop3A_1134 = arith.index_cast %parallel_loop3A_1133 : i32 to index
      %parallel_loop3A_1135 = tpu.vector_load %arg6[%parallel_loop3A_1134] {strides = array<i32>} : memref<32768xf32, #tpu.memory_space<vmem>>, vector<16xf32>,
      tpu.vector_store %arg6[%parallel_loop3A_1134], %broadcast_in_dim3A_39 {strides = array<i32>} : memref<32768xf32, #tpu.memory_space<vmem>>, vector<16xf32>,
    } {sc.loop_unroll_factor = 8 : i64, sc.parallel_access}
    %parallel_loop3A_575 = arith.constant 0 : i32
    %parallel_loop3A_576 = arith.constant 4096 : i32
    %parallel_loop3A_577 = arith.constant 1 : i32
    %parallel_loop3A_578 = scf.for %parallel_loop3A_1131 = %parallel_loop3A_575 to %parallel_loop3A_576 step %parallel_loop3A_577 iter_args(%parallel_loop3A_1132 = %broadcast_in_dim3A_39) -> (vector<16xf32>)  : i32 {
      %parallel_loop3A_1133 = arith.constant 16 : i32
      %parallel_loop3A_1134 = arith.muli %parallel_loop3A_1131, %parallel_loop3A_1133 : i32
      %parallel_loop3A_1135 = arith.index_cast %parallel_loop3A_1134 : i32 to index
      %parallel_loop3A_1136 = tpu.vector_load %arg5[%parallel_loop3A_1135] {strides = array<i32>} : memref<65536xi32, #tpu.memory_space<vmem>>, vector<16xi32>,
      %parallel_loop3A_1137 = arith.constant 21 : i32
      %parallel_loop3A_1138 = vector.broadcast %parallel_loop3A_1137 : i32 to vector<16xi32>
      %parallel_loop3A_1139 = arith.shrsi %parallel_loop3A_1136, %parallel_loop3A_1138 : vector<16xi32>
      %parallel_loop3A_1140 = arith.constant 7 : i32
      %parallel_loop3A_1141 = vector.broadcast %parallel_loop3A_1140 : i32 to vector<16xi32>
      %parallel_loop3A_1142 = arith.andi %parallel_loop3A_1136, %parallel_loop3A_1141 : vector<16xi32>
      %parallel_loop3A_1143 = arith.sitofp %parallel_loop3A_1142 : vector<16xi32> to vector<16xf32>
      %parallel_loop3A_1144 = arith.cmpi eq, %parallel_loop3A_1139, %convert_element_type3A : vector<16xi32>
      %parallel_loop3A_1145 = arith.constant 16 : i32
      %parallel_loop3A_1146 = vector.broadcast %parallel_loop3A_1145 : i32 to vector<16xi32>
      %parallel_loop3A_1147 = arith.shrsi %parallel_loop3A_1136, %parallel_loop3A_1146 : vector<16xi32>
      %parallel_loop3A_1148 = arith.constant 31 : i32
      %parallel_loop3A_1149 = vector.broadcast %parallel_loop3A_1148 : i32 to vector<16xi32>
      %parallel_loop3A_1150 = arith.andi %parallel_loop3A_1147, %parallel_loop3A_1149 : vector<16xi32>
      %parallel_loop3A_1151 = arith.constant 32 : i32
      %parallel_loop3A_1152 = vector.broadcast %parallel_loop3A_1151 : i32 to vector<16xi32>
      %parallel_loop3A_1153 = arith.muli %iota3A, %parallel_loop3A_1152 : vector<16xi32>
      %parallel_loop3A_1154 = arith.addi %parallel_loop3A_1153, %parallel_loop3A_1150 : vector<16xi32>
      %parallel_loop3A_1155 = arith.constant -65536 : i32
      %parallel_loop3A_1156 = vector.broadcast %parallel_loop3A_1155 : i32 to vector<16xi32>
      %parallel_loop3A_1157 = arith.andi %parallel_loop3A_1136, %parallel_loop3A_1156 : vector<16xi32>
      %parallel_loop3A_1158 = tpu.bitcast %parallel_loop3A_1157 : vector<16xi32> -> vector<16xf32>
      %parallel_loop3A_1159 = arith.mulf %parallel_loop3A_1143, %parallel_loop3A_1158 : vector<16xf32>
      tpu.vector_store_idx %arg6[%parallel_loop3A_1154], %parallel_loop3A_1143 masked %parallel_loop3A_1144 {add = true} : memref<32768xf32, #tpu.memory_space<vmem>>[vector<16xi32>], vector<16xf32>, vector<16xi1>
      %parallel_loop3A_1160 = arith.constant 512 : i32
      %parallel_loop3A_1161 = vector.broadcast %parallel_loop3A_1160 : i32 to vector<16xi32>
      %parallel_loop3A_1162 = arith.addi %parallel_loop3A_1154, %parallel_loop3A_1161 : vector<16xi32>
      tpu.vector_store_idx %arg6[%parallel_loop3A_1162], %parallel_loop3A_1159 masked %parallel_loop3A_1144 {add = true} : memref<32768xf32, #tpu.memory_space<vmem>>[vector<16xi32>], vector<16xf32>, vector<16xi1>
      %parallel_loop3A_1163 = arith.cmpi sgt, %parallel_loop3A_1139, %convert_element_type3A : vector<16xi32>
      %parallel_loop3A_1164 = arith.select %parallel_loop3A_1163, %parallel_loop3A_1159, %broadcast_in_dim3A_39 : vector<16xi1>, vector<16xf32>
      %parallel_loop3A_1165 = arith.addf %parallel_loop3A_1132, %parallel_loop3A_1164 : vector<16xf32>
      scf.yield %parallel_loop3A_1165 : vector<16xf32>
    } {sc.loop_unroll_factor = 4 : i64, sc.parallel_access}
    %parallel_loop3A_579 = arith.constant 0 : i32
    %parallel_loop3A_580 = arith.constant 2 : i32
    %parallel_loop3A_581 = arith.constant 1 : i32
    scf.for %parallel_loop3A_1131 = %parallel_loop3A_579 to %parallel_loop3A_580 step %parallel_loop3A_581  : i32 {
      %parallel_loop3A_1132 = arith.constant 16 : i32
      %parallel_loop3A_1133 = arith.muli %parallel_loop3A_1131, %parallel_loop3A_1132 : i32
      %parallel_loop3A_1134 = arith.constant 0 : i32
      %parallel_loop3A_1135 = arith.addi %parallel_loop3A_1134, %parallel_loop3A_1133 : i32
      %parallel_loop3A_1136 = arith.index_cast %parallel_loop3A_1135 : i32 to index
      %parallel_loop3A_1137 = tpu.vector_load %arg6[%parallel_loop3A_1136] {strides = array<i32>} : memref<32768xf32, #tpu.memory_space<vmem>>, vector<16xf32>,
      %parallel_loop3A_1138 = arith.addf %broadcast_in_dim3A_39, %parallel_loop3A_1137 : vector<16xf32>
      %parallel_loop3A_1139 = arith.constant 16 : i32
      %parallel_loop3A_1140 = arith.muli %parallel_loop3A_1131, %parallel_loop3A_1139 : i32
      %parallel_loop3A_1141 = arith.constant 32 : i32
      %parallel_loop3A_1142 = arith.addi %parallel_loop3A_1141, %parallel_loop3A_1140 : i32
      %parallel_loop3A_1143 = arith.index_cast %parallel_loop3A_1142 : i32 to index
      %parallel_loop3A_1144 = tpu.vector_load %arg6[%parallel_loop3A_1143] {strides = array<i32>} : memref<32768xf32, #tpu.memory_space<vmem>>, vector<16xf32>,
      %parallel_loop3A_1145 = arith.addf %parallel_loop3A_1138, %parallel_loop3A_1144 : vector<16xf32>
      %parallel_loop3A_1146 = arith.constant 16 : i32
      %parallel_loop3A_1147 = arith.muli %parallel_loop3A_1131, %parallel_loop3A_1146 : i32
      %parallel_loop3A_1148 = arith.constant 64 : i32
      %parallel_loop3A_1149 = arith.addi %parallel_loop3A_1148, %parallel_loop3A_1147 : i32
      %parallel_loop3A_1150 = arith.index_cast %parallel_loop3A_1149 : i32 to index
      %parallel_loop3A_1151 = tpu.vector_load %arg6[%parallel_loop3A_1150] {strides = array<i32>} : memref<32768xf32, #tpu.memory_space<vmem>>, vector<16xf32>,
      %parallel_loop3A_1152 = arith.addf %parallel_loop3A_1145, %parallel_loop3A_1151 : vector<16xf32>
      %parallel_loop3A_1153 = arith.constant 16 : i32
      %parallel_loop3A_1154 = arith.muli %parallel_loop3A_1131, %parallel_loop3A_1153 : i32
      %parallel_loop3A_1155 = arith.constant 96 : i32
      %parallel_loop3A_1156 = arith.addi %parallel_loop3A_1155, %parallel_loop3A_1154 : i32
      %parallel_loop3A_1157 = arith.index_cast %parallel_loop3A_1156 : i32 to index
      %parallel_loop3A_1158 = tpu.vector_load %arg6[%parallel_loop3A_1157] {strides = array<i32>} : memref<32768xf32, #tpu.memory_space<vmem>>, vector<16xf32>,
      %parallel_loop3A_1159 = arith.addf %parallel_loop3A_1152, %parallel_loop3A_1158 : vector<16xf32>
      %parallel_loop3A_1160 = arith.constant 16 : i32
      %parallel_loop3A_1161 = arith.muli %parallel_loop3A_1131, %parallel_loop3A_1160 : i32
      %parallel_loop3A_1162 = arith.constant 128 : i32
      %parallel_loop3A_1163 = arith.addi %parallel_loop3A_1162, %parallel_loop3A_1161 : i32
      %parallel_loop3A_1164 = arith.index_cast %parallel_loop3A_1163 : i32 to index
      %parallel_loop3A_1165 = tpu.vector_load %arg6[%parallel_loop3A_1164] {strides = array<i32>} : memref<32768xf32, #tpu.memory_space<vmem>>, vector<16xf32>,
      %parallel_loop3A_1166 = arith.addf %parallel_loop3A_1159, %parallel_loop3A_1165 : vector<16xf32>
      %parallel_loop3A_1167 = arith.constant 16 : i32
      %parallel_loop3A_1168 = arith.muli %parallel_loop3A_1131, %parallel_loop3A_1167 : i32
      %parallel_loop3A_1169 = arith.constant 160 : i32
      %parallel_loop3A_1170 = arith.addi %parallel_loop3A_1169, %parallel_loop3A_1168 : i32
      %parallel_loop3A_1171 = arith.index_cast %parallel_loop3A_1170 : i32 to index
      %parallel_loop3A_1172 = tpu.vector_load %arg6[%parallel_loop3A_1171] {strides = array<i32>} : memref<32768xf32, #tpu.memory_space<vmem>>, vector<16xf32>,
      %parallel_loop3A_1173 = arith.addf %parallel_loop3A_1166, %parallel_loop3A_1172 : vector<16xf32>
      %parallel_loop3A_1174 = arith.constant 16 : i32
      %parallel_loop3A_1175 = arith.muli %parallel_loop3A_1131, %parallel_loop3A_1174 : i32
      %parallel_loop3A_1176 = arith.constant 192 : i32
      %parallel_loop3A_1177 = arith.addi %parallel_loop3A_1176, %parallel_loop3A_1175 : i32
      %parallel_loop3A_1178 = arith.index_cast %parallel_loop3A_1177 : i32 to index
      %parallel_loop3A_1179 = tpu.vector_load %arg6[%parallel_loop3A_1178] {strides = array<i32>} : memref<32768xf32, #tpu.memory_space<vmem>>, vector<16xf32>,
      %parallel_loop3A_1180 = arith.addf %parallel_loop3A_1173, %parallel_loop3A_1179 : vector<16xf32>
      %parallel_loop3A_1181 = arith.constant 16 : i32
      %parallel_loop3A_1182 = arith.muli %parallel_loop3A_1131, %parallel_loop3A_1181 : i32
      %parallel_loop3A_1183 = arith.constant 224 : i32
      %parallel_loop3A_1184 = arith.addi %parallel_loop3A_1183, %parallel_loop3A_1182 : i32
      %parallel_loop3A_1185 = arith.index_cast %parallel_loop3A_1184 : i32 to index
      %parallel_loop3A_1186 = tpu.vector_load %arg6[%parallel_loop3A_1185] {strides = array<i32>} : memref<32768xf32, #tpu.memory_space<vmem>>, vector<16xf32>,
      %parallel_loop3A_1187 = arith.addf %parallel_loop3A_1180, %parallel_loop3A_1186 : vector<16xf32>
      %parallel_loop3A_1188 = arith.constant 16 : i32
      %parallel_loop3A_1189 = arith.muli %parallel_loop3A_1131, %parallel_loop3A_1188 : i32
      %parallel_loop3A_1190 = arith.constant 256 : i32
      %parallel_loop3A_1191 = arith.addi %parallel_loop3A_1190, %parallel_loop3A_1189 : i32
      %parallel_loop3A_1192 = arith.index_cast %parallel_loop3A_1191 : i32 to index
      %parallel_loop3A_1193 = tpu.vector_load %arg6[%parallel_loop3A_1192] {strides = array<i32>} : memref<32768xf32, #tpu.memory_space<vmem>>, vector<16xf32>,
      %parallel_loop3A_1194 = arith.addf %parallel_loop3A_1187, %parallel_loop3A_1193 : vector<16xf32>
      %parallel_loop3A_1195 = arith.constant 16 : i32
      %parallel_loop3A_1196 = arith.muli %parallel_loop3A_1131, %parallel_loop3A_1195 : i32
      %parallel_loop3A_1197 = arith.constant 288 : i32
      %parallel_loop3A_1198 = arith.addi %parallel_loop3A_1197, %parallel_loop3A_1196 : i32
      %parallel_loop3A_1199 = arith.index_cast %parallel_loop3A_1198 : i32 to index
      %parallel_loop3A_1200 = tpu.vector_load %arg6[%parallel_loop3A_1199] {strides = array<i32>} : memref<32768xf32, #tpu.memory_space<vmem>>, vector<16xf32>,
      %parallel_loop3A_1201 = arith.addf %parallel_loop3A_1194, %parallel_loop3A_1200 : vector<16xf32>
      %parallel_loop3A_1202 = arith.constant 16 : i32
      %parallel_loop3A_1203 = arith.muli %parallel_loop3A_1131, %parallel_loop3A_1202 : i32
      %parallel_loop3A_1204 = arith.constant 320 : i32
      %parallel_loop3A_1205 = arith.addi %parallel_loop3A_1204, %parallel_loop3A_1203 : i32
      %parallel_loop3A_1206 = arith.index_cast %parallel_loop3A_1205 : i32 to index
      %parallel_loop3A_1207 = tpu.vector_load %arg6[%parallel_loop3A_1206] {strides = array<i32>} : memref<32768xf32, #tpu.memory_space<vmem>>, vector<16xf32>,
      %parallel_loop3A_1208 = arith.addf %parallel_loop3A_1201, %parallel_loop3A_1207 : vector<16xf32>
      %parallel_loop3A_1209 = arith.constant 16 : i32
      %parallel_loop3A_1210 = arith.muli %parallel_loop3A_1131, %parallel_loop3A_1209 : i32
      %parallel_loop3A_1211 = arith.constant 352 : i32
      %parallel_loop3A_1212 = arith.addi %parallel_loop3A_1211, %parallel_loop3A_1210 : i32
      %parallel_loop3A_1213 = arith.index_cast %parallel_loop3A_1212 : i32 to index
      %parallel_loop3A_1214 = tpu.vector_load %arg6[%parallel_loop3A_1213] {strides = array<i32>} : memref<32768xf32, #tpu.memory_space<vmem>>, vector<16xf32>,
      %parallel_loop3A_1215 = arith.addf %parallel_loop3A_1208, %parallel_loop3A_1214 : vector<16xf32>
      %parallel_loop3A_1216 = arith.constant 16 : i32
      %parallel_loop3A_1217 = arith.muli %parallel_loop3A_1131, %parallel_loop3A_1216 : i32
      %parallel_loop3A_1218 = arith.constant 384 : i32
      %parallel_loop3A_1219 = arith.addi %parallel_loop3A_1218, %parallel_loop3A_1217 : i32
      %parallel_loop3A_1220 = arith.index_cast %parallel_loop3A_1219 : i32 to index
      %parallel_loop3A_1221 = tpu.vector_load %arg6[%parallel_loop3A_1220] {strides = array<i32>} : memref<32768xf32, #tpu.memory_space<vmem>>, vector<16xf32>,
      %parallel_loop3A_1222 = arith.addf %parallel_loop3A_1215, %parallel_loop3A_1221 : vector<16xf32>
      %parallel_loop3A_1223 = arith.constant 16 : i32
      %parallel_loop3A_1224 = arith.muli %parallel_loop3A_1131, %parallel_loop3A_1223 : i32
      %parallel_loop3A_1225 = arith.constant 416 : i32
      %parallel_loop3A_1226 = arith.addi %parallel_loop3A_1225, %parallel_loop3A_1224 : i32
      %parallel_loop3A_1227 = arith.index_cast %parallel_loop3A_1226 : i32 to index
      %parallel_loop3A_1228 = tpu.vector_load %arg6[%parallel_loop3A_1227] {strides = array<i32>} : memref<32768xf32, #tpu.memory_space<vmem>>, vector<16xf32>,
      %parallel_loop3A_1229 = arith.addf %parallel_loop3A_1222, %parallel_loop3A_1228 : vector<16xf32>
      %parallel_loop3A_1230 = arith.constant 16 : i32
      %parallel_loop3A_1231 = arith.muli %parallel_loop3A_1131, %parallel_loop3A_1230 : i32
      %parallel_loop3A_1232 = arith.constant 448 : i32
      %parallel_loop3A_1233 = arith.addi %parallel_loop3A_1232, %parallel_loop3A_1231 : i32
      %parallel_loop3A_1234 = arith.index_cast %parallel_loop3A_1233 : i32 to index
      %parallel_loop3A_1235 = tpu.vector_load %arg6[%parallel_loop3A_1234] {strides = array<i32>} : memref<32768xf32, #tpu.memory_space<vmem>>, vector<16xf32>,
      %parallel_loop3A_1236 = arith.addf %parallel_loop3A_1229, %parallel_loop3A_1235 : vector<16xf32>
      %parallel_loop3A_1237 = arith.constant 16 : i32
      %parallel_loop3A_1238 = arith.muli %parallel_loop3A_1131, %parallel_loop3A_1237 : i32
      %parallel_loop3A_1239 = arith.constant 480 : i32
      %parallel_loop3A_1240 = arith.addi %parallel_loop3A_1239, %parallel_loop3A_1238 : i32
      %parallel_loop3A_1241 = arith.index_cast %parallel_loop3A_1240 : i32 to index
      %parallel_loop3A_1242 = tpu.vector_load %arg6[%parallel_loop3A_1241] {strides = array<i32>} : memref<32768xf32, #tpu.memory_space<vmem>>, vector<16xf32>,
      %parallel_loop3A_1243 = arith.addf %parallel_loop3A_1236, %parallel_loop3A_1242 : vector<16xf32>
      %parallel_loop3A_1244 = arith.constant 16 : i32
      %parallel_loop3A_1245 = arith.muli %parallel_loop3A_1131, %parallel_loop3A_1244 : i32
      %parallel_loop3A_1246 = arith.index_cast %parallel_loop3A_1245 : i32 to index
      %parallel_loop3A_1247 = tpu.vector_load %arg7[%parallel_loop3A_1246] {strides = array<i32>} : memref<2048xf32, #tpu.memory_space<vmem>>, vector<16xf32>,
      tpu.vector_store %arg7[%parallel_loop3A_1246], %parallel_loop3A_1243 {strides = array<i32>} : memref<2048xf32, #tpu.memory_space<vmem>>, vector<16xf32>,
      %parallel_loop3A_1248 = arith.constant 16 : i32
      %parallel_loop3A_1249 = arith.muli %parallel_loop3A_1131, %parallel_loop3A_1248 : i32
      %parallel_loop3A_1250 = arith.constant 512 : i32
      %parallel_loop3A_1251 = arith.addi %parallel_loop3A_1250, %parallel_loop3A_1249 : i32
      %parallel_loop3A_1252 = arith.index_cast %parallel_loop3A_1251 : i32 to index
      %parallel_loop3A_1253 = tpu.vector_load %arg6[%parallel_loop3A_1252] {strides = array<i32>} : memref<32768xf32, #tpu.memory_space<vmem>>, vector<16xf32>,
      %parallel_loop3A_1254 = arith.addf %broadcast_in_dim3A_39, %parallel_loop3A_1253 : vector<16xf32>
      %parallel_loop3A_1255 = arith.constant 16 : i32
      %parallel_loop3A_1256 = arith.muli %parallel_loop3A_1131, %parallel_loop3A_1255 : i32
      %parallel_loop3A_1257 = arith.constant 544 : i32
      %parallel_loop3A_1258 = arith.addi %parallel_loop3A_1257, %parallel_loop3A_1256 : i32
      %parallel_loop3A_1259 = arith.index_cast %parallel_loop3A_1258 : i32 to index
      %parallel_loop3A_1260 = tpu.vector_load %arg6[%parallel_loop3A_1259] {strides = array<i32>} : memref<32768xf32, #tpu.memory_space<vmem>>, vector<16xf32>,
      %parallel_loop3A_1261 = arith.addf %parallel_loop3A_1254, %parallel_loop3A_1260 : vector<16xf32>
      %parallel_loop3A_1262 = arith.constant 16 : i32
      %parallel_loop3A_1263 = arith.muli %parallel_loop3A_1131, %parallel_loop3A_1262 : i32
      %parallel_loop3A_1264 = arith.constant 576 : i32
      %parallel_loop3A_1265 = arith.addi %parallel_loop3A_1264, %parallel_loop3A_1263 : i32
      %parallel_loop3A_1266 = arith.index_cast %parallel_loop3A_1265 : i32 to index
      %parallel_loop3A_1267 = tpu.vector_load %arg6[%parallel_loop3A_1266] {strides = array<i32>} : memref<32768xf32, #tpu.memory_space<vmem>>, vector<16xf32>,
      %parallel_loop3A_1268 = arith.addf %parallel_loop3A_1261, %parallel_loop3A_1267 : vector<16xf32>
      %parallel_loop3A_1269 = arith.constant 16 : i32
      %parallel_loop3A_1270 = arith.muli %parallel_loop3A_1131, %parallel_loop3A_1269 : i32
      %parallel_loop3A_1271 = arith.constant 608 : i32
      %parallel_loop3A_1272 = arith.addi %parallel_loop3A_1271, %parallel_loop3A_1270 : i32
      %parallel_loop3A_1273 = arith.index_cast %parallel_loop3A_1272 : i32 to index
      %parallel_loop3A_1274 = tpu.vector_load %arg6[%parallel_loop3A_1273] {strides = array<i32>} : memref<32768xf32, #tpu.memory_space<vmem>>, vector<16xf32>,
      %parallel_loop3A_1275 = arith.addf %parallel_loop3A_1268, %parallel_loop3A_1274 : vector<16xf32>
      %parallel_loop3A_1276 = arith.constant 16 : i32
      %parallel_loop3A_1277 = arith.muli %parallel_loop3A_1131, %parallel_loop3A_1276 : i32
      %parallel_loop3A_1278 = arith.constant 640 : i32
      %parallel_loop3A_1279 = arith.addi %parallel_loop3A_1278, %parallel_loop3A_1277 : i32
      %parallel_loop3A_1280 = arith.index_cast %parallel_loop3A_1279 : i32 to index
      %parallel_loop3A_1281 = tpu.vector_load %arg6[%parallel_loop3A_1280] {strides = array<i32>} : memref<32768xf32, #tpu.memory_space<vmem>>, vector<16xf32>,
      %parallel_loop3A_1282 = arith.addf %parallel_loop3A_1275, %parallel_loop3A_1281 : vector<16xf32>
      %parallel_loop3A_1283 = arith.constant 16 : i32
      %parallel_loop3A_1284 = arith.muli %parallel_loop3A_1131, %parallel_loop3A_1283 : i32
      %parallel_loop3A_1285 = arith.constant 672 : i32
      %parallel_loop3A_1286 = arith.addi %parallel_loop3A_1285, %parallel_loop3A_1284 : i32
      %parallel_loop3A_1287 = arith.index_cast %parallel_loop3A_1286 : i32 to index
      %parallel_loop3A_1288 = tpu.vector_load %arg6[%parallel_loop3A_1287] {strides = array<i32>} : memref<32768xf32, #tpu.memory_space<vmem>>, vector<16xf32>,
      %parallel_loop3A_1289 = arith.addf %parallel_loop3A_1282, %parallel_loop3A_1288 : vector<16xf32>
      %parallel_loop3A_1290 = arith.constant 16 : i32
      %parallel_loop3A_1291 = arith.muli %parallel_loop3A_1131, %parallel_loop3A_1290 : i32
      %parallel_loop3A_1292 = arith.constant 704 : i32
      %parallel_loop3A_1293 = arith.addi %parallel_loop3A_1292, %parallel_loop3A_1291 : i32
      %parallel_loop3A_1294 = arith.index_cast %parallel_loop3A_1293 : i32 to index
      %parallel_loop3A_1295 = tpu.vector_load %arg6[%parallel_loop3A_1294] {strides = array<i32>} : memref<32768xf32, #tpu.memory_space<vmem>>, vector<16xf32>,
      %parallel_loop3A_1296 = arith.addf %parallel_loop3A_1289, %parallel_loop3A_1295 : vector<16xf32>
      %parallel_loop3A_1297 = arith.constant 16 : i32
      %parallel_loop3A_1298 = arith.muli %parallel_loop3A_1131, %parallel_loop3A_1297 : i32
      %parallel_loop3A_1299 = arith.constant 736 : i32
      %parallel_loop3A_1300 = arith.addi %parallel_loop3A_1299, %parallel_loop3A_1298 : i32
      %parallel_loop3A_1301 = arith.index_cast %parallel_loop3A_1300 : i32 to index
      %parallel_loop3A_1302 = tpu.vector_load %arg6[%parallel_loop3A_1301] {strides = array<i32>} : memref<32768xf32, #tpu.memory_space<vmem>>, vector<16xf32>,
      %parallel_loop3A_1303 = arith.addf %parallel_loop3A_1296, %parallel_loop3A_1302 : vector<16xf32>
      %parallel_loop3A_1304 = arith.constant 16 : i32
      %parallel_loop3A_1305 = arith.muli %parallel_loop3A_1131, %parallel_loop3A_1304 : i32
      %parallel_loop3A_1306 = arith.constant 768 : i32
      %parallel_loop3A_1307 = arith.addi %parallel_loop3A_1306, %parallel_loop3A_1305 : i32
      %parallel_loop3A_1308 = arith.index_cast %parallel_loop3A_1307 : i32 to index
      %parallel_loop3A_1309 = tpu.vector_load %arg6[%parallel_loop3A_1308] {strides = array<i32>} : memref<32768xf32, #tpu.memory_space<vmem>>, vector<16xf32>,
      %parallel_loop3A_1310 = arith.addf %parallel_loop3A_1303, %parallel_loop3A_1309 : vector<16xf32>
      %parallel_loop3A_1311 = arith.constant 16 : i32
      %parallel_loop3A_1312 = arith.muli %parallel_loop3A_1131, %parallel_loop3A_1311 : i32
      %parallel_loop3A_1313 = arith.constant 800 : i32
      %parallel_loop3A_1314 = arith.addi %parallel_loop3A_1313, %parallel_loop3A_1312 : i32
      %parallel_loop3A_1315 = arith.index_cast %parallel_loop3A_1314 : i32 to index
      %parallel_loop3A_1316 = tpu.vector_load %arg6[%parallel_loop3A_1315] {strides = array<i32>} : memref<32768xf32, #tpu.memory_space<vmem>>, vector<16xf32>,
      %parallel_loop3A_1317 = arith.addf %parallel_loop3A_1310, %parallel_loop3A_1316 : vector<16xf32>
      %parallel_loop3A_1318 = arith.constant 16 : i32
      %parallel_loop3A_1319 = arith.muli %parallel_loop3A_1131, %parallel_loop3A_1318 : i32
      %parallel_loop3A_1320 = arith.constant 832 : i32
      %parallel_loop3A_1321 = arith.addi %parallel_loop3A_1320, %parallel_loop3A_1319 : i32
      %parallel_loop3A_1322 = arith.index_cast %parallel_loop3A_1321 : i32 to index
      %parallel_loop3A_1323 = tpu.vector_load %arg6[%parallel_loop3A_1322] {strides = array<i32>} : memref<32768xf32, #tpu.memory_space<vmem>>, vector<16xf32>,
      %parallel_loop3A_1324 = arith.addf %parallel_loop3A_1317, %parallel_loop3A_1323 : vector<16xf32>
      %parallel_loop3A_1325 = arith.constant 16 : i32
      %parallel_loop3A_1326 = arith.muli %parallel_loop3A_1131, %parallel_loop3A_1325 : i32
      %parallel_loop3A_1327 = arith.constant 864 : i32
      %parallel_loop3A_1328 = arith.addi %parallel_loop3A_1327, %parallel_loop3A_1326 : i32
      %parallel_loop3A_1329 = arith.index_cast %parallel_loop3A_1328 : i32 to index
      %parallel_loop3A_1330 = tpu.vector_load %arg6[%parallel_loop3A_1329] {strides = array<i32>} : memref<32768xf32, #tpu.memory_space<vmem>>, vector<16xf32>,
      %parallel_loop3A_1331 = arith.addf %parallel_loop3A_1324, %parallel_loop3A_1330 : vector<16xf32>
      %parallel_loop3A_1332 = arith.constant 16 : i32
      %parallel_loop3A_1333 = arith.muli %parallel_loop3A_1131, %parallel_loop3A_1332 : i32
      %parallel_loop3A_1334 = arith.constant 896 : i32
      %parallel_loop3A_1335 = arith.addi %parallel_loop3A_1334, %parallel_loop3A_1333 : i32
      %parallel_loop3A_1336 = arith.index_cast %parallel_loop3A_1335 : i32 to index
      %parallel_loop3A_1337 = tpu.vector_load %arg6[%parallel_loop3A_1336] {strides = array<i32>} : memref<32768xf32, #tpu.memory_space<vmem>>, vector<16xf32>,
      %parallel_loop3A_1338 = arith.addf %parallel_loop3A_1331, %parallel_loop3A_1337 : vector<16xf32>
      %parallel_loop3A_1339 = arith.constant 16 : i32
      %parallel_loop3A_1340 = arith.muli %parallel_loop3A_1131, %parallel_loop3A_1339 : i32
      %parallel_loop3A_1341 = arith.constant 928 : i32
      %parallel_loop3A_1342 = arith.addi %parallel_loop3A_1341, %parallel_loop3A_1340 : i32
      %parallel_loop3A_1343 = arith.index_cast %parallel_loop3A_1342 : i32 to index
      %parallel_loop3A_1344 = tpu.vector_load %arg6[%parallel_loop3A_1343] {strides = array<i32>} : memref<32768xf32, #tpu.memory_space<vmem>>, vector<16xf32>,
      %parallel_loop3A_1345 = arith.addf %parallel_loop3A_1338, %parallel_loop3A_1344 : vector<16xf32>
      %parallel_loop3A_1346 = arith.constant 16 : i32
      %parallel_loop3A_1347 = arith.muli %parallel_loop3A_1131, %parallel_loop3A_1346 : i32
      %parallel_loop3A_1348 = arith.constant 960 : i32
      %parallel_loop3A_1349 = arith.addi %parallel_loop3A_1348, %parallel_loop3A_1347 : i32
      %parallel_loop3A_1350 = arith.index_cast %parallel_loop3A_1349 : i32 to index
      %parallel_loop3A_1351 = tpu.vector_load %arg6[%parallel_loop3A_1350] {strides = array<i32>} : memref<32768xf32, #tpu.memory_space<vmem>>, vector<16xf32>,
      %parallel_loop3A_1352 = arith.addf %parallel_loop3A_1345, %parallel_loop3A_1351 : vector<16xf32>
      %parallel_loop3A_1353 = arith.constant 16 : i32
      %parallel_loop3A_1354 = arith.muli %parallel_loop3A_1131, %parallel_loop3A_1353 : i32
      %parallel_loop3A_1355 = arith.constant 992 : i32
      %parallel_loop3A_1356 = arith.addi %parallel_loop3A_1355, %parallel_loop3A_1354 : i32
      %parallel_loop3A_1357 = arith.index_cast %parallel_loop3A_1356 : i32 to index
      %parallel_loop3A_1358 = tpu.vector_load %arg6[%parallel_loop3A_1357] {strides = array<i32>} : memref<32768xf32, #tpu.memory_space<vmem>>, vector<16xf32>,
      %parallel_loop3A_1359 = arith.addf %parallel_loop3A_1352, %parallel_loop3A_1358 : vector<16xf32>
      %parallel_loop3A_1360 = arith.constant 16 : i32
      %parallel_loop3A_1361 = arith.muli %parallel_loop3A_1131, %parallel_loop3A_1360 : i32
      %parallel_loop3A_1362 = arith.constant 32 : i32
      %parallel_loop3A_1363 = arith.addi %parallel_loop3A_1362, %parallel_loop3A_1361 : i32
      %parallel_loop3A_1364 = arith.index_cast %parallel_loop3A_1363 : i32 to index
      %parallel_loop3A_1365 = tpu.vector_load %arg7[%parallel_loop3A_1364] {strides = array<i32>} : memref<2048xf32, #tpu.memory_space<vmem>>, vector<16xf32>,
      tpu.vector_store %arg7[%parallel_loop3A_1364], %parallel_loop3A_1359 {strides = array<i32>} : memref<2048xf32, #tpu.memory_space<vmem>>, vector<16xf32>,
    } {sc.loop_unroll_factor = 2 : i64, sc.parallel_access}
    %swap3A = arith.constant 64 : index
    %swap3A_582 = tpu.vector_load %arg7[%swap3A] {strides = array<i32>} : memref<2048xf32, #tpu.memory_space<vmem>>, vector<16xf32>,
    tpu.vector_store %arg7[%swap3A], %parallel_loop3A_578 {strides = array<i32>} : memref<2048xf32, #tpu.memory_space<vmem>>, vector<16xf32>,
    "tpu.region"() ({
      %run_scoped3A = tpu.sem_alloc : memref<!tpu.dma_semaphore, #tpu.memory_space<semaphore_mem>>
      %dma_start3A_1131 = arith.constant 0 : i32
      %dma_start3A_1132 = tpu.memref_slice %arg7[%dma_start3A_1131] : memref<2048xf32, #tpu.memory_space<vmem>> -> memref<128xf32, #tpu.memory_space<vmem>>
      %dma_start3A_1133 = arith.constant 0 : i32
      %dma_start3A_1134 = tpu.memref_slice %arg11[%arg1, %dma_start3A_1133] : memref<16x2048xf32, #tpu.memory_space<vmem_shared>> -> memref<1x128xf32, #tpu.memory_space<vmem_shared>>
      %dma_start3A_1135 = tpu.memref_squeeze %dma_start3A_1134 : memref<1x128xf32, #tpu.memory_space<vmem_shared>> -> memref<128xf32, #tpu.memory_space<vmem_shared>>
      %dma_start3A_1136 = arith.constant 0 : i32
      %dma_start3A_1137 = tpu.memref_slice %arg11[%arg1, %dma_start3A_1136] : memref<16x2048xf32, #tpu.memory_space<vmem_shared>> -> memref<1x128xf32, #tpu.memory_space<vmem_shared>>
      %dma_start3A_1138 = tpu.memref_squeeze %dma_start3A_1137 : memref<1x128xf32, #tpu.memory_space<vmem_shared>> -> memref<128xf32, #tpu.memory_space<vmem_shared>>
      %dma_start3A_1139 = arith.constant 0 : i32
      %dma_start3A_1140 = tpu.memref_slice %arg7[%dma_start3A_1139] : memref<2048xf32, #tpu.memory_space<vmem>> -> memref<128xf32, #tpu.memory_space<vmem>>
      tpu.enqueue_dma source(%dma_start3A_1140 : memref<128xf32, #tpu.memory_space<vmem>>) target(%dma_start3A_1138 : memref<128xf32, #tpu.memory_space<vmem_shared>>) target_semaphore(%run_scoped3A : memref<!tpu.dma_semaphore, #tpu.memory_space<semaphore_mem>>)
      %dma_wait3A_1141 = arith.constant 0 : i32
      %dma_wait3A_1142 = tpu.memref_slice %arg7[%dma_wait3A_1141] : memref<2048xf32, #tpu.memory_space<vmem>> -> memref<128xf32, #tpu.memory_space<vmem>>
      %dma_wait3A_1143 = arith.constant 0 : i32
      %dma_wait3A_1144 = tpu.memref_slice %arg11[%arg1, %dma_wait3A_1143] : memref<16x2048xf32, #tpu.memory_space<vmem_shared>> -> memref<1x128xf32, #tpu.memory_space<vmem_shared>>
      %dma_wait3A_1145 = tpu.memref_squeeze %dma_wait3A_1144 : memref<1x128xf32, #tpu.memory_space<vmem_shared>> -> memref<128xf32, #tpu.memory_space<vmem_shared>>
      %dma_wait3A_1146 = arith.constant 0 : i32
      %dma_wait3A_1147 = tpu.memref_slice %arg11[%arg1, %dma_wait3A_1146] : memref<16x2048xf32, #tpu.memory_space<vmem_shared>> -> memref<1x128xf32, #tpu.memory_space<vmem_shared>>
      %dma_wait3A_1148 = tpu.memref_squeeze %dma_wait3A_1147 : memref<1x128xf32, #tpu.memory_space<vmem_shared>> -> memref<128xf32, #tpu.memory_space<vmem_shared>>
      %dma_wait3A_1149 = arith.constant 0 : i32
      %dma_wait3A_1150 = tpu.memref_slice %arg7[%dma_wait3A_1149] : memref<2048xf32, #tpu.memory_space<vmem>> -> memref<128xf32, #tpu.memory_space<vmem>>
      tpu.wait_dma2 semaphore(%run_scoped3A : memref<!tpu.dma_semaphore, #tpu.memory_space<semaphore_mem>>) src(%dma_wait3A_1150 : memref<128xf32, #tpu.memory_space<vmem>>) dst(%dma_wait3A_1148 : memref<128xf32, #tpu.memory_space<vmem_shared>>)
      tpu.yield
    }) : () -> ()
    %barrier3A_583 = arith.constant 0 : index
    tpu.barrier barrier_id(%barrier3A_583)
    %dma_start3A_584 = arith.constant 0 : i32
    %dma_start3A_585 = arith.constant 0 : i32
    %dma_start3A_586 = tpu.memref_slice %arg6[%dma_start3A_585] : memref<32768xf32, #tpu.memory_space<vmem>> -> memref<128xf32, #tpu.memory_space<vmem>>
    %dma_start3A_587 = arith.constant 0 : i32
    %dma_start3A_588 = tpu.memref_slice %arg11[%dma_start3A_584, %dma_start3A_587] : memref<16x2048xf32, #tpu.memory_space<vmem_shared>> -> memref<1x128xf32, #tpu.memory_space<vmem_shared>>
    %dma_start3A_589 = tpu.memref_squeeze %dma_start3A_588 : memref<1x128xf32, #tpu.memory_space<vmem_shared>> -> memref<128xf32, #tpu.memory_space<vmem_shared>>
    %dma_start3A_590 = arith.constant 0 : i32
    %dma_start3A_591 = tpu.memref_slice %arg6[%dma_start3A_590] : memref<32768xf32, #tpu.memory_space<vmem>> -> memref<128xf32, #tpu.memory_space<vmem>>
    %dma_start3A_592 = arith.constant 0 : i32
    %dma_start3A_593 = tpu.memref_slice %arg11[%dma_start3A_584, %dma_start3A_592] : memref<16x2048xf32, #tpu.memory_space<vmem_shared>> -> memref<1x128xf32, #tpu.memory_space<vmem_shared>>
    %dma_start3A_594 = tpu.memref_squeeze %dma_start3A_593 : memref<1x128xf32, #tpu.memory_space<vmem_shared>> -> memref<128xf32, #tpu.memory_space<vmem_shared>>
    tpu.enqueue_dma source(%dma_start3A_594 : memref<128xf32, #tpu.memory_space<vmem_shared>>) target(%dma_start3A_591 : memref<128xf32, #tpu.memory_space<vmem>>) target_semaphore(%arg13 : memref<!tpu.dma_semaphore, #tpu.memory_space<semaphore_mem>>)
    %dma_start3A_595 = arith.constant 1 : i32
    %dma_start3A_596 = arith.constant 128 : i32
    %dma_start3A_597 = tpu.memref_slice %arg6[%dma_start3A_596] : memref<32768xf32, #tpu.memory_space<vmem>> -> memref<128xf32, #tpu.memory_space<vmem>>
    %dma_start3A_598 = arith.constant 0 : i32
    %dma_start3A_599 = tpu.memref_slice %arg11[%dma_start3A_595, %dma_start3A_598] : memref<16x2048xf32, #tpu.memory_space<vmem_shared>> -> memref<1x128xf32, #tpu.memory_space<vmem_shared>>
    %dma_start3A_600 = tpu.memref_squeeze %dma_start3A_599 : memref<1x128xf32, #tpu.memory_space<vmem_shared>> -> memref<128xf32, #tpu.memory_space<vmem_shared>>
    %dma_start3A_601 = arith.constant 128 : i32
    %dma_start3A_602 = tpu.memref_slice %arg6[%dma_start3A_601] : memref<32768xf32, #tpu.memory_space<vmem>> -> memref<128xf32, #tpu.memory_space<vmem>>
    %dma_start3A_603 = arith.constant 0 : i32
    %dma_start3A_604 = tpu.memref_slice %arg11[%dma_start3A_595, %dma_start3A_603] : memref<16x2048xf32, #tpu.memory_space<vmem_shared>> -> memref<1x128xf32, #tpu.memory_space<vmem_shared>>
    %dma_start3A_605 = tpu.memref_squeeze %dma_start3A_604 : memref<1x128xf32, #tpu.memory_space<vmem_shared>> -> memref<128xf32, #tpu.memory_space<vmem_shared>>
    tpu.enqueue_dma source(%dma_start3A_605 : memref<128xf32, #tpu.memory_space<vmem_shared>>) target(%dma_start3A_602 : memref<128xf32, #tpu.memory_space<vmem>>) target_semaphore(%arg13 : memref<!tpu.dma_semaphore, #tpu.memory_space<semaphore_mem>>)
    %dma_start3A_606 = arith.constant 2 : i32
    %dma_start3A_607 = arith.constant 256 : i32
    %dma_start3A_608 = tpu.memref_slice %arg6[%dma_start3A_607] : memref<32768xf32, #tpu.memory_space<vmem>> -> memref<128xf32, #tpu.memory_space<vmem>>
    %dma_start3A_609 = arith.constant 0 : i32
    %dma_start3A_610 = tpu.memref_slice %arg11[%dma_start3A_606, %dma_start3A_609] : memref<16x2048xf32, #tpu.memory_space<vmem_shared>> -> memref<1x128xf32, #tpu.memory_space<vmem_shared>>
    %dma_start3A_611 = tpu.memref_squeeze %dma_start3A_610 : memref<1x128xf32, #tpu.memory_space<vmem_shared>> -> memref<128xf32, #tpu.memory_space<vmem_shared>>
    %dma_start3A_612 = arith.constant 256 : i32
    %dma_start3A_613 = tpu.memref_slice %arg6[%dma_start3A_612] : memref<32768xf32, #tpu.memory_space<vmem>> -> memref<128xf32, #tpu.memory_space<vmem>>
    %dma_start3A_614 = arith.constant 0 : i32
    %dma_start3A_615 = tpu.memref_slice %arg11[%dma_start3A_606, %dma_start3A_614] : memref<16x2048xf32, #tpu.memory_space<vmem_shared>> -> memref<1x128xf32, #tpu.memory_space<vmem_shared>>
    %dma_start3A_616 = tpu.memref_squeeze %dma_start3A_615 : memref<1x128xf32, #tpu.memory_space<vmem_shared>> -> memref<128xf32, #tpu.memory_space<vmem_shared>>
    tpu.enqueue_dma source(%dma_start3A_616 : memref<128xf32, #tpu.memory_space<vmem_shared>>) target(%dma_start3A_613 : memref<128xf32, #tpu.memory_space<vmem>>) target_semaphore(%arg13 : memref<!tpu.dma_semaphore, #tpu.memory_space<semaphore_mem>>)
    %dma_start3A_617 = arith.constant 3 : i32
    %dma_start3A_618 = arith.constant 384 : i32
    %dma_start3A_619 = tpu.memref_slice %arg6[%dma_start3A_618] : memref<32768xf32, #tpu.memory_space<vmem>> -> memref<128xf32, #tpu.memory_space<vmem>>
    %dma_start3A_620 = arith.constant 0 : i32
    %dma_start3A_621 = tpu.memref_slice %arg11[%dma_start3A_617, %dma_start3A_620] : memref<16x2048xf32, #tpu.memory_space<vmem_shared>> -> memref<1x128xf32, #tpu.memory_space<vmem_shared>>
    %dma_start3A_622 = tpu.memref_squeeze %dma_start3A_621 : memref<1x128xf32, #tpu.memory_space<vmem_shared>> -> memref<128xf32, #tpu.memory_space<vmem_shared>>
    %dma_start3A_623 = arith.constant 384 : i32
    %dma_start3A_624 = tpu.memref_slice %arg6[%dma_start3A_623] : memref<32768xf32, #tpu.memory_space<vmem>> -> memref<128xf32, #tpu.memory_space<vmem>>
    %dma_start3A_625 = arith.constant 0 : i32
    %dma_start3A_626 = tpu.memref_slice %arg11[%dma_start3A_617, %dma_start3A_625] : memref<16x2048xf32, #tpu.memory_space<vmem_shared>> -> memref<1x128xf32, #tpu.memory_space<vmem_shared>>
    %dma_start3A_627 = tpu.memref_squeeze %dma_start3A_626 : memref<1x128xf32, #tpu.memory_space<vmem_shared>> -> memref<128xf32, #tpu.memory_space<vmem_shared>>
    tpu.enqueue_dma source(%dma_start3A_627 : memref<128xf32, #tpu.memory_space<vmem_shared>>) target(%dma_start3A_624 : memref<128xf32, #tpu.memory_space<vmem>>) target_semaphore(%arg13 : memref<!tpu.dma_semaphore, #tpu.memory_space<semaphore_mem>>)
    %dma_start3A_628 = arith.constant 4 : i32
    %dma_start3A_629 = arith.constant 512 : i32
    %dma_start3A_630 = tpu.memref_slice %arg6[%dma_start3A_629] : memref<32768xf32, #tpu.memory_space<vmem>> -> memref<128xf32, #tpu.memory_space<vmem>>
    %dma_start3A_631 = arith.constant 0 : i32
    %dma_start3A_632 = tpu.memref_slice %arg11[%dma_start3A_628, %dma_start3A_631] : memref<16x2048xf32, #tpu.memory_space<vmem_shared>> -> memref<1x128xf32, #tpu.memory_space<vmem_shared>>
    %dma_start3A_633 = tpu.memref_squeeze %dma_start3A_632 : memref<1x128xf32, #tpu.memory_space<vmem_shared>> -> memref<128xf32, #tpu.memory_space<vmem_shared>>
    %dma_start3A_634 = arith.constant 512 : i32
    %dma_start3A_635 = tpu.memref_slice %arg6[%dma_start3A_634] : memref<32768xf32, #tpu.memory_space<vmem>> -> memref<128xf32, #tpu.memory_space<vmem>>
    %dma_start3A_636 = arith.constant 0 : i32
    %dma_start3A_637 = tpu.memref_slice %arg11[%dma_start3A_628, %dma_start3A_636] : memref<16x2048xf32, #tpu.memory_space<vmem_shared>> -> memref<1x128xf32, #tpu.memory_space<vmem_shared>>
    %dma_start3A_638 = tpu.memref_squeeze %dma_start3A_637 : memref<1x128xf32, #tpu.memory_space<vmem_shared>> -> memref<128xf32, #tpu.memory_space<vmem_shared>>
    tpu.enqueue_dma source(%dma_start3A_638 : memref<128xf32, #tpu.memory_space<vmem_shared>>) target(%dma_start3A_635 : memref<128xf32, #tpu.memory_space<vmem>>) target_semaphore(%arg13 : memref<!tpu.dma_semaphore, #tpu.memory_space<semaphore_mem>>)
    %dma_start3A_639 = arith.constant 5 : i32
    %dma_start3A_640 = arith.constant 640 : i32
    %dma_start3A_641 = tpu.memref_slice %arg6[%dma_start3A_640] : memref<32768xf32, #tpu.memory_space<vmem>> -> memref<128xf32, #tpu.memory_space<vmem>>
    %dma_start3A_642 = arith.constant 0 : i32
    %dma_start3A_643 = tpu.memref_slice %arg11[%dma_start3A_639, %dma_start3A_642] : memref<16x2048xf32, #tpu.memory_space<vmem_shared>> -> memref<1x128xf32, #tpu.memory_space<vmem_shared>>
    %dma_start3A_644 = tpu.memref_squeeze %dma_start3A_643 : memref<1x128xf32, #tpu.memory_space<vmem_shared>> -> memref<128xf32, #tpu.memory_space<vmem_shared>>
    %dma_start3A_645 = arith.constant 640 : i32
    %dma_start3A_646 = tpu.memref_slice %arg6[%dma_start3A_645] : memref<32768xf32, #tpu.memory_space<vmem>> -> memref<128xf32, #tpu.memory_space<vmem>>
    %dma_start3A_647 = arith.constant 0 : i32
    %dma_start3A_648 = tpu.memref_slice %arg11[%dma_start3A_639, %dma_start3A_647] : memref<16x2048xf32, #tpu.memory_space<vmem_shared>> -> memref<1x128xf32, #tpu.memory_space<vmem_shared>>
    %dma_start3A_649 = tpu.memref_squeeze %dma_start3A_648 : memref<1x128xf32, #tpu.memory_space<vmem_shared>> -> memref<128xf32, #tpu.memory_space<vmem_shared>>
    tpu.enqueue_dma source(%dma_start3A_649 : memref<128xf32, #tpu.memory_space<vmem_shared>>) target(%dma_start3A_646 : memref<128xf32, #tpu.memory_space<vmem>>) target_semaphore(%arg13 : memref<!tpu.dma_semaphore, #tpu.memory_space<semaphore_mem>>)
    %dma_start3A_650 = arith.constant 6 : i32
    %dma_start3A_651 = arith.constant 768 : i32
    %dma_start3A_652 = tpu.memref_slice %arg6[%dma_start3A_651] : memref<32768xf32, #tpu.memory_space<vmem>> -> memref<128xf32, #tpu.memory_space<vmem>>
    %dma_start3A_653 = arith.constant 0 : i32
    %dma_start3A_654 = tpu.memref_slice %arg11[%dma_start3A_650, %dma_start3A_653] : memref<16x2048xf32, #tpu.memory_space<vmem_shared>> -> memref<1x128xf32, #tpu.memory_space<vmem_shared>>
    %dma_start3A_655 = tpu.memref_squeeze %dma_start3A_654 : memref<1x128xf32, #tpu.memory_space<vmem_shared>> -> memref<128xf32, #tpu.memory_space<vmem_shared>>
    %dma_start3A_656 = arith.constant 768 : i32
    %dma_start3A_657 = tpu.memref_slice %arg6[%dma_start3A_656] : memref<32768xf32, #tpu.memory_space<vmem>> -> memref<128xf32, #tpu.memory_space<vmem>>
    %dma_start3A_658 = arith.constant 0 : i32
    %dma_start3A_659 = tpu.memref_slice %arg11[%dma_start3A_650, %dma_start3A_658] : memref<16x2048xf32, #tpu.memory_space<vmem_shared>> -> memref<1x128xf32, #tpu.memory_space<vmem_shared>>
    %dma_start3A_660 = tpu.memref_squeeze %dma_start3A_659 : memref<1x128xf32, #tpu.memory_space<vmem_shared>> -> memref<128xf32, #tpu.memory_space<vmem_shared>>
    tpu.enqueue_dma source(%dma_start3A_660 : memref<128xf32, #tpu.memory_space<vmem_shared>>) target(%dma_start3A_657 : memref<128xf32, #tpu.memory_space<vmem>>) target_semaphore(%arg13 : memref<!tpu.dma_semaphore, #tpu.memory_space<semaphore_mem>>)
    %dma_start3A_661 = arith.constant 7 : i32
    %dma_start3A_662 = arith.constant 896 : i32
    %dma_start3A_663 = tpu.memref_slice %arg6[%dma_start3A_662] : memref<32768xf32, #tpu.memory_space<vmem>> -> memref<128xf32, #tpu.memory_space<vmem>>
    %dma_start3A_664 = arith.constant 0 : i32
    %dma_start3A_665 = tpu.memref_slice %arg11[%dma_start3A_661, %dma_start3A_664] : memref<16x2048xf32, #tpu.memory_space<vmem_shared>> -> memref<1x128xf32, #tpu.memory_space<vmem_shared>>
    %dma_start3A_666 = tpu.memref_squeeze %dma_start3A_665 : memref<1x128xf32, #tpu.memory_space<vmem_shared>> -> memref<128xf32, #tpu.memory_space<vmem_shared>>
    %dma_start3A_667 = arith.constant 896 : i32
    %dma_start3A_668 = tpu.memref_slice %arg6[%dma_start3A_667] : memref<32768xf32, #tpu.memory_space<vmem>> -> memref<128xf32, #tpu.memory_space<vmem>>
    %dma_start3A_669 = arith.constant 0 : i32
    %dma_start3A_670 = tpu.memref_slice %arg11[%dma_start3A_661, %dma_start3A_669] : memref<16x2048xf32, #tpu.memory_space<vmem_shared>> -> memref<1x128xf32, #tpu.memory_space<vmem_shared>>
    %dma_start3A_671 = tpu.memref_squeeze %dma_start3A_670 : memref<1x128xf32, #tpu.memory_space<vmem_shared>> -> memref<128xf32, #tpu.memory_space<vmem_shared>>
    tpu.enqueue_dma source(%dma_start3A_671 : memref<128xf32, #tpu.memory_space<vmem_shared>>) target(%dma_start3A_668 : memref<128xf32, #tpu.memory_space<vmem>>) target_semaphore(%arg13 : memref<!tpu.dma_semaphore, #tpu.memory_space<semaphore_mem>>)
    %dma_start3A_672 = arith.constant 8 : i32
    %dma_start3A_673 = arith.constant 1024 : i32
    %dma_start3A_674 = tpu.memref_slice %arg6[%dma_start3A_673] : memref<32768xf32, #tpu.memory_space<vmem>> -> memref<128xf32, #tpu.memory_space<vmem>>
    %dma_start3A_675 = arith.constant 0 : i32
    %dma_start3A_676 = tpu.memref_slice %arg11[%dma_start3A_672, %dma_start3A_675] : memref<16x2048xf32, #tpu.memory_space<vmem_shared>> -> memref<1x128xf32, #tpu.memory_space<vmem_shared>>
    %dma_start3A_677 = tpu.memref_squeeze %dma_start3A_676 : memref<1x128xf32, #tpu.memory_space<vmem_shared>> -> memref<128xf32, #tpu.memory_space<vmem_shared>>
    %dma_start3A_678 = arith.constant 1024 : i32
    %dma_start3A_679 = tpu.memref_slice %arg6[%dma_start3A_678] : memref<32768xf32, #tpu.memory_space<vmem>> -> memref<128xf32, #tpu.memory_space<vmem>>
    %dma_start3A_680 = arith.constant 0 : i32
    %dma_start3A_681 = tpu.memref_slice %arg11[%dma_start3A_672, %dma_start3A_680] : memref<16x2048xf32, #tpu.memory_space<vmem_shared>> -> memref<1x128xf32, #tpu.memory_space<vmem_shared>>
    %dma_start3A_682 = tpu.memref_squeeze %dma_start3A_681 : memref<1x128xf32, #tpu.memory_space<vmem_shared>> -> memref<128xf32, #tpu.memory_space<vmem_shared>>
    tpu.enqueue_dma source(%dma_start3A_682 : memref<128xf32, #tpu.memory_space<vmem_shared>>) target(%dma_start3A_679 : memref<128xf32, #tpu.memory_space<vmem>>) target_semaphore(%arg13 : memref<!tpu.dma_semaphore, #tpu.memory_space<semaphore_mem>>)
    %dma_start3A_683 = arith.constant 9 : i32
    %dma_start3A_684 = arith.constant 1152 : i32
    %dma_start3A_685 = tpu.memref_slice %arg6[%dma_start3A_684] : memref<32768xf32, #tpu.memory_space<vmem>> -> memref<128xf32, #tpu.memory_space<vmem>>
    %dma_start3A_686 = arith.constant 0 : i32
    %dma_start3A_687 = tpu.memref_slice %arg11[%dma_start3A_683, %dma_start3A_686] : memref<16x2048xf32, #tpu.memory_space<vmem_shared>> -> memref<1x128xf32, #tpu.memory_space<vmem_shared>>
    %dma_start3A_688 = tpu.memref_squeeze %dma_start3A_687 : memref<1x128xf32, #tpu.memory_space<vmem_shared>> -> memref<128xf32, #tpu.memory_space<vmem_shared>>
    %dma_start3A_689 = arith.constant 1152 : i32
    %dma_start3A_690 = tpu.memref_slice %arg6[%dma_start3A_689] : memref<32768xf32, #tpu.memory_space<vmem>> -> memref<128xf32, #tpu.memory_space<vmem>>
    %dma_start3A_691 = arith.constant 0 : i32
    %dma_start3A_692 = tpu.memref_slice %arg11[%dma_start3A_683, %dma_start3A_691] : memref<16x2048xf32, #tpu.memory_space<vmem_shared>> -> memref<1x128xf32, #tpu.memory_space<vmem_shared>>
    %dma_start3A_693 = tpu.memref_squeeze %dma_start3A_692 : memref<1x128xf32, #tpu.memory_space<vmem_shared>> -> memref<128xf32, #tpu.memory_space<vmem_shared>>
    tpu.enqueue_dma source(%dma_start3A_693 : memref<128xf32, #tpu.memory_space<vmem_shared>>) target(%dma_start3A_690 : memref<128xf32, #tpu.memory_space<vmem>>) target_semaphore(%arg13 : memref<!tpu.dma_semaphore, #tpu.memory_space<semaphore_mem>>)
    %dma_start3A_694 = arith.constant 10 : i32
    %dma_start3A_695 = arith.constant 1280 : i32
    %dma_start3A_696 = tpu.memref_slice %arg6[%dma_start3A_695] : memref<32768xf32, #tpu.memory_space<vmem>> -> memref<128xf32, #tpu.memory_space<vmem>>
    %dma_start3A_697 = arith.constant 0 : i32
    %dma_start3A_698 = tpu.memref_slice %arg11[%dma_start3A_694, %dma_start3A_697] : memref<16x2048xf32, #tpu.memory_space<vmem_shared>> -> memref<1x128xf32, #tpu.memory_space<vmem_shared>>
    %dma_start3A_699 = tpu.memref_squeeze %dma_start3A_698 : memref<1x128xf32, #tpu.memory_space<vmem_shared>> -> memref<128xf32, #tpu.memory_space<vmem_shared>>
    %dma_start3A_700 = arith.constant 1280 : i32
    %dma_start3A_701 = tpu.memref_slice %arg6[%dma_start3A_700] : memref<32768xf32, #tpu.memory_space<vmem>> -> memref<128xf32, #tpu.memory_space<vmem>>
    %dma_start3A_702 = arith.constant 0 : i32
    %dma_start3A_703 = tpu.memref_slice %arg11[%dma_start3A_694, %dma_start3A_702] : memref<16x2048xf32, #tpu.memory_space<vmem_shared>> -> memref<1x128xf32, #tpu.memory_space<vmem_shared>>
    %dma_start3A_704 = tpu.memref_squeeze %dma_start3A_703 : memref<1x128xf32, #tpu.memory_space<vmem_shared>> -> memref<128xf32, #tpu.memory_space<vmem_shared>>
    tpu.enqueue_dma source(%dma_start3A_704 : memref<128xf32, #tpu.memory_space<vmem_shared>>) target(%dma_start3A_701 : memref<128xf32, #tpu.memory_space<vmem>>) target_semaphore(%arg13 : memref<!tpu.dma_semaphore, #tpu.memory_space<semaphore_mem>>)
    %dma_start3A_705 = arith.constant 11 : i32
    %dma_start3A_706 = arith.constant 1408 : i32
    %dma_start3A_707 = tpu.memref_slice %arg6[%dma_start3A_706] : memref<32768xf32, #tpu.memory_space<vmem>> -> memref<128xf32, #tpu.memory_space<vmem>>
    %dma_start3A_708 = arith.constant 0 : i32
    %dma_start3A_709 = tpu.memref_slice %arg11[%dma_start3A_705, %dma_start3A_708] : memref<16x2048xf32, #tpu.memory_space<vmem_shared>> -> memref<1x128xf32, #tpu.memory_space<vmem_shared>>
    %dma_start3A_710 = tpu.memref_squeeze %dma_start3A_709 : memref<1x128xf32, #tpu.memory_space<vmem_shared>> -> memref<128xf32, #tpu.memory_space<vmem_shared>>
    %dma_start3A_711 = arith.constant 1408 : i32
    %dma_start3A_712 = tpu.memref_slice %arg6[%dma_start3A_711] : memref<32768xf32, #tpu.memory_space<vmem>> -> memref<128xf32, #tpu.memory_space<vmem>>
    %dma_start3A_713 = arith.constant 0 : i32
    %dma_start3A_714 = tpu.memref_slice %arg11[%dma_start3A_705, %dma_start3A_713] : memref<16x2048xf32, #tpu.memory_space<vmem_shared>> -> memref<1x128xf32, #tpu.memory_space<vmem_shared>>
    %dma_start3A_715 = tpu.memref_squeeze %dma_start3A_714 : memref<1x128xf32, #tpu.memory_space<vmem_shared>> -> memref<128xf32, #tpu.memory_space<vmem_shared>>
    tpu.enqueue_dma source(%dma_start3A_715 : memref<128xf32, #tpu.memory_space<vmem_shared>>) target(%dma_start3A_712 : memref<128xf32, #tpu.memory_space<vmem>>) target_semaphore(%arg13 : memref<!tpu.dma_semaphore, #tpu.memory_space<semaphore_mem>>)
    %dma_start3A_716 = arith.constant 12 : i32
    %dma_start3A_717 = arith.constant 1536 : i32
    %dma_start3A_718 = tpu.memref_slice %arg6[%dma_start3A_717] : memref<32768xf32, #tpu.memory_space<vmem>> -> memref<128xf32, #tpu.memory_space<vmem>>
    %dma_start3A_719 = arith.constant 0 : i32
    %dma_start3A_720 = tpu.memref_slice %arg11[%dma_start3A_716, %dma_start3A_719] : memref<16x2048xf32, #tpu.memory_space<vmem_shared>> -> memref<1x128xf32, #tpu.memory_space<vmem_shared>>
    %dma_start3A_721 = tpu.memref_squeeze %dma_start3A_720 : memref<1x128xf32, #tpu.memory_space<vmem_shared>> -> memref<128xf32, #tpu.memory_space<vmem_shared>>
    %dma_start3A_722 = arith.constant 1536 : i32
    %dma_start3A_723 = tpu.memref_slice %arg6[%dma_start3A_722] : memref<32768xf32, #tpu.memory_space<vmem>> -> memref<128xf32, #tpu.memory_space<vmem>>
    %dma_start3A_724 = arith.constant 0 : i32
    %dma_start3A_725 = tpu.memref_slice %arg11[%dma_start3A_716, %dma_start3A_724] : memref<16x2048xf32, #tpu.memory_space<vmem_shared>> -> memref<1x128xf32, #tpu.memory_space<vmem_shared>>
    %dma_start3A_726 = tpu.memref_squeeze %dma_start3A_725 : memref<1x128xf32, #tpu.memory_space<vmem_shared>> -> memref<128xf32, #tpu.memory_space<vmem_shared>>
    tpu.enqueue_dma source(%dma_start3A_726 : memref<128xf32, #tpu.memory_space<vmem_shared>>) target(%dma_start3A_723 : memref<128xf32, #tpu.memory_space<vmem>>) target_semaphore(%arg13 : memref<!tpu.dma_semaphore, #tpu.memory_space<semaphore_mem>>)
    %dma_start3A_727 = arith.constant 13 : i32
    %dma_start3A_728 = arith.constant 1664 : i32
    %dma_start3A_729 = tpu.memref_slice %arg6[%dma_start3A_728] : memref<32768xf32, #tpu.memory_space<vmem>> -> memref<128xf32, #tpu.memory_space<vmem>>
    %dma_start3A_730 = arith.constant 0 : i32
    %dma_start3A_731 = tpu.memref_slice %arg11[%dma_start3A_727, %dma_start3A_730] : memref<16x2048xf32, #tpu.memory_space<vmem_shared>> -> memref<1x128xf32, #tpu.memory_space<vmem_shared>>
    %dma_start3A_732 = tpu.memref_squeeze %dma_start3A_731 : memref<1x128xf32, #tpu.memory_space<vmem_shared>> -> memref<128xf32, #tpu.memory_space<vmem_shared>>
    %dma_start3A_733 = arith.constant 1664 : i32
    %dma_start3A_734 = tpu.memref_slice %arg6[%dma_start3A_733] : memref<32768xf32, #tpu.memory_space<vmem>> -> memref<128xf32, #tpu.memory_space<vmem>>
    %dma_start3A_735 = arith.constant 0 : i32
    %dma_start3A_736 = tpu.memref_slice %arg11[%dma_start3A_727, %dma_start3A_735] : memref<16x2048xf32, #tpu.memory_space<vmem_shared>> -> memref<1x128xf32, #tpu.memory_space<vmem_shared>>
    %dma_start3A_737 = tpu.memref_squeeze %dma_start3A_736 : memref<1x128xf32, #tpu.memory_space<vmem_shared>> -> memref<128xf32, #tpu.memory_space<vmem_shared>>
    tpu.enqueue_dma source(%dma_start3A_737 : memref<128xf32, #tpu.memory_space<vmem_shared>>) target(%dma_start3A_734 : memref<128xf32, #tpu.memory_space<vmem>>) target_semaphore(%arg13 : memref<!tpu.dma_semaphore, #tpu.memory_space<semaphore_mem>>)
    %dma_start3A_738 = arith.constant 14 : i32
    %dma_start3A_739 = arith.constant 1792 : i32
    %dma_start3A_740 = tpu.memref_slice %arg6[%dma_start3A_739] : memref<32768xf32, #tpu.memory_space<vmem>> -> memref<128xf32, #tpu.memory_space<vmem>>
    %dma_start3A_741 = arith.constant 0 : i32
    %dma_start3A_742 = tpu.memref_slice %arg11[%dma_start3A_738, %dma_start3A_741] : memref<16x2048xf32, #tpu.memory_space<vmem_shared>> -> memref<1x128xf32, #tpu.memory_space<vmem_shared>>
    %dma_start3A_743 = tpu.memref_squeeze %dma_start3A_742 : memref<1x128xf32, #tpu.memory_space<vmem_shared>> -> memref<128xf32, #tpu.memory_space<vmem_shared>>
    %dma_start3A_744 = arith.constant 1792 : i32
    %dma_start3A_745 = tpu.memref_slice %arg6[%dma_start3A_744] : memref<32768xf32, #tpu.memory_space<vmem>> -> memref<128xf32, #tpu.memory_space<vmem>>
    %dma_start3A_746 = arith.constant 0 : i32
    %dma_start3A_747 = tpu.memref_slice %arg11[%dma_start3A_738, %dma_start3A_746] : memref<16x2048xf32, #tpu.memory_space<vmem_shared>> -> memref<1x128xf32, #tpu.memory_space<vmem_shared>>
    %dma_start3A_748 = tpu.memref_squeeze %dma_start3A_747 : memref<1x128xf32, #tpu.memory_space<vmem_shared>> -> memref<128xf32, #tpu.memory_space<vmem_shared>>
    tpu.enqueue_dma source(%dma_start3A_748 : memref<128xf32, #tpu.memory_space<vmem_shared>>) target(%dma_start3A_745 : memref<128xf32, #tpu.memory_space<vmem>>) target_semaphore(%arg13 : memref<!tpu.dma_semaphore, #tpu.memory_space<semaphore_mem>>)
    %dma_start3A_749 = arith.constant 15 : i32
    %dma_start3A_750 = arith.constant 1920 : i32
    %dma_start3A_751 = tpu.memref_slice %arg6[%dma_start3A_750] : memref<32768xf32, #tpu.memory_space<vmem>> -> memref<128xf32, #tpu.memory_space<vmem>>
    %dma_start3A_752 = arith.constant 0 : i32
    %dma_start3A_753 = tpu.memref_slice %arg11[%dma_start3A_749, %dma_start3A_752] : memref<16x2048xf32, #tpu.memory_space<vmem_shared>> -> memref<1x128xf32, #tpu.memory_space<vmem_shared>>
    %dma_start3A_754 = tpu.memref_squeeze %dma_start3A_753 : memref<1x128xf32, #tpu.memory_space<vmem_shared>> -> memref<128xf32, #tpu.memory_space<vmem_shared>>
    %dma_start3A_755 = arith.constant 1920 : i32
    %dma_start3A_756 = tpu.memref_slice %arg6[%dma_start3A_755] : memref<32768xf32, #tpu.memory_space<vmem>> -> memref<128xf32, #tpu.memory_space<vmem>>
    %dma_start3A_757 = arith.constant 0 : i32
    %dma_start3A_758 = tpu.memref_slice %arg11[%dma_start3A_749, %dma_start3A_757] : memref<16x2048xf32, #tpu.memory_space<vmem_shared>> -> memref<1x128xf32, #tpu.memory_space<vmem_shared>>
    %dma_start3A_759 = tpu.memref_squeeze %dma_start3A_758 : memref<1x128xf32, #tpu.memory_space<vmem_shared>> -> memref<128xf32, #tpu.memory_space<vmem_shared>>
    tpu.enqueue_dma source(%dma_start3A_759 : memref<128xf32, #tpu.memory_space<vmem_shared>>) target(%dma_start3A_756 : memref<128xf32, #tpu.memory_space<vmem>>) target_semaphore(%arg13 : memref<!tpu.dma_semaphore, #tpu.memory_space<semaphore_mem>>)
    %dma_wait3A_760 = arith.constant 0 : i32
    %dma_wait3A_761 = arith.constant 0 : i32
    %dma_wait3A_762 = tpu.memref_slice %arg6[%dma_wait3A_761] : memref<32768xf32, #tpu.memory_space<vmem>> -> memref<128xf32, #tpu.memory_space<vmem>>
    %dma_wait3A_763 = arith.constant 0 : i32
    %dma_wait3A_764 = tpu.memref_slice %arg11[%dma_wait3A_760, %dma_wait3A_763] : memref<16x2048xf32, #tpu.memory_space<vmem_shared>> -> memref<1x128xf32, #tpu.memory_space<vmem_shared>>
    %dma_wait3A_765 = tpu.memref_squeeze %dma_wait3A_764 : memref<1x128xf32, #tpu.memory_space<vmem_shared>> -> memref<128xf32, #tpu.memory_space<vmem_shared>>
    %dma_wait3A_766 = arith.constant 0 : i32
    %dma_wait3A_767 = tpu.memref_slice %arg6[%dma_wait3A_766] : memref<32768xf32, #tpu.memory_space<vmem>> -> memref<128xf32, #tpu.memory_space<vmem>>
    %dma_wait3A_768 = arith.constant 0 : i32
    %dma_wait3A_769 = tpu.memref_slice %arg11[%dma_wait3A_760, %dma_wait3A_768] : memref<16x2048xf32, #tpu.memory_space<vmem_shared>> -> memref<1x128xf32, #tpu.memory_space<vmem_shared>>
    %dma_wait3A_770 = tpu.memref_squeeze %dma_wait3A_769 : memref<1x128xf32, #tpu.memory_space<vmem_shared>> -> memref<128xf32, #tpu.memory_space<vmem_shared>>
    tpu.wait_dma2 semaphore(%arg13 : memref<!tpu.dma_semaphore, #tpu.memory_space<semaphore_mem>>) src(%dma_wait3A_770 : memref<128xf32, #tpu.memory_space<vmem_shared>>) dst(%dma_wait3A_767 : memref<128xf32, #tpu.memory_space<vmem>>)
    %dma_wait3A_771 = arith.constant 1 : i32
    %dma_wait3A_772 = arith.constant 128 : i32
    %dma_wait3A_773 = tpu.memref_slice %arg6[%dma_wait3A_772] : memref<32768xf32, #tpu.memory_space<vmem>> -> memref<128xf32, #tpu.memory_space<vmem>>
    %dma_wait3A_774 = arith.constant 0 : i32
    %dma_wait3A_775 = tpu.memref_slice %arg11[%dma_wait3A_771, %dma_wait3A_774] : memref<16x2048xf32, #tpu.memory_space<vmem_shared>> -> memref<1x128xf32, #tpu.memory_space<vmem_shared>>
    %dma_wait3A_776 = tpu.memref_squeeze %dma_wait3A_775 : memref<1x128xf32, #tpu.memory_space<vmem_shared>> -> memref<128xf32, #tpu.memory_space<vmem_shared>>
    %dma_wait3A_777 = arith.constant 128 : i32
    %dma_wait3A_778 = tpu.memref_slice %arg6[%dma_wait3A_777] : memref<32768xf32, #tpu.memory_space<vmem>> -> memref<128xf32, #tpu.memory_space<vmem>>
    %dma_wait3A_779 = arith.constant 0 : i32
    %dma_wait3A_780 = tpu.memref_slice %arg11[%dma_wait3A_771, %dma_wait3A_779] : memref<16x2048xf32, #tpu.memory_space<vmem_shared>> -> memref<1x128xf32, #tpu.memory_space<vmem_shared>>
    %dma_wait3A_781 = tpu.memref_squeeze %dma_wait3A_780 : memref<1x128xf32, #tpu.memory_space<vmem_shared>> -> memref<128xf32, #tpu.memory_space<vmem_shared>>
    tpu.wait_dma2 semaphore(%arg13 : memref<!tpu.dma_semaphore, #tpu.memory_space<semaphore_mem>>) src(%dma_wait3A_781 : memref<128xf32, #tpu.memory_space<vmem_shared>>) dst(%dma_wait3A_778 : memref<128xf32, #tpu.memory_space<vmem>>)
    %dma_wait3A_782 = arith.constant 2 : i32
    %dma_wait3A_783 = arith.constant 256 : i32
    %dma_wait3A_784 = tpu.memref_slice %arg6[%dma_wait3A_783] : memref<32768xf32, #tpu.memory_space<vmem>> -> memref<128xf32, #tpu.memory_space<vmem>>
    %dma_wait3A_785 = arith.constant 0 : i32
    %dma_wait3A_786 = tpu.memref_slice %arg11[%dma_wait3A_782, %dma_wait3A_785] : memref<16x2048xf32, #tpu.memory_space<vmem_shared>> -> memref<1x128xf32, #tpu.memory_space<vmem_shared>>
    %dma_wait3A_787 = tpu.memref_squeeze %dma_wait3A_786 : memref<1x128xf32, #tpu.memory_space<vmem_shared>> -> memref<128xf32, #tpu.memory_space<vmem_shared>>
    %dma_wait3A_788 = arith.constant 256 : i32
    %dma_wait3A_789 = tpu.memref_slice %arg6[%dma_wait3A_788] : memref<32768xf32, #tpu.memory_space<vmem>> -> memref<128xf32, #tpu.memory_space<vmem>>
    %dma_wait3A_790 = arith.constant 0 : i32
    %dma_wait3A_791 = tpu.memref_slice %arg11[%dma_wait3A_782, %dma_wait3A_790] : memref<16x2048xf32, #tpu.memory_space<vmem_shared>> -> memref<1x128xf32, #tpu.memory_space<vmem_shared>>
    %dma_wait3A_792 = tpu.memref_squeeze %dma_wait3A_791 : memref<1x128xf32, #tpu.memory_space<vmem_shared>> -> memref<128xf32, #tpu.memory_space<vmem_shared>>
    tpu.wait_dma2 semaphore(%arg13 : memref<!tpu.dma_semaphore, #tpu.memory_space<semaphore_mem>>) src(%dma_wait3A_792 : memref<128xf32, #tpu.memory_space<vmem_shared>>) dst(%dma_wait3A_789 : memref<128xf32, #tpu.memory_space<vmem>>)
    %dma_wait3A_793 = arith.constant 3 : i32
    %dma_wait3A_794 = arith.constant 384 : i32
    %dma_wait3A_795 = tpu.memref_slice %arg6[%dma_wait3A_794] : memref<32768xf32, #tpu.memory_space<vmem>> -> memref<128xf32, #tpu.memory_space<vmem>>
    %dma_wait3A_796 = arith.constant 0 : i32
    %dma_wait3A_797 = tpu.memref_slice %arg11[%dma_wait3A_793, %dma_wait3A_796] : memref<16x2048xf32, #tpu.memory_space<vmem_shared>> -> memref<1x128xf32, #tpu.memory_space<vmem_shared>>
    %dma_wait3A_798 = tpu.memref_squeeze %dma_wait3A_797 : memref<1x128xf32, #tpu.memory_space<vmem_shared>> -> memref<128xf32, #tpu.memory_space<vmem_shared>>
    %dma_wait3A_799 = arith.constant 384 : i32
    %dma_wait3A_800 = tpu.memref_slice %arg6[%dma_wait3A_799] : memref<32768xf32, #tpu.memory_space<vmem>> -> memref<128xf32, #tpu.memory_space<vmem>>
    %dma_wait3A_801 = arith.constant 0 : i32
    %dma_wait3A_802 = tpu.memref_slice %arg11[%dma_wait3A_793, %dma_wait3A_801] : memref<16x2048xf32, #tpu.memory_space<vmem_shared>> -> memref<1x128xf32, #tpu.memory_space<vmem_shared>>
    %dma_wait3A_803 = tpu.memref_squeeze %dma_wait3A_802 : memref<1x128xf32, #tpu.memory_space<vmem_shared>> -> memref<128xf32, #tpu.memory_space<vmem_shared>>
    tpu.wait_dma2 semaphore(%arg13 : memref<!tpu.dma_semaphore, #tpu.memory_space<semaphore_mem>>) src(%dma_wait3A_803 : memref<128xf32, #tpu.memory_space<vmem_shared>>) dst(%dma_wait3A_800 : memref<128xf32, #tpu.memory_space<vmem>>)
    %dma_wait3A_804 = arith.constant 4 : i32
    %dma_wait3A_805 = arith.constant 512 : i32
    %dma_wait3A_806 = tpu.memref_slice %arg6[%dma_wait3A_805] : memref<32768xf32, #tpu.memory_space<vmem>> -> memref<128xf32, #tpu.memory_space<vmem>>
    %dma_wait3A_807 = arith.constant 0 : i32
    %dma_wait3A_808 = tpu.memref_slice %arg11[%dma_wait3A_804, %dma_wait3A_807] : memref<16x2048xf32, #tpu.memory_space<vmem_shared>> -> memref<1x128xf32, #tpu.memory_space<vmem_shared>>
    %dma_wait3A_809 = tpu.memref_squeeze %dma_wait3A_808 : memref<1x128xf32, #tpu.memory_space<vmem_shared>> -> memref<128xf32, #tpu.memory_space<vmem_shared>>
    %dma_wait3A_810 = arith.constant 512 : i32
    %dma_wait3A_811 = tpu.memref_slice %arg6[%dma_wait3A_810] : memref<32768xf32, #tpu.memory_space<vmem>> -> memref<128xf32, #tpu.memory_space<vmem>>
    %dma_wait3A_812 = arith.constant 0 : i32
    %dma_wait3A_813 = tpu.memref_slice %arg11[%dma_wait3A_804, %dma_wait3A_812] : memref<16x2048xf32, #tpu.memory_space<vmem_shared>> -> memref<1x128xf32, #tpu.memory_space<vmem_shared>>
    %dma_wait3A_814 = tpu.memref_squeeze %dma_wait3A_813 : memref<1x128xf32, #tpu.memory_space<vmem_shared>> -> memref<128xf32, #tpu.memory_space<vmem_shared>>
    tpu.wait_dma2 semaphore(%arg13 : memref<!tpu.dma_semaphore, #tpu.memory_space<semaphore_mem>>) src(%dma_wait3A_814 : memref<128xf32, #tpu.memory_space<vmem_shared>>) dst(%dma_wait3A_811 : memref<128xf32, #tpu.memory_space<vmem>>)
    %dma_wait3A_815 = arith.constant 5 : i32
    %dma_wait3A_816 = arith.constant 640 : i32
    %dma_wait3A_817 = tpu.memref_slice %arg6[%dma_wait3A_816] : memref<32768xf32, #tpu.memory_space<vmem>> -> memref<128xf32, #tpu.memory_space<vmem>>
    %dma_wait3A_818 = arith.constant 0 : i32
    %dma_wait3A_819 = tpu.memref_slice %arg11[%dma_wait3A_815, %dma_wait3A_818] : memref<16x2048xf32, #tpu.memory_space<vmem_shared>> -> memref<1x128xf32, #tpu.memory_space<vmem_shared>>
    %dma_wait3A_820 = tpu.memref_squeeze %dma_wait3A_819 : memref<1x128xf32, #tpu.memory_space<vmem_shared>> -> memref<128xf32, #tpu.memory_space<vmem_shared>>
    %dma_wait3A_821 = arith.constant 640 : i32
    %dma_wait3A_822 = tpu.memref_slice %arg6[%dma_wait3A_821] : memref<32768xf32, #tpu.memory_space<vmem>> -> memref<128xf32, #tpu.memory_space<vmem>>
    %dma_wait3A_823 = arith.constant 0 : i32
    %dma_wait3A_824 = tpu.memref_slice %arg11[%dma_wait3A_815, %dma_wait3A_823] : memref<16x2048xf32, #tpu.memory_space<vmem_shared>> -> memref<1x128xf32, #tpu.memory_space<vmem_shared>>
    %dma_wait3A_825 = tpu.memref_squeeze %dma_wait3A_824 : memref<1x128xf32, #tpu.memory_space<vmem_shared>> -> memref<128xf32, #tpu.memory_space<vmem_shared>>
    tpu.wait_dma2 semaphore(%arg13 : memref<!tpu.dma_semaphore, #tpu.memory_space<semaphore_mem>>) src(%dma_wait3A_825 : memref<128xf32, #tpu.memory_space<vmem_shared>>) dst(%dma_wait3A_822 : memref<128xf32, #tpu.memory_space<vmem>>)
    %dma_wait3A_826 = arith.constant 6 : i32
    %dma_wait3A_827 = arith.constant 768 : i32
    %dma_wait3A_828 = tpu.memref_slice %arg6[%dma_wait3A_827] : memref<32768xf32, #tpu.memory_space<vmem>> -> memref<128xf32, #tpu.memory_space<vmem>>
    %dma_wait3A_829 = arith.constant 0 : i32
    %dma_wait3A_830 = tpu.memref_slice %arg11[%dma_wait3A_826, %dma_wait3A_829] : memref<16x2048xf32, #tpu.memory_space<vmem_shared>> -> memref<1x128xf32, #tpu.memory_space<vmem_shared>>
    %dma_wait3A_831 = tpu.memref_squeeze %dma_wait3A_830 : memref<1x128xf32, #tpu.memory_space<vmem_shared>> -> memref<128xf32, #tpu.memory_space<vmem_shared>>
    %dma_wait3A_832 = arith.constant 768 : i32
    %dma_wait3A_833 = tpu.memref_slice %arg6[%dma_wait3A_832] : memref<32768xf32, #tpu.memory_space<vmem>> -> memref<128xf32, #tpu.memory_space<vmem>>
    %dma_wait3A_834 = arith.constant 0 : i32
    %dma_wait3A_835 = tpu.memref_slice %arg11[%dma_wait3A_826, %dma_wait3A_834] : memref<16x2048xf32, #tpu.memory_space<vmem_shared>> -> memref<1x128xf32, #tpu.memory_space<vmem_shared>>
    %dma_wait3A_836 = tpu.memref_squeeze %dma_wait3A_835 : memref<1x128xf32, #tpu.memory_space<vmem_shared>> -> memref<128xf32, #tpu.memory_space<vmem_shared>>
    tpu.wait_dma2 semaphore(%arg13 : memref<!tpu.dma_semaphore, #tpu.memory_space<semaphore_mem>>) src(%dma_wait3A_836 : memref<128xf32, #tpu.memory_space<vmem_shared>>) dst(%dma_wait3A_833 : memref<128xf32, #tpu.memory_space<vmem>>)
    %dma_wait3A_837 = arith.constant 7 : i32
    %dma_wait3A_838 = arith.constant 896 : i32
    %dma_wait3A_839 = tpu.memref_slice %arg6[%dma_wait3A_838] : memref<32768xf32, #tpu.memory_space<vmem>> -> memref<128xf32, #tpu.memory_space<vmem>>
    %dma_wait3A_840 = arith.constant 0 : i32
    %dma_wait3A_841 = tpu.memref_slice %arg11[%dma_wait3A_837, %dma_wait3A_840] : memref<16x2048xf32, #tpu.memory_space<vmem_shared>> -> memref<1x128xf32, #tpu.memory_space<vmem_shared>>
    %dma_wait3A_842 = tpu.memref_squeeze %dma_wait3A_841 : memref<1x128xf32, #tpu.memory_space<vmem_shared>> -> memref<128xf32, #tpu.memory_space<vmem_shared>>
    %dma_wait3A_843 = arith.constant 896 : i32
    %dma_wait3A_844 = tpu.memref_slice %arg6[%dma_wait3A_843] : memref<32768xf32, #tpu.memory_space<vmem>> -> memref<128xf32, #tpu.memory_space<vmem>>
    %dma_wait3A_845 = arith.constant 0 : i32
    %dma_wait3A_846 = tpu.memref_slice %arg11[%dma_wait3A_837, %dma_wait3A_845] : memref<16x2048xf32, #tpu.memory_space<vmem_shared>> -> memref<1x128xf32, #tpu.memory_space<vmem_shared>>
    %dma_wait3A_847 = tpu.memref_squeeze %dma_wait3A_846 : memref<1x128xf32, #tpu.memory_space<vmem_shared>> -> memref<128xf32, #tpu.memory_space<vmem_shared>>
    tpu.wait_dma2 semaphore(%arg13 : memref<!tpu.dma_semaphore, #tpu.memory_space<semaphore_mem>>) src(%dma_wait3A_847 : memref<128xf32, #tpu.memory_space<vmem_shared>>) dst(%dma_wait3A_844 : memref<128xf32, #tpu.memory_space<vmem>>)
    %dma_wait3A_848 = arith.constant 8 : i32
    %dma_wait3A_849 = arith.constant 1024 : i32
    %dma_wait3A_850 = tpu.memref_slice %arg6[%dma_wait3A_849] : memref<32768xf32, #tpu.memory_space<vmem>> -> memref<128xf32, #tpu.memory_space<vmem>>
    %dma_wait3A_851 = arith.constant 0 : i32
    %dma_wait3A_852 = tpu.memref_slice %arg11[%dma_wait3A_848, %dma_wait3A_851] : memref<16x2048xf32, #tpu.memory_space<vmem_shared>> -> memref<1x128xf32, #tpu.memory_space<vmem_shared>>
    %dma_wait3A_853 = tpu.memref_squeeze %dma_wait3A_852 : memref<1x128xf32, #tpu.memory_space<vmem_shared>> -> memref<128xf32, #tpu.memory_space<vmem_shared>>
    %dma_wait3A_854 = arith.constant 1024 : i32
    %dma_wait3A_855 = tpu.memref_slice %arg6[%dma_wait3A_854] : memref<32768xf32, #tpu.memory_space<vmem>> -> memref<128xf32, #tpu.memory_space<vmem>>
    %dma_wait3A_856 = arith.constant 0 : i32
    %dma_wait3A_857 = tpu.memref_slice %arg11[%dma_wait3A_848, %dma_wait3A_856] : memref<16x2048xf32, #tpu.memory_space<vmem_shared>> -> memref<1x128xf32, #tpu.memory_space<vmem_shared>>
    %dma_wait3A_858 = tpu.memref_squeeze %dma_wait3A_857 : memref<1x128xf32, #tpu.memory_space<vmem_shared>> -> memref<128xf32, #tpu.memory_space<vmem_shared>>
    tpu.wait_dma2 semaphore(%arg13 : memref<!tpu.dma_semaphore, #tpu.memory_space<semaphore_mem>>) src(%dma_wait3A_858 : memref<128xf32, #tpu.memory_space<vmem_shared>>) dst(%dma_wait3A_855 : memref<128xf32, #tpu.memory_space<vmem>>)
    %dma_wait3A_859 = arith.constant 9 : i32
    %dma_wait3A_860 = arith.constant 1152 : i32
    %dma_wait3A_861 = tpu.memref_slice %arg6[%dma_wait3A_860] : memref<32768xf32, #tpu.memory_space<vmem>> -> memref<128xf32, #tpu.memory_space<vmem>>
    %dma_wait3A_862 = arith.constant 0 : i32
    %dma_wait3A_863 = tpu.memref_slice %arg11[%dma_wait3A_859, %dma_wait3A_862] : memref<16x2048xf32, #tpu.memory_space<vmem_shared>> -> memref<1x128xf32, #tpu.memory_space<vmem_shared>>
    %dma_wait3A_864 = tpu.memref_squeeze %dma_wait3A_863 : memref<1x128xf32, #tpu.memory_space<vmem_shared>> -> memref<128xf32, #tpu.memory_space<vmem_shared>>
    %dma_wait3A_865 = arith.constant 1152 : i32
    %dma_wait3A_866 = tpu.memref_slice %arg6[%dma_wait3A_865] : memref<32768xf32, #tpu.memory_space<vmem>> -> memref<128xf32, #tpu.memory_space<vmem>>
    %dma_wait3A_867 = arith.constant 0 : i32
    %dma_wait3A_868 = tpu.memref_slice %arg11[%dma_wait3A_859, %dma_wait3A_867] : memref<16x2048xf32, #tpu.memory_space<vmem_shared>> -> memref<1x128xf32, #tpu.memory_space<vmem_shared>>
    %dma_wait3A_869 = tpu.memref_squeeze %dma_wait3A_868 : memref<1x128xf32, #tpu.memory_space<vmem_shared>> -> memref<128xf32, #tpu.memory_space<vmem_shared>>
    tpu.wait_dma2 semaphore(%arg13 : memref<!tpu.dma_semaphore, #tpu.memory_space<semaphore_mem>>) src(%dma_wait3A_869 : memref<128xf32, #tpu.memory_space<vmem_shared>>) dst(%dma_wait3A_866 : memref<128xf32, #tpu.memory_space<vmem>>)
    %dma_wait3A_870 = arith.constant 10 : i32
    %dma_wait3A_871 = arith.constant 1280 : i32
    %dma_wait3A_872 = tpu.memref_slice %arg6[%dma_wait3A_871] : memref<32768xf32, #tpu.memory_space<vmem>> -> memref<128xf32, #tpu.memory_space<vmem>>
    %dma_wait3A_873 = arith.constant 0 : i32
    %dma_wait3A_874 = tpu.memref_slice %arg11[%dma_wait3A_870, %dma_wait3A_873] : memref<16x2048xf32, #tpu.memory_space<vmem_shared>> -> memref<1x128xf32, #tpu.memory_space<vmem_shared>>
    %dma_wait3A_875 = tpu.memref_squeeze %dma_wait3A_874 : memref<1x128xf32, #tpu.memory_space<vmem_shared>> -> memref<128xf32, #tpu.memory_space<vmem_shared>>
    %dma_wait3A_876 = arith.constant 1280 : i32
    %dma_wait3A_877 = tpu.memref_slice %arg6[%dma_wait3A_876] : memref<32768xf32, #tpu.memory_space<vmem>> -> memref<128xf32, #tpu.memory_space<vmem>>
    %dma_wait3A_878 = arith.constant 0 : i32
    %dma_wait3A_879 = tpu.memref_slice %arg11[%dma_wait3A_870, %dma_wait3A_878] : memref<16x2048xf32, #tpu.memory_space<vmem_shared>> -> memref<1x128xf32, #tpu.memory_space<vmem_shared>>
    %dma_wait3A_880 = tpu.memref_squeeze %dma_wait3A_879 : memref<1x128xf32, #tpu.memory_space<vmem_shared>> -> memref<128xf32, #tpu.memory_space<vmem_shared>>
    tpu.wait_dma2 semaphore(%arg13 : memref<!tpu.dma_semaphore, #tpu.memory_space<semaphore_mem>>) src(%dma_wait3A_880 : memref<128xf32, #tpu.memory_space<vmem_shared>>) dst(%dma_wait3A_877 : memref<128xf32, #tpu.memory_space<vmem>>)
    %dma_wait3A_881 = arith.constant 11 : i32
    %dma_wait3A_882 = arith.constant 1408 : i32
    %dma_wait3A_883 = tpu.memref_slice %arg6[%dma_wait3A_882] : memref<32768xf32, #tpu.memory_space<vmem>> -> memref<128xf32, #tpu.memory_space<vmem>>
    %dma_wait3A_884 = arith.constant 0 : i32
    %dma_wait3A_885 = tpu.memref_slice %arg11[%dma_wait3A_881, %dma_wait3A_884] : memref<16x2048xf32, #tpu.memory_space<vmem_shared>> -> memref<1x128xf32, #tpu.memory_space<vmem_shared>>
    %dma_wait3A_886 = tpu.memref_squeeze %dma_wait3A_885 : memref<1x128xf32, #tpu.memory_space<vmem_shared>> -> memref<128xf32, #tpu.memory_space<vmem_shared>>
    %dma_wait3A_887 = arith.constant 1408 : i32
    %dma_wait3A_888 = tpu.memref_slice %arg6[%dma_wait3A_887] : memref<32768xf32, #tpu.memory_space<vmem>> -> memref<128xf32, #tpu.memory_space<vmem>>
    %dma_wait3A_889 = arith.constant 0 : i32
    %dma_wait3A_890 = tpu.memref_slice %arg11[%dma_wait3A_881, %dma_wait3A_889] : memref<16x2048xf32, #tpu.memory_space<vmem_shared>> -> memref<1x128xf32, #tpu.memory_space<vmem_shared>>
    %dma_wait3A_891 = tpu.memref_squeeze %dma_wait3A_890 : memref<1x128xf32, #tpu.memory_space<vmem_shared>> -> memref<128xf32, #tpu.memory_space<vmem_shared>>
    tpu.wait_dma2 semaphore(%arg13 : memref<!tpu.dma_semaphore, #tpu.memory_space<semaphore_mem>>) src(%dma_wait3A_891 : memref<128xf32, #tpu.memory_space<vmem_shared>>) dst(%dma_wait3A_888 : memref<128xf32, #tpu.memory_space<vmem>>)
    %dma_wait3A_892 = arith.constant 12 : i32
    %dma_wait3A_893 = arith.constant 1536 : i32
    %dma_wait3A_894 = tpu.memref_slice %arg6[%dma_wait3A_893] : memref<32768xf32, #tpu.memory_space<vmem>> -> memref<128xf32, #tpu.memory_space<vmem>>
    %dma_wait3A_895 = arith.constant 0 : i32
    %dma_wait3A_896 = tpu.memref_slice %arg11[%dma_wait3A_892, %dma_wait3A_895] : memref<16x2048xf32, #tpu.memory_space<vmem_shared>> -> memref<1x128xf32, #tpu.memory_space<vmem_shared>>
    %dma_wait3A_897 = tpu.memref_squeeze %dma_wait3A_896 : memref<1x128xf32, #tpu.memory_space<vmem_shared>> -> memref<128xf32, #tpu.memory_space<vmem_shared>>
    %dma_wait3A_898 = arith.constant 1536 : i32
    %dma_wait3A_899 = tpu.memref_slice %arg6[%dma_wait3A_898] : memref<32768xf32, #tpu.memory_space<vmem>> -> memref<128xf32, #tpu.memory_space<vmem>>
    %dma_wait3A_900 = arith.constant 0 : i32
    %dma_wait3A_901 = tpu.memref_slice %arg11[%dma_wait3A_892, %dma_wait3A_900] : memref<16x2048xf32, #tpu.memory_space<vmem_shared>> -> memref<1x128xf32, #tpu.memory_space<vmem_shared>>
    %dma_wait3A_902 = tpu.memref_squeeze %dma_wait3A_901 : memref<1x128xf32, #tpu.memory_space<vmem_shared>> -> memref<128xf32, #tpu.memory_space<vmem_shared>>
    tpu.wait_dma2 semaphore(%arg13 : memref<!tpu.dma_semaphore, #tpu.memory_space<semaphore_mem>>) src(%dma_wait3A_902 : memref<128xf32, #tpu.memory_space<vmem_shared>>) dst(%dma_wait3A_899 : memref<128xf32, #tpu.memory_space<vmem>>)
    %dma_wait3A_903 = arith.constant 13 : i32
    %dma_wait3A_904 = arith.constant 1664 : i32
    %dma_wait3A_905 = tpu.memref_slice %arg6[%dma_wait3A_904] : memref<32768xf32, #tpu.memory_space<vmem>> -> memref<128xf32, #tpu.memory_space<vmem>>
    %dma_wait3A_906 = arith.constant 0 : i32
    %dma_wait3A_907 = tpu.memref_slice %arg11[%dma_wait3A_903, %dma_wait3A_906] : memref<16x2048xf32, #tpu.memory_space<vmem_shared>> -> memref<1x128xf32, #tpu.memory_space<vmem_shared>>
    %dma_wait3A_908 = tpu.memref_squeeze %dma_wait3A_907 : memref<1x128xf32, #tpu.memory_space<vmem_shared>> -> memref<128xf32, #tpu.memory_space<vmem_shared>>
    %dma_wait3A_909 = arith.constant 1664 : i32
    %dma_wait3A_910 = tpu.memref_slice %arg6[%dma_wait3A_909] : memref<32768xf32, #tpu.memory_space<vmem>> -> memref<128xf32, #tpu.memory_space<vmem>>
    %dma_wait3A_911 = arith.constant 0 : i32
    %dma_wait3A_912 = tpu.memref_slice %arg11[%dma_wait3A_903, %dma_wait3A_911] : memref<16x2048xf32, #tpu.memory_space<vmem_shared>> -> memref<1x128xf32, #tpu.memory_space<vmem_shared>>
    %dma_wait3A_913 = tpu.memref_squeeze %dma_wait3A_912 : memref<1x128xf32, #tpu.memory_space<vmem_shared>> -> memref<128xf32, #tpu.memory_space<vmem_shared>>
    tpu.wait_dma2 semaphore(%arg13 : memref<!tpu.dma_semaphore, #tpu.memory_space<semaphore_mem>>) src(%dma_wait3A_913 : memref<128xf32, #tpu.memory_space<vmem_shared>>) dst(%dma_wait3A_910 : memref<128xf32, #tpu.memory_space<vmem>>)
    %dma_wait3A_914 = arith.constant 14 : i32
    %dma_wait3A_915 = arith.constant 1792 : i32
    %dma_wait3A_916 = tpu.memref_slice %arg6[%dma_wait3A_915] : memref<32768xf32, #tpu.memory_space<vmem>> -> memref<128xf32, #tpu.memory_space<vmem>>
    %dma_wait3A_917 = arith.constant 0 : i32
    %dma_wait3A_918 = tpu.memref_slice %arg11[%dma_wait3A_914, %dma_wait3A_917] : memref<16x2048xf32, #tpu.memory_space<vmem_shared>> -> memref<1x128xf32, #tpu.memory_space<vmem_shared>>
    %dma_wait3A_919 = tpu.memref_squeeze %dma_wait3A_918 : memref<1x128xf32, #tpu.memory_space<vmem_shared>> -> memref<128xf32, #tpu.memory_space<vmem_shared>>
    %dma_wait3A_920 = arith.constant 1792 : i32
    %dma_wait3A_921 = tpu.memref_slice %arg6[%dma_wait3A_920] : memref<32768xf32, #tpu.memory_space<vmem>> -> memref<128xf32, #tpu.memory_space<vmem>>
    %dma_wait3A_922 = arith.constant 0 : i32
    %dma_wait3A_923 = tpu.memref_slice %arg11[%dma_wait3A_914, %dma_wait3A_922] : memref<16x2048xf32, #tpu.memory_space<vmem_shared>> -> memref<1x128xf32, #tpu.memory_space<vmem_shared>>
    %dma_wait3A_924 = tpu.memref_squeeze %dma_wait3A_923 : memref<1x128xf32, #tpu.memory_space<vmem_shared>> -> memref<128xf32, #tpu.memory_space<vmem_shared>>
    tpu.wait_dma2 semaphore(%arg13 : memref<!tpu.dma_semaphore, #tpu.memory_space<semaphore_mem>>) src(%dma_wait3A_924 : memref<128xf32, #tpu.memory_space<vmem_shared>>) dst(%dma_wait3A_921 : memref<128xf32, #tpu.memory_space<vmem>>)
    %dma_wait3A_925 = arith.constant 15 : i32
    %dma_wait3A_926 = arith.constant 1920 : i32
    %dma_wait3A_927 = tpu.memref_slice %arg6[%dma_wait3A_926] : memref<32768xf32, #tpu.memory_space<vmem>> -> memref<128xf32, #tpu.memory_space<vmem>>
    %dma_wait3A_928 = arith.constant 0 : i32
    %dma_wait3A_929 = tpu.memref_slice %arg11[%dma_wait3A_925, %dma_wait3A_928] : memref<16x2048xf32, #tpu.memory_space<vmem_shared>> -> memref<1x128xf32, #tpu.memory_space<vmem_shared>>
    %dma_wait3A_930 = tpu.memref_squeeze %dma_wait3A_929 : memref<1x128xf32, #tpu.memory_space<vmem_shared>> -> memref<128xf32, #tpu.memory_space<vmem_shared>>
    %dma_wait3A_931 = arith.constant 1920 : i32
    %dma_wait3A_932 = tpu.memref_slice %arg6[%dma_wait3A_931] : memref<32768xf32, #tpu.memory_space<vmem>> -> memref<128xf32, #tpu.memory_space<vmem>>
    %dma_wait3A_933 = arith.constant 0 : i32
    %dma_wait3A_934 = tpu.memref_slice %arg11[%dma_wait3A_925, %dma_wait3A_933] : memref<16x2048xf32, #tpu.memory_space<vmem_shared>> -> memref<1x128xf32, #tpu.memory_space<vmem_shared>>
    %dma_wait3A_935 = tpu.memref_squeeze %dma_wait3A_934 : memref<1x128xf32, #tpu.memory_space<vmem_shared>> -> memref<128xf32, #tpu.memory_space<vmem_shared>>
    tpu.wait_dma2 semaphore(%arg13 : memref<!tpu.dma_semaphore, #tpu.memory_space<semaphore_mem>>) src(%dma_wait3A_935 : memref<128xf32, #tpu.memory_space<vmem_shared>>) dst(%dma_wait3A_932 : memref<128xf32, #tpu.memory_space<vmem>>)
    %parallel_loop3A_936 = arith.constant 0 : i32
    %parallel_loop3A_937 = arith.constant 8 : i32
    %parallel_loop3A_938 = arith.constant 1 : i32
    scf.for %parallel_loop3A_1131 = %parallel_loop3A_936 to %parallel_loop3A_937 step %parallel_loop3A_938  : i32 {
      %parallel_loop3A_1132 = arith.constant 16 : i32
      %parallel_loop3A_1133 = arith.muli %parallel_loop3A_1131, %parallel_loop3A_1132 : i32
      %parallel_loop3A_1134 = arith.index_cast %parallel_loop3A_1133 : i32 to index
      %parallel_loop3A_1135 = tpu.vector_load %arg6[%parallel_loop3A_1134] {strides = array<i32>} : memref<32768xf32, #tpu.memory_space<vmem>>, vector<16xf32>,
      %parallel_loop3A_1136 = arith.constant 128 : i32
      %parallel_loop3A_1137 = arith.addi %parallel_loop3A_1136, %parallel_loop3A_1133 : i32
      %parallel_loop3A_1138 = arith.index_cast %parallel_loop3A_1137 : i32 to index
      %parallel_loop3A_1139 = tpu.vector_load %arg6[%parallel_loop3A_1138] {strides = array<i32>} : memref<32768xf32, #tpu.memory_space<vmem>>, vector<16xf32>,
      %parallel_loop3A_1140 = arith.addf %parallel_loop3A_1135, %parallel_loop3A_1139 : vector<16xf32>
      %parallel_loop3A_1141 = arith.constant 256 : i32
      %parallel_loop3A_1142 = arith.addi %parallel_loop3A_1141, %parallel_loop3A_1133 : i32
      %parallel_loop3A_1143 = arith.index_cast %parallel_loop3A_1142 : i32 to index
      %parallel_loop3A_1144 = tpu.vector_load %arg6[%parallel_loop3A_1143] {strides = array<i32>} : memref<32768xf32, #tpu.memory_space<vmem>>, vector<16xf32>,
      %parallel_loop3A_1145 = arith.addf %parallel_loop3A_1140, %parallel_loop3A_1144 : vector<16xf32>
      %parallel_loop3A_1146 = arith.constant 384 : i32
      %parallel_loop3A_1147 = arith.addi %parallel_loop3A_1146, %parallel_loop3A_1133 : i32
      %parallel_loop3A_1148 = arith.index_cast %parallel_loop3A_1147 : i32 to index
      %parallel_loop3A_1149 = tpu.vector_load %arg6[%parallel_loop3A_1148] {strides = array<i32>} : memref<32768xf32, #tpu.memory_space<vmem>>, vector<16xf32>,
      %parallel_loop3A_1150 = arith.addf %parallel_loop3A_1145, %parallel_loop3A_1149 : vector<16xf32>
      %parallel_loop3A_1151 = arith.constant 512 : i32
      %parallel_loop3A_1152 = arith.addi %parallel_loop3A_1151, %parallel_loop3A_1133 : i32
      %parallel_loop3A_1153 = arith.index_cast %parallel_loop3A_1152 : i32 to index
      %parallel_loop3A_1154 = tpu.vector_load %arg6[%parallel_loop3A_1153] {strides = array<i32>} : memref<32768xf32, #tpu.memory_space<vmem>>, vector<16xf32>,
      %parallel_loop3A_1155 = arith.addf %parallel_loop3A_1150, %parallel_loop3A_1154 : vector<16xf32>
      %parallel_loop3A_1156 = arith.constant 640 : i32
      %parallel_loop3A_1157 = arith.addi %parallel_loop3A_1156, %parallel_loop3A_1133 : i32
      %parallel_loop3A_1158 = arith.index_cast %parallel_loop3A_1157 : i32 to index
      %parallel_loop3A_1159 = tpu.vector_load %arg6[%parallel_loop3A_1158] {strides = array<i32>} : memref<32768xf32, #tpu.memory_space<vmem>>, vector<16xf32>,
      %parallel_loop3A_1160 = arith.addf %parallel_loop3A_1155, %parallel_loop3A_1159 : vector<16xf32>
      %parallel_loop3A_1161 = arith.constant 768 : i32
      %parallel_loop3A_1162 = arith.addi %parallel_loop3A_1161, %parallel_loop3A_1133 : i32
      %parallel_loop3A_1163 = arith.index_cast %parallel_loop3A_1162 : i32 to index
      %parallel_loop3A_1164 = tpu.vector_load %arg6[%parallel_loop3A_1163] {strides = array<i32>} : memref<32768xf32, #tpu.memory_space<vmem>>, vector<16xf32>,
      %parallel_loop3A_1165 = arith.addf %parallel_loop3A_1160, %parallel_loop3A_1164 : vector<16xf32>
      %parallel_loop3A_1166 = arith.constant 896 : i32
      %parallel_loop3A_1167 = arith.addi %parallel_loop3A_1166, %parallel_loop3A_1133 : i32
      %parallel_loop3A_1168 = arith.index_cast %parallel_loop3A_1167 : i32 to index
      %parallel_loop3A_1169 = tpu.vector_load %arg6[%parallel_loop3A_1168] {strides = array<i32>} : memref<32768xf32, #tpu.memory_space<vmem>>, vector<16xf32>,
      %parallel_loop3A_1170 = arith.addf %parallel_loop3A_1165, %parallel_loop3A_1169 : vector<16xf32>
      %parallel_loop3A_1171 = arith.constant 1024 : i32
      %parallel_loop3A_1172 = arith.addi %parallel_loop3A_1171, %parallel_loop3A_1133 : i32
      %parallel_loop3A_1173 = arith.index_cast %parallel_loop3A_1172 : i32 to index
      %parallel_loop3A_1174 = tpu.vector_load %arg6[%parallel_loop3A_1173] {strides = array<i32>} : memref<32768xf32, #tpu.memory_space<vmem>>, vector<16xf32>,
      %parallel_loop3A_1175 = arith.addf %parallel_loop3A_1170, %parallel_loop3A_1174 : vector<16xf32>
      %parallel_loop3A_1176 = arith.constant 1152 : i32
      %parallel_loop3A_1177 = arith.addi %parallel_loop3A_1176, %parallel_loop3A_1133 : i32
      %parallel_loop3A_1178 = arith.index_cast %parallel_loop3A_1177 : i32 to index
      %parallel_loop3A_1179 = tpu.vector_load %arg6[%parallel_loop3A_1178] {strides = array<i32>} : memref<32768xf32, #tpu.memory_space<vmem>>, vector<16xf32>,
      %parallel_loop3A_1180 = arith.addf %parallel_loop3A_1175, %parallel_loop3A_1179 : vector<16xf32>
      %parallel_loop3A_1181 = arith.constant 1280 : i32
      %parallel_loop3A_1182 = arith.addi %parallel_loop3A_1181, %parallel_loop3A_1133 : i32
      %parallel_loop3A_1183 = arith.index_cast %parallel_loop3A_1182 : i32 to index
      %parallel_loop3A_1184 = tpu.vector_load %arg6[%parallel_loop3A_1183] {strides = array<i32>} : memref<32768xf32, #tpu.memory_space<vmem>>, vector<16xf32>,
      %parallel_loop3A_1185 = arith.addf %parallel_loop3A_1180, %parallel_loop3A_1184 : vector<16xf32>
      %parallel_loop3A_1186 = arith.constant 1408 : i32
      %parallel_loop3A_1187 = arith.addi %parallel_loop3A_1186, %parallel_loop3A_1133 : i32
      %parallel_loop3A_1188 = arith.index_cast %parallel_loop3A_1187 : i32 to index
      %parallel_loop3A_1189 = tpu.vector_load %arg6[%parallel_loop3A_1188] {strides = array<i32>} : memref<32768xf32, #tpu.memory_space<vmem>>, vector<16xf32>,
      %parallel_loop3A_1190 = arith.addf %parallel_loop3A_1185, %parallel_loop3A_1189 : vector<16xf32>
      %parallel_loop3A_1191 = arith.constant 1536 : i32
      %parallel_loop3A_1192 = arith.addi %parallel_loop3A_1191, %parallel_loop3A_1133 : i32
      %parallel_loop3A_1193 = arith.index_cast %parallel_loop3A_1192 : i32 to index
      %parallel_loop3A_1194 = tpu.vector_load %arg6[%parallel_loop3A_1193] {strides = array<i32>} : memref<32768xf32, #tpu.memory_space<vmem>>, vector<16xf32>,
      %parallel_loop3A_1195 = arith.addf %parallel_loop3A_1190, %parallel_loop3A_1194 : vector<16xf32>
      %parallel_loop3A_1196 = arith.constant 1664 : i32
      %parallel_loop3A_1197 = arith.addi %parallel_loop3A_1196, %parallel_loop3A_1133 : i32
      %parallel_loop3A_1198 = arith.index_cast %parallel_loop3A_1197 : i32 to index
      %parallel_loop3A_1199 = tpu.vector_load %arg6[%parallel_loop3A_1198] {strides = array<i32>} : memref<32768xf32, #tpu.memory_space<vmem>>, vector<16xf32>,
      %parallel_loop3A_1200 = arith.addf %parallel_loop3A_1195, %parallel_loop3A_1199 : vector<16xf32>
      %parallel_loop3A_1201 = arith.constant 1792 : i32
      %parallel_loop3A_1202 = arith.addi %parallel_loop3A_1201, %parallel_loop3A_1133 : i32
      %parallel_loop3A_1203 = arith.index_cast %parallel_loop3A_1202 : i32 to index
      %parallel_loop3A_1204 = tpu.vector_load %arg6[%parallel_loop3A_1203] {strides = array<i32>} : memref<32768xf32, #tpu.memory_space<vmem>>, vector<16xf32>,
      %parallel_loop3A_1205 = arith.addf %parallel_loop3A_1200, %parallel_loop3A_1204 : vector<16xf32>
      %parallel_loop3A_1206 = arith.constant 1920 : i32
      %parallel_loop3A_1207 = arith.addi %parallel_loop3A_1206, %parallel_loop3A_1133 : i32
      %parallel_loop3A_1208 = arith.index_cast %parallel_loop3A_1207 : i32 to index
      %parallel_loop3A_1209 = tpu.vector_load %arg6[%parallel_loop3A_1208] {strides = array<i32>} : memref<32768xf32, #tpu.memory_space<vmem>>, vector<16xf32>,
      %parallel_loop3A_1210 = arith.addf %parallel_loop3A_1205, %parallel_loop3A_1209 : vector<16xf32>
      %parallel_loop3A_1211 = arith.index_cast %parallel_loop3A_1133 : i32 to index
      %parallel_loop3A_1212 = tpu.vector_load %arg8[%parallel_loop3A_1211] {strides = array<i32>} : memref<2048xf32, #tpu.memory_space<vmem>>, vector<16xf32>,
      tpu.vector_store %arg8[%parallel_loop3A_1211], %parallel_loop3A_1210 {strides = array<i32>} : memref<2048xf32, #tpu.memory_space<vmem>>, vector<16xf32>,
    } {sc.loop_unroll_factor = 2 : i64, sc.parallel_access}
    %barrier3A_939 = arith.constant 0 : index
    tpu.barrier barrier_id(%barrier3A_939)
    %sub3A_940 = arith.subf %min3A, %add3A_543 : vector<16xf32>
    %scan3A_941 = arith.constant 0 : i32
    %scan3A_942 = arith.constant 2 : i32
    %scan3A_943 = arith.addi %scan3A_941, %scan3A_942 : i32
    %scan3A_944 = arith.constant 1 : i32
    %scan3A_945 = scf.for %scan3A_1131 = %scan3A_941 to %scan3A_943 step %scan3A_944 iter_args(%scan3A_1132 = %broadcast_in_dim3A_39) -> (vector<16xf32>)  : i32 {
      %mul3A_1133 = arith.constant 16 : i32
      %mul3A_1134 = arith.muli %scan3A_1131, %mul3A_1133 : i32
      %get3A_1135 = arith.index_cast %mul3A_1134 : i32 to index
      %get3A_1136 = tpu.vector_load %arg8[%get3A_1135] {strides = array<i32>} : memref<2048xf32, #tpu.memory_space<vmem>>, vector<16xf32>,
      %add3A_1137 = arith.addf %scan3A_1132, %get3A_1136 : vector<16xf32>
      scf.yield %add3A_1137 : vector<16xf32>
    }
    %scan3A_946 = arith.constant 2 : i32
    %xor3A_947 = arith.constant 1 : i32
    %xor3A_948 = vector.broadcast %xor3A_947 : i32 to vector<16xi32>
    %xor3A_949 = arith.xori %iota3A, %xor3A_948 : vector<16xi32>
    %broadcast_in_dim3A_950 = vector.shape_cast %xor3A_949 : vector<16xi32> to vector<16x1xi32>
    %gather3A_951 = vector.shape_cast %broadcast_in_dim3A_950 : vector<16x1xi32> to vector<16xi32>
    %gather3A_952 = tpu.dynamic_gather %scan3A_945[%gather3A_951] in [0] : vector<16xf32>, vector<16xi32> -> vector<16xf32>
    %add3A_953 = arith.addf %scan3A_945, %gather3A_952 : vector<16xf32>
    %xor3A_954 = arith.constant 2 : i32
    %xor3A_955 = vector.broadcast %xor3A_954 : i32 to vector<16xi32>
    %xor3A_956 = arith.xori %iota3A, %xor3A_955 : vector<16xi32>
    %broadcast_in_dim3A_957 = vector.shape_cast %xor3A_956 : vector<16xi32> to vector<16x1xi32>
    %gather3A_958 = vector.shape_cast %broadcast_in_dim3A_957 : vector<16x1xi32> to vector<16xi32>
    %gather3A_959 = tpu.dynamic_gather %add3A_953[%gather3A_958] in [0] : vector<16xf32>, vector<16xi32> -> vector<16xf32>
    %add3A_960 = arith.addf %add3A_953, %gather3A_959 : vector<16xf32>
    %xor3A_961 = arith.constant 4 : i32
    %xor3A_962 = vector.broadcast %xor3A_961 : i32 to vector<16xi32>
    %xor3A_963 = arith.xori %iota3A, %xor3A_962 : vector<16xi32>
    %broadcast_in_dim3A_964 = vector.shape_cast %xor3A_963 : vector<16xi32> to vector<16x1xi32>
    %gather3A_965 = vector.shape_cast %broadcast_in_dim3A_964 : vector<16x1xi32> to vector<16xi32>
    %gather3A_966 = tpu.dynamic_gather %add3A_960[%gather3A_965] in [0] : vector<16xf32>, vector<16xi32> -> vector<16xf32>
    %add3A_967 = arith.addf %add3A_960, %gather3A_966 : vector<16xf32>
    %xor3A_968 = arith.constant 8 : i32
    %xor3A_969 = vector.broadcast %xor3A_968 : i32 to vector<16xi32>
    %xor3A_970 = arith.xori %iota3A, %xor3A_969 : vector<16xi32>
    %broadcast_in_dim3A_971 = vector.shape_cast %xor3A_970 : vector<16xi32> to vector<16x1xi32>
    %gather3A_972 = vector.shape_cast %broadcast_in_dim3A_971 : vector<16x1xi32> to vector<16xi32>
    %gather3A_973 = tpu.dynamic_gather %add3A_967[%gather3A_972] in [0] : vector<16xf32>, vector<16xi32> -> vector<16xf32>
    %add3A_974 = arith.addf %add3A_967, %gather3A_973 : vector<16xf32>
    %sub3A_975 = arith.subf %add3A_974, %sub3A_940 : vector<16xf32>
    %scan3A_976 = arith.constant 0 : i32
    %scan3A_977 = arith.constant 2 : i32
    %scan3A_978 = arith.addi %scan3A_976, %scan3A_977 : i32
    %scan3A_979 = arith.constant 1 : i32
    %scan3A_980:2 = scf.for %scan3A_1131 = %scan3A_976 to %scan3A_978 step %scan3A_979 iter_args(%scan3A_1132 = %broadcast_in_dim3A_39, %scan3A_1133 = %broadcast_in_dim3A_39) -> (vector<16xf32>, vector<16xf32>)  : i32 {
      %mul3A_1134 = arith.constant 16 : i32
      %mul3A_1135 = arith.muli %scan3A_1131, %mul3A_1134 : i32
      %get3A_1136 = arith.index_cast %mul3A_1135 : i32 to index
      %get3A_1137 = tpu.vector_load %arg8[%get3A_1136] {strides = array<i32>} : memref<2048xf32, #tpu.memory_space<vmem>>, vector<16xf32>,
      %sub3A_1138 = arith.constant 1 : i32
      %sub3A_1139 = vector.broadcast %sub3A_1138 : i32 to vector<16xi32>
      %sub3A_1140 = arith.subi %iota3A, %sub3A_1139 : vector<16xi32>
      %max3A = arith.constant 0 : i32
      %max3A_1141 = vector.broadcast %max3A : i32 to vector<16xi32>
      %max3A_1142 = arith.maxsi %sub3A_1140, %max3A_1141 : vector<16xi32>
      %broadcast_in_dim3A_1143 = vector.shape_cast %max3A_1142 : vector<16xi32> to vector<16x1xi32>
      %gather3A_1144 = vector.shape_cast %broadcast_in_dim3A_1143 : vector<16x1xi32> to vector<16xi32>
      %gather3A_1145 = tpu.dynamic_gather %get3A_1137[%gather3A_1144] in [0] : vector<16xf32>, vector<16xi32> -> vector<16xf32>
      %ge3A = arith.constant 1 : i32
      %ge3A_1146 = vector.broadcast %ge3A : i32 to vector<16xi32>
      %ge3A_1147 = arith.cmpi sge, %iota3A, %ge3A_1146 : vector<16xi32>
      %select_n3A_1148 = arith.select %ge3A_1147, %gather3A_1145, %broadcast_in_dim3A_39 : vector<16xi1>, vector<16xf32>
      %add3A_1149 = arith.addf %get3A_1137, %select_n3A_1148 : vector<16xf32>
      %sub3A_1150 = arith.constant 2 : i32
      %sub3A_1151 = vector.broadcast %sub3A_1150 : i32 to vector<16xi32>
      %sub3A_1152 = arith.subi %iota3A, %sub3A_1151 : vector<16xi32>
      %max3A_1153 = arith.constant 0 : i32
      %max3A_1154 = vector.broadcast %max3A_1153 : i32 to vector<16xi32>
      %max3A_1155 = arith.maxsi %sub3A_1152, %max3A_1154 : vector<16xi32>
      %broadcast_in_dim3A_1156 = vector.shape_cast %max3A_1155 : vector<16xi32> to vector<16x1xi32>
      %gather3A_1157 = vector.shape_cast %broadcast_in_dim3A_1156 : vector<16x1xi32> to vector<16xi32>
      %gather3A_1158 = tpu.dynamic_gather %add3A_1149[%gather3A_1157] in [0] : vector<16xf32>, vector<16xi32> -> vector<16xf32>
      %ge3A_1159 = arith.constant 2 : i32
      %ge3A_1160 = vector.broadcast %ge3A_1159 : i32 to vector<16xi32>
      %ge3A_1161 = arith.cmpi sge, %iota3A, %ge3A_1160 : vector<16xi32>
      %select_n3A_1162 = arith.select %ge3A_1161, %gather3A_1158, %broadcast_in_dim3A_39 : vector<16xi1>, vector<16xf32>
      %add3A_1163 = arith.addf %add3A_1149, %select_n3A_1162 : vector<16xf32>
      %sub3A_1164 = arith.constant 4 : i32
      %sub3A_1165 = vector.broadcast %sub3A_1164 : i32 to vector<16xi32>
      %sub3A_1166 = arith.subi %iota3A, %sub3A_1165 : vector<16xi32>
      %max3A_1167 = arith.constant 0 : i32
      %max3A_1168 = vector.broadcast %max3A_1167 : i32 to vector<16xi32>
      %max3A_1169 = arith.maxsi %sub3A_1166, %max3A_1168 : vector<16xi32>
      %broadcast_in_dim3A_1170 = vector.shape_cast %max3A_1169 : vector<16xi32> to vector<16x1xi32>
      %gather3A_1171 = vector.shape_cast %broadcast_in_dim3A_1170 : vector<16x1xi32> to vector<16xi32>
      %gather3A_1172 = tpu.dynamic_gather %add3A_1163[%gather3A_1171] in [0] : vector<16xf32>, vector<16xi32> -> vector<16xf32>
      %ge3A_1173 = arith.constant 4 : i32
      %ge3A_1174 = vector.broadcast %ge3A_1173 : i32 to vector<16xi32>
      %ge3A_1175 = arith.cmpi sge, %iota3A, %ge3A_1174 : vector<16xi32>
      %select_n3A_1176 = arith.select %ge3A_1175, %gather3A_1172, %broadcast_in_dim3A_39 : vector<16xi1>, vector<16xf32>
      %add3A_1177 = arith.addf %add3A_1163, %select_n3A_1176 : vector<16xf32>
      %sub3A_1178 = arith.constant 8 : i32
      %sub3A_1179 = vector.broadcast %sub3A_1178 : i32 to vector<16xi32>
      %sub3A_1180 = arith.subi %iota3A, %sub3A_1179 : vector<16xi32>
      %max3A_1181 = arith.constant 0 : i32
      %max3A_1182 = vector.broadcast %max3A_1181 : i32 to vector<16xi32>
      %max3A_1183 = arith.maxsi %sub3A_1180, %max3A_1182 : vector<16xi32>
      %broadcast_in_dim3A_1184 = vector.shape_cast %max3A_1183 : vector<16xi32> to vector<16x1xi32>
      %gather3A_1185 = vector.shape_cast %broadcast_in_dim3A_1184 : vector<16x1xi32> to vector<16xi32>
      %gather3A_1186 = tpu.dynamic_gather %add3A_1177[%gather3A_1185] in [0] : vector<16xf32>, vector<16xi32> -> vector<16xf32>
      %ge3A_1187 = arith.constant 8 : i32
      %ge3A_1188 = vector.broadcast %ge3A_1187 : i32 to vector<16xi32>
      %ge3A_1189 = arith.cmpi sge, %iota3A, %ge3A_1188 : vector<16xi32>
      %select_n3A_1190 = arith.select %ge3A_1189, %gather3A_1186, %broadcast_in_dim3A_39 : vector<16xi1>, vector<16xf32>
      %add3A_1191 = arith.addf %add3A_1177, %select_n3A_1190 : vector<16xf32>
      %sub3A_1192 = arith.subf %add3A_1191, %get3A_1137 : vector<16xf32>
      %add3A_1193 = arith.addf %scan3A_1132, %sub3A_1192 : vector<16xf32>
      %le3A = arith.cmpf ole, %add3A_1193, %sub3A_975 : vector<16xf32>
      %jit3A_1194 = arith.constant 1.000000e+00 : f32
      %jit3A_1195 = arith.constant 0.000000e+00 : f32
      %broadcast_in_dim3A_1196 = vector.broadcast %jit3A_1194 : f32 to vector<16xf32>
      %broadcast_in_dim3A_1197 = vector.broadcast %jit3A_1195 : f32 to vector<16xf32>
      %select_n3A_1198 = arith.select %le3A, %broadcast_in_dim3A_1196, %broadcast_in_dim3A_1197 : vector<16xi1>, vector<16xf32>
      %add3A_1199 = arith.addf %scan3A_1133, %select_n3A_1198 : vector<16xf32>
      %broadcast_in_dim3A_1200 = vector.shape_cast %broadcast_in_dim3A_41 : vector<16xi32> to vector<16x1xi32>
      %gather3A_1201 = vector.shape_cast %broadcast_in_dim3A_1200 : vector<16x1xi32> to vector<16xi32>
      %gather3A_1202 = tpu.dynamic_gather %add3A_1191[%gather3A_1201] in [0] : vector<16xf32>, vector<16xi32> -> vector<16xf32>
      %add3A_1203 = arith.addf %scan3A_1132, %gather3A_1202 : vector<16xf32>
      scf.yield %add3A_1203, %add3A_1199 : vector<16xf32>, vector<16xf32>
    }
    %scan3A_981 = arith.constant 2 : i32
    %xor3A_982 = arith.constant 1 : i32
    %xor3A_983 = vector.broadcast %xor3A_982 : i32 to vector<16xi32>
    %xor3A_984 = arith.xori %iota3A, %xor3A_983 : vector<16xi32>
    %broadcast_in_dim3A_985 = vector.shape_cast %xor3A_984 : vector<16xi32> to vector<16x1xi32>
    %gather3A_986 = vector.shape_cast %broadcast_in_dim3A_985 : vector<16x1xi32> to vector<16xi32>
    %gather3A_987 = tpu.dynamic_gather %scan3A_980#1[%gather3A_986] in [0] : vector<16xf32>, vector<16xi32> -> vector<16xf32>
    %add3A_988 = arith.addf %scan3A_980#1, %gather3A_987 : vector<16xf32>
    %xor3A_989 = arith.constant 2 : i32
    %xor3A_990 = vector.broadcast %xor3A_989 : i32 to vector<16xi32>
    %xor3A_991 = arith.xori %iota3A, %xor3A_990 : vector<16xi32>
    %broadcast_in_dim3A_992 = vector.shape_cast %xor3A_991 : vector<16xi32> to vector<16x1xi32>
    %gather3A_993 = vector.shape_cast %broadcast_in_dim3A_992 : vector<16x1xi32> to vector<16xi32>
    %gather3A_994 = tpu.dynamic_gather %add3A_988[%gather3A_993] in [0] : vector<16xf32>, vector<16xi32> -> vector<16xf32>
    %add3A_995 = arith.addf %add3A_988, %gather3A_994 : vector<16xf32>
    %xor3A_996 = arith.constant 4 : i32
    %xor3A_997 = vector.broadcast %xor3A_996 : i32 to vector<16xi32>
    %xor3A_998 = arith.xori %iota3A, %xor3A_997 : vector<16xi32>
    %broadcast_in_dim3A_999 = vector.shape_cast %xor3A_998 : vector<16xi32> to vector<16x1xi32>
    %gather3A_1000 = vector.shape_cast %broadcast_in_dim3A_999 : vector<16x1xi32> to vector<16xi32>
    %gather3A_1001 = tpu.dynamic_gather %add3A_995[%gather3A_1000] in [0] : vector<16xf32>, vector<16xi32> -> vector<16xf32>
    %add3A_1002 = arith.addf %add3A_995, %gather3A_1001 : vector<16xf32>
    %xor3A_1003 = arith.constant 8 : i32
    %xor3A_1004 = vector.broadcast %xor3A_1003 : i32 to vector<16xi32>
    %xor3A_1005 = arith.xori %iota3A, %xor3A_1004 : vector<16xi32>
    %broadcast_in_dim3A_1006 = vector.shape_cast %xor3A_1005 : vector<16xi32> to vector<16x1xi32>
    %gather3A_1007 = vector.shape_cast %broadcast_in_dim3A_1006 : vector<16x1xi32> to vector<16xi32>
    %gather3A_1008 = tpu.dynamic_gather %add3A_1002[%gather3A_1007] in [0] : vector<16xf32>, vector<16xi32> -> vector<16xf32>
    %add3A_1009 = arith.addf %add3A_1002, %gather3A_1008 : vector<16xf32>
    %sub3A_1010 = arith.constant 1.000000e+00 : f32
    %sub3A_1011 = vector.broadcast %sub3A_1010 : f32 to vector<16xf32>
    %sub3A_1012 = arith.subf %add3A_1009, %sub3A_1011 : vector<16xf32>
    %convert_element_type3A_1013 = arith.fptosi %sub3A_1012 : vector<16xf32> to vector<16xi32>
    %scan3A_1014 = arith.constant 0 : i32
    %scan3A_1015 = arith.constant 2 : i32
    %scan3A_1016 = arith.addi %scan3A_1014, %scan3A_1015 : i32
    %scan3A_1017 = arith.constant 1 : i32
    %scan3A_1018:2 = scf.for %scan3A_1131 = %scan3A_1014 to %scan3A_1016 step %scan3A_1017 iter_args(%scan3A_1132 = %broadcast_in_dim3A_39, %scan3A_1133 = %broadcast_in_dim3A_39) -> (vector<16xf32>, vector<16xf32>)  : i32 {
      %mul3A_1134 = arith.constant 16 : i32
      %mul3A_1135 = arith.muli %scan3A_1131, %mul3A_1134 : i32
      %add3A_1136 = vector.broadcast %mul3A_1135 : i32 to vector<16xi32>
      %add3A_1137 = arith.addi %iota3A, %add3A_1136 : vector<16xi32>
      %gt3A_1138 = arith.cmpi sgt, %add3A_1137, %convert_element_type3A_1013 : vector<16xi32>
      %mul3A_1139 = arith.constant 16 : i32
      %mul3A_1140 = arith.muli %scan3A_1131, %mul3A_1139 : i32
      %get3A_1141 = arith.index_cast %mul3A_1140 : i32 to index
      %get3A_1142 = tpu.vector_load %arg8[%get3A_1141] {strides = array<i32>} : memref<2048xf32, #tpu.memory_space<vmem>>, vector<16xf32>,
      %select_n3A_1143 = arith.select %gt3A_1138, %get3A_1142, %broadcast_in_dim3A_39 : vector<16xi1>, vector<16xf32>
      %add3A_1144 = arith.addf %scan3A_1132, %select_n3A_1143 : vector<16xf32>
      %mul3A_1145 = arith.constant 16 : i32
      %mul3A_1146 = arith.muli %scan3A_1131, %mul3A_1145 : i32
      %add3A_1147 = arith.constant 32 : i32
      %add3A_1148 = arith.addi %add3A_1147, %mul3A_1146 : i32
      %get3A_1149 = arith.index_cast %add3A_1148 : i32 to index
      %get3A_1150 = tpu.vector_load %arg8[%get3A_1149] {strides = array<i32>} : memref<2048xf32, #tpu.memory_space<vmem>>, vector<16xf32>,
      %select_n3A_1151 = arith.select %gt3A_1138, %get3A_1150, %broadcast_in_dim3A_39 : vector<16xi1>, vector<16xf32>
      %add3A_1152 = arith.addf %scan3A_1133, %select_n3A_1151 : vector<16xf32>
      scf.yield %add3A_1144, %add3A_1152 : vector<16xf32>, vector<16xf32>
    }
    %scan3A_1019 = arith.constant 2 : i32
    %xor3A_1020 = arith.constant 1 : i32
    %xor3A_1021 = vector.broadcast %xor3A_1020 : i32 to vector<16xi32>
    %xor3A_1022 = arith.xori %iota3A, %xor3A_1021 : vector<16xi32>
    %broadcast_in_dim3A_1023 = vector.shape_cast %xor3A_1022 : vector<16xi32> to vector<16x1xi32>
    %gather3A_1024 = vector.shape_cast %broadcast_in_dim3A_1023 : vector<16x1xi32> to vector<16xi32>
    %gather3A_1025 = tpu.dynamic_gather %scan3A_1018#0[%gather3A_1024] in [0] : vector<16xf32>, vector<16xi32> -> vector<16xf32>
    %add3A_1026 = arith.addf %scan3A_1018#0, %gather3A_1025 : vector<16xf32>
    %xor3A_1027 = arith.constant 2 : i32
    %xor3A_1028 = vector.broadcast %xor3A_1027 : i32 to vector<16xi32>
    %xor3A_1029 = arith.xori %iota3A, %xor3A_1028 : vector<16xi32>
    %broadcast_in_dim3A_1030 = vector.shape_cast %xor3A_1029 : vector<16xi32> to vector<16x1xi32>
    %gather3A_1031 = vector.shape_cast %broadcast_in_dim3A_1030 : vector<16x1xi32> to vector<16xi32>
    %gather3A_1032 = tpu.dynamic_gather %add3A_1026[%gather3A_1031] in [0] : vector<16xf32>, vector<16xi32> -> vector<16xf32>
    %add3A_1033 = arith.addf %add3A_1026, %gather3A_1032 : vector<16xf32>
    %xor3A_1034 = arith.constant 4 : i32
    %xor3A_1035 = vector.broadcast %xor3A_1034 : i32 to vector<16xi32>
    %xor3A_1036 = arith.xori %iota3A, %xor3A_1035 : vector<16xi32>
    %broadcast_in_dim3A_1037 = vector.shape_cast %xor3A_1036 : vector<16xi32> to vector<16x1xi32>
    %gather3A_1038 = vector.shape_cast %broadcast_in_dim3A_1037 : vector<16x1xi32> to vector<16xi32>
    %gather3A_1039 = tpu.dynamic_gather %add3A_1033[%gather3A_1038] in [0] : vector<16xf32>, vector<16xi32> -> vector<16xf32>
    %add3A_1040 = arith.addf %add3A_1033, %gather3A_1039 : vector<16xf32>
    %xor3A_1041 = arith.constant 8 : i32
    %xor3A_1042 = vector.broadcast %xor3A_1041 : i32 to vector<16xi32>
    %xor3A_1043 = arith.xori %iota3A, %xor3A_1042 : vector<16xi32>
    %broadcast_in_dim3A_1044 = vector.shape_cast %xor3A_1043 : vector<16xi32> to vector<16x1xi32>
    %gather3A_1045 = vector.shape_cast %broadcast_in_dim3A_1044 : vector<16x1xi32> to vector<16xi32>
    %gather3A_1046 = tpu.dynamic_gather %add3A_1040[%gather3A_1045] in [0] : vector<16xf32>, vector<16xi32> -> vector<16xf32>
    %add3A_1047 = arith.addf %add3A_1040, %gather3A_1046 : vector<16xf32>
    %xor3A_1048 = arith.constant 1 : i32
    %xor3A_1049 = vector.broadcast %xor3A_1048 : i32 to vector<16xi32>
    %xor3A_1050 = arith.xori %iota3A, %xor3A_1049 : vector<16xi32>
    %broadcast_in_dim3A_1051 = vector.shape_cast %xor3A_1050 : vector<16xi32> to vector<16x1xi32>
    %gather3A_1052 = vector.shape_cast %broadcast_in_dim3A_1051 : vector<16x1xi32> to vector<16xi32>
    %gather3A_1053 = tpu.dynamic_gather %scan3A_1018#1[%gather3A_1052] in [0] : vector<16xf32>, vector<16xi32> -> vector<16xf32>
    %add3A_1054 = arith.addf %scan3A_1018#1, %gather3A_1053 : vector<16xf32>
    %xor3A_1055 = arith.constant 2 : i32
    %xor3A_1056 = vector.broadcast %xor3A_1055 : i32 to vector<16xi32>
    %xor3A_1057 = arith.xori %iota3A, %xor3A_1056 : vector<16xi32>
    %broadcast_in_dim3A_1058 = vector.shape_cast %xor3A_1057 : vector<16xi32> to vector<16x1xi32>
    %gather3A_1059 = vector.shape_cast %broadcast_in_dim3A_1058 : vector<16x1xi32> to vector<16xi32>
    %gather3A_1060 = tpu.dynamic_gather %add3A_1054[%gather3A_1059] in [0] : vector<16xf32>, vector<16xi32> -> vector<16xf32>
    %add3A_1061 = arith.addf %add3A_1054, %gather3A_1060 : vector<16xf32>
    %xor3A_1062 = arith.constant 4 : i32
    %xor3A_1063 = vector.broadcast %xor3A_1062 : i32 to vector<16xi32>
    %xor3A_1064 = arith.xori %iota3A, %xor3A_1063 : vector<16xi32>
    %broadcast_in_dim3A_1065 = vector.shape_cast %xor3A_1064 : vector<16xi32> to vector<16x1xi32>
    %gather3A_1066 = vector.shape_cast %broadcast_in_dim3A_1065 : vector<16x1xi32> to vector<16xi32>
    %gather3A_1067 = tpu.dynamic_gather %add3A_1061[%gather3A_1066] in [0] : vector<16xf32>, vector<16xi32> -> vector<16xf32>
    %add3A_1068 = arith.addf %add3A_1061, %gather3A_1067 : vector<16xf32>
    %xor3A_1069 = arith.constant 8 : i32
    %xor3A_1070 = vector.broadcast %xor3A_1069 : i32 to vector<16xi32>
    %xor3A_1071 = arith.xori %iota3A, %xor3A_1070 : vector<16xi32>
    %broadcast_in_dim3A_1072 = vector.shape_cast %xor3A_1071 : vector<16xi32> to vector<16x1xi32>
    %gather3A_1073 = vector.shape_cast %broadcast_in_dim3A_1072 : vector<16x1xi32> to vector<16xi32>
    %gather3A_1074 = tpu.dynamic_gather %add3A_1068[%gather3A_1073] in [0] : vector<16xf32>, vector<16xi32> -> vector<16xf32>
    %add3A_1075 = arith.addf %add3A_1068, %gather3A_1074 : vector<16xf32>
    %get3A_1076 = arith.constant 64 : index
    %get3A_1077 = tpu.vector_load %arg8[%get3A_1076] {strides = array<i32>} : memref<2048xf32, #tpu.memory_space<vmem>>, vector<16xf32>,
    %xor3A_1078 = arith.constant 1 : i32
    %xor3A_1079 = vector.broadcast %xor3A_1078 : i32 to vector<16xi32>
    %xor3A_1080 = arith.xori %iota3A, %xor3A_1079 : vector<16xi32>
    %broadcast_in_dim3A_1081 = vector.shape_cast %xor3A_1080 : vector<16xi32> to vector<16x1xi32>
    %gather3A_1082 = vector.shape_cast %broadcast_in_dim3A_1081 : vector<16x1xi32> to vector<16xi32>
    %gather3A_1083 = tpu.dynamic_gather %get3A_1077[%gather3A_1082] in [0] : vector<16xf32>, vector<16xi32> -> vector<16xf32>
    %add3A_1084 = arith.addf %get3A_1077, %gather3A_1083 : vector<16xf32>
    %xor3A_1085 = arith.constant 2 : i32
    %xor3A_1086 = vector.broadcast %xor3A_1085 : i32 to vector<16xi32>
    %xor3A_1087 = arith.xori %iota3A, %xor3A_1086 : vector<16xi32>
    %broadcast_in_dim3A_1088 = vector.shape_cast %xor3A_1087 : vector<16xi32> to vector<16x1xi32>
    %gather3A_1089 = vector.shape_cast %broadcast_in_dim3A_1088 : vector<16x1xi32> to vector<16xi32>
    %gather3A_1090 = tpu.dynamic_gather %add3A_1084[%gather3A_1089] in [0] : vector<16xf32>, vector<16xi32> -> vector<16xf32>
    %add3A_1091 = arith.addf %add3A_1084, %gather3A_1090 : vector<16xf32>
    %xor3A_1092 = arith.constant 4 : i32
    %xor3A_1093 = vector.broadcast %xor3A_1092 : i32 to vector<16xi32>
    %xor3A_1094 = arith.xori %iota3A, %xor3A_1093 : vector<16xi32>
    %broadcast_in_dim3A_1095 = vector.shape_cast %xor3A_1094 : vector<16xi32> to vector<16x1xi32>
    %gather3A_1096 = vector.shape_cast %broadcast_in_dim3A_1095 : vector<16x1xi32> to vector<16xi32>
    %gather3A_1097 = tpu.dynamic_gather %add3A_1091[%gather3A_1096] in [0] : vector<16xf32>, vector<16xi32> -> vector<16xf32>
    %add3A_1098 = arith.addf %add3A_1091, %gather3A_1097 : vector<16xf32>
    %xor3A_1099 = arith.constant 8 : i32
    %xor3A_1100 = vector.broadcast %xor3A_1099 : i32 to vector<16xi32>
    %xor3A_1101 = arith.xori %iota3A, %xor3A_1100 : vector<16xi32>
    %broadcast_in_dim3A_1102 = vector.shape_cast %xor3A_1101 : vector<16xi32> to vector<16x1xi32>
    %gather3A_1103 = vector.shape_cast %broadcast_in_dim3A_1102 : vector<16x1xi32> to vector<16xi32>
    %gather3A_1104 = tpu.dynamic_gather %add3A_1098[%gather3A_1103] in [0] : vector<16xf32>, vector<16xi32> -> vector<16xf32>
    %add3A_1105 = arith.addf %add3A_1098, %gather3A_1104 : vector<16xf32>
    %sub3A_1106 = arith.subf %min3A, %add3A_543 : vector<16xf32>
    %sub3A_1107 = arith.subf %sub3A_1106, %add3A_1047 : vector<16xf32>
    %shift_left3A = arith.constant 21 : i32
    %shift_left3A_1108 = vector.broadcast %shift_left3A : i32 to vector<16xi32>
    %shift_left3A_1109 = arith.shli %convert_element_type3A, %shift_left3A_1108 : vector<16xi32>
    %shift_left3A_1110 = arith.constant 16 : i32
    %shift_left3A_1111 = vector.broadcast %shift_left3A_1110 : i32 to vector<16xi32>
    %shift_left3A_1112 = arith.shli %convert_element_type3A_1013, %shift_left3A_1111 : vector<16xi32>
    %or3A = arith.ori %shift_left3A_1109, %shift_left3A_1112 : vector<16xi32>
    %bitcast_convert_type3A = tpu.bitcast %or3A : vector<16xi32> -> vector<16xf32>
    %add3A_1113 = arith.addf %add3A_1105, %add3A_1075 : vector<16xf32>
    %gt3A = arith.constant 0.000000e+00 : f32
    %gt3A_1114 = vector.broadcast %gt3A : f32 to vector<16xf32>
    %gt3A_1115 = arith.cmpf ogt, %sub3A_1107, %gt3A_1114 : vector<16xf32>
    %mul3A_1116 = arith.mulf %sub3A_1107, %bitcast_convert_type3A : vector<16xf32>
    %jit3A = arith.constant 0.000000e+00 : f32
    %broadcast_in_dim3A_1117 = vector.broadcast %jit3A : f32 to vector<16xf32>
    %select_n3A = arith.select %gt3A_1115, %mul3A_1116, %broadcast_in_dim3A_1117 : vector<16xi1>, vector<16xf32>
    %add3A_1118 = arith.addf %add3A_1113, %select_n3A : vector<16xf32>
    %add3A_1119 = arith.addf %get3A_35, %add3A_1118 : vector<16xf32>
    %add3A_1120 = arith.addf %get3A_31, %min3A : vector<16xf32>
    %add3A_1121 = arith.constant 9.99999997E-7 : f32
    %add3A_1122 = vector.broadcast %add3A_1121 : f32 to vector<16xf32>
    %add3A_1123 = arith.addf %add3A_1120, %add3A_1122 : vector<16xf32>
    %div3A = arith.divf %add3A_1119, %add3A_1123 : vector<16xf32>
    %swap3A_1124 = arith.constant 0 : index
    %swap3A_1125 = tpu.vector_load %arg10[%swap3A_1124] {strides = array<i32>} : memref<16xf32, #tpu.memory_space<vmem>>, vector<16xf32>,
    tpu.vector_store %arg10[%swap3A_1124], %div3A {strides = array<i32>} : memref<16xf32, #tpu.memory_space<vmem>>, vector<16xf32>,
    %eq3A = arith.constant 0 : i32
    %eq3A_1126 = arith.cmpi eq, %arg1, %eq3A : i32
    %eq3A_1127 = arith.constant 0 : i32
    %eq3A_1128 = arith.cmpi eq, %arg0, %eq3A_1127 : i32
    %and3A = arith.andi %eq3A_1126, %eq3A_1128 : i1
    %convert_element_type3A_1129 = arith.extui %and3A : i1 to i32
    %cond3A = arith.constant 0 : i32
    %cond3A_1130 = arith.cmpi ne, %convert_element_type3A_1129, %cond3A : i32
    scf.if %cond3A_1130 {
      "tpu.region"() ({
        %run_scoped3A = tpu.sem_alloc : memref<!tpu.dma_semaphore, #tpu.memory_space<semaphore_mem>>
        tpu.enqueue_dma source(%arg10 : memref<16xf32, #tpu.memory_space<vmem>>) target(%arg4 : memref<16xf32, #tpu.memory_space<hbm>>) target_semaphore(%run_scoped3A : memref<!tpu.dma_semaphore, #tpu.memory_space<semaphore_mem>>)
        tpu.wait_dma2 semaphore(%run_scoped3A : memref<!tpu.dma_semaphore, #tpu.memory_space<semaphore_mem>>) src(%arg10 : memref<16xf32, #tpu.memory_space<vmem>>) dst(%arg4 : memref<16xf32, #tpu.memory_space<hbm>>)
        tpu.yield
      }) : () -> ()
    } else {
    }
    return
  }
}

module attributes {stable_mosaic.version = 14 : i64} {
  func.func @_tc_body(%arg0: i32, %arg1: i32, %arg2: memref<1x512x512xf32, #tpu.memory_space<vmem>>, %arg3: memref<1x512x512xf32, #tpu.memory_space<vmem>>, %arg4: memref<1x512x512xf32, #tpu.memory_space<vmem>>, %arg5: memref<8192x128xi32, #tpu.memory_space<vmem>>, %arg6: memref<8x128xf32, #tpu.memory_space<vmem>>, %arg7: memref<512x512xf32, #tpu.memory_space<vmem>>, %arg8: memref<512x512xf32, #tpu.memory_space<vmem>>, %arg9: memref<512x512xf32, #tpu.memory_space<vmem>>, %arg10: memref<4x512x512xf32, #tpu.memory_space<vmem>>) attributes {dimension_semantics = [#tpu.dimension_semantics<arbitrary>, #tpu.dimension_semantics<arbitrary>], iteration_bounds = array<i64: 1, 4>, scalar_prefetch = 0 : i64, scratch_operands = 4 : i64, tpu.core_type = #tpu.core_type<tc>, window_params = [{transform_indices = @transform_0, window_bounds = array<i64: 1, 512, 512>}, {transform_indices = @transform_1, window_bounds = array<i64: 1, 512, 512>}, {transform_indices = @transform_2, window_bounds = array<i64: 1, 512, 512>}, {transform_indices = @transform_3, window_bounds = array<i64: 8192, 128>}, {pipeline_mode = #tpu.pipeline_mode<synchronous>, transform_indices = @transform_4, window_bounds = array<i64: 8, 128>}]} {
    %get3A = arith.constant 0 : index
    %get3A_0 = arith.constant 0 : index
    %get3A_1 = arith.constant 0 : index
    %get3A_2 = vector.load %arg2[%get3A, %get3A_0, %get3A_1] : memref<1x512x512xf32, #tpu.memory_space<vmem>>, vector<1x512x512xf32>
    %get3A_3 = vector.shape_cast %get3A_2 : vector<1x512x512xf32> to vector<512x512xf32>
    %get3A_4 = arith.constant 0 : index
    %get3A_5 = arith.constant 0 : index
    %get3A_6 = arith.constant 0 : index
    %get3A_7 = vector.load %arg3[%get3A_4, %get3A_5, %get3A_6] : memref<1x512x512xf32, #tpu.memory_space<vmem>>, vector<1x512x512xf32>
    %get3A_8 = vector.shape_cast %get3A_7 : vector<1x512x512xf32> to vector<512x512xf32>
    %get3A_9 = arith.constant 0 : index
    %get3A_10 = arith.constant 0 : index
    %get3A_11 = arith.constant 0 : index
    %get3A_12 = vector.load %arg4[%get3A_9, %get3A_10, %get3A_11] : memref<1x512x512xf32, #tpu.memory_space<vmem>>, vector<1x512x512xf32>
    %get3A_13 = vector.shape_cast %get3A_12 : vector<1x512x512xf32> to vector<512x512xf32>
    %gt3A = arith.constant 5.000000e-01 : f32
    %gt3A_14 = vector.broadcast %gt3A : f32 to vector<512x512xf32>
    %gt3A_15 = arith.cmpf ogt, %get3A_8, %gt3A_14 : vector<512x512xf32>
    %sub3A = arith.constant 1.000000e+00 : f32
    %sub3A_16 = vector.broadcast %sub3A : f32 to vector<512x512xf32>
    %sub3A_17 = arith.subf %sub3A_16, %get3A_3 : vector<512x512xf32>
    %select_n3A = arith.select %gt3A_15, %get3A_3, %sub3A_17 : vector<512x512xi1>, vector<512x512xf32>
    %log3A = math.log %select_n3A : vector<512x512xf32>
    %neg3A = arith.constant 0.000000e+00 : f32
    %neg3A_18 = vector.broadcast %neg3A : f32 to vector<512x512xf32>
    %neg3A_19 = arith.subf %neg3A_18, %log3A : vector<512x512xf32>
    %min3A = arith.constant 1.000000e+02 : f32
    %min3A_20 = vector.broadcast %min3A : f32 to vector<512x512xf32>
    %min3A_21 = arith.minimumf %neg3A_19, %min3A_20 : vector<512x512xf32>
    %max3A = arith.constant 0.000000e+00 : f32
    %max3A_22 = vector.broadcast %max3A : f32 to vector<512x512xf32>
    %max3A_23 = arith.maximumf %min3A_21, %max3A_22 : vector<512x512xf32>
    %mul3A = arith.mulf %get3A_8, %get3A_13 : vector<512x512xf32>
    %sub3A_24 = arith.constant 1.000000e+00 : f32
    %sub3A_25 = vector.broadcast %sub3A_24 : f32 to vector<512x512xf32>
    %sub3A_26 = arith.subf %sub3A_25, %get3A_8 : vector<512x512xf32>
    %mul3A_27 = arith.mulf %sub3A_26, %get3A_13 : vector<512x512xf32>
    %swap3A = arith.index_cast %arg1 : i32 to index
    %swap3A_28 = arith.constant 0 : index
    %swap3A_29 = arith.constant 0 : index
    %swap3A_30 = vector.load %arg10[%swap3A, %swap3A_28, %swap3A_29] : memref<4x512x512xf32, #tpu.memory_space<vmem>>, vector<1x512x512xf32>
    %swap3A_31 = vector.shape_cast %swap3A_30 : vector<1x512x512xf32> to vector<512x512xf32>
    %swap3A_32 = vector.shape_cast %max3A_23 : vector<512x512xf32> to vector<1x512x512xf32>
    tpu.vector_store %arg10[%swap3A, %swap3A_28, %swap3A_29], %swap3A_32 {strides = array<i32>} : memref<4x512x512xf32, #tpu.memory_space<vmem>>, vector<1x512x512xf32>,
    %eq3A = arith.constant 0 : i32
    %eq3A_33 = arith.cmpi eq, %arg1, %eq3A : i32
    %convert_element_type3A = arith.extui %eq3A_33 : i1 to i32
    %cond3A = arith.constant 0 : i32
    %cond3A_34 = arith.cmpi ne, %convert_element_type3A, %cond3A : i32
    scf.if %cond3A_34 {
      %swap3A_52 = arith.constant 0 : index
      %swap3A_53 = arith.constant 0 : index
      %swap3A_54 = vector.load %arg7[%swap3A_52, %swap3A_53] : memref<512x512xf32, #tpu.memory_space<vmem>>, vector<512x512xf32>
      tpu.vector_store %arg7[%swap3A_52, %swap3A_53], %max3A_23 {strides = array<i32>} : memref<512x512xf32, #tpu.memory_space<vmem>>, vector<512x512xf32>,
      %swap3A_55 = arith.constant 0 : index
      %swap3A_56 = arith.constant 0 : index
      %swap3A_57 = vector.load %arg8[%swap3A_55, %swap3A_56] : memref<512x512xf32, #tpu.memory_space<vmem>>, vector<512x512xf32>
      tpu.vector_store %arg8[%swap3A_55, %swap3A_56], %mul3A {strides = array<i32>} : memref<512x512xf32, #tpu.memory_space<vmem>>, vector<512x512xf32>,
      %swap3A_58 = arith.constant 0 : index
      %swap3A_59 = arith.constant 0 : index
      %swap3A_60 = vector.load %arg9[%swap3A_58, %swap3A_59] : memref<512x512xf32, #tpu.memory_space<vmem>>, vector<512x512xf32>
      tpu.vector_store %arg9[%swap3A_58, %swap3A_59], %mul3A_27 {strides = array<i32>} : memref<512x512xf32, #tpu.memory_space<vmem>>, vector<512x512xf32>,
    } else {
    }
    %gt3A_35 = arith.constant 0 : i32
    %gt3A_36 = arith.cmpi sgt, %arg1, %gt3A_35 : i32
    %convert_element_type3A_37 = arith.extui %gt3A_36 : i1 to i32
    %cond3A_38 = arith.constant 0 : i32
    %cond3A_39 = arith.cmpi ne, %convert_element_type3A_37, %cond3A_38 : i32
    scf.if %cond3A_39 {
      %get3A_52 = arith.constant 0 : index
      %get3A_53 = arith.constant 0 : index
      %get3A_54 = vector.load %arg7[%get3A_52, %get3A_53] : memref<512x512xf32, #tpu.memory_space<vmem>>, vector<512x512xf32>
      %add3A = arith.addf %get3A_54, %max3A_23 : vector<512x512xf32>
      %swap3A_55 = arith.constant 0 : index
      %swap3A_56 = arith.constant 0 : index
      %swap3A_57 = vector.load %arg7[%swap3A_55, %swap3A_56] : memref<512x512xf32, #tpu.memory_space<vmem>>, vector<512x512xf32>
      tpu.vector_store %arg7[%swap3A_55, %swap3A_56], %add3A {strides = array<i32>} : memref<512x512xf32, #tpu.memory_space<vmem>>, vector<512x512xf32>,
      %get3A_58 = arith.constant 0 : index
      %get3A_59 = arith.constant 0 : index
      %get3A_60 = vector.load %arg8[%get3A_58, %get3A_59] : memref<512x512xf32, #tpu.memory_space<vmem>>, vector<512x512xf32>
      %add3A_61 = arith.addf %get3A_60, %mul3A : vector<512x512xf32>
      %swap3A_62 = arith.constant 0 : index
      %swap3A_63 = arith.constant 0 : index
      %swap3A_64 = vector.load %arg8[%swap3A_62, %swap3A_63] : memref<512x512xf32, #tpu.memory_space<vmem>>, vector<512x512xf32>
      tpu.vector_store %arg8[%swap3A_62, %swap3A_63], %add3A_61 {strides = array<i32>} : memref<512x512xf32, #tpu.memory_space<vmem>>, vector<512x512xf32>,
      %get3A_65 = arith.constant 0 : index
      %get3A_66 = arith.constant 0 : index
      %get3A_67 = vector.load %arg9[%get3A_65, %get3A_66] : memref<512x512xf32, #tpu.memory_space<vmem>>, vector<512x512xf32>
      %add3A_68 = arith.addf %get3A_67, %mul3A_27 : vector<512x512xf32>
      %swap3A_69 = arith.constant 0 : index
      %swap3A_70 = arith.constant 0 : index
      %swap3A_71 = vector.load %arg9[%swap3A_69, %swap3A_70] : memref<512x512xf32, #tpu.memory_space<vmem>>, vector<512x512xf32>
      tpu.vector_store %arg9[%swap3A_69, %swap3A_70], %add3A_68 {strides = array<i32>} : memref<512x512xf32, #tpu.memory_space<vmem>>, vector<512x512xf32>,
    } else {
    }
    %eq3A_40 = arith.constant 0 : i32
    %eq3A_41 = arith.cmpi eq, %arg0, %eq3A_40 : i32
    %eq3A_42 = arith.constant 0 : i32
    %eq3A_43 = arith.cmpi eq, %arg1, %eq3A_42 : i32
    %and3A = arith.andi %eq3A_41, %eq3A_43 : i1
    %convert_element_type3A_44 = arith.extui %and3A : i1 to i32
    %cond3A_45 = arith.constant 0 : i32
    %cond3A_46 = arith.cmpi ne, %convert_element_type3A_44, %cond3A_45 : i32
    scf.if %cond3A_46 {
      %broadcast_in_dim3A = arith.constant 0.000000e+00 : f32
      %broadcast_in_dim3A_52 = vector.broadcast %broadcast_in_dim3A : f32 to vector<8x128xf32>
      %swap3A_53 = arith.constant 0 : index
      %swap3A_54 = arith.constant 0 : index
      %swap3A_55 = vector.load %arg6[%swap3A_53, %swap3A_54] : memref<8x128xf32, #tpu.memory_space<vmem>>, vector<8x128xf32>
      tpu.vector_store %arg6[%swap3A_53, %swap3A_54], %broadcast_in_dim3A_52 {strides = array<i32>} : memref<8x128xf32, #tpu.memory_space<vmem>>, vector<8x128xf32>,
    } else {
    }
    %eq3A_47 = arith.constant 3 : i32
    %eq3A_48 = arith.cmpi eq, %arg1, %eq3A_47 : i32
    %convert_element_type3A_49 = arith.extui %eq3A_48 : i1 to i32
    %cond3A_50 = arith.constant 0 : i32
    %cond3A_51 = arith.cmpi ne, %convert_element_type3A_49, %cond3A_50 : i32
    scf.if %cond3A_51 {
      %get3A_52 = arith.constant 0 : index
      %get3A_53 = arith.constant 0 : index
      %get3A_54 = vector.load %arg9[%get3A_52, %get3A_53] : memref<512x512xf32, #tpu.memory_space<vmem>>, vector<512x512xf32>
      %convert_element_type3A_55 = arith.fptosi %get3A_54 : vector<512x512xf32> to vector<512x512xi32>
      %get3A_56 = arith.constant 0 : index
      %get3A_57 = arith.constant 0 : index
      %get3A_58 = arith.constant 0 : index
      %get3A_59 = vector.load %arg10[%get3A_56, %get3A_57, %get3A_58] : memref<4x512x512xf32, #tpu.memory_space<vmem>>, vector<1x512x512xf32>
      %get3A_60 = vector.shape_cast %get3A_59 : vector<1x512x512xf32> to vector<512x512xf32>
      %bitcast_convert_type3A = tpu.bitcast %get3A_60 : vector<512x512xf32> -> vector<512x512xi32>
      %add3A = arith.constant 32768 : i32
      %add3A_61 = vector.broadcast %add3A : i32 to vector<512x512xi32>
      %add3A_62 = arith.addi %bitcast_convert_type3A, %add3A_61 : vector<512x512xi32>
      %and3A_63 = arith.constant -65536 : i32
      %and3A_64 = vector.broadcast %and3A_63 : i32 to vector<512x512xi32>
      %and3A_65 = arith.andi %add3A_62, %and3A_64 : vector<512x512xi32>
      %or3A = arith.ori %and3A_65, %convert_element_type3A_55 : vector<512x512xi32>
      %reshape3A = vector.shape_cast %or3A : vector<512x512xi32> to vector<2048x128xi32>
      %swap3A_66 = arith.constant 0 : index
      %swap3A_67 = arith.constant 0 : index
      %swap3A_68 = vector.load %arg5[%swap3A_66, %swap3A_67] : memref<8192x128xi32, #tpu.memory_space<vmem>>, vector<2048x128xi32>
      tpu.vector_store %arg5[%swap3A_66, %swap3A_67], %reshape3A {strides = array<i32>} : memref<8192x128xi32, #tpu.memory_space<vmem>>, vector<2048x128xi32>,
      %get3A_69 = arith.constant 1 : index
      %get3A_70 = arith.constant 0 : index
      %get3A_71 = arith.constant 0 : index
      %get3A_72 = vector.load %arg10[%get3A_69, %get3A_70, %get3A_71] : memref<4x512x512xf32, #tpu.memory_space<vmem>>, vector<1x512x512xf32>
      %get3A_73 = vector.shape_cast %get3A_72 : vector<1x512x512xf32> to vector<512x512xf32>
      %bitcast_convert_type3A_74 = tpu.bitcast %get3A_73 : vector<512x512xf32> -> vector<512x512xi32>
      %add3A_75 = arith.constant 32768 : i32
      %add3A_76 = vector.broadcast %add3A_75 : i32 to vector<512x512xi32>
      %add3A_77 = arith.addi %bitcast_convert_type3A_74, %add3A_76 : vector<512x512xi32>
      %and3A_78 = arith.constant -65536 : i32
      %and3A_79 = vector.broadcast %and3A_78 : i32 to vector<512x512xi32>
      %and3A_80 = arith.andi %add3A_77, %and3A_79 : vector<512x512xi32>
      %or3A_81 = arith.ori %and3A_80, %convert_element_type3A_55 : vector<512x512xi32>
      %reshape3A_82 = vector.shape_cast %or3A_81 : vector<512x512xi32> to vector<2048x128xi32>
      %swap3A_83 = arith.constant 2048 : index
      %swap3A_84 = arith.constant 0 : index
      %swap3A_85 = vector.load %arg5[%swap3A_83, %swap3A_84] : memref<8192x128xi32, #tpu.memory_space<vmem>>, vector<2048x128xi32>
      tpu.vector_store %arg5[%swap3A_83, %swap3A_84], %reshape3A_82 {strides = array<i32>} : memref<8192x128xi32, #tpu.memory_space<vmem>>, vector<2048x128xi32>,
      %get3A_86 = arith.constant 2 : index
      %get3A_87 = arith.constant 0 : index
      %get3A_88 = arith.constant 0 : index
      %get3A_89 = vector.load %arg10[%get3A_86, %get3A_87, %get3A_88] : memref<4x512x512xf32, #tpu.memory_space<vmem>>, vector<1x512x512xf32>
      %get3A_90 = vector.shape_cast %get3A_89 : vector<1x512x512xf32> to vector<512x512xf32>
      %bitcast_convert_type3A_91 = tpu.bitcast %get3A_90 : vector<512x512xf32> -> vector<512x512xi32>
      %add3A_92 = arith.constant 32768 : i32
      %add3A_93 = vector.broadcast %add3A_92 : i32 to vector<512x512xi32>
      %add3A_94 = arith.addi %bitcast_convert_type3A_91, %add3A_93 : vector<512x512xi32>
      %and3A_95 = arith.constant -65536 : i32
      %and3A_96 = vector.broadcast %and3A_95 : i32 to vector<512x512xi32>
      %and3A_97 = arith.andi %add3A_94, %and3A_96 : vector<512x512xi32>
      %or3A_98 = arith.ori %and3A_97, %convert_element_type3A_55 : vector<512x512xi32>
      %reshape3A_99 = vector.shape_cast %or3A_98 : vector<512x512xi32> to vector<2048x128xi32>
      %swap3A_100 = arith.constant 4096 : index
      %swap3A_101 = arith.constant 0 : index
      %swap3A_102 = vector.load %arg5[%swap3A_100, %swap3A_101] : memref<8192x128xi32, #tpu.memory_space<vmem>>, vector<2048x128xi32>
      tpu.vector_store %arg5[%swap3A_100, %swap3A_101], %reshape3A_99 {strides = array<i32>} : memref<8192x128xi32, #tpu.memory_space<vmem>>, vector<2048x128xi32>,
      %get3A_103 = arith.constant 3 : index
      %get3A_104 = arith.constant 0 : index
      %get3A_105 = arith.constant 0 : index
      %get3A_106 = vector.load %arg10[%get3A_103, %get3A_104, %get3A_105] : memref<4x512x512xf32, #tpu.memory_space<vmem>>, vector<1x512x512xf32>
      %get3A_107 = vector.shape_cast %get3A_106 : vector<1x512x512xf32> to vector<512x512xf32>
      %bitcast_convert_type3A_108 = tpu.bitcast %get3A_107 : vector<512x512xf32> -> vector<512x512xi32>
      %add3A_109 = arith.constant 32768 : i32
      %add3A_110 = vector.broadcast %add3A_109 : i32 to vector<512x512xi32>
      %add3A_111 = arith.addi %bitcast_convert_type3A_108, %add3A_110 : vector<512x512xi32>
      %and3A_112 = arith.constant -65536 : i32
      %and3A_113 = vector.broadcast %and3A_112 : i32 to vector<512x512xi32>
      %and3A_114 = arith.andi %add3A_111, %and3A_113 : vector<512x512xi32>
      %or3A_115 = arith.ori %and3A_114, %convert_element_type3A_55 : vector<512x512xi32>
      %reshape3A_116 = vector.shape_cast %or3A_115 : vector<512x512xi32> to vector<2048x128xi32>
      %swap3A_117 = arith.constant 6144 : index
      %swap3A_118 = arith.constant 0 : index
      %swap3A_119 = vector.load %arg5[%swap3A_117, %swap3A_118] : memref<8192x128xi32, #tpu.memory_space<vmem>>, vector<2048x128xi32>
      tpu.vector_store %arg5[%swap3A_117, %swap3A_118], %reshape3A_116 {strides = array<i32>} : memref<8192x128xi32, #tpu.memory_space<vmem>>, vector<2048x128xi32>,
      %get3A_120 = arith.constant 0 : index
      %get3A_121 = arith.constant 0 : index
      %get3A_122 = vector.load %arg6[%get3A_120, %get3A_121] : memref<8x128xf32, #tpu.memory_space<vmem>>, vector<1x128xf32>
      %get3A_123 = arith.constant 0 : index
      %get3A_124 = arith.constant 0 : index
      %get3A_125 = vector.load %arg8[%get3A_123, %get3A_124] : memref<512x512xf32, #tpu.memory_space<vmem>>, vector<512x512xf32>
      %reduce_sum3A = vector.shape_cast %get3A_125 : vector<512x512xf32> to vector<1x512x512xf32>
      %reduce_sum3A_126 = arith.constant dense<0.000000e+00> : vector<1xf32>
      %reduce_sum3A_127 = vector.multi_reduction <add>, %reduce_sum3A, %reduce_sum3A_126 [1, 2] : vector<1x512x512xf32> to vector<1xf32>
      %reduce_sum3A_128 = vector.shape_cast %reduce_sum3A_127 : vector<1xf32> to vector<1x1x1xf32>
      %reduce_sum3A_129 = vector.extract %reduce_sum3A_128[0, 0, 0] : f32 from vector<1x1x1xf32>
      %add3A_130 = vector.broadcast %reduce_sum3A_129 : f32 to vector<1x128xf32>
      %add3A_131 = arith.addf %get3A_122, %add3A_130 : vector<1x128xf32>
      %swap3A_132 = arith.constant 0 : index
      %swap3A_133 = arith.constant 0 : index
      %swap3A_134 = vector.load %arg6[%swap3A_132, %swap3A_133] : memref<8x128xf32, #tpu.memory_space<vmem>>, vector<1x128xf32>
      tpu.vector_store %arg6[%swap3A_132, %swap3A_133], %add3A_131 {strides = array<i32>} : memref<8x128xf32, #tpu.memory_space<vmem>>, vector<1x128xf32>,
      %get3A_135 = arith.constant 1 : index
      %get3A_136 = arith.constant 0 : index
      %get3A_137 = vector.load %arg6[%get3A_135, %get3A_136] : memref<8x128xf32, #tpu.memory_space<vmem>>, vector<1x128xf32>
      %get3A_138 = arith.constant 0 : index
      %get3A_139 = arith.constant 0 : index
      %get3A_140 = vector.load %arg9[%get3A_138, %get3A_139] : memref<512x512xf32, #tpu.memory_space<vmem>>, vector<512x512xf32>
      %reduce_sum3A_141 = vector.shape_cast %get3A_140 : vector<512x512xf32> to vector<1x512x512xf32>
      %reduce_sum3A_142 = arith.constant dense<0.000000e+00> : vector<1xf32>
      %reduce_sum3A_143 = vector.multi_reduction <add>, %reduce_sum3A_141, %reduce_sum3A_142 [1, 2] : vector<1x512x512xf32> to vector<1xf32>
      %reduce_sum3A_144 = vector.shape_cast %reduce_sum3A_143 : vector<1xf32> to vector<1x1x1xf32>
      %reduce_sum3A_145 = vector.extract %reduce_sum3A_144[0, 0, 0] : f32 from vector<1x1x1xf32>
      %add3A_146 = vector.broadcast %reduce_sum3A_145 : f32 to vector<1x128xf32>
      %add3A_147 = arith.addf %get3A_137, %add3A_146 : vector<1x128xf32>
      %swap3A_148 = arith.constant 1 : index
      %swap3A_149 = arith.constant 0 : index
      %swap3A_150 = vector.load %arg6[%swap3A_148, %swap3A_149] : memref<8x128xf32, #tpu.memory_space<vmem>>, vector<1x128xf32>
      tpu.vector_store %arg6[%swap3A_148, %swap3A_149], %add3A_147 {strides = array<i32>} : memref<8x128xf32, #tpu.memory_space<vmem>>, vector<1x128xf32>,
      %get3A_151 = arith.constant 2 : index
      %get3A_152 = arith.constant 0 : index
      %get3A_153 = vector.load %arg6[%get3A_151, %get3A_152] : memref<8x128xf32, #tpu.memory_space<vmem>>, vector<1x128xf32>
      %get3A_154 = arith.constant 0 : index
      %get3A_155 = arith.constant 0 : index
      %get3A_156 = vector.load %arg7[%get3A_154, %get3A_155] : memref<512x512xf32, #tpu.memory_space<vmem>>, vector<512x512xf32>
      %get3A_157 = arith.constant 0 : index
      %get3A_158 = arith.constant 0 : index
      %get3A_159 = vector.load %arg8[%get3A_157, %get3A_158] : memref<512x512xf32, #tpu.memory_space<vmem>>, vector<512x512xf32>
      %mul3A_160 = arith.mulf %get3A_156, %get3A_159 : vector<512x512xf32>
      %reduce_sum3A_161 = vector.shape_cast %mul3A_160 : vector<512x512xf32> to vector<1x512x512xf32>
      %reduce_sum3A_162 = arith.constant dense<0.000000e+00> : vector<1xf32>
      %reduce_sum3A_163 = vector.multi_reduction <add>, %reduce_sum3A_161, %reduce_sum3A_162 [1, 2] : vector<1x512x512xf32> to vector<1xf32>
      %reduce_sum3A_164 = vector.shape_cast %reduce_sum3A_163 : vector<1xf32> to vector<1x1x1xf32>
      %reduce_sum3A_165 = vector.extract %reduce_sum3A_164[0, 0, 0] : f32 from vector<1x1x1xf32>
      %add3A_166 = vector.broadcast %reduce_sum3A_165 : f32 to vector<1x128xf32>
      %add3A_167 = arith.addf %get3A_153, %add3A_166 : vector<1x128xf32>
      %swap3A_168 = arith.constant 2 : index
      %swap3A_169 = arith.constant 0 : index
      %swap3A_170 = vector.load %arg6[%swap3A_168, %swap3A_169] : memref<8x128xf32, #tpu.memory_space<vmem>>, vector<1x128xf32>
      tpu.vector_store %arg6[%swap3A_168, %swap3A_169], %add3A_167 {strides = array<i32>} : memref<8x128xf32, #tpu.memory_space<vmem>>, vector<1x128xf32>,
    } else {
    }
    return
  }
  func.func @transform_0(%arg0: i32, %arg1: i32) -> (i32, i32, i32) {
    %c0_i32 = arith.constant 0 : i32
    %c0_i32_0 = arith.constant 0 : i32
    return %arg1, %arg0, %c0_i32 : i32, i32, i32
  }
  func.func @transform_1(%arg0: i32, %arg1: i32) -> (i32, i32, i32) {
    %c0_i32 = arith.constant 0 : i32
    %c0_i32_0 = arith.constant 0 : i32
    return %arg1, %arg0, %c0_i32 : i32, i32, i32
  }
  func.func @transform_2(%arg0: i32, %arg1: i32) -> (i32, i32, i32) {
    %c0_i32 = arith.constant 0 : i32
    %c0_i32_0 = arith.constant 0 : i32
    return %arg1, %arg0, %c0_i32 : i32, i32, i32
  }
  func.func @transform_3(%arg0: i32, %arg1: i32) -> (i32, i32) {
    %c0_i32 = arith.constant 0 : i32
    %c0_i32_0 = arith.constant 0 : i32
    return %arg0, %c0_i32 : i32, i32
  }
  func.func @transform_4(%arg0: i32, %arg1: i32) -> (i32, i32) {
    %c0_i32 = arith.constant 0 : i32
    %c0_i32_0 = arith.constant 0 : i32
    %c0_i32_1 = arith.constant 0 : i32
    return %c0_i32, %c0_i32_0 : i32, i32
  }
}

</mosaic_0001>

<sc_bundles>
// kernel: kernel.4.cloned.1.call-start
scs
__scs_entry_jumppad:
0x0: {  	(pc) =	sbr.rel $0x88, $3  }
0x1: {  	(tag) =	ssettag $0x0;
	lr =	simm.s32 $0x1  }
0x2: {  	[smem:$0x3F9E] =	sst lr;
	_ =	strace $0xD0000000  }
0x3: {  	_ = 	snop  }
0x4: {  	_ = 	snop  }
0x5: {  	_ = 	snop  }
0x6: {  	_ = 	snop  }
0x7: {  	_ = 	snop  }
__scs_overlays_trampoline_lowered:
0x8: {  	[smem:$0x3FAD] =	sst s0  }
0x9: {  	[smem:$0x3FAE] =	sst s1  }
0xa: {  	[smem:$0x3FAF] =	sst s2  }
0xb: {  	[smem:$0x3FB0] =	sst s3  }
0xc: {  	[smem:$0x3FB1] =	sst s4  }
0xd: {  	[smem:$0x3FB2] =	sst s5  }
0xe: {  	[smem:$0x3FB3] =	sst s6  }
0xf: {  	[smem:$0x3FB4] =	sst s7  }
0x10: {  	[smem:$0x3FB5] =	sst s8  }
0x11: {  	[smem:$0x3FB6] =	sst s9;
	s0 =	simm.s32 @!p0 $0x0  }
0x12: {  	s1 =	sld [smem:$0x3F9C];
	s0 =	simm.s32 @p0 $0x1  }
0x13: {  	[smem:$0x3FB7] =	sst s0;
	s0 =	simm.s32 @!p1 $0x0  }
0x14: {  	s2 =	sld [smem:$0x3F9B];
	s0 =	simm.s32 @p1 $0x1  }
0x15: {  	[smem:$0x3FB8] =	sst s0;
	s0 =	simm.s32 @!p2 $0x0  }
0x16: {  	s3 =	sld [smem:$0x3FDB];
	s0 =	simm.s32 @p2 $0x1  }
0x17: {  	s4 =	simm.s32 $0x1BF5;
	[smem:$0x3FBA] =	sst s0  }
0x18: {  	s0 =	sld [smem:$0x3F9D];
	_ =	swait.ge [sflag:s4], $0x0  }
0x19: {  	s7 =	sld [smem:$0x3F9E]  }
0x1a: {  	s8 =	sadd.s32 $0xFFFFE003, lr  }
0x1b: {  	s9 =	sadd.s32 $0xFFFFFEF7, lr;
	s5 =	simm.s32 $0xFFFFFFFF;
	p2 =	slt.u32 s8, $0xFFFFF086  }
0x1c: {  	p1 =	slt.u32 s9, $0xF7A;
	s5 =	simm.s32 @!p2 $0x0  }
0x1d: {  	s5 =	simm.s32 @p1 $0x1;
	p0 =	seq.s32 s7, s2  }
0x1e: {  	s7 =	smul.u32 @!p0 $0xF7A, s2;
	p2 =	seq.s32 @!p0 s5, $0x0  }
0x1f: {  	s9 =	smul.u32 $0xF7A, s1;
	s8 =	simm.s32 @!p0 $0x1BF5;
	p2 =	por !p2, p0  }
0x20: {  	[sflag:s8] =	ssyncset.s32 @!p0 $0xFFFFF086;
	s6 =	sadd.s32 @!p0 s3, s7;
	s7 =	simm.s32 @!p0 $0x108  }
0x21: {  	s3 =	sadd.s32 s3, s9;
	s6 =	sadd.s32 @!p0 $0x88, s6;
	s7 =	simm.s32 @p2 $0x1082  }
0x22: {  	[simem:s7], [sflag:s8] =	dma.local @!p0 [hbm:s6], $0xF7A  }
0x23: {  	s9 =	sor.u32 $0xD0000000, s2;
	s6 =	simm.s32 $0x108;
	_ =	swait.ge @!p0 [sflag:s8], $0x0  }
0x24: {  	s3 =	sadd.s32 $0x88, s3;
	s6 =	simm.s32 @!p1 $0x1082;
	[sflag:s4] =	ssyncset.s32 $0xFFFFF086  }
0x25: {  	[simem:s6], [sflag:s4] =	dma.local [hbm:s3], $0xF7A  }
0x26: {  	[smem:$0x3F9E] =	sst s1;
	(tag) =	ssettag s2;
	_ =	strace s9  }
0x27: {  	s1 =	sld [smem:$0x3FAE]  }
0x28: {  	s2 =	sld [smem:$0x3FAF]  }
0x29: {  	s4 =	sld [smem:$0x3FB1]  }
0x2a: {  	p0 =	seq.s32 s5, $0x0;
	s5 =	sld [smem:$0x3FB2]  }
0x2b: {  	s6 =	sld [smem:$0x3FB3]  }
0x2c: {  	s7 =	sld [smem:$0x3FB4]  }
0x2d: {  	s3 =	simm.s32 $0x108;
	s8 =	sld [smem:$0x3FB5]  }
0x2e: {  	s3 =	simm.s32 @!p0 $0x1082;
	s9 =	sld [smem:$0x3FB6]  }
0x2f: {  	lr =	sadd.s32 s0, s3;
	s0 =	sld [smem:$0x3FAD]  }
0x30: {  	s3 =	sld [smem:$0x3FB0]  }
0x31: {  	[smem:$0x3FB9] =	sst s10  }
0x32: {  	s10 =	sld [smem:$0x3FB7];
	_ =	sdelay $0x3  }
0x33: {  	p0 =	seq.s32 s10, $0x1;
	s10 =	sld [smem:$0x3FB9];
	_ =	sdelay $0x3  }
0x34: {  	[smem:$0x3FB9] =	sst s10  }
0x35: {  	s10 =	sld [smem:$0x3FB8];
	_ =	sdelay $0x3  }
0x36: {  	p1 =	seq.s32 s10, $0x1;
	s10 =	sld [smem:$0x3FB9];
	_ =	sdelay $0x3  }
0x37: {  	[smem:$0x3FB9] =	sst s10  }
0x38: {  	s10 =	sld [smem:$0x3FBA]  }
0x39: {  	_ = 	snop;
	(pc) =	sbr.ind lr, $3  }
0x3a: {  	_ = 	snop  }
0x3b: {  	_ = 	snop  }
0x3c: {  	p2 =	seq.s32 s10, $0x1;
	s10 =	sld [smem:$0x3FB9]  }
0x3d: {  	_ =	shalt  }
0x3e: {  	_ =	shalt  }
0x3f: {  	_ =	shalt  }
0x40: {  	_ =	shalt  }
0x41: {  	_ =	shalt  }
0x42: {  	_ =	shalt  }
0x43: {  	_ =	shalt  }
0x44: {  	_ =	shalt  }
0x45: {  	_ =	shalt  }
0x46: {  	_ =	shalt  }
0x47: {  	_ =	shalt  }
0x48: {  	_ =	shalt  }
0x49: {  	_ =	shalt  }
0x4a: {  	_ =	shalt  }
0x4b: {  	_ =	shalt  }
0x4c: {  	_ =	shalt  }
0x4d: {  	_ =	shalt  }
0x4e: {  	_ =	shalt  }
0x4f: {  	_ =	shalt  }
0x50: {  	_ =	shalt  }
0x51: {  	_ =	shalt  }
0x52: {  	_ =	shalt  }
0x53: {  	_ =	shalt  }
0x54: {  	_ =	shalt  }
0x55: {  	_ =	shalt  }
0x56: {  	_ =	shalt  }
0x57: {  	_ =	shalt  }
0x58: {  	_ =	shalt  }
0x59: {  	_ =	shalt  }
0x5a: {  	_ =	shalt  }
0x5b: {  	_ =	shalt  }
0x5c: {  	_ =	shalt  }
0x5d: {  	_ =	shalt  }
0x5e: {  	_ =	shalt  }
0x5f: {  	_ =	shalt  }
0x60: {  	_ =	shalt  }
0x61: {  	_ =	shalt  }
0x62: {  	_ =	shalt  }
0x63: {  	_ =	shalt  }
0x64: {  	_ =	shalt  }
0x65: {  	_ =	shalt  }
0x66: {  	_ =	shalt  }
0x67: {  	_ =	shalt  }
0x68: {  	_ =	shalt  }
0x69: {  	_ =	shalt  }
0x6a: {  	_ =	shalt  }
0x6b: {  	_ =	shalt  }
0x6c: {  	_ =	shalt  }
0x6d: {  	_ =	shalt  }
0x6e: {  	_ =	shalt  }
0x6f: {  	_ =	shalt  }
0x70: {  	_ =	shalt  }
0x71: {  	_ =	shalt  }
0x72: {  	_ =	shalt  }
0x73: {  	_ =	shalt  }
0x74: {  	_ =	shalt  }
0x75: {  	_ =	shalt  }
0x76: {  	_ =	shalt  }
0x77: {  	_ =	shalt  }
0x78: {  	_ =	shalt  }
0x79: {  	_ =	shalt  }
0x7a: {  	_ =	shalt  }
0x7b: {  	_ =	shalt  }
0x7c: {  	_ =	shalt  }
0x7d: {  	_ =	shalt  }
0x7e: {  	_ =	shalt  }
0x7f: {  	_ =	shalt  }
0x80: {  	_ =	shalt  }
0x81: {  	_ =	shalt  }
0x82: {  	_ =	shalt  }
0x83: {  	_ =	shalt  }
0x84: {  	_ =	shalt  }
0x85: {  	_ =	shalt  }
0x86: {  	_ =	shalt  }
0x87: {  	_ =	shalt  }
.Lfunc_end0:
.L_simem_size_0:
called_computation_lowered:
.L_overlay_start_0:
0x88: {  	s2 =	sld [smem:$0x3FD9]  }
0x89: {  	s3 =	sld [smem:$0x3FFE];
	_ =	sdelay $0x1  }
0x8a: {  	s1 =	srdreg.scid  }
0x8b: {  	s0 =	sand.u32 $0x1, s1  }
0x8c: {  	s17 =	sshll.u32 s0, $0xA;
	s2 =	sadd.s32 s3, s2  }
0x8d: {  	s2 =	sadd.s32 s2, s17  }
0x8e: {  	[smem:$0x3FC5] =	sst s2  }
0x8f: {  	_ = 	snop  }
0x90: {  	s2 =	sld [smem:$0x3FD0];
	(tm) =	ssettm $0x1  }
0x91: {  	s18 =	sld [smem:$0x3FFB];
	_ =	sdelay $0x3  }
0x92: {  	_ =	strace s18  }
0x93: {  	s3 =	sld [smem:$0x3FFC];
	_ =	sdelay $0x3  }
0x94: {  	_ =	strace s3  }
0x95: {  	s3 =	sld [smem:$0x3FFD];
	_ =	sdelay $0x3  }
0x96: {  	_ =	strace s3  }
0x97: {  	_ =	strace $0x8FFFFFFF  }
0x98: {  	s19 =	sld [smem:$0x3FDB];
	_ =	sdelay $0x1  }
0x99: {  	s4 =	simm.s32 $_scs_section_size  }
0x9a: {  	s5 =	simm.s32 $_size__tile_overlayer_lowered;
	s6 =	simm.s32 $_tile_overlayer_lowered  }
0x9b: {  	s22 =	simm.s32 $0x1BFF;
	s21 =	sshll.u32 s6, $0x1;
	s3 =	sadd.s32 s4, s19  }
0x9c: {  	s7 =	simm.s32 $0x0;
	s20 =	sshll.u32 s5, $0x1;
	s5 =	sadd.s32 s21, s3  }
0x9d: {  	[timem:s7], [sflag:s22] =	dma.local [hbm:s5], s20  }
0x9e: {  	_ =	swait.ge [sflag:s22], s20  }
0x9f: {  	s4 =	ssub.s32 $0x0, s20;
	[sflag:s22] =	ssyncset.done $0x0  }
0xa0: {  	[sflag:s22] =	ssyncadd.s32 s4;
	_ =	sdelay $0x1  }
0xa1: {  	s23 =	simm.s32 $0x1B8B  }
0xa2: {  	_ =	swait.ge [sflag:s23], $0x1  }
0xa3: {  	[sflag:s23] =	ssyncset.done $0x0  }
0xa4: {  	s25 =	simm.s32 $0x1B8E;
	s24 =	sld [smem:$0x3FFE];
	[sflag:s23] =	ssyncadd.s32 $0xFFFFFFFF  }
0xa5: {  	s26 =	simm.s32 $execute0_lowered;
	[smem:$0x3FD2] =	sst s25  }
0xa6: {  	s5 =	sshll.u32 s26, $0x1;
	_ =	strace $0x80000046;
	[dreg:$0x1] =	wrdreg $0xFFFFFFFF  }
0xa7: {  	s28 =	simm.s32 $_size_execute0_lowered;
	s3 =	sadd.s32 s3, s5;
	[dreg:$0x0] =	wrdreg $0x0  }
0xa8: {  	s5 =	sshll.u32 s28, $0x1;
	[dreg:$0x2] =	wrdreg s3  }
0xa9: {  	[dreg:$0x3] =	wrdreg s5  }
0xaa: {  	[dreg:$0x4] =	wrdreg $0xC0  }
0xab: {  	_ =	task [dreg:s7], $0x5FFFF  }
0xac: {  	[dreg:$0x1] =	wrdreg $0xFFFFFFFF  }
0xad: {  	[dreg:$0x0] =	wrdreg $0x60  }
0xae: {  	[dreg:$0x2] =	wrdreg s24  }
0xaf: {  	[dreg:$0x3] =	wrdreg s2  }
0xb0: {  	[dreg:$0x4] =	wrdreg $0x194800  }
0xb1: {  	[dreg:$0x5] =	wrdreg $0x9  }
0xb2: {  	_ =	task.clear_ibuf [dreg:s7], $0x6FFFF;
	_ =	strace $0x90000046  }
0xb3: {  	s29 =	simm.s32 $0x9;
	_ =	strace $0x80000048  }
0xb4: {  	_ =	swait.ge [sflag:s29], $0x1  }
0xb5: {  	[sflag:s29] =	ssyncadd.s32 $0xFFFFFFFF  }
0xb6: {  	_ =	strace $0x90000048  }
0xb7: {  	_ =	sfence  }
0xb8: {  	s30 =	sld [smem:$0x0];
	_ =	sdelay $0x2  }
0xb9: {  	s31 =	sshll.u32 s1, $0xD;
	s1 =	sshrl.u32 s1, $0x2  }
0xba: {  	s3 =	sand.u32 $0x4000, s31;
	s1 =	sadd.s32 s1, s30  }
0xbb: {  	s0 =	sor.u32 s3, s0;
	s1 =	sshll.u32 s1, $0x11  }
0xbc: {  	s0 =	sor.u32 s1, s0  }
0xbd: {  	s0 =	sadd.s32 $0x8F2B, s0  }
0xbe: {  	[sflag:s0] =	ssyncadd.remote.s32 $0x1  }
0xbf: {  	_ =	sfence.sel $0xFFFF  }
0xc0: {  	[dreg:$0x0] =	wrdreg $0xFFFFFFFF;
	(pc) =	sbr.abs _section_cstart, $3  }
0xc1: {  	[dreg:$0x1] =	wrdreg $0xFFFFFFFF  }
0xc2: {  	_ =	task.clear_ibuf [dreg:s7], $0x2FFFF;
	_ =	strace $0x9FFFFFFF  }
0xc3: {  	(tm) =	ssettm $0x7FFFFFFF  }
tec
execute0_lowered:
.L_overlay_start_1:
0x0: {  	(tag) =	ssettag $0x1  }
0x1: {  	v0 =	vimm.s32 $0xEFCDAB89;
	v1 =	vimm.s32 $0x67452301  }
0x2: {  	v2 =	vimm.s32 $0x54761032;
	v0 =	vunpack.c.l.s4.s8 v0;
	v1 =	vunpack.c.l.s4.s8 v1  }
0x3: {  	v7 =	vimm.s32 $0x32107654;
	v8 =	vimm.s32 $0xFEDCBA98;
	v9 =	vimm.s32 $0x76543210  }
0x4: {  	v3 =	vunpack.c.0.s8.s32 v0;
	v4 =	vunpack.c.0.s8.s32 v1;
	v1 =	vimm.s32 $0xDCFE98BA  }
0x5: {  	v10 =	vimm.s32 $0x65432100;
	v6 =	vunpack.c.l.s4.s8 v2;
	v5 =	vunpack.c.l.s4.s8 v1  }
0x6: {  	s0 =	rddreg [dreg:$0x0];
	v11 =	vimm.s32 $0xE40000;
	v12 =	vimm.s32 $0xBA987654;
	v3 =	vcombine.low v4, v3  }
0x7: {  	s11 =	rddreg [dreg:$0x2];
	s1 =	srdreg.scid;
	s2 =	simm.s32 $0x0;
	v4 =	vunpack.c.0.s8.s32 v5;
	v5 =	vunpack.c.0.s8.s32 v6;
	v6 =	vimm.s32 $0xBA98FEDC  }
0x8: {  	s6 =	stileid.u32;
	s28 =	simm.s32 $0x80;
	s29 =	simm.s32 $0x400;
	vm0 =	vmmov $0x3;
	vm2 =	vcmask $0x3F30;
	v6 =	vunpack.c.l.s4.s8 v6  }
0x9: {  	s31 =	simm.s32 $0x2;
	vm1 =	vmmov $0xf;
	s1 =	sand.u32 $0x1, s1;
	[smem:$0x7FF] =	sst s2;
	v7 =	vunpack.c.l.s4.s8 v7;
	v8 =	vunpack.c.l.s4.s8 v8  }
0xa: {  	s3 =	sshll.u32 s6, $0xD;
	s23 =	sshll.u32 s6, $0xB;
	s25 =	sshll.u32 s6, $0x7;
	v4 =	vcombine.low v5, v4;
	v5 =	vunpack.c.0.s8.s32 v6;
	v6 =	vunpack.c.l.s4.s8 v9  }
0xb: {  	s12 =	sadd.s32 $0x80, s11;
	s13 =	sadd.s32 $0x180, s11;
	s14 =	sadd.s32 $0x200, s11;
	v7 =	vunpack.c.0.s8.s32 v7;
	v8 =	vunpack.c.0.s8.s32 v8;
	v9 =	vimm.s32 $0xEDCBA987  }
0xc: {  	s15 =	sadd.s32 $0x280, s11;
	s16 =	sadd.s32 $0x300, s11;
	s30 =	sadd.s32 $0x100, s11;
	v11 =	vunpack.c.l.s2.s4 v11;
	v9 =	vunpack.c.l.s4.s8 v9;
	v6 =	vunpack.c.0.s8.s32 v6  }
0xd: {  	s17 =	sadd.s32 $0x380, s11;
	s18 =	sadd.s32 $0x4000, s11;
	s19 =	sadd.s32 $0x4080, s11;
	v5 =	vcombine.low v7, v5;
	v7 =	vand.u32 $0xF, v8;
	v8 =	vunpack.c.l.s4.s8 v10  }
0xe: {  	s20 =	sadd.s32 $0x4100, s11;
	s4 =	sadd.s32 $0x4300, s11;
	s9 =	ssub.s32 $0x2, s1;
	v6 =	vcombine.low v7, v6;
	v7 =	vunpack.c.0.s8.s32 v9;
	v9 =	vimm.s32 $0xDCBA9876  }
0xf: {  	_ =	strace $0x80000047;
	s3 =	sadd.s32 s3, s0;
	s0 =	sadd.s32 $0x21000, s0;
	v0 =	vlaneseq.u32;
	v10 =	vimm.s32 $0x54321000;
	v9 =	vunpack.c.l.s4.s8 v9  }
0x10: {  	s2 =	sand.u32 $0x4000, s23;
	s26 =	sand.u32 $0x380, s25;
	s23 =	sadd.s32 $0x4280, s11;
	v11 =	vunpack.c.l.s4.s8 v11;
	v10 =	vunpack.c.l.s4.s8 v10;
	v8 =	vunpack.c.0.s8.s32 v8  }
0x11: {  	s1 =	sor.u32 s1, s6;
	[dreg:$0x4] =	wrdreg s0;
	s21 =	sadd.s32 $0x1000, s3;
	v1 =	vimm.f32 $0.0e+00;
	v7 =	vand.u32 $0xF, v7;
	v9 =	vunpack.c.0.s8.s32 v9  }
0x12: {  	s5 =	sshrl.u32 s9, $0x1;
	s22 =	sadd.s32 $0x1800, s3;
	[dreg:$0x5] =	wrdreg s21;
	v11 =	vunpack.c.0.s8.s32 v11;
	v7 =	vcombine.low v8, v7;
	v8 =	vunpack.c.0.s8.s32 v10  }
0x13: {  	s24 =	sadd.s32 $0x2000, s3;
	s3 =	sadd.s32 $0x2800, s3;
	[dreg:$0x6] =	wrdreg s22;
	v10 =	vunpack.c.l.s4.s8 v12;
	v12 =	vimm.s32 $0x32100000;
	v9 =	vand.u32 $0xF, v9  }
0x14: {  	s2 =	sadd.s32 s2, s11;
	p0 =	sne.s32 s1, $0x0;
	[dreg:$0x7] =	wrdreg s24;
	v8 =	vcombine.low v8, v9;
	v9 =	vunpack.c.l.s4.s8 v12;
	v12 =	vimm.s32 $0x7060504  }
0x15: {  	s1 =	simm.s32 $0x10000;
	s10 =	ssub.s32 s9, s5;
	[dreg:$0x8] =	wrdreg s3;
	v2 =	vmul.u32 $0x800, v0;
	v10 =	vunpack.c.0.s8.s32 v10;
	v12 =	vunpack.c.0.s8.s32 v12  }
0x16: {  	s25 =	sadd.s32 s26, s2;
	s21 =	sadd.s32 $0x4180, s11;
	s24 =	sadd.s32 $0x4380, s11;
	v11 =	vand.u32 $0x3, v11;
	v13 =	vunpack.c.0.s8.s32 v9;
	v9 =	vmul.u32 $0x20, v0  }
0x17: {  	s26 =	sadd.s32 $0x4200, s11;
	s0 =	smax.u32 s10, $0x1;
	[dreg:$0xa] =	wrdreg s24;
	v10 =	vand.u32 $0xF, v10;
	v11 =	vsel vm2, v12, v11;
	vm2 =	vmmov $0xff  }
0x18: {  	s3 =	simm.s32 $0x1;
	s5 =	simm.s32 $0x0;
	[dreg:$0x9] =	wrdreg s0;
	v12 =	vimm.s32 $0xF;
	v10 =	vcombine.low v13, v10;
	v13 =	vor.u32 $0x200, v9  }
.LBB2_1:
0x19: {  	s0 =	smov.u32 s4;
	s4 =	smov.u32 s23  }
0x1a: {  	s24 =	smov.u32 s21;
	s2 =	rddreg [dreg:$0x5];
	s6 =	simm.s32 $0x0  }
0x1b: {  	[tilespmem:s6], [sflag:$0x1] =	stream.linear.gather [hbm4b:s2+s6], $0x4000, $0x38;
	[tilespmem:$0x19C80] =	vst v63  }
0x1c: {  	s23 =	smov.u32 s20;
	s22 =	rddreg [dreg:$0x6];
	s7 =	simm.s32 $0x4000  }
0x1d: {  	[tilespmem:s7], [sflag:$0x1] =	stream.linear.gather [hbm4b:s22+s6], $0x4000, $0x38;
	[tilespmem:$0x19C80] =	vst v63  }
0x1e: {  	s21 =	smov.u32 s18;
	s8 =	simm.s32 $0x8000;
	s7 =	rddreg [dreg:$0x7]  }
0x1f: {  	[tilespmem:s8], [sflag:$0x1] =	stream.linear.gather [hbm4b:s7+s6], $0x4000, $0x38;
	[tilespmem:$0x19C80] =	vst v63  }
0x20: {  	s18 =	smov.u32 s16;
	s9 =	rddreg [dreg:$0x8];
	s10 =	simm.s32 $0xC000  }
0x21: {  	[tilespmem:s10], [sflag:$0x1] =	stream.linear.gather [hbm4b:s9+s6], $0x4000, $0x38;
	[tilespmem:$0x19C80] =	vst v63  }
0x22: {  	s16 =	rddreg [dreg:$0x4];
	s20 =	simm.s32 $0x19000;
	s22 =	simm.s32 $0x3  }
0x23: {  	[tilespmem:s20], [sflag:$0x3] =	stream.linear.gather [hbm4b:s16+s6], $0x400, $0x38;
	[tilespmem:$0x19C80] =	vst v63  }
0x24: {  	_ =	swait.ge [sflag:s22], $0x400  }
0x25: {  	[sflag:s22] =	ssyncset.done $0x0  }
0x26: {  	[sflag:s22] =	ssyncadd.s32 $0xFFFFFC00  }
0x27: {  	v15 =	vld [tilespmem:$0x19000]  }
0x28: {  	s2 =	simm.s32 $0x10040;
	v16 =	vld [tilespmem:$0x19080]  }
0x29: {  	v14 =	vld [tilespmem:$0x19100];
	[tilespmem:s2+$0xFFFFFFC0] =	vst v1  }
0x2a: {  	[tilespmem:s2+$0x30] =	vst v1  }
0x2b: {  	[tilespmem:s2+$0x20] =	vst v1  }
0x2c: {  	[tilespmem:s2+$0x10] =	vst v1  }
0x2d: {  	[tilespmem:s2+$0x0] =	vst v1  }
0x2e: {  	[tilespmem:s2+$0xFFFFFFF0] =	vst v1  }
0x2f: {  	s6 =	simm.s32 $0x0;
	[tilespmem:s2+$0xFFFFFFE0] =	vst v1  }
.LBB2_2:
0x30: {  	s6 =	sadd.s32 $0x8, s6;
	[tilespmem:s2+$0xFFFFFFD0] =	vst v1;
	s2 =	sadd.s32 $0x80, s2  }
0x31: {  	[tilespmem:s2+$0xFFFFFFC0] =	vst v1;
	p1 =	slt.u32 s6, $0x7F8  }
0x32: {  	[tilespmem:s2+$0x30] =	vst v1  }
.Ltmp0:
0x33: {  	[tilespmem:s2+$0x20] =	vst v1;
	(pc) =	sbr.rel @p1 .LBB2_2-.Ltmp0, $4  }
0x34: {  	[tilespmem:s2+$0x10] =	vst v1  }
0x35: {  	[tilespmem:s2+$0x0] =	vst v1  }
0x36: {  	[tilespmem:s2+$0xFFFFFFF0] =	vst v1  }
0x37: {  	[tilespmem:s2+$0xFFFFFFE0] =	vst v1  }
0x38: {  	[tilespmem:s2+$0xFFFFFFD0] =	vst v1  }
0x39: {  	_ =	swait.ge [sflag:s3], $0x4000  }
0x3a: {  	[sflag:s3] =	ssyncset.done $0x0  }
0x3b: {  	s20 =	smov.u32 s17;
	s17 =	simm.s32 $0x20;
	[sflag:s3] =	ssyncadd.s32 $0xFFFFC000  }
0x3c: {  	v18 =	vld [tilespmem:s17+$0x10];
	_ =	sdelay $0x2  }
0x3d: {  	v19 =	vld [tilespmem:s17+$0xFFFFFFF0]  }
0x3e: {  	v20 =	vld [tilespmem:s17+$0xFFFFFFE0]  }
0x3f: {  	v17 =	vshra.s32 v18, $0x15  }
0x40: {  	v22 =	vadd.s32 v2, v17  }
0x41: {  	s22 =	simm.s32 $0x60;
	v21 =	vld [tilespmem:s17+$0x0]  }
0x42: {  	v23 =	vshra.s32 v19, $0x15;
	v18 =	vand.u32 $0x7, v18;
	v17 =	vld [tilespmem:s22+$0x10]  }
0x43: {  	v25 =	vld [tilespmem:s22+$0xFFFFFFF0];
	v24 =	vshra.s32 v20, $0x15;
	v23 =	vadd.s32 v2, v23;
	v26 =	vcvt.s32.f32 v18  }
0x44: {  	v27 =	vld [tilespmem:s22+$0x0];
	v19 =	vand.u32 $0x7, v19;
	v28 =	vadd.s32 v2, v24  }
0x45: {  	v20 =	vand.u32 $0x7, v20;
	v24 =	vcvt.s32.f32 v19;
	[tilespmem:v22+s1+$0x0] =	vst.idx.add.f32.msk $0xffff, v26  }
0x46: {  	v18 =	vand.u32 $0x7, v21;
	v19 =	vshra.s32 v21, $0x15;
	v26 =	vcvt.s32.f32 v20;
	v20 =	vld [tilespmem:s22+$0xFFFFFFE0]  }
0x47: {  	v18 =	vcvt.s32.f32 v18;
	v19 =	vadd.s32 v2, v19;
	v21 =	vshra.s32 v17, $0x15  }
0x48: {  	[tilespmem:v23+s1+$0x0] =	vst.idx.add.f32.msk $0xffff, v24;
	v24 =	vshra.s32 v25, $0x15;
	v23 =	vand.u32 $0x7, v25;
	v22 =	vadd.s32 v2, v21  }
0x49: {  	s16 =	smov.u32 s14;
	s2 =	simm.s32 $0x4;
	s6 =	simm.s32 $0xA0;
	v25 =	vand.u32 $0x7, v27;
	v21 =	vcvt.s32.f32 v23;
	v23 =	vshra.s32 v27, $0x15;
	[tilespmem:v28+s1+$0x0] =	vst.idx.add.f32.msk $0xffff, v26  }
.LBB2_4:
0x4a: {  	s2 =	sadd.s32 $0x4, s2;
	v24 =	vadd.s32 v2, v24;
	v25 =	vcvt.s32.f32 v25;
	v26 =	vand.u32 $0x7, v17;
	v17 =	vld [tilespmem:s6+$0x10]  }
0x4b: {  	v27 =	vld [tilespmem:s6+$0xFFFFFFF0];
	p1 =	slt.u32 s2, $0x3FC;
	v28 =	vshra.s32 v20, $0x15;
	v20 =	vand.u32 $0x7, v20;
	v26 =	vcvt.s32.f32 v26  }
0x4c: {  	v31 =	vadd.s32 v2, v23;
	v29 =	vld [tilespmem:s6+$0x0];
	v30 =	vcvt.s32.f32 v20;
	v28 =	vadd.s32 v2, v28  }
.Ltmp1:
0x4d: {  	[tilespmem:v22+s1+$0x0] =	vst.idx.add.f32.msk $0xffff, v26;
	(pc) =	sbr.rel @p1 .LBB2_4-.Ltmp1, $4  }
0x4e: {  	v20 =	vld [tilespmem:s6+$0xFFFFFFE0]  }
0x4f: {  	v22 =	vshra.s32 v17, $0x15;
	[tilespmem:v24+s1+$0x0] =	vst.idx.add.f32.msk $0xffff, v21  }
0x50: {  	v24 =	vshra.s32 v27, $0x15;
	v21 =	vand.u32 $0x7, v27;
	v22 =	vadd.s32 v2, v22;
	[tilespmem:v19+s1+$0x0] =	vst.idx.add.f32.msk $0xffff, v18;
	v18 =	vmovc v25  }
0x51: {  	s6 =	sadd.s32 $0x40, s6;
	v19 =	vmovc v31;
	v21 =	vcvt.s32.f32 v21;
	v23 =	vshra.s32 v29, $0x15;
	v25 =	vand.u32 $0x7, v29;
	[tilespmem:v28+s1+$0x0] =	vst.idx.add.f32.msk $0xffff, v30  }
0x52: {  	_ = 	snop  }
0x53: {  	v24 =	vadd.s32 v2, v24  }
0x54: {  	v17 =	vand.u32 $0x7, v17;
	v23 =	vadd.s32 v2, v23;
	v26 =	vshra.s32 v20, $0x15  }
0x55: {  	v17 =	vcvt.s32.f32 v17;
	v26 =	vadd.s32 v2, v26  }
0x56: {  	[tilespmem:v19+s1+$0x0] =	vst.idx.add.f32.msk $0xffff, v18;
	v20 =	vand.u32 $0x7, v20  }
0x57: {  	[tilespmem:v22+s1+$0x0] =	vst.idx.add.f32.msk $0xffff, v17;
	v17 =	vcvt.s32.f32 v20;
	v20 =	vcvt.s32.f32 v25  }
0x58: {  	[tilespmem:v24+s1+$0x0] =	vst.idx.add.f32.msk $0xffff, v21  }
0x59: {  	[tilespmem:v23+s1+$0x0] =	vst.idx.add.f32.msk $0xffff, v20  }
0x5a: {  	[tilespmem:v26+s1+$0x0] =	vst.idx.add.f32.msk $0xffff, v17  }
0x5b: {  	_ =	swait.ge [sflag:s3], $0x4000  }
0x5c: {  	[sflag:s3] =	ssyncset.done $0x0  }
0x5d: {  	s2 =	simm.s32 $0x4030;
	[sflag:s3] =	ssyncadd.s32 $0xFFFFC000  }
0x5e: {  	v18 =	vld [tilespmem:s2+$0x0];
	_ =	sdelay $0x2  }
0x5f: {  	v19 =	vld [tilespmem:s2+$0xFFFFFFE0]  }
0x60: {  	v20 =	vld [tilespmem:s2+$0xFFFFFFD0]  }
0x61: {  	v17 =	vshra.s32 v18, $0x15  }
0x62: {  	v22 =	vadd.s32 v2, v17  }
0x63: {  	s22 =	simm.s32 $0x4070;
	v21 =	vld [tilespmem:s2+$0xFFFFFFF0]  }
0x64: {  	v23 =	vshra.s32 v19, $0x15;
	v18 =	vand.u32 $0x7, v18;
	v17 =	vld [tilespmem:s22+$0x0]  }
0x65: {  	v25 =	vld [tilespmem:s22+$0xFFFFFFE0];
	v24 =	vshra.s32 v20, $0x15;
	v23 =	vadd.s32 v2, v23;
	v26 =	vcvt.s32.f32 v18  }
0x66: {  	v27 =	vld [tilespmem:s22+$0xFFFFFFF0];
	v19 =	vand.u32 $0x7, v19;
	v28 =	vadd.s32 v2, v24  }
0x67: {  	v20 =	vand.u32 $0x7, v20;
	v24 =	vcvt.s32.f32 v19;
	[tilespmem:v22+s1+$0x0] =	vst.idx.add.f32.msk $0xffff, v26  }
0x68: {  	v18 =	vand.u32 $0x7, v21;
	v19 =	vshra.s32 v21, $0x15;
	v26 =	vcvt.s32.f32 v20;
	v20 =	vld [tilespmem:s22+$0xFFFFFFD0]  }
0x69: {  	v18 =	vcvt.s32.f32 v18;
	v19 =	vadd.s32 v2, v19;
	v21 =	vshra.s32 v17, $0x15  }
0x6a: {  	s17 =	smov.u32 s15;
	[tilespmem:v23+s1+$0x0] =	vst.idx.add.f32.msk $0xffff, v24;
	v24 =	vshra.s32 v25, $0x15;
	v23 =	vand.u32 $0x7, v25;
	v22 =	vadd.s32 v2, v21  }
0x6b: {  	s14 =	smov.u32 s12;
	s6 =	simm.s32 $0x40B0;
	s2 =	simm.s32 $0x404;
	v25 =	vand.u32 $0x7, v27;
	v21 =	vcvt.s32.f32 v23;
	v23 =	vshra.s32 v27, $0x15;
	[tilespmem:v28+s1+$0x0] =	vst.idx.add.f32.msk $0xffff, v26  }
.LBB2_6:
0x6c: {  	s2 =	sadd.s32 $0x4, s2;
	v24 =	vadd.s32 v2, v24;
	v25 =	vcvt.s32.f32 v25;
	v26 =	vand.u32 $0x7, v17;
	v17 =	vld [tilespmem:s6+$0x0]  }
0x6d: {  	v27 =	vld [tilespmem:s6+$0xFFFFFFE0];
	p1 =	slt.u32 s2, $0x7FC;
	v28 =	vshra.s32 v20, $0x15;
	v20 =	vand.u32 $0x7, v20;
	v26 =	vcvt.s32.f32 v26  }
0x6e: {  	v31 =	vadd.s32 v2, v23;
	v29 =	vld [tilespmem:s6+$0xFFFFFFF0];
	v30 =	vcvt.s32.f32 v20;
	v28 =	vadd.s32 v2, v28  }
.Ltmp2:
0x6f: {  	[tilespmem:v22+s1+$0x0] =	vst.idx.add.f32.msk $0xffff, v26;
	(pc) =	sbr.rel @p1 .LBB2_6-.Ltmp2, $4  }
0x70: {  	v20 =	vld [tilespmem:s6+$0xFFFFFFD0]  }
0x71: {  	v22 =	vshra.s32 v17, $0x15;
	[tilespmem:v24+s1+$0x0] =	vst.idx.add.f32.msk $0xffff, v21  }
0x72: {  	v24 =	vshra.s32 v27, $0x15;
	v21 =	vand.u32 $0x7, v27;
	v22 =	vadd.s32 v2, v22;
	[tilespmem:v19+s1+$0x0] =	vst.idx.add.f32.msk $0xffff, v18;
	v18 =	vmovc v25  }
0x73: {  	s6 =	sadd.s32 $0x40, s6;
	v19 =	vmovc v31;
	v21 =	vcvt.s32.f32 v21;
	v23 =	vshra.s32 v29, $0x15;
	v25 =	vand.u32 $0x7, v29;
	[tilespmem:v28+s1+$0x0] =	vst.idx.add.f32.msk $0xffff, v30  }
0x74: {  	_ = 	snop  }
0x75: {  	v24 =	vadd.s32 v2, v24  }
0x76: {  	v17 =	vand.u32 $0x7, v17;
	v23 =	vadd.s32 v2, v23;
	v26 =	vshra.s32 v20, $0x15  }
0x77: {  	v17 =	vcvt.s32.f32 v17;
	v26 =	vadd.s32 v2, v26  }
0x78: {  	[tilespmem:v19+s1+$0x0] =	vst.idx.add.f32.msk $0xffff, v18;
	v20 =	vand.u32 $0x7, v20  }
0x79: {  	[tilespmem:v22+s1+$0x0] =	vst.idx.add.f32.msk $0xffff, v17;
	v17 =	vcvt.s32.f32 v20;
	v20 =	vcvt.s32.f32 v25  }
0x7a: {  	[tilespmem:v24+s1+$0x0] =	vst.idx.add.f32.msk $0xffff, v21  }
0x7b: {  	[tilespmem:v23+s1+$0x0] =	vst.idx.add.f32.msk $0xffff, v20  }
0x7c: {  	[tilespmem:v26+s1+$0x0] =	vst.idx.add.f32.msk $0xffff, v17  }
0x7d: {  	_ =	swait.ge [sflag:s3], $0x4000  }
0x7e: {  	[sflag:s3] =	ssyncset.done $0x0  }
0x7f: {  	s2 =	simm.s32 $0x8030;
	[sflag:s3] =	ssyncadd.s32 $0xFFFFC000  }
0x80: {  	v18 =	vld [tilespmem:s2+$0x0];
	_ =	sdelay $0x2  }
0x81: {  	v19 =	vld [tilespmem:s2+$0xFFFFFFE0]  }
0x82: {  	v20 =	vld [tilespmem:s2+$0xFFFFFFD0]  }
0x83: {  	v17 =	vshra.s32 v18, $0x15  }
0x84: {  	v22 =	vadd.s32 v2, v17  }
0x85: {  	s22 =	smov.u32 s19;
	s19 =	simm.s32 $0x8070;
	v21 =	vld [tilespmem:s2+$0xFFFFFFF0]  }
0x86: {  	v23 =	vshra.s32 v19, $0x15;
	v18 =	vand.u32 $0x7, v18;
	v17 =	vld [tilespmem:s19+$0x0]  }
0x87: {  	v25 =	vld [tilespmem:s19+$0xFFFFFFE0];
	v24 =	vshra.s32 v20, $0x15;
	v23 =	vadd.s32 v2, v23;
	v26 =	vcvt.s32.f32 v18  }
0x88: {  	v27 =	vld [tilespmem:s19+$0xFFFFFFF0];
	v19 =	vand.u32 $0x7, v19;
	v28 =	vadd.s32 v2, v24  }
0x89: {  	v20 =	vand.u32 $0x7, v20;
	v24 =	vcvt.s32.f32 v19;
	[tilespmem:v22+s1+$0x0] =	vst.idx.add.f32.msk $0xffff, v26  }
0x8a: {  	v18 =	vand.u32 $0x7, v21;
	v19 =	vshra.s32 v21, $0x15;
	v26 =	vcvt.s32.f32 v20;
	v20 =	vld [tilespmem:s19+$0xFFFFFFD0]  }
0x8b: {  	v18 =	vcvt.s32.f32 v18;
	v19 =	vadd.s32 v2, v19;
	v21 =	vshra.s32 v17, $0x15  }
0x8c: {  	s15 =	smov.u32 s13;
	[tilespmem:v23+s1+$0x0] =	vst.idx.add.f32.msk $0xffff, v24;
	v24 =	vshra.s32 v25, $0x15;
	v23 =	vand.u32 $0x7, v25;
	v22 =	vadd.s32 v2, v21  }
0x8d: {  	s12 =	smov.u32 s11;
	s6 =	simm.s32 $0x80B0;
	s2 =	simm.s32 $0x804;
	v25 =	vand.u32 $0x7, v27;
	v21 =	vcvt.s32.f32 v23;
	v23 =	vshra.s32 v27, $0x15;
	[tilespmem:v28+s1+$0x0] =	vst.idx.add.f32.msk $0xffff, v26  }
.LBB2_8:
0x8e: {  	s2 =	sadd.s32 $0x4, s2;
	v24 =	vadd.s32 v2, v24;
	v25 =	vcvt.s32.f32 v25;
	v26 =	vand.u32 $0x7, v17;
	v17 =	vld [tilespmem:s6+$0x0]  }
0x8f: {  	v27 =	vld [tilespmem:s6+$0xFFFFFFE0];
	p1 =	slt.u32 s2, $0xBFC;
	v28 =	vshra.s32 v20, $0x15;
	v20 =	vand.u32 $0x7, v20;
	v26 =	vcvt.s32.f32 v26  }
0x90: {  	v31 =	vadd.s32 v2, v23;
	v29 =	vld [tilespmem:s6+$0xFFFFFFF0];
	v30 =	vcvt.s32.f32 v20;
	v28 =	vadd.s32 v2, v28  }
.Ltmp3:
0x91: {  	[tilespmem:v22+s1+$0x0] =	vst.idx.add.f32.msk $0xffff, v26;
	(pc) =	sbr.rel @p1 .LBB2_8-.Ltmp3, $4  }
0x92: {  	v20 =	vld [tilespmem:s6+$0xFFFFFFD0]  }
0x93: {  	v22 =	vshra.s32 v17, $0x15;
	[tilespmem:v24+s1+$0x0] =	vst.idx.add.f32.msk $0xffff, v21  }
0x94: {  	v24 =	vshra.s32 v27, $0x15;
	v21 =	vand.u32 $0x7, v27;
	v22 =	vadd.s32 v2, v22;
	[tilespmem:v19+s1+$0x0] =	vst.idx.add.f32.msk $0xffff, v18;
	v18 =	vmovc v25  }
0x95: {  	s6 =	sadd.s32 $0x40, s6;
	v19 =	vmovc v31;
	v21 =	vcvt.s32.f32 v21;
	v23 =	vshra.s32 v29, $0x15;
	v25 =	vand.u32 $0x7, v29;
	[tilespmem:v28+s1+$0x0] =	vst.idx.add.f32.msk $0xffff, v30  }
0x96: {  	_ = 	snop  }
0x97: {  	v24 =	vadd.s32 v2, v24  }
0x98: {  	v17 =	vand.u32 $0x7, v17;
	v23 =	vadd.s32 v2, v23;
	v26 =	vshra.s32 v20, $0x15  }
0x99: {  	v17 =	vcvt.s32.f32 v17;
	v26 =	vadd.s32 v2, v26  }
0x9a: {  	[tilespmem:v19+s1+$0x0] =	vst.idx.add.f32.msk $0xffff, v18;
	v20 =	vand.u32 $0x7, v20  }
0x9b: {  	[tilespmem:v22+s1+$0x0] =	vst.idx.add.f32.msk $0xffff, v17;
	v17 =	vcvt.s32.f32 v20;
	v20 =	vcvt.s32.f32 v25  }
0x9c: {  	[tilespmem:v24+s1+$0x0] =	vst.idx.add.f32.msk $0xffff, v21  }
0x9d: {  	[tilespmem:v23+s1+$0x0] =	vst.idx.add.f32.msk $0xffff, v20  }
0x9e: {  	[tilespmem:v26+s1+$0x0] =	vst.idx.add.f32.msk $0xffff, v17  }
0x9f: {  	_ =	swait.ge [sflag:s3], $0x4000  }
0xa0: {  	[sflag:s3] =	ssyncset.done $0x0  }
0xa1: {  	s2 =	simm.s32 $0xC030;
	[sflag:s3] =	ssyncadd.s32 $0xFFFFC000  }
0xa2: {  	v18 =	vld [tilespmem:s2+$0x0];
	_ =	sdelay $0x2  }
0xa3: {  	v19 =	vld [tilespmem:s2+$0xFFFFFFE0]  }
0xa4: {  	v20 =	vld [tilespmem:s2+$0xFFFFFFD0]  }
0xa5: {  	v17 =	vshra.s32 v18, $0x15  }
0xa6: {  	v22 =	vadd.s32 v2, v17  }
0xa7: {  	s19 =	smov.u32 s30;
	s30 =	simm.s32 $0xC070;
	v21 =	vld [tilespmem:s2+$0xFFFFFFF0]  }
0xa8: {  	v23 =	vshra.s32 v19, $0x15;
	v18 =	vand.u32 $0x7, v18;
	v17 =	vld [tilespmem:s30+$0x0]  }
0xa9: {  	v25 =	vld [tilespmem:s30+$0xFFFFFFE0];
	v24 =	vshra.s32 v20, $0x15;
	v23 =	vadd.s32 v2, v23;
	v26 =	vcvt.s32.f32 v18  }
0xaa: {  	v27 =	vld [tilespmem:s30+$0xFFFFFFF0];
	v19 =	vand.u32 $0x7, v19;
	v28 =	vadd.s32 v2, v24  }
0xab: {  	v20 =	vand.u32 $0x7, v20;
	v24 =	vcvt.s32.f32 v19;
	[tilespmem:v22+s1+$0x0] =	vst.idx.add.f32.msk $0xffff, v26  }
0xac: {  	v18 =	vand.u32 $0x7, v21;
	v19 =	vshra.s32 v21, $0x15;
	v26 =	vcvt.s32.f32 v20;
	v20 =	vld [tilespmem:s30+$0xFFFFFFD0]  }
0xad: {  	v18 =	vcvt.s32.f32 v18;
	v19 =	vadd.s32 v2, v19;
	v21 =	vshra.s32 v17, $0x15  }
0xae: {  	[tilespmem:v23+s1+$0x0] =	vst.idx.add.f32.msk $0xffff, v24;
	v24 =	vshra.s32 v25, $0x15;
	v23 =	vand.u32 $0x7, v25;
	v22 =	vadd.s32 v2, v21  }
0xaf: {  	s13 =	smov.u32 s25;
	s6 =	simm.s32 $0xC0B0;
	s2 =	simm.s32 $0xC04;
	v25 =	vand.u32 $0x7, v27;
	v21 =	vcvt.s32.f32 v23;
	v23 =	vshra.s32 v27, $0x15;
	[tilespmem:v28+s1+$0x0] =	vst.idx.add.f32.msk $0xffff, v26  }
.LBB2_10:
0xb0: {  	s2 =	sadd.s32 $0x4, s2;
	v24 =	vadd.s32 v2, v24;
	v25 =	vcvt.s32.f32 v25;
	v26 =	vand.u32 $0x7, v17;
	v17 =	vld [tilespmem:s6+$0x0]  }
0xb1: {  	v27 =	vld [tilespmem:s6+$0xFFFFFFE0];
	p1 =	slt.u32 s2, $0xFFC;
	v28 =	vshra.s32 v20, $0x15;
	v20 =	vand.u32 $0x7, v20;
	v26 =	vcvt.s32.f32 v26  }
0xb2: {  	v31 =	vadd.s32 v2, v23;
	v29 =	vld [tilespmem:s6+$0xFFFFFFF0];
	v30 =	vcvt.s32.f32 v20;
	v28 =	vadd.s32 v2, v28  }
.Ltmp4:
0xb3: {  	[tilespmem:v22+s1+$0x0] =	vst.idx.add.f32.msk $0xffff, v26;
	(pc) =	sbr.rel @p1 .LBB2_10-.Ltmp4, $4  }
0xb4: {  	v20 =	vld [tilespmem:s6+$0xFFFFFFD0]  }
0xb5: {  	v22 =	vshra.s32 v17, $0x15;
	[tilespmem:v24+s1+$0x0] =	vst.idx.add.f32.msk $0xffff, v21  }
0xb6: {  	v24 =	vshra.s32 v27, $0x15;
	v21 =	vand.u32 $0x7, v27;
	v22 =	vadd.s32 v2, v22;
	[tilespmem:v19+s1+$0x0] =	vst.idx.add.f32.msk $0xffff, v18;
	v18 =	vmovc v25  }
0xb7: {  	s6 =	sadd.s32 $0x40, s6;
	v19 =	vmovc v31;
	v21 =	vcvt.s32.f32 v21;
	v23 =	vshra.s32 v29, $0x15;
	v25 =	vand.u32 $0x7, v29;
	[tilespmem:v28+s1+$0x0] =	vst.idx.add.f32.msk $0xffff, v30  }
0xb8: {  	_ = 	snop  }
0xb9: {  	v24 =	vadd.s32 v2, v24  }
0xba: {  	v17 =	vand.u32 $0x7, v17;
	v23 =	vadd.s32 v2, v23;
	v26 =	vshra.s32 v20, $0x15  }
0xbb: {  	v17 =	vcvt.s32.f32 v17;
	v26 =	vadd.s32 v2, v26  }
0xbc: {  	[tilespmem:v19+s1+$0x0] =	vst.idx.add.f32.msk $0xffff, v18;
	v20 =	vand.u32 $0x7, v20  }
0xbd: {  	[tilespmem:v22+s1+$0x0] =	vst.idx.add.f32.msk $0xffff, v17;
	v17 =	vcvt.s32.f32 v20;
	v20 =	vcvt.s32.f32 v25  }
0xbe: {  	[tilespmem:v24+s1+$0x0] =	vst.idx.add.f32.msk $0xffff, v21  }
0xbf: {  	[tilespmem:v23+s1+$0x0] =	vst.idx.add.f32.msk $0xffff, v20  }
0xc0: {  	s6 =	simm.s32 $0x0;
	[tilespmem:v26+s1+$0x0] =	vst.idx.add.f32.msk $0xffff, v17  }
0xc1: {  	v17 =	vld [tilespmem:s6+$0x10010]  }
0xc2: {  	s7 =	simm.s32 $0x0;
	v18 =	vld [tilespmem:s6+$0x10000]  }
0xc3: {  	s10 =	sand.u32 $0x7E0, s7;
	v19 =	vld [tilespmem:s6+$0x10810]  }
0xc4: {  	v20 =	vld [tilespmem:s10+$0x10800]  }
0xc5: {  	v21 =	vld [tilespmem:s6+$0x11010]  }
0xc6: {  	v22 =	vld [tilespmem:s10+$0x11000];
	v17 =	vadd.f32 $0.0e+00, v17  }
0xc7: {  	v23 =	vld [tilespmem:s6+$0x11810];
	v18 =	vadd.f32 $0.0e+00, v18  }
0xc8: {  	v24 =	vld [tilespmem:s10+$0x11800];
	v17 =	vadd.f32 v19, v17  }
0xc9: {  	v18 =	vadd.f32 v20, v18;
	v19 =	vld [tilespmem:s6+$0x12010]  }
0xca: {  	v20 =	vld [tilespmem:s10+$0x12000];
	v17 =	vadd.f32 v21, v17  }
0xcb: {  	v18 =	vadd.f32 v22, v18;
	v21 =	vld [tilespmem:s6+$0x12810]  }
0xcc: {  	v22 =	vld [tilespmem:s10+$0x12800];
	v17 =	vadd.f32 v23, v17  }
0xcd: {  	v18 =	vadd.f32 v24, v18;
	v23 =	vld [tilespmem:s6+$0x13010]  }
0xce: {  	v61 =	vld [tilespmem:s10+$0x13000];
	v17 =	vadd.f32 v19, v17  }
0xcf: {  	v18 =	vadd.f32 v20, v18;
	v19 =	vld [tilespmem:s6+$0x13810]  }
0xd0: {  	v20 =	vld [tilespmem:s10+$0x13800];
	v17 =	vadd.f32 v21, v17  }
0xd1: {  	v18 =	vadd.f32 v22, v18;
	v21 =	vld [tilespmem:s6+$0x14010]  }
0xd2: {  	v22 =	vld [tilespmem:s10+$0x14000];
	v17 =	vadd.f32 v23, v17  }
0xd3: {  	v18 =	vadd.f32 v61, v18;
	v23 =	vld [tilespmem:s6+$0x14810]  }
0xd4: {  	v62 =	vld [tilespmem:s10+$0x14800];
	v17 =	vadd.f32 v19, v17  }
0xd5: {  	v18 =	vadd.f32 v20, v18;
	v19 =	vld [tilespmem:s6+$0x15010]  }
0xd6: {  	v20 =	vld [tilespmem:s10+$0x15000];
	v17 =	vadd.f32 v21, v17  }
0xd7: {  	v18 =	vadd.f32 v22, v18;
	v21 =	vld [tilespmem:s6+$0x15810]  }
0xd8: {  	v22 =	vld [tilespmem:s10+$0x15800];
	v17 =	vadd.f32 v23, v17  }
0xd9: {  	v18 =	vadd.f32 v62, v18;
	v23 =	vld [tilespmem:s6+$0x16010]  }
0xda: {  	p1 =	por $0x1, $0x1;
	v63 =	vld [tilespmem:s10+$0x16000];
	v19 =	vadd.f32 v19, v17  }
.Ltmp5:
0xdb: {  	v20 =	vadd.f32 v20, v18;
	v18 =	vld [tilespmem:s6+$0x16810];
	(pc) =	sbr.rel @!p1 .LBB2_13-.Ltmp5, $4  }
0xdc: {  	v17 =	vld [tilespmem:s10+$0x16800];
	v21 =	vadd.f32 v21, v19  }
0xdd: {  	v22 =	vadd.f32 v22, v20;
	v20 =	vld [tilespmem:s6+$0x17010]  }
0xde: {  	s9 =	simm.s32 $0x0;
	s25 =	simm.s32 $0x80;
	v19 =	vld [tilespmem:s10+$0x17000];
	v23 =	vadd.f32 v23, v21  }
0xdf: {  	s2 =	simm.s32 $0x0;
	s30 =	simm.s32 $0x0;
	s8 =	smov.u32 s10;
	v22 =	vadd.f32 v63, v22;
	v21 =	vld [tilespmem:s6+$0x17810]  }
.LBB2_12:
0xe0: {  	s11 =	sshra.s32 s25, $0x2;
	s9 =	sadd.s32 $0x2, s9;
	v24 =	vld [tilespmem:s8+$0x17800];
	v18 =	vadd.f32 v18, v23  }
0xe1: {  	v23 =	vld [tilespmem:s11+$0x10010];
	p1 =	slt.u32 s9, $0x7E;
	v17 =	vadd.f32 v17, v22  }
0xe2: {  	s2 =	sadd.s32 $0x20, s2;
	v22 =	vld [tilespmem:s11+$0x10000];
	v18 =	vadd.f32 v20, v18  }
0xe3: {  	s8 =	sand.u32 $0x7E0, s2;
	v20 =	vld [tilespmem:s11+$0x10810];
	v17 =	vadd.f32 v19, v17  }
0xe4: {  	v19 =	vld [tilespmem:s8+$0x10800];
	v18 =	vadd.f32 v21, v18  }
0xe5: {  	v21 =	vld [tilespmem:s11+$0x11010];
	v17 =	vadd.f32 v24, v17  }
0xe6: {  	v24 =	vld [tilespmem:s8+$0x11000];
	v23 =	vadd.f32 $0.0e+00, v23;
	[tilespmem:s30+$0x18010] =	vst v18  }
0xe7: {  	v18 =	vadd.f32 $0.0e+00, v22;
	v22 =	vld [tilespmem:s11+$0x11810];
	[tilespmem:s30+$0x18000] =	vst v17;
	s30 =	smov.u32 s11  }
0xe8: {  	v17 =	vld [tilespmem:s8+$0x11800];
	v20 =	vadd.f32 v20, v23  }
0xe9: {  	v18 =	vadd.f32 v19, v18;
	v19 =	vld [tilespmem:s30+$0x12010]  }
0xea: {  	v23 =	vld [tilespmem:s8+$0x12000];
	v20 =	vadd.f32 v21, v20  }
0xeb: {  	v18 =	vadd.f32 v24, v18;
	v21 =	vld [tilespmem:s30+$0x12810]  }
0xec: {  	v24 =	vld [tilespmem:s8+$0x12800];
	v20 =	vadd.f32 v22, v20  }
0xed: {  	v17 =	vadd.f32 v17, v18;
	v18 =	vld [tilespmem:s30+$0x13010]  }
0xee: {  	v22 =	vld [tilespmem:s8+$0x13000];
	v19 =	vadd.f32 v19, v20  }
0xef: {  	v17 =	vadd.f32 v23, v17;
	v20 =	vld [tilespmem:s30+$0x13810]  }
0xf0: {  	v23 =	vld [tilespmem:s8+$0x13800];
	v19 =	vadd.f32 v21, v19  }
0xf1: {  	v17 =	vadd.f32 v24, v17;
	v21 =	vld [tilespmem:s30+$0x14010]  }
0xf2: {  	v24 =	vld [tilespmem:s8+$0x14000];
	v18 =	vadd.f32 v18, v19  }
0xf3: {  	v17 =	vadd.f32 v22, v17;
	v19 =	vld [tilespmem:s30+$0x14810]  }
0xf4: {  	v22 =	vld [tilespmem:s8+$0x14800];
	v18 =	vadd.f32 v20, v18  }
0xf5: {  	v17 =	vadd.f32 v23, v17;
	v20 =	vld [tilespmem:s30+$0x15010]  }
0xf6: {  	v23 =	vld [tilespmem:s8+$0x15000];
	v18 =	vadd.f32 v21, v18  }
0xf7: {  	v17 =	vadd.f32 v24, v17;
	v21 =	vld [tilespmem:s30+$0x15810]  }
0xf8: {  	v24 =	vld [tilespmem:s8+$0x15800];
	v18 =	vadd.f32 v19, v18  }
0xf9: {  	v17 =	vadd.f32 v22, v17;
	v22 =	vld [tilespmem:s30+$0x16010]  }
0xfa: {  	v25 =	vld [tilespmem:s8+$0x16000];
	v19 =	vadd.f32 v20, v18  }
.Ltmp6:
0xfb: {  	v20 =	vadd.f32 v23, v17;
	v18 =	vld [tilespmem:s30+$0x16810];
	(pc) =	sbr.rel @p1 .LBB2_12-.Ltmp6, $4  }
0xfc: {  	v17 =	vld [tilespmem:s8+$0x16800];
	v21 =	vadd.f32 v21, v19  }
0xfd: {  	v24 =	vadd.f32 v24, v20;
	v20 =	vld [tilespmem:s30+$0x17010]  }
0xfe: {  	v19 =	vld [tilespmem:s8+$0x17000];
	v23 =	vadd.f32 v22, v21  }
0xff: {  	s25 =	sadd.s32 $0x80, s25;
	v22 =	vadd.f32 v25, v24;
	v21 =	vld [tilespmem:s30+$0x17810]  }
.LBB2_13:
0x100: {  	v24 =	vld [tilespmem:s8+$0x17800];
	v18 =	vadd.f32 v18, v23  }
0x101: {  	v17 =	vadd.f32 v17, v22  }
0x102: {  	v18 =	vadd.f32 v20, v18  }
0x103: {  	v17 =	vadd.f32 v19, v17  }
0x104: {  	v18 =	vadd.f32 v21, v18  }
0x105: {  	v17 =	vadd.f32 v24, v17  }
0x106: {  	[tilespmem:s30+$0x18010] =	vst v18  }
0x107: {  	s2 =	simm.s32 $0x18000;
	s8 =	simm.s32 $0x3;
	[tilespmem:s30+$0x18000] =	vst v17  }
0x108: {  	[spmem:s13] =	stream.strided.scatter [tilespmem:s2], [sflag:$0x3], $0x800, s29, s28, $0x38;
	[tilespmem:$0x19C80] =	vst v63  }
0x109: {  	_ =	swait.ge [sflag:s8], $0x800  }
0x10a: {  	[sflag:s8] =	ssyncset.done $0x0  }
0x10b: {  	[sflag:s8] =	ssyncadd.s32 $0xFFFFF800  }
0x10c: {  	[bflag:$0x0] =	sbarrier.arrive $0xFFFF  }
0x10d: {  	[tilespmem:s1], [sflag:$0x2] =	stream.strided.gather [spmem:s12], $0x800, s29, s28, $0x38;
	[tilespmem:$0x19C80] =	vst v63  }
0x10e: {  	s9 =	simm.s32 $0x10800  }
0x10f: {  	[tilespmem:s9], [sflag:$0x2] =	stream.strided.gather [spmem:s14], $0x800, s29, s28, $0x38;
	[tilespmem:$0x19C80] =	vst v63  }
0x110: {  	s25 =	smov.u32 s13;
	s13 =	simm.s32 $0x11000  }
0x111: {  	[tilespmem:s13], [sflag:$0x2] =	stream.strided.gather [spmem:s19], $0x800, s29, s28, $0x38;
	[tilespmem:$0x19C80] =	vst v63  }
0x112: {  	s11 =	smov.u32 s12;
	s12 =	smov.u32 s14;
	s14 =	simm.s32 $0x11800  }
0x113: {  	[tilespmem:s14], [sflag:$0x2] =	stream.strided.gather [spmem:s15], $0x800, s29, s28, $0x38;
	[tilespmem:$0x19C80] =	vst v63  }
0x114: {  	s13 =	smov.u32 s15;
	s15 =	simm.s32 $0x12000  }
0x115: {  	[tilespmem:s15], [sflag:$0x2] =	stream.strided.gather [spmem:s16], $0x800, s29, s28, $0x38;
	[tilespmem:$0x19C80] =	vst v63  }
0x116: {  	s14 =	smov.u32 s16;
	s16 =	simm.s32 $0x12800  }
0x117: {  	[tilespmem:s16], [sflag:$0x2] =	stream.strided.gather [spmem:s17], $0x800, s29, s28, $0x38;
	[tilespmem:$0x19C80] =	vst v63  }
0x118: {  	s15 =	smov.u32 s17;
	s17 =	simm.s32 $0x13000  }
0x119: {  	[tilespmem:s17], [sflag:$0x2] =	stream.strided.gather [spmem:s18], $0x800, s29, s28, $0x38;
	[tilespmem:$0x19C80] =	vst v63  }
0x11a: {  	s30 =	smov.u32 s19;
	s19 =	simm.s32 $0x13800  }
0x11b: {  	[tilespmem:s19], [sflag:$0x2] =	stream.strided.gather [spmem:s20], $0x800, s29, s28, $0x38;
	[tilespmem:$0x19C80] =	vst v63  }
0x11c: {  	s17 =	smov.u32 s20;
	s20 =	simm.s32 $0x14000  }
0x11d: {  	[tilespmem:s20], [sflag:$0x2] =	stream.strided.gather [spmem:s21], $0x800, s29, s28, $0x38;
	[tilespmem:$0x19C80] =	vst v63  }
0x11e: {  	s16 =	smov.u32 s18;
	s18 =	smov.u32 s21;
	s21 =	simm.s32 $0x14800  }
0x11f: {  	[tilespmem:s21], [sflag:$0x2] =	stream.strided.gather [spmem:s22], $0x800, s29, s28, $0x38;
	[tilespmem:$0x19C80] =	vst v63  }
0x120: {  	s19 =	smov.u32 s22;
	s22 =	simm.s32 $0x15000  }
0x121: {  	[tilespmem:s22], [sflag:$0x2] =	stream.strided.gather [spmem:s23], $0x800, s29, s28, $0x38;
	[tilespmem:$0x19C80] =	vst v63  }
0x122: {  	s20 =	smov.u32 s23;
	s23 =	simm.s32 $0x15800  }
0x123: {  	[tilespmem:s23], [sflag:$0x2] =	stream.strided.gather [spmem:s24], $0x800, s29, s28, $0x38;
	[tilespmem:$0x19C80] =	vst v63  }
0x124: {  	s21 =	smov.u32 s24;
	s24 =	simm.s32 $0x16000  }
0x125: {  	[tilespmem:s24], [sflag:$0x2] =	stream.strided.gather [spmem:s26], $0x800, s29, s28, $0x38;
	[tilespmem:$0x19C80] =	vst v63  }
0x126: {  	s8 =	simm.s32 $0x16800  }
0x127: {  	[tilespmem:s8], [sflag:$0x2] =	stream.strided.gather [spmem:s4], $0x800, s29, s28, $0x38;
	[tilespmem:$0x19C80] =	vst v63  }
0x128: {  	s9 =	simm.s32 $0x17000;
	s23 =	smov.u32 s4;
	s4 =	smov.u32 s0  }
0x129: {  	[tilespmem:s9], [sflag:$0x2] =	stream.strided.gather [spmem:s4], $0x800, s29, s28, $0x38;
	[tilespmem:$0x19C80] =	vst v63  }
0x12a: {  	s22 =	simm.s32 $0x17800;
	s24 =	rddreg [dreg:$0xa]  }
0x12b: {  	[tilespmem:s22], [sflag:$0x2] =	stream.strided.gather [spmem:s24], $0x800, s29, s28, $0x38;
	[tilespmem:$0x19C80] =	vst v63  }
0x12c: {  	_ =	swait.ge [sflag:s31], $0x800  }
0x12d: {  	[sflag:s31] =	ssyncset.done $0x0  }
0x12e: {  	[sflag:s31] =	ssyncadd.s32 $0xFFFFF800  }
0x12f: {  	_ =	swait.ge [sflag:s31], $0x800  }
0x130: {  	[sflag:s31] =	ssyncset.done $0x0  }
0x131: {  	[sflag:s31] =	ssyncadd.s32 $0xFFFFF800  }
0x132: {  	_ =	swait.ge [sflag:s31], $0x800  }
0x133: {  	[sflag:s31] =	ssyncset.done $0x0  }
0x134: {  	[sflag:s31] =	ssyncadd.s32 $0xFFFFF800  }
0x135: {  	_ =	swait.ge [sflag:s31], $0x800  }
0x136: {  	[sflag:s31] =	ssyncset.done $0x0  }
0x137: {  	[sflag:s31] =	ssyncadd.s32 $0xFFFFF800  }
0x138: {  	_ =	swait.ge [sflag:s31], $0x800  }
0x139: {  	[sflag:s31] =	ssyncset.done $0x0  }
0x13a: {  	[sflag:s31] =	ssyncadd.s32 $0xFFFFF800  }
0x13b: {  	_ =	swait.ge [sflag:s31], $0x800  }
0x13c: {  	[sflag:s31] =	ssyncset.done $0x0  }
0x13d: {  	[sflag:s31] =	ssyncadd.s32 $0xFFFFF800  }
0x13e: {  	_ =	swait.ge [sflag:s31], $0x800  }
0x13f: {  	[sflag:s31] =	ssyncset.done $0x0  }
0x140: {  	[sflag:s31] =	ssyncadd.s32 $0xFFFFF800  }
0x141: {  	_ =	swait.ge [sflag:s31], $0x800  }
0x142: {  	[sflag:s31] =	ssyncset.done $0x0  }
0x143: {  	[sflag:s31] =	ssyncadd.s32 $0xFFFFF800  }
0x144: {  	_ =	swait.ge [sflag:s31], $0x800  }
0x145: {  	[sflag:s31] =	ssyncset.done $0x0  }
0x146: {  	[sflag:s31] =	ssyncadd.s32 $0xFFFFF800  }
0x147: {  	_ =	swait.ge [sflag:s31], $0x800  }
0x148: {  	[sflag:s31] =	ssyncset.done $0x0  }
0x149: {  	[sflag:s31] =	ssyncadd.s32 $0xFFFFF800  }
0x14a: {  	_ =	swait.ge [sflag:s31], $0x800  }
0x14b: {  	[sflag:s31] =	ssyncset.done $0x0  }
0x14c: {  	[sflag:s31] =	ssyncadd.s32 $0xFFFFF800  }
0x14d: {  	_ =	swait.ge [sflag:s31], $0x800  }
0x14e: {  	[sflag:s31] =	ssyncset.done $0x0  }
0x14f: {  	[sflag:s31] =	ssyncadd.s32 $0xFFFFF800  }
0x150: {  	_ =	swait.ge [sflag:s31], $0x800  }
0x151: {  	[sflag:s31] =	ssyncset.done $0x0  }
0x152: {  	[sflag:s31] =	ssyncadd.s32 $0xFFFFF800  }
0x153: {  	_ =	swait.ge [sflag:s31], $0x800  }
0x154: {  	[sflag:s31] =	ssyncset.done $0x0  }
0x155: {  	[sflag:s31] =	ssyncadd.s32 $0xFFFFF800  }
0x156: {  	_ =	swait.ge [sflag:s31], $0x800  }
0x157: {  	[sflag:s31] =	ssyncset.done $0x0  }
0x158: {  	[sflag:s31] =	ssyncadd.s32 $0xFFFFF800  }
0x159: {  	_ =	swait.ge [sflag:s31], $0x800  }
0x15a: {  	[sflag:s31] =	ssyncset.done $0x0  }
0x15b: {  	[sflag:s31] =	ssyncadd.s32 $0xFFFFF800  }
0x15c: {  	v17 =	vld [tilespmem:s10+$0x10800]  }
0x15d: {  	v18 =	vld [tilespmem:s6+$0x10010]  }
0x15e: {  	v19 =	vld [tilespmem:s6+$0x10810]  }
0x15f: {  	v20 =	vld [tilespmem:s6+$0x10000]  }
0x160: {  	v21 =	vld [tilespmem:s6+$0x11010]  }
0x161: {  	v22 =	vld [tilespmem:s10+$0x11000]  }
0x162: {  	v23 =	vld [tilespmem:s6+$0x11810]  }
0x163: {  	v60 =	vld [tilespmem:s10+$0x11800];
	v18 =	vadd.f32 v19, v18  }
0x164: {  	v17 =	vadd.f32 v17, v20;
	v19 =	vld [tilespmem:s6+$0x12010]  }
0x165: {  	v20 =	vld [tilespmem:s10+$0x12000];
	v18 =	vadd.f32 v21, v18  }
0x166: {  	v17 =	vadd.f32 v22, v17;
	v21 =	vld [tilespmem:s6+$0x12810]  }
0x167: {  	v22 =	vld [tilespmem:s10+$0x12800];
	v18 =	vadd.f32 v23, v18  }
0x168: {  	v17 =	vadd.f32 v60, v17;
	v23 =	vld [tilespmem:s6+$0x13010]  }
0x169: {  	v61 =	vld [tilespmem:s10+$0x13000];
	v18 =	vadd.f32 v19, v18  }
0x16a: {  	v17 =	vadd.f32 v20, v17;
	v19 =	vld [tilespmem:s6+$0x13810]  }
0x16b: {  	v20 =	vld [tilespmem:s10+$0x13800];
	v18 =	vadd.f32 v21, v18  }
0x16c: {  	v17 =	vadd.f32 v22, v17;
	v21 =	vld [tilespmem:s6+$0x14010]  }
0x16d: {  	v22 =	vld [tilespmem:s10+$0x14000];
	v18 =	vadd.f32 v23, v18  }
0x16e: {  	v17 =	vadd.f32 v61, v17;
	v23 =	vld [tilespmem:s6+$0x14810]  }
0x16f: {  	v62 =	vld [tilespmem:s10+$0x14800];
	v18 =	vadd.f32 v19, v18  }
0x170: {  	v17 =	vadd.f32 v20, v17;
	v19 =	vld [tilespmem:s6+$0x15010]  }
0x171: {  	v20 =	vld [tilespmem:s10+$0x15000];
	v18 =	vadd.f32 v21, v18  }
0x172: {  	v17 =	vadd.f32 v22, v17;
	v21 =	vld [tilespmem:s6+$0x15810]  }
0x173: {  	v22 =	vld [tilespmem:s10+$0x15800];
	v18 =	vadd.f32 v23, v18  }
0x174: {  	v17 =	vadd.f32 v62, v17;
	v23 =	vld [tilespmem:s6+$0x16010]  }
0x175: {  	v63 =	vld [tilespmem:s10+$0x16000];
	v18 =	vadd.f32 v19, v18  }
0x176: {  	v19 =	vadd.f32 v20, v17;
	v20 =	vld [tilespmem:s6+$0x16810]  }
0x177: {  	v17 =	vld [tilespmem:s10+$0x16800];
	v21 =	vadd.f32 v21, v18  }
0x178: {  	v22 =	vadd.f32 v22, v19;
	v19 =	vld [tilespmem:s6+$0x17010]  }
0x179: {  	v18 =	vld [tilespmem:s10+$0x17000];
	v23 =	vadd.f32 v23, v21  }
0x17a: {  	s2 =	simm.s32 $0x0;
	s9 =	simm.s32 $0x20;
	v22 =	vadd.f32 v63, v22;
	v21 =	vld [tilespmem:s6+$0x17810]  }
.LBB2_14:
0x17b: {  	v24 =	vld [tilespmem:s10+$0x17800];
	s10 =	sand.u32 $0x7E0, s9;
	v20 =	vadd.f32 v20, v23;
	s7 =	sadd.s32 $0x80, s7  }
0x17c: {  	s8 =	sshra.s32 s7, $0x2;
	v23 =	vld [tilespmem:s10+$0x10800];
	v17 =	vadd.f32 v17, v22  }
0x17d: {  	s2 =	sadd.s32 $0x2, s2;
	v22 =	vld [tilespmem:s8+$0x10010];
	v19 =	vadd.f32 v19, v20  }
0x17e: {  	p1 =	slt.u32 s2, $0x7E;
	v20 =	vld [tilespmem:s8+$0x10810];
	v17 =	vadd.f32 v18, v17  }
0x17f: {  	v18 =	vld [tilespmem:s8+$0x10000];
	v19 =	vadd.f32 v21, v19  }
0x180: {  	v21 =	vld [tilespmem:s8+$0x11010];
	v17 =	vadd.f32 v24, v17  }
0x181: {  	v24 =	vld [tilespmem:s10+$0x11000];
	[tilespmem:s6+$0x18810] =	vst v19  }
0x182: {  	v19 =	vld [tilespmem:s8+$0x11810];
	[tilespmem:s6+$0x18800] =	vst v17;
	s6 =	smov.u32 s8  }
0x183: {  	v17 =	vld [tilespmem:s10+$0x11800];
	v20 =	vadd.f32 v20, v22  }
0x184: {  	v18 =	vadd.f32 v23, v18;
	v22 =	vld [tilespmem:s6+$0x12010]  }
0x185: {  	v23 =	vld [tilespmem:s10+$0x12000];
	v20 =	vadd.f32 v21, v20  }
0x186: {  	v18 =	vadd.f32 v24, v18;
	v21 =	vld [tilespmem:s6+$0x12810]  }
0x187: {  	v24 =	vld [tilespmem:s10+$0x12800];
	v19 =	vadd.f32 v19, v20  }
0x188: {  	v17 =	vadd.f32 v17, v18;
	v18 =	vld [tilespmem:s6+$0x13010]  }
0x189: {  	v20 =	vld [tilespmem:s10+$0x13000];
	v19 =	vadd.f32 v22, v19  }
0x18a: {  	v17 =	vadd.f32 v23, v17;
	v22 =	vld [tilespmem:s6+$0x13810]  }
0x18b: {  	v23 =	vld [tilespmem:s10+$0x13800];
	v19 =	vadd.f32 v21, v19  }
0x18c: {  	v17 =	vadd.f32 v24, v17;
	v21 =	vld [tilespmem:s6+$0x14010]  }
0x18d: {  	v24 =	vld [tilespmem:s10+$0x14000];
	v18 =	vadd.f32 v18, v19  }
0x18e: {  	v17 =	vadd.f32 v20, v17;
	v19 =	vld [tilespmem:s6+$0x14810]  }
0x18f: {  	v20 =	vld [tilespmem:s10+$0x14800];
	v18 =	vadd.f32 v22, v18  }
0x190: {  	v17 =	vadd.f32 v23, v17;
	v22 =	vld [tilespmem:s6+$0x15010]  }
0x191: {  	v23 =	vld [tilespmem:s10+$0x15000];
	v18 =	vadd.f32 v21, v18  }
0x192: {  	v17 =	vadd.f32 v24, v17;
	v21 =	vld [tilespmem:s6+$0x15810]  }
0x193: {  	v24 =	vld [tilespmem:s10+$0x15800];
	v18 =	vadd.f32 v19, v18  }
0x194: {  	v17 =	vadd.f32 v20, v17;
	v25 =	vld [tilespmem:s6+$0x16010]  }
0x195: {  	v26 =	vld [tilespmem:s10+$0x16000];
	v18 =	vadd.f32 v22, v18  }
.Ltmp7:
0x196: {  	v19 =	vadd.f32 v23, v17;
	v20 =	vld [tilespmem:s6+$0x16810];
	(pc) =	sbr.rel @p1 .LBB2_14-.Ltmp7, $4  }
0x197: {  	v17 =	vld [tilespmem:s10+$0x16800];
	v21 =	vadd.f32 v21, v18  }
0x198: {  	v22 =	vadd.f32 v24, v19;
	v19 =	vld [tilespmem:s6+$0x17010]  }
0x199: {  	v18 =	vld [tilespmem:s10+$0x17000];
	v23 =	vadd.f32 v25, v21  }
0x19a: {  	s9 =	sadd.s32 $0x20, s9;
	v22 =	vadd.f32 v26, v22;
	v21 =	vld [tilespmem:s6+$0x17810]  }
0x19b: {  	v24 =	vld [tilespmem:s10+$0x17800];
	v20 =	vadd.f32 v20, v23  }
0x19c: {  	v17 =	vadd.f32 v17, v22  }
0x19d: {  	v19 =	vadd.f32 v19, v20  }
0x19e: {  	v17 =	vadd.f32 v18, v17  }
0x19f: {  	v18 =	vadd.f32 v21, v19  }
0x1a0: {  	v17 =	vadd.f32 v24, v17  }
0x1a1: {  	[tilespmem:s6+$0x18810] =	vst v18  }
0x1a2: {  	[tilespmem:s6+$0x18800] =	vst v17  }
0x1a3: {  	s22 =	simm.s32 $0x0;
	[bflag:$0x0] =	sbarrier.arrive $0xFFFF  }
0x1a4: {  	s2 =	simm.s32 $0x40;
	v17 =	vimm.f32 $0.0e+00;
	v18 =	vld [tilespmem:s22+$0x18800]  }
.LBB2_16:
0x1a5: {  	p1 =	sne.s32 s2, $0x1FC0  }
.Ltmp8:
0x1a6: {  	_ = 	snop;
	(pc) =	sbr.rel @p1 .LBB2_16-.Ltmp8, $3  }
0x1a7: {  	_ =	sdelay $0x1  }
0x1a8: {  	s6 =	sshra.s32 s2, $0x2;
	s2 =	sadd.s32 $0x40, s2;
	v17 =	vadd.f32 v18, v17  }
0x1a9: {  	v18 =	vld [tilespmem:s6+$0x18800]  }
0x1aa: {  	s2 =	simm.s32 $0x0  }
0x1ab: {  	v22 =	vld [tilespmem:s2+$0x18800];
	_ =	sdelay $0x4  }
0x1ac: {  	vm3 =	veq.s32 v0, $0x0;
	v20 =	vperm.xlane v22, v7  }
0x1ad: {  	s8 =	simm.s32 $0x10;
	vm4 =	vmmov vm3;
	v17 =	vadd.f32 v18, v17  }
0x1ae: {  	v19 =	vld [tilespmem:s8+$0x18800];
	v18 =	vsel vm4, $0x0, v20  }
0x1af: {  	v20 =	vperm.xlane v17, v3;
	v18 =	vadd.f32 v18, v22;
	_ =	sdelay $0x1  }
0x1b0: {  	s9 =	simm.s32 $0x20;
	v20 =	vadd.f32 v20, v17;
	v21 =	vperm.xlane v18, v8  }
0x1b1: {  	v17 =	vld [tilespmem:s9+$0x18800]  }
0x1b2: {  	v24 =	vperm.xlane v19, v7;
	v23 =	vperm.xlane v20, v4;
	v21 =	vsel vm0, $0x0, v21  }
0x1b3: {  	v18 =	vadd.f32 v21, v18  }
0x1b4: {  	v20 =	vadd.f32 v23, v20;
	v21 =	vsel vm4, $0x0, v24  }
0x1b5: {  	v21 =	vadd.f32 v21, v19;
	v23 =	vperm.xlane v18, v10  }
0x1b6: {  	v25 =	vperm.xlane v17, v7;
	v24 =	vperm.xlane v20, v5  }
0x1b7: {  	s10 =	simm.s32 $0x30;
	v26 =	vperm.xlane v21, v8;
	v23 =	vsel vm1, $0x0, v23  }
0x1b8: {  	v24 =	vadd.f32 v24, v20;
	v20 =	vld [tilespmem:s10+$0x18800];
	v18 =	vadd.f32 v23, v18;
	v23 =	vsel vm4, $0x0, v25  }
0x1b9: {  	v25 =	vmul.f32 $3.000000000e+00, v15;
	v26 =	vsel vm0, $0x0, v26;
	v23 =	vadd.f32 v23, v17  }
0x1ba: {  	v27 =	vperm.xlane v24, v6;
	v21 =	vadd.f32 v26, v21;
	v26 =	vperm.xlane v18, v11  }
0x1bb: {  	v16 =	vmin.f32 v16, v25;
	v25 =	vperm.xlane v23, v8  }
0x1bc: {  	v24 =	vadd.f32 v27, v24;
	v27 =	vperm.xlane v21, v10;
	v26 =	vsel vm2, $0x0, v26  }
0x1bd: {  	v28 =	vperm.xlane v20, v7;
	v25 =	vsel vm0, $0x0, v25;
	v26 =	vadd.f32 v26, v18  }
0x1be: {  	s22 =	simm.s32 $0x40;
	v18 =	vsub.f32 v24, v16;
	v27 =	vsel vm1, $0x0, v27;
	v24 =	vadd.f32 v25, v23  }
0x1bf: {  	v30 =	vadd.f32 v27, v21;
	v21 =	vld [tilespmem:s22+$0x18800];
	v23 =	vsel vm4, $0x0, v28;
	v27 =	vsub.f32 v26, v22  }
0x1c0: {  	v22 =	vimm.f32 $0.0e+00;
	v25 =	vadd.f32 v23, v20;
	v23 =	vperm.xlane v24, v10  }
0x1c1: {  	v26 =	vperm.xlane v26, v12;
	v28 =	vperm.xlane v30, v11;
	v29 =	vadd.f32 v27, v22  }
0x1c2: {  	v31 =	vperm.xlane v25, v8;
	v27 =	vsel vm1, $0x0, v23  }
0x1c3: {  	v23 =	vadd.f32 v26, v22;
	v26 =	vsel vm2, $0x0, v28;
	vm5 =	vle.f32 v29, v18  }
0x1c4: {  	s2 =	simm.s32 $0x140;
	v28 =	vperm.xlane v21, v7;
	v29 =	vsel vm0, $0x0, v31;
	v26 =	vadd.f32 v26, v30  }
.LBB2_18:
0x1c5: {  	s6 =	sshra.s32 s2, $0x2;
	p1 =	sne.s32 s2, $0x1FC0;
	s2 =	sadd.s32 $0x40, s2;
	v30 =	vadd.f32 v27, v24;
	v24 =	vadd.f32 v29, v25;
	v25 =	vsel vm5, $0x3F800000, v1  }
0x1c6: {  	v31 =	vld [tilespmem:s6+$0x18800];
	v27 =	vsel vm4, $0x0, v28;
	v28 =	vsub.f32 v26, v19;
	v22 =	vadd.f32 v25, v22;
	v19 =	vmovc v17;
	v17 =	vmovc v20  }
.Ltmp9:
0x1c7: {  	v26 =	vperm.xlane v26, v12;
	v20 =	vmovc v21;
	v25 =	vadd.f32 v27, v21;
	v27 =	vperm.xlane v24, v10;
	(pc) =	sbr.rel @p1 .LBB2_18-.Ltmp9, $4  }
0x1c8: {  	vm4 =	vmmov vm3;
	v33 =	vperm.xlane v30, v11;
	v28 =	vadd.f32 v28, v23  }
0x1c9: {  	v23 =	vadd.f32 v26, v23;
	v29 =	vperm.xlane v25, v8;
	v27 =	vsel vm1, $0x0, v27  }
0x1ca: {  	v32 =	vsel vm2, $0x0, v33;
	vm5 =	vle.f32 v28, v18  }
0x1cb: {  	v26 =	vadd.f32 v32, v30;
	v28 =	vperm.xlane v31, v7;
	v29 =	vsel vm0, $0x0, v29;
	v21 =	vmovc v31  }
0x1cc: {  	_ = 	snop  }
0x1cd: {  	v28 =	vsel vm4, $0x0, v28  }
0x1ce: {  	v28 =	vadd.f32 v28, v21;
	_ =	sdelay $0x1  }
0x1cf: {  	v25 =	vadd.f32 v29, v25;
	v49 =	vperm.xlane v28, v8;
	_ =	sdelay $0x1  }
0x1d0: {  	v30 =	vperm.xlane v25, v10;
	v29 =	vsel vm0, $0x0, v49  }
0x1d1: {  	v24 =	vadd.f32 v27, v24;
	v50 =	vadd.f32 v29, v28  }
0x1d2: {  	v19 =	vsub.f32 v26, v19;
	v51 =	vsel vm1, $0x0, v30  }
0x1d3: {  	v52 =	vperm.xlane v24, v11;
	v25 =	vadd.f32 v51, v25;
	v53 =	vperm.xlane v50, v10  }
0x1d4: {  	v54 =	vperm.xlane v26, v12;
	v19 =	vadd.f32 v19, v23  }
0x1d5: {  	v29 =	vsel vm2, $0x0, v52;
	v55 =	vperm.xlane v25, v11;
	v28 =	vsel vm1, $0x0, v53  }
0x1d6: {  	v56 =	vsel vm5, $0x3F800000, v1;
	v24 =	vadd.f32 v29, v24;
	v27 =	vadd.f32 v28, v50  }
0x1d7: {  	v57 =	vadd.f32 v54, v23;
	vm3 =	vle.f32 v19, v18;
	v19 =	vsel vm2, $0x0, v55  }
0x1d8: {  	v58 =	vperm.xlane v24, v12;
	v19 =	vadd.f32 v19, v25;
	v59 =	vperm.xlane v27, v11  }
0x1d9: {  	v22 =	vadd.f32 v56, v22;
	v60 =	vsel vm3, $0x3F800000, v1;
	v17 =	vsub.f32 v24, v17  }
0x1da: {  	v61 =	vadd.f32 v58, v57;
	v20 =	vsub.f32 v19, v20;
	v25 =	vsel vm2, $0x0, v59  }
0x1db: {  	v17 =	vadd.f32 v17, v57;
	v19 =	vperm.xlane v19, v12;
	v62 =	vadd.f32 v25, v27  }
0x1dc: {  	v22 =	vadd.f32 v60, v22;
	v20 =	vadd.f32 v20, v61  }
0x1dd: {  	vm3 =	vle.f32 v17, v18;
	v17 =	vadd.f32 v19, v61;
	v19 =	vsub.f32 v62, v21  }
0x1de: {  	v63 =	vsel vm3, $0x3F800000, v1  }
0x1df: {  	vm3 =	vle.f32 v20, v18;
	v21 =	vadd.f32 v63, v22;
	v17 =	vadd.f32 v19, v17  }
0x1e0: {  	v19 =	vsel vm3, $0x3F800000, v1  }
0x1e1: {  	v19 =	vadd.f32 v19, v21;
	vm3 =	vle.f32 v17, v18  }
0x1e2: {  	v17 =	vsel vm3, $0x3F800000, v1  }
0x1e3: {  	v17 =	vadd.f32 v17, v19;
	_ =	sdelay $0x1  }
0x1e4: {  	v18 =	vperm.xlane v17, v3;
	_ =	sdelay $0x1  }
0x1e5: {  	v17 =	vadd.f32 v18, v17;
	_ =	sdelay $0x1  }
0x1e6: {  	v18 =	vperm.xlane v17, v4;
	_ =	sdelay $0x1  }
0x1e7: {  	v17 =	vadd.f32 v18, v17;
	_ =	sdelay $0x1  }
0x1e8: {  	v18 =	vperm.xlane v17, v5;
	_ =	sdelay $0x1  }
0x1e9: {  	v17 =	vadd.f32 v18, v17;
	_ =	sdelay $0x1  }
0x1ea: {  	v18 =	vperm.xlane v17, v6;
	_ =	sdelay $0x1  }
0x1eb: {  	v17 =	vadd.f32 v18, v17;
	_ =	sdelay $0x1  }
0x1ec: {  	s2 =	simm.s32 $0x18800;
	v17 =	vadd.f32 $-1.000000000e+00, v17  }
0x1ed: {  	v19 =	vld [tilespmem:s2+$0x0]  }
0x1ee: {  	v17 =	vtrunc.f32 v17  }
0x1ef: {  	s22 =	simm.s32 $0x0;
	v17 =	vcvt.f32.s32 v17  }
0x1f0: {  	v18 =	vor.u32 s22, v0  }
0x1f1: {  	vm3 =	vgt.s32 v18, v17  }
0x1f2: {  	s6 =	simm.s32 $0x18810;
	s2 =	simm.s32 $0x10;
	v18 =	vimm.f32 $0.0e+00;
	v19 =	vnsel vm3, $0x0, v19  }
.LBB2_20:
0x1f3: {  	v20 =	vld [tilespmem:s6+$0x0];
	p1 =	sne.s32 s2, $0x7F0;
	v18 =	vadd.f32 v19, v18;
	s7 =	smov.u32 s2;
	s2 =	sadd.s32 $0x10, s2  }
.Ltmp10:
0x1f4: {  	(pc) =	sbr.rel @p1 .LBB2_20-.Ltmp10, $4  }
0x1f5: {  	_ = 	snop  }
0x1f6: {  	v19 =	vor.u32 s7, v0  }
0x1f7: {  	vm3 =	vgt.s32 v19, v17  }
0x1f8: {  	s6 =	sadd.s32 $0x10, s6;
	v19 =	vnsel vm3, $0x0, v20  }
0x1f9: {  	v18 =	vadd.f32 v19, v18;
	_ =	sdelay $0x1  }
0x1fa: {  	v19 =	vperm.xlane v18, v3;
	_ =	sdelay $0x1  }
0x1fb: {  	v18 =	vadd.f32 v19, v18;
	_ =	sdelay $0x1  }
0x1fc: {  	v19 =	vperm.xlane v18, v4  }
0x1fd: {  	s2 =	simm.s32 $0x10040;
	v20 =	vimm.f32 $0.0e+00  }
0x1fe: {  	[tilespmem:s2+$0x30] =	vst v20;
	v18 =	vadd.f32 v19, v18  }
0x1ff: {  	[tilespmem:s2+$0xFFFFFFC0] =	vst v20  }
0x200: {  	[tilespmem:s2+$0xFFFFFFD0] =	vst v20;
	v19 =	vperm.xlane v18, v5  }
0x201: {  	[tilespmem:s2+$0xFFFFFFE0] =	vst v20  }
0x202: {  	[tilespmem:s2+$0xFFFFFFF0] =	vst v20;
	v18 =	vadd.f32 v19, v18  }
0x203: {  	[tilespmem:s2+$0x0] =	vst v20  }
0x204: {  	s6 =	simm.s32 $0x0;
	[tilespmem:s2+$0x10] =	vst v20;
	v19 =	vperm.xlane v18, v6  }
.LBB2_22:
0x205: {  	s6 =	sadd.s32 $0x8, s6;
	[tilespmem:s2+$0x20] =	vst v20;
	s2 =	sadd.s32 $0x80, s2  }
0x206: {  	s7 =	simm.s32 $0x20;
	[tilespmem:s2+$0x30] =	vst v20;
	p1 =	slt.u32 s6, $0x38  }
0x207: {  	[tilespmem:s2+$0xFFFFFFC0] =	vst v20  }
.Ltmp11:
0x208: {  	[tilespmem:s2+$0xFFFFFFD0] =	vst v20;
	(pc) =	sbr.rel @p1 .LBB2_22-.Ltmp11, $4  }
0x209: {  	[tilespmem:s2+$0xFFFFFFE0] =	vst v20  }
0x20a: {  	[tilespmem:s2+$0xFFFFFFF0] =	vst v20  }
0x20b: {  	[tilespmem:s2+$0x0] =	vst v20  }
0x20c: {  	[tilespmem:s2+$0x10] =	vst v20  }
0x20d: {  	[tilespmem:s2+$0x20] =	vst v20  }
0x20e: {  	v21 =	vld [tilespmem:s7+$0x10]  }
0x20f: {  	v24 =	vld [tilespmem:s7+$0xFFFFFFE0]  }
0x210: {  	v37 =	vld [tilespmem:s7+$0x0]  }
0x211: {  	v35 =	vld [tilespmem:s7+$0xFFFFFFF0];
	_ =	sdelay $0x2  }
0x212: {  	v22 =	vshrl.u32 v21, $0x10  }
0x213: {  	v25 =	vand.u32 $0x7, v24;
	v38 =	vshrl.u32 v24, $0x10;
	v28 =	vand.u32 $0xFFFF0000, v37  }
0x214: {  	v26 =	vand.u32 $0x7, v35;
	v23 =	vand.u32 $0x1F, v22;
	v22 =	vcvt.s32.f32 v25  }
0x215: {  	v32 =	vshra.s32 v24, $0x15;
	v25 =	vand.u32 $0xFFFF0000, v24;
	v24 =	vcvt.s32.f32 v26  }
0x216: {  	v29 =	vand.u32 $0x7, v37;
	v26 =	vand.u32 $0xFFFF0000, v35;
	v25 =	vmul.f32 v25, v22  }
0x217: {  	vm3 =	vgt.s32 v32, v17;
	v27 =	vmul.f32 v26, v24;
	v26 =	vcvt.s32.f32 v29  }
0x218: {  	v30 =	vand.u32 $0x7, v21;
	v31 =	vshra.s32 v35, $0x15;
	v33 =	vnsel vm3, $0x0, v25  }
0x219: {  	vm3 =	vgt.s32 v31, v17;
	v29 =	vmul.f32 v28, v26;
	v20 =	vadd.f32 v33, v20  }
0x21a: {  	v28 =	vcvt.s32.f32 v30;
	v33 =	vshra.s32 v37, $0x15;
	v34 =	vnsel vm3, $0x0, v27  }
0x21b: {  	v30 =	vand.u32 $0xFFFF0000, v21;
	vm3 =	vgt.s32 v33, v17;
	v20 =	vadd.f32 v34, v20  }
0x21c: {  	v30 =	vmul.f32 v30, v28;
	v39 =	vnsel vm3, $0x0, v29;
	v34 =	vshra.s32 v21, $0x15  }
0x21d: {  	v36 =	vshrl.u32 v35, $0x10;
	vm3 =	vgt.s32 v34, v17;
	v20 =	vadd.f32 v39, v20  }
0x21e: {  	s2 =	simm.s32 $0x0;
	s6 =	simm.s32 $0x60;
	v35 =	vand.u32 $0x1F, v38;
	v37 =	vshrl.u32 v37, $0x10;
	v21 =	vnsel vm3, $0x0, v30  }
.LBB2_24:
0x21f: {  	v38 =	vld [tilespmem:s6+$0x10];
	v36 =	vand.u32 $0x1F, v36;
	v37 =	vand.u32 $0x1F, v37;
	v20 =	vadd.f32 v21, v20  }
0x220: {  	s2 =	sadd.s32 $0x4, s2;
	vm6 =	veq.s32 v32, v17;
	v32 =	vor.u32 v9, v35;
	v35 =	vor.u32 v13, v35;
	v21 =	vld [tilespmem:s6+$0xFFFFFFE0]  }
0x221: {  	vm5 =	veq.s32 v31, v17;
	p1 =	slt.u32 s2, $0xFFC;
	v40 =	vor.u32 v9, v36;
	v36 =	vor.u32 v13, v36;
	v39 =	vld [tilespmem:s6+$0x0]  }
0x222: {  	vm4 =	veq.s32 v33, v17;
	v33 =	vor.u32 v9, v37;
	v37 =	vor.u32 v13, v37;
	v41 =	vld [tilespmem:s6+$0xFFFFFFF0]  }
0x223: {  	vm3 =	veq.s32 v34, v17;
	v34 =	vor.u32 v9, v23;
	v42 =	vor.u32 v13, v23  }
0x224: {  	v23 =	vshrl.u32 v38, $0x10  }
0x225: {  	v31 =	vand.u32 $0x7, v21;
	v43 =	vshrl.u32 v21, $0x10;
	v23 =	vand.u32 $0x1F, v23  }
0x226: {  	v45 =	vand.u32 $0x7, v38;
	v44 =	vand.u32 $0xFFFF0000, v39;
	[tilespmem:v32+s1+$0x0] =	vst.idx.add.f32.msk vm6, v22;
	v22 =	vcvt.s32.f32 v31  }
0x227: {  	v46 =	vand.u32 $0xFFFF0000, v21;
	v31 =	vshra.s32 v41, $0x15;
	v47 =	vand.u32 $0x7, v41;
	[tilespmem:v35+s1+$0x0] =	vst.idx.add.f32.msk vm6, v25  }
0x228: {  	v32 =	vshra.s32 v21, $0x15;
	v25 =	vmul.f32 v46, v22;
	[tilespmem:v40+s1+$0x0] =	vst.idx.add.f32.msk vm5, v24;
	v24 =	vcvt.s32.f32 v47  }
0x229: {  	vm6 =	vgt.s32 v32, v17;
	v21 =	vand.u32 $0xFFFF0000, v41;
	v35 =	vand.u32 $0x7, v39;
	[tilespmem:v36+s1+$0x0] =	vst.idx.add.f32.msk vm5, v27  }
0x22a: {  	v36 =	vnsel vm6, $0x0, v25;
	v27 =	vmul.f32 v21, v24;
	[tilespmem:v33+s1+$0x0] =	vst.idx.add.f32.msk vm4, v26;
	v26 =	vcvt.s32.f32 v35  }
0x22b: {  	vm5 =	vgt.s32 v31, v17;
	v33 =	vshra.s32 v39, $0x15;
	v20 =	vadd.f32 v36, v20;
	[tilespmem:v37+s1+$0x0] =	vst.idx.add.f32.msk vm4, v29  }
.Ltmp12:
0x22c: {  	v21 =	vnsel vm5, $0x0, v27;
	v29 =	vmul.f32 v44, v26;
	[tilespmem:v34+s1+$0x0] =	vst.idx.add.f32.msk vm3, v28;
	v28 =	vcvt.s32.f32 v45;
	(pc) =	sbr.rel @p1 .LBB2_24-.Ltmp12, $4  }
0x22d: {  	vm4 =	vgt.s32 v33, v17;
	v20 =	vadd.f32 v21, v20;
	v21 =	vand.u32 $0xFFFF0000, v38;
	[tilespmem:v42+s1+$0x0] =	vst.idx.add.f32.msk vm3, v30  }
0x22e: {  	v34 =	vshra.s32 v38, $0x15;
	v35 =	vnsel vm4, $0x0, v29;
	v30 =	vmul.f32 v21, v28  }
0x22f: {  	v36 =	vshrl.u32 v41, $0x10;
	vm3 =	vgt.s32 v34, v17;
	v20 =	vadd.f32 v35, v20  }
0x230: {  	s6 =	sadd.s32 $0x40, s6;
	v37 =	vshrl.u32 v39, $0x10;
	v35 =	vand.u32 $0x1F, v43;
	v21 =	vnsel vm3, $0x0, v30  }
0x231: {  	vm3 =	veq.s32 v32, v17  }
0x232: {  	v58 =	vor.u32 v9, v35;
	v36 =	vand.u32 $0x1F, v36;
	vm4 =	veq.s32 v31, v17  }
0x233: {  	v37 =	vand.u32 $0x1F, v37;
	vm5 =	veq.s32 v33, v17;
	v60 =	vor.u32 v9, v36  }
0x234: {  	v61 =	vor.u32 v9, v37  }
0x235: {  	v59 =	vor.u32 v13, v35  }
0x236: {  	v36 =	vor.u32 v13, v36  }
0x237: {  	vm6 =	veq.s32 v34, v17;
	v37 =	vor.u32 v13, v37;
	[tilespmem:v58+s1+$0x0] =	vst.idx.add.f32.msk vm3, v22  }
0x238: {  	v22 =	vor.u32 v9, v23;
	[tilespmem:v60+s1+$0x0] =	vst.idx.add.f32.msk vm4, v24  }
0x239: {  	v23 =	vor.u32 v13, v23;
	[tilespmem:v61+s1+$0x0] =	vst.idx.add.f32.msk vm5, v26  }
0x23a: {  	[tilespmem:v59+s1+$0x0] =	vst.idx.add.f32.msk vm3, v25  }
0x23b: {  	[tilespmem:v36+s1+$0x0] =	vst.idx.add.f32.msk vm4, v27  }
0x23c: {  	[tilespmem:v37+s1+$0x0] =	vst.idx.add.f32.msk vm5, v29  }
0x23d: {  	[tilespmem:v22+s1+$0x0] =	vst.idx.add.f32.msk vm6, v28  }
0x23e: {  	[tilespmem:v23+s1+$0x0] =	vst.idx.add.f32.msk vm6, v30  }
0x23f: {  	v22 =	vld [tilespmem:$0x10000]  }
0x240: {  	v23 =	vld [tilespmem:$0x10020]  }
0x241: {  	v24 =	vld [tilespmem:$0x10040]  }
0x242: {  	v25 =	vld [tilespmem:$0x10060]  }
0x243: {  	v26 =	vld [tilespmem:$0x10080]  }
0x244: {  	v27 =	vld [tilespmem:$0x100A0]  }
0x245: {  	v28 =	vld [tilespmem:$0x100C0]  }
0x246: {  	v29 =	vld [tilespmem:$0x100E0]  }
0x247: {  	v30 =	vld [tilespmem:$0x10100]  }
0x248: {  	v31 =	vld [tilespmem:$0x10120]  }
0x249: {  	v32 =	vld [tilespmem:$0x10140]  }
0x24a: {  	v33 =	vld [tilespmem:$0x10160]  }
0x24b: {  	v34 =	vld [tilespmem:$0x10180]  }
0x24c: {  	v35 =	vld [tilespmem:$0x101A0]  }
0x24d: {  	v36 =	vld [tilespmem:$0x101C0]  }
0x24e: {  	v37 =	vld [tilespmem:$0x101E0]  }
0x24f: {  	v38 =	vld [tilespmem:$0x10200]  }
0x250: {  	v39 =	vld [tilespmem:$0x10220]  }
0x251: {  	v40 =	vld [tilespmem:$0x10240]  }
0x252: {  	v41 =	vld [tilespmem:$0x10260]  }
0x253: {  	v42 =	vld [tilespmem:$0x10280]  }
0x254: {  	v43 =	vld [tilespmem:$0x102A0]  }
0x255: {  	v44 =	vld [tilespmem:$0x102C0]  }
0x256: {  	v45 =	vld [tilespmem:$0x102E0]  }
0x257: {  	v46 =	vld [tilespmem:$0x10300]  }
0x258: {  	v47 =	vld [tilespmem:$0x10320]  }
0x259: {  	v48 =	vld [tilespmem:$0x10340]  }
0x25a: {  	v49 =	vld [tilespmem:$0x10360]  }
0x25b: {  	v50 =	vld [tilespmem:$0x10380]  }
0x25c: {  	v51 =	vld [tilespmem:$0x103A0]  }
0x25d: {  	v52 =	vld [tilespmem:$0x103C0]  }
0x25e: {  	v53 =	vld [tilespmem:$0x103E0]  }
0x25f: {  	v54 =	vld [tilespmem:$0x10010]  }
0x260: {  	v55 =	vld [tilespmem:$0x10210]  }
0x261: {  	v56 =	vld [tilespmem:$0x10030]  }
0x262: {  	v57 =	vld [tilespmem:$0x10230];
	v22 =	vadd.f32 $0.0e+00, v22  }
0x263: {  	v20 =	vadd.f32 v21, v20;
	v58 =	vld [tilespmem:$0x10050];
	v38 =	vadd.f32 $0.0e+00, v38  }
0x264: {  	v62 =	vld [tilespmem:$0x10250];
	v22 =	vadd.f32 v23, v22;
	v23 =	vadd.f32 $0.0e+00, v54  }
0x265: {  	v63 =	vld [tilespmem:$0x10070];
	v55 =	vadd.f32 $0.0e+00, v55;
	v38 =	vadd.f32 v39, v38  }
0x266: {  	v22 =	vadd.f32 v24, v22;
	v23 =	vadd.f32 v56, v23;
	v24 =	vld [tilespmem:$0x10270]  }
0x267: {  	v60 =	vld [tilespmem:$0x10090];
	v59 =	vadd.f32 v57, v55;
	v38 =	vadd.f32 v40, v38  }
0x268: {  	v22 =	vadd.f32 v25, v22;
	v23 =	vadd.f32 v58, v23;
	v25 =	vld [tilespmem:$0x10290]  }
0x269: {  	v61 =	vld [tilespmem:$0x100B0];
	v40 =	vadd.f32 v62, v59;
	v38 =	vadd.f32 v41, v38  }
0x26a: {  	v22 =	vadd.f32 v26, v22;
	v23 =	vadd.f32 v63, v23;
	v26 =	vld [tilespmem:$0x102B0]  }
0x26b: {  	v62 =	vld [tilespmem:$0x100D0];
	v38 =	vadd.f32 v42, v38;
	v24 =	vadd.f32 v24, v40  }
0x26c: {  	v22 =	vadd.f32 v27, v22;
	v23 =	vadd.f32 v60, v23;
	v27 =	vld [tilespmem:$0x102D0]  }
0x26d: {  	v63 =	vld [tilespmem:$0x100F0];
	v38 =	vadd.f32 v43, v38;
	v24 =	vadd.f32 v25, v24  }
0x26e: {  	v25 =	vld [tilespmem:$0x102F0];
	v22 =	vadd.f32 v28, v22;
	v23 =	vadd.f32 v61, v23  }
0x26f: {  	v43 =	vadd.f32 v44, v38;
	v44 =	vld [tilespmem:$0x10110];
	v24 =	vadd.f32 v26, v24  }
0x270: {  	v26 =	vld [tilespmem:$0x10310];
	v22 =	vadd.f32 v29, v22;
	v23 =	vadd.f32 v62, v23  }
0x271: {  	v28 =	vadd.f32 v45, v43;
	v45 =	vld [tilespmem:$0x10130];
	v24 =	vadd.f32 v27, v24  }
0x272: {  	v27 =	vld [tilespmem:$0x10330];
	v22 =	vadd.f32 v30, v22;
	v23 =	vadd.f32 v63, v23  }
0x273: {  	v28 =	vadd.f32 v46, v28;
	v46 =	vld [tilespmem:$0x10150];
	v24 =	vadd.f32 v25, v24  }
0x274: {  	v25 =	vld [tilespmem:$0x10350];
	v22 =	vadd.f32 v31, v22;
	v23 =	vadd.f32 v44, v23  }
0x275: {  	v28 =	vadd.f32 v47, v28;
	v47 =	vld [tilespmem:$0x10170];
	v24 =	vadd.f32 v26, v24  }
0x276: {  	v26 =	vld [tilespmem:$0x10370];
	v22 =	vadd.f32 v32, v22;
	v23 =	vadd.f32 v45, v23  }
0x277: {  	v28 =	vadd.f32 v48, v28;
	v48 =	vld [tilespmem:$0x10190];
	v24 =	vadd.f32 v27, v24  }
0x278: {  	v27 =	vld [tilespmem:$0x10390];
	v22 =	vadd.f32 v33, v22;
	v23 =	vadd.f32 v46, v23  }
0x279: {  	v28 =	vadd.f32 v49, v28;
	v49 =	vld [tilespmem:$0x101B0];
	v24 =	vadd.f32 v25, v24  }
0x27a: {  	v25 =	vld [tilespmem:$0x103B0];
	v22 =	vadd.f32 v34, v22;
	v23 =	vadd.f32 v47, v23  }
0x27b: {  	v28 =	vadd.f32 v50, v28;
	v50 =	vld [tilespmem:$0x101D0];
	v24 =	vadd.f32 v26, v24  }
0x27c: {  	v26 =	vld [tilespmem:$0x103D0];
	v22 =	vadd.f32 v35, v22;
	v23 =	vadd.f32 v48, v23  }
0x27d: {  	v54 =	vld [tilespmem:$0x101F0];
	v28 =	vadd.f32 v51, v28;
	v24 =	vadd.f32 v27, v24  }
0x27e: {  	v27 =	vld [tilespmem:$0x103F0];
	v22 =	vadd.f32 v36, v22;
	v23 =	vadd.f32 v49, v23  }
0x27f: {  	v28 =	vadd.f32 v52, v28;
	v24 =	vadd.f32 v25, v24  }
0x280: {  	v22 =	vadd.f32 v37, v22;
	v23 =	vadd.f32 v50, v23  }
0x281: {  	[tilespmem:$0x18040] =	vst v20;
	v25 =	vadd.f32 v53, v28;
	v24 =	vadd.f32 v26, v24  }
0x282: {  	[tilespmem:$0x18000] =	vst v22;
	v22 =	vadd.f32 v54, v23  }
0x283: {  	[tilespmem:$0x18020] =	vst v25;
	v23 =	vadd.f32 v27, v24  }
0x284: {  	[tilespmem:$0x18010] =	vst v22  }
0x285: {  	s0 =	simm.s32 $0x18000;
	s10 =	simm.s32 $0x3;
	[tilespmem:$0x18030] =	vst v23  }
0x286: {  	[spmem:s25] =	stream.linear.scatter [tilespmem:s0], [sflag:$0x3], $0x80, $0x38;
	[tilespmem:$0x19C80] =	vst v63  }
0x287: {  	_ =	swait.ge [sflag:s10], $0x80  }
0x288: {  	[sflag:s10] =	ssyncset.done $0x0  }
0x289: {  	[sflag:s10] =	ssyncadd.s32 $0xFFFFFF80  }
0x28a: {  	[bflag:$0x0] =	sbarrier.arrive $0xFFFF  }
0x28b: {  	[tilespmem:s1], [sflag:$0x2] =	stream.linear.gather [spmem:s11], $0x80, $0x38;
	[tilespmem:$0x19C80] =	vst v63  }
0x28c: {  	s22 =	simm.s32 $0x10080  }
0x28d: {  	[tilespmem:s22], [sflag:$0x2] =	stream.linear.gather [spmem:s12], $0x80, $0x38;
	[tilespmem:$0x19C80] =	vst v63  }
0x28e: {  	s2 =	simm.s32 $0x10100  }
0x28f: {  	[tilespmem:s2], [sflag:$0x2] =	stream.linear.gather [spmem:s30], $0x80, $0x38;
	[tilespmem:$0x19C80] =	vst v63  }
0x290: {  	s6 =	simm.s32 $0x10180  }
0x291: {  	[tilespmem:s6], [sflag:$0x2] =	stream.linear.gather [spmem:s13], $0x80, $0x38;
	[tilespmem:$0x19C80] =	vst v63  }
0x292: {  	s7 =	simm.s32 $0x10200  }
0x293: {  	[tilespmem:s7], [sflag:$0x2] =	stream.linear.gather [spmem:s14], $0x80, $0x38;
	[tilespmem:$0x19C80] =	vst v63  }
0x294: {  	s8 =	simm.s32 $0x10280  }
0x295: {  	[tilespmem:s8], [sflag:$0x2] =	stream.linear.gather [spmem:s15], $0x80, $0x38;
	[tilespmem:$0x19C80] =	vst v63  }
0x296: {  	s9 =	simm.s32 $0x10300  }
0x297: {  	[tilespmem:s9], [sflag:$0x2] =	stream.linear.gather [spmem:s16], $0x80, $0x38;
	[tilespmem:$0x19C80] =	vst v63  }
0x298: {  	s10 =	simm.s32 $0x10380  }
0x299: {  	[tilespmem:s10], [sflag:$0x2] =	stream.linear.gather [spmem:s17], $0x80, $0x38;
	[tilespmem:$0x19C80] =	vst v63  }
0x29a: {  	s2 =	simm.s32 $0x10400  }
0x29b: {  	[tilespmem:s2], [sflag:$0x2] =	stream.linear.gather [spmem:s18], $0x80, $0x38;
	[tilespmem:$0x19C80] =	vst v63  }
0x29c: {  	s22 =	simm.s32 $0x10480  }
0x29d: {  	[tilespmem:s22], [sflag:$0x2] =	stream.linear.gather [spmem:s19], $0x80, $0x38;
	[tilespmem:$0x19C80] =	vst v63  }
0x29e: {  	s6 =	simm.s32 $0x10500  }
0x29f: {  	[tilespmem:s6], [sflag:$0x2] =	stream.linear.gather [spmem:s20], $0x80, $0x38;
	[tilespmem:$0x19C80] =	vst v63  }
0x2a0: {  	s7 =	simm.s32 $0x10580  }
0x2a1: {  	[tilespmem:s7], [sflag:$0x2] =	stream.linear.gather [spmem:s21], $0x80, $0x38;
	[tilespmem:$0x19C80] =	vst v63  }
0x2a2: {  	s8 =	simm.s32 $0x10600  }
0x2a3: {  	[tilespmem:s8], [sflag:$0x2] =	stream.linear.gather [spmem:s26], $0x80, $0x38;
	[tilespmem:$0x19C80] =	vst v63  }
0x2a4: {  	s9 =	simm.s32 $0x10680  }
0x2a5: {  	[tilespmem:s9], [sflag:$0x2] =	stream.linear.gather [spmem:s23], $0x80, $0x38;
	[tilespmem:$0x19C80] =	vst v63  }
0x2a6: {  	s10 =	simm.s32 $0x10700  }
0x2a7: {  	[tilespmem:s10], [sflag:$0x2] =	stream.linear.gather [spmem:s4], $0x80, $0x38;
	[tilespmem:$0x19C80] =	vst v63  }
0x2a8: {  	s22 =	simm.s32 $0x10780  }
0x2a9: {  	[tilespmem:s22], [sflag:$0x2] =	stream.linear.gather [spmem:s24], $0x80, $0x38;
	[tilespmem:$0x19C80] =	vst v63  }
0x2aa: {  	_ =	swait.ge [sflag:s31], $0x80  }
0x2ab: {  	[sflag:s31] =	ssyncset.done $0x0  }
0x2ac: {  	[sflag:s31] =	ssyncadd.s32 $0xFFFFFF80  }
0x2ad: {  	_ =	swait.ge [sflag:s31], $0x80  }
0x2ae: {  	[sflag:s31] =	ssyncset.done $0x0  }
0x2af: {  	[sflag:s31] =	ssyncadd.s32 $0xFFFFFF80  }
0x2b0: {  	_ =	swait.ge [sflag:s31], $0x80  }
0x2b1: {  	[sflag:s31] =	ssyncset.done $0x0  }
0x2b2: {  	[sflag:s31] =	ssyncadd.s32 $0xFFFFFF80  }
0x2b3: {  	_ =	swait.ge [sflag:s31], $0x80  }
0x2b4: {  	[sflag:s31] =	ssyncset.done $0x0  }
0x2b5: {  	[sflag:s31] =	ssyncadd.s32 $0xFFFFFF80  }
0x2b6: {  	_ =	swait.ge [sflag:s31], $0x80  }
0x2b7: {  	[sflag:s31] =	ssyncset.done $0x0  }
0x2b8: {  	[sflag:s31] =	ssyncadd.s32 $0xFFFFFF80  }
0x2b9: {  	_ =	swait.ge [sflag:s31], $0x80  }
0x2ba: {  	[sflag:s31] =	ssyncset.done $0x0  }
0x2bb: {  	[sflag:s31] =	ssyncadd.s32 $0xFFFFFF80  }
0x2bc: {  	_ =	swait.ge [sflag:s31], $0x80  }
0x2bd: {  	[sflag:s31] =	ssyncset.done $0x0  }
0x2be: {  	[sflag:s31] =	ssyncadd.s32 $0xFFFFFF80  }
0x2bf: {  	_ =	swait.ge [sflag:s31], $0x80  }
0x2c0: {  	[sflag:s31] =	ssyncset.done $0x0  }
0x2c1: {  	[sflag:s31] =	ssyncadd.s32 $0xFFFFFF80  }
0x2c2: {  	_ =	swait.ge [sflag:s31], $0x80  }
0x2c3: {  	[sflag:s31] =	ssyncset.done $0x0  }
0x2c4: {  	[sflag:s31] =	ssyncadd.s32 $0xFFFFFF80  }
0x2c5: {  	_ =	swait.ge [sflag:s31], $0x80  }
0x2c6: {  	[sflag:s31] =	ssyncset.done $0x0  }
0x2c7: {  	[sflag:s31] =	ssyncadd.s32 $0xFFFFFF80  }
0x2c8: {  	_ =	swait.ge [sflag:s31], $0x80  }
0x2c9: {  	[sflag:s31] =	ssyncset.done $0x0  }
0x2ca: {  	[sflag:s31] =	ssyncadd.s32 $0xFFFFFF80  }
0x2cb: {  	_ =	swait.ge [sflag:s31], $0x80  }
0x2cc: {  	[sflag:s31] =	ssyncset.done $0x0  }
0x2cd: {  	[sflag:s31] =	ssyncadd.s32 $0xFFFFFF80  }
0x2ce: {  	_ =	swait.ge [sflag:s31], $0x80  }
0x2cf: {  	[sflag:s31] =	ssyncset.done $0x0  }
0x2d0: {  	[sflag:s31] =	ssyncadd.s32 $0xFFFFFF80  }
0x2d1: {  	_ =	swait.ge [sflag:s31], $0x80  }
0x2d2: {  	[sflag:s31] =	ssyncset.done $0x0  }
0x2d3: {  	[sflag:s31] =	ssyncadd.s32 $0xFFFFFF80  }
0x2d4: {  	_ =	swait.ge [sflag:s31], $0x80  }
0x2d5: {  	[sflag:s31] =	ssyncset.done $0x0  }
0x2d6: {  	[sflag:s31] =	ssyncadd.s32 $0xFFFFFF80  }
0x2d7: {  	_ =	swait.ge [sflag:s31], $0x80  }
0x2d8: {  	[sflag:s31] =	ssyncset.done $0x0  }
0x2d9: {  	[sflag:s31] =	ssyncadd.s32 $0xFFFFFF80  }
0x2da: {  	v20 =	vld [tilespmem:s2+$0xFFFFFC10]  }
0x2db: {  	v21 =	vld [tilespmem:s2+$0xFFFFFC90]  }
0x2dc: {  	v22 =	vld [tilespmem:s2+$0xFFFFFC80]  }
0x2dd: {  	v23 =	vld [tilespmem:s2+$0xFFFFFD10]  }
0x2de: {  	v24 =	vld [tilespmem:s2+$0xFFFFFC00]  }
0x2df: {  	v25 =	vld [tilespmem:s2+$0xFFFFFD90]  }
0x2e0: {  	v26 =	vld [tilespmem:s2+$0xFFFFFD00]  }
0x2e1: {  	v27 =	vld [tilespmem:s2+$0xFFFFFE10]  }
0x2e2: {  	v55 =	vld [tilespmem:s2+$0xFFFFFD80]  }
0x2e3: {  	v29 =	vld [tilespmem:s2+$0xFFFFFE90]  }
0x2e4: {  	v30 =	vld [tilespmem:s2+$0xFFFFFE00]  }
0x2e5: {  	v31 =	vld [tilespmem:s2+$0xFFFFFF10]  }
0x2e6: {  	v56 =	vld [tilespmem:s2+$0xFFFFFE80]  }
0x2e7: {  	v33 =	vld [tilespmem:s2+$0xFFFFFF90]  }
0x2e8: {  	v34 =	vld [tilespmem:s2+$0xFFFFFF00]  }
0x2e9: {  	v35 =	vld [tilespmem:s2+$0x10]  }
0x2ea: {  	v57 =	vld [tilespmem:s2+$0xFFFFFF80]  }
0x2eb: {  	v37 =	vld [tilespmem:s2+$0x90]  }
0x2ec: {  	v58 =	vld [tilespmem:s2+$0x0]  }
0x2ed: {  	v39 =	vld [tilespmem:s2+$0x110]  }
0x2ee: {  	v40 =	vld [tilespmem:s2+$0x80]  }
0x2ef: {  	v41 =	vld [tilespmem:s2+$0x190]  }
0x2f0: {  	v59 =	vld [tilespmem:s2+$0x100]  }
0x2f1: {  	v43 =	vld [tilespmem:s2+$0x210]  }
0x2f2: {  	v60 =	vld [tilespmem:s2+$0x180]  }
0x2f3: {  	v45 =	vld [tilespmem:s2+$0x290]  }
0x2f4: {  	v61 =	vld [tilespmem:s2+$0x200]  }
0x2f5: {  	v47 =	vld [tilespmem:s2+$0x310]  }
0x2f6: {  	v62 =	vld [tilespmem:s2+$0x280]  }
0x2f7: {  	v49 =	vld [tilespmem:s2+$0x390]  }
0x2f8: {  	v63 =	vld [tilespmem:s2+$0x300]  }
0x2f9: {  	s7 =	simm.s32 $0x10420;
	v54 =	vld [tilespmem:s2+$0x380];
	v20 =	vadd.f32 v21, v20  }
0x2fa: {  	v21 =	vadd.f32 v22, v24;
	v22 =	vld [tilespmem:s7+$0xFFFFFC10]  }
0x2fb: {  	v24 =	vld [tilespmem:s7+$0xFFFFFC90];
	v20 =	vadd.f32 v23, v20  }
0x2fc: {  	v21 =	vadd.f32 v26, v21;
	v23 =	vld [tilespmem:s7+$0xFFFFFC80]  }
0x2fd: {  	v26 =	vld [tilespmem:s7+$0xFFFFFD10];
	v20 =	vadd.f32 v25, v20  }
0x2fe: {  	v21 =	vadd.f32 v55, v21;
	v25 =	vld [tilespmem:s7+$0xFFFFFC00]  }
0x2ff: {  	v55 =	vld [tilespmem:s7+$0xFFFFFD90];
	v20 =	vadd.f32 v27, v20  }
0x300: {  	v22 =	vadd.f32 v24, v22;
	v21 =	vadd.f32 v30, v21;
	v27 =	vld [tilespmem:s7+$0xFFFFFD00]  }
0x301: {  	v24 =	vld [tilespmem:s7+$0xFFFFFE10];
	v20 =	vadd.f32 v29, v20  }
0x302: {  	v22 =	vadd.f32 v26, v22;
	v21 =	vadd.f32 v56, v21;
	v56 =	vld [tilespmem:s7+$0xFFFFFD80]  }
0x303: {  	v23 =	vadd.f32 v23, v25;
	v25 =	vld [tilespmem:s7+$0xFFFFFE90];
	v20 =	vadd.f32 v31, v20  }
0x304: {  	v26 =	vld [tilespmem:s7+$0xFFFFFE00];
	v22 =	vadd.f32 v55, v22;
	v21 =	vadd.f32 v34, v21  }
0x305: {  	v23 =	vadd.f32 v27, v23;
	v27 =	vld [tilespmem:s7+$0xFFFFFF10];
	v20 =	vadd.f32 v33, v20  }
0x306: {  	v22 =	vadd.f32 v24, v22;
	v21 =	vadd.f32 v57, v21;
	v57 =	vld [tilespmem:s7+$0xFFFFFE80]  }
0x307: {  	v24 =	vld [tilespmem:s7+$0xFFFFFF90];
	v23 =	vadd.f32 v56, v23;
	v20 =	vadd.f32 v35, v20  }
0x308: {  	v21 =	vadd.f32 v58, v21;
	v58 =	vld [tilespmem:s7+$0xFFFFFF00];
	v22 =	vadd.f32 v25, v22  }
0x309: {  	v25 =	vld [tilespmem:s7+$0x10];
	v23 =	vadd.f32 v26, v23;
	v20 =	vadd.f32 v37, v20  }
0x30a: {  	v26 =	vld [tilespmem:s7+$0xFFFFFF80];
	v21 =	vadd.f32 v40, v21;
	v22 =	vadd.f32 v27, v22  }
0x30b: {  	v27 =	vld [tilespmem:s7+$0x90];
	v23 =	vadd.f32 v57, v23;
	v20 =	vadd.f32 v39, v20  }
0x30c: {  	v21 =	vadd.f32 v59, v21;
	v59 =	vld [tilespmem:s7+$0x0];
	v22 =	vadd.f32 v24, v22  }
0x30d: {  	v24 =	vld [tilespmem:s7+$0x110];
	v23 =	vadd.f32 v58, v23;
	v20 =	vadd.f32 v41, v20  }
0x30e: {  	v21 =	vadd.f32 v60, v21;
	v60 =	vld [tilespmem:s7+$0x80];
	v22 =	vadd.f32 v25, v22  }
0x30f: {  	v25 =	vld [tilespmem:s7+$0x190];
	v23 =	vadd.f32 v26, v23;
	v20 =	vadd.f32 v43, v20  }
0x310: {  	v26 =	vld [tilespmem:s7+$0x100];
	v21 =	vadd.f32 v61, v21;
	v22 =	vadd.f32 v27, v22  }
0x311: {  	v27 =	vld [tilespmem:s7+$0x210];
	v23 =	vadd.f32 v59, v23;
	v20 =	vadd.f32 v45, v20  }
0x312: {  	v61 =	vld [tilespmem:s7+$0x180];
	v21 =	vadd.f32 v62, v21;
	v22 =	vadd.f32 v24, v22  }
0x313: {  	v62 =	vld [tilespmem:s7+$0x290];
	v23 =	vadd.f32 v60, v23;
	v24 =	vadd.f32 v47, v20  }
0x314: {  	v21 =	vadd.f32 v63, v21;
	v63 =	vld [tilespmem:s7+$0x200];
	v22 =	vadd.f32 v25, v22  }
0x315: {  	v20 =	vld [tilespmem:s7+$0x310];
	v23 =	vadd.f32 v26, v23;
	v24 =	vadd.f32 v49, v24  }
0x316: {  	s6 =	simm.s32 $0x18810;
	v25 =	vadd.f32 v54, v21;
	v21 =	vld [tilespmem:s7+$0x280];
	v26 =	vadd.f32 v27, v22  }
0x317: {  	v22 =	vld [tilespmem:s7+$0x390];
	v23 =	vadd.f32 v61, v23;
	[tilespmem:s6+$0x0] =	vst v24  }
0x318: {  	v24 =	vld [tilespmem:s7+$0x300];
	[tilespmem:s6+$0xFFFFFFF0] =	vst v25;
	v25 =	vadd.f32 v62, v26  }
0x319: {  	s2 =	simm.s32 $0x2;
	v26 =	vadd.f32 v63, v23;
	v23 =	vld [tilespmem:s7+$0x380];
	s7 =	simm.s32 $0x10440  }
.LBB2_26:
0x31a: {  	v27 =	vld [tilespmem:s7+$0xFFFFFC10];
	v20 =	vadd.f32 v20, v25  }
0x31b: {  	s2 =	sadd.s32 $0x2, s2;
	v25 =	vld [tilespmem:s7+$0xFFFFFC90];
	v21 =	vadd.f32 v21, v26  }
0x31c: {  	p1 =	slt.u32 s2, $0x6;
	v26 =	vld [tilespmem:s7+$0xFFFFFC80];
	v20 =	vadd.f32 v22, v20  }
0x31d: {  	s6 =	sadd.s32 $0x20, s6;
	v22 =	vld [tilespmem:s7+$0xFFFFFD10];
	v21 =	vadd.f32 v24, v21  }
0x31e: {  	v24 =	vld [tilespmem:s7+$0xFFFFFC00];
	[tilespmem:s6+$0x0] =	vst v20  }
0x31f: {  	v20 =	vld [tilespmem:s7+$0xFFFFFD90];
	v21 =	vadd.f32 v23, v21  }
0x320: {  	v23 =	vld [tilespmem:s7+$0xFFFFFD00];
	v25 =	vadd.f32 v25, v27  }
0x321: {  	v27 =	vld [tilespmem:s7+$0xFFFFFE10];
	[tilespmem:s6+$0xFFFFFFF0] =	vst v21  }
0x322: {  	v21 =	vld [tilespmem:s7+$0xFFFFFD80];
	v22 =	vadd.f32 v22, v25  }
0x323: {  	v24 =	vadd.f32 v26, v24;
	v25 =	vld [tilespmem:s7+$0xFFFFFE90]  }
0x324: {  	v26 =	vld [tilespmem:s7+$0xFFFFFE00];
	v20 =	vadd.f32 v20, v22  }
0x325: {  	v22 =	vadd.f32 v23, v24;
	v23 =	vld [tilespmem:s7+$0xFFFFFF10]  }
0x326: {  	v24 =	vld [tilespmem:s7+$0xFFFFFE80];
	v20 =	vadd.f32 v27, v20  }
0x327: {  	v21 =	vadd.f32 v21, v22;
	v22 =	vld [tilespmem:s7+$0xFFFFFF90]  }
0x328: {  	v27 =	vld [tilespmem:s7+$0xFFFFFF00];
	v20 =	vadd.f32 v25, v20  }
0x329: {  	v21 =	vadd.f32 v26, v21;
	v25 =	vld [tilespmem:s7+$0x10]  }
0x32a: {  	v26 =	vld [tilespmem:s7+$0xFFFFFF80];
	v20 =	vadd.f32 v23, v20  }
0x32b: {  	v21 =	vadd.f32 v24, v21;
	v23 =	vld [tilespmem:s7+$0x90]  }
0x32c: {  	v24 =	vld [tilespmem:s7+$0x0];
	v20 =	vadd.f32 v22, v20  }
0x32d: {  	v21 =	vadd.f32 v27, v21;
	v22 =	vld [tilespmem:s7+$0x110]  }
0x32e: {  	v27 =	vld [tilespmem:s7+$0x80];
	v20 =	vadd.f32 v25, v20  }
0x32f: {  	v21 =	vadd.f32 v26, v21;
	v25 =	vld [tilespmem:s7+$0x190]  }
0x330: {  	v26 =	vld [tilespmem:s7+$0x100];
	v20 =	vadd.f32 v23, v20  }
0x331: {  	v21 =	vadd.f32 v24, v21;
	v23 =	vld [tilespmem:s7+$0x210]  }
0x332: {  	v24 =	vld [tilespmem:s7+$0x180];
	v20 =	vadd.f32 v22, v20  }
0x333: {  	v21 =	vadd.f32 v27, v21;
	v27 =	vld [tilespmem:s7+$0x290]  }
0x334: {  	v28 =	vld [tilespmem:s7+$0x200];
	v22 =	vadd.f32 v25, v20  }
.Ltmp13:
0x335: {  	v25 =	vadd.f32 v26, v21;
	v20 =	vld [tilespmem:s7+$0x310];
	(pc) =	sbr.rel @p1 .LBB2_26-.Ltmp13, $4  }
0x336: {  	v21 =	vld [tilespmem:s7+$0x280];
	v23 =	vadd.f32 v23, v22  }
0x337: {  	v26 =	vadd.f32 v24, v25;
	v22 =	vld [tilespmem:s7+$0x390]  }
0x338: {  	v24 =	vld [tilespmem:s7+$0x300];
	v25 =	vadd.f32 v27, v23  }
0x339: {  	v26 =	vadd.f32 v28, v26;
	v23 =	vld [tilespmem:s7+$0x380];
	s7 =	sadd.s32 $0x20, s7  }
0x33a: {  	_ = 	snop  }
0x33b: {  	v21 =	vadd.f32 v21, v26  }
0x33c: {  	v20 =	vadd.f32 v20, v25  }
0x33d: {  	v21 =	vadd.f32 v24, v21  }
0x33e: {  	v20 =	vadd.f32 v22, v20  }
0x33f: {  	s2 =	sadd.s32 $0x20, s6;
	v21 =	vadd.f32 v23, v21  }
0x340: {  	[tilespmem:s2+$0x0] =	vst v20  }
0x341: {  	[tilespmem:s2+$0xFFFFFFF0] =	vst v21  }
0x342: {  	[bflag:$0x0] =	sbarrier.arrive $0xFFFF  }
0x343: {  	v53 =	vld [tilespmem:$0x18800];
	_ =	sdelay $0x1  }
0x344: {  	v54 =	vld [tilespmem:$0x18810];
	_ =	sdelay $0x2  }
0x345: {  	v55 =	vperm.xlane v53, v7  }
0x346: {  	vm3 =	veq.s32 v0, $0x0  }
0x347: {  	v56 =	vperm.xlane v54, v7;
	v22 =	vsel vm3, $0x0, v55  }
0x348: {  	v57 =	vadd.f32 $0.0e+00, v53;
	v22 =	vadd.f32 v22, v53  }
0x349: {  	v23 =	vsel vm3, $0x0, v56  }
0x34a: {  	v58 =	vadd.f32 v54, v57;
	v23 =	vadd.f32 v23, v54;
	v59 =	vperm.xlane v22, v8  }
0x34b: {  	v27 =	vand.u32 $0xF, v3  }
0x34c: {  	v28 =	vperm.xlane v58, v27;
	v29 =	vperm.xlane v23, v8;
	v26 =	vsel vm0, $0x0, v59  }
0x34d: {  	v22 =	vadd.f32 v26, v22  }
0x34e: {  	v25 =	vadd.f32 v28, v58;
	v60 =	vsel vm0, $0x0, v29  }
0x34f: {  	v61 =	vand.u32 $0xF, v4;
	v23 =	vadd.f32 v60, v23;
	v62 =	vperm.xlane v22, v10  }
0x350: {  	v63 =	vperm.xlane v25, v61  }
0x351: {  	v30 =	vperm.xlane v23, v10;
	v29 =	vsel vm1, $0x0, v62  }
0x352: {  	v25 =	vadd.f32 v63, v25;
	v22 =	vadd.f32 v29, v22  }
0x353: {  	v33 =	vand.u32 $0xF, v5;
	v34 =	vsel vm1, $0x0, v30  }
0x354: {  	v35 =	vperm.xlane v25, v33;
	v23 =	vadd.f32 v34, v23;
	v36 =	vperm.xlane v22, v11;
	_ =	sdelay $0x1  }
0x355: {  	v25 =	vadd.f32 v35, v25;
	v37 =	vperm.xlane v23, v11;
	v29 =	vsel vm2, $0x0, v36  }
0x356: {  	v22 =	vadd.f32 v29, v22  }
0x357: {  	v18 =	vadd.f32 v19, v18;
	v38 =	vperm.xlane v25, v6;
	v39 =	vsel vm2, $0x0, v37  }
0x358: {  	v23 =	vadd.f32 v39, v23;
	v40 =	vperm.xlane v22, v12  }
0x359: {  	v18 =	vsub.f32 v16, v18;
	v19 =	vadd.f32 v38, v25  }
0x35a: {  	v23 =	vsub.f32 v23, v54;
	v41 =	vadd.f32 $0.0e+00, v40  }
0x35b: {  	v19 =	vsub.f32 v19, v18  }
0x35c: {  	v20 =	vsub.f32 v22, v53;
	v42 =	vadd.f32 v23, v41;
	_ =	sdelay $0x1  }
0x35d: {  	vm3 =	vle.f32 v20, v19;
	vm4 =	vle.f32 v42, v19  }
0x35e: {  	v43 =	vsel vm3, $0x3F800000, v1;
	v44 =	vsel vm4, $0x3F800000, v1  }
0x35f: {  	v19 =	vadd.f32 v44, v43;
	_ =	sdelay $0x1  }
0x360: {  	v20 =	vperm.xlane v19, v27;
	_ =	sdelay $0x1  }
0x361: {  	v19 =	vadd.f32 v20, v19;
	_ =	sdelay $0x1  }
0x362: {  	v20 =	vperm.xlane v19, v61;
	_ =	sdelay $0x1  }
0x363: {  	v19 =	vadd.f32 v20, v19;
	_ =	sdelay $0x1  }
0x364: {  	v20 =	vperm.xlane v19, v33;
	_ =	sdelay $0x1  }
0x365: {  	v19 =	vadd.f32 v20, v19;
	_ =	sdelay $0x1  }
0x366: {  	v20 =	vperm.xlane v19, v6;
	_ =	sdelay $0x1  }
0x367: {  	v19 =	vadd.f32 v20, v19;
	_ =	sdelay $0x1  }
0x368: {  	v19 =	vadd.f32 $-1.000000000e+00, v19;
	_ =	sdelay $0x1  }
0x369: {  	v45 =	vld [tilespmem:$0x18820];
	v19 =	vtrunc.f32 v19  }
0x36a: {  	v19 =	vcvt.f32.s32 v19  }
0x36b: {  	v47 =	vor.u32 $0x10, v0;
	v46 =	vld [tilespmem:$0x18830]  }
0x36c: {  	vm3 =	vlt.s32 v19, v0;
	vm15 =	vlt.s32 v19, v47  }
0x36d: {  	v48 =	vnsel vm3, $0x0, v57;
	v21 =	vnsel vm15, $0x0, v54  }
0x36e: {  	v49 =	vld [tilespmem:$0x18840];
	v20 =	vadd.f32 $0.0e+00, v45;
	v21 =	vadd.f32 v21, v48;
	_ =	sdelay $0x1  }
0x36f: {  	v20 =	vnsel vm3, $0x0, v20;
	v22 =	vnsel vm15, $0x0, v46;
	v50 =	vperm.xlane v21, v27  }
0x370: {  	v20 =	vadd.f32 v22, v20  }
0x371: {  	v21 =	vadd.f32 v50, v21  }
0x372: {  	v52 =	vperm.xlane v49, v27;
	v51 =	vperm.xlane v20, v27  }
0x373: {  	v53 =	vperm.xlane v21, v61  }
0x374: {  	v54 =	vadd.f32 v52, v49;
	v20 =	vadd.f32 v51, v20  }
0x375: {  	v21 =	vadd.f32 v53, v21  }
0x376: {  	v24 =	vperm.xlane v54, v61;
	v55 =	vperm.xlane v20, v61  }
0x377: {  	v25 =	vperm.xlane v21, v33  }
0x378: {  	v22 =	vadd.f32 v24, v54;
	v20 =	vadd.f32 v55, v20  }
0x379: {  	v15 =	vadd.f32 v16, v15;
	v21 =	vadd.f32 v25, v21  }
0x37a: {  	v24 =	vperm.xlane v22, v33;
	v23 =	vperm.xlane v20, v33  }
0x37b: {  	v15 =	vadd.f32 $9.999999970e-07, v15;
	v56 =	vperm.xlane v21, v6  }
0x37c: {  	v22 =	vadd.f32 v24, v22;
	v20 =	vadd.f32 v23, v20  }
0x37d: {  	(erf) = vrcp.f32 v15;
	v16 =	vadd.f32 v56, v21  }
0x37e: {  	v58 =	vperm.xlane v22, v6;
	v57 =	vperm.xlane v20, v6  }
0x37f: {  	v59 =	vshll.u32 v17, $0x15;
	v60 =	vshll.u32 v19, $0x10;
	v15 =	vsub.f32 v18, v16  }
0x380: {  	v62 =	vadd.f32 v58, v22;
	v61 =	vadd.f32 v57, v20;
	v16 =	vor.u32 v59, v60  }
0x381: {  	v16 =	vmul.f32 v16, v15  }
0x382: {  	v63 =	vadd.f32 v62, v61;
	vm3 =	vgt.f32 v15, $0.0e+00  }
0x383: {  	v15 =	vnsel vm3, $0x0, v16  }
0x384: {  	v15 =	vadd.f32 v63, v15;
	_ =	sdelay $0x2  }
0x385: {  	v14 =	vadd.f32 v15, v14  }
0x386: {  	v15 =	vpop (erf)  }
0x387: {  	v14 =	vmul.f32 v14, v15;
	_ =	sdelay $0x1  }
0x388: {  	s6 =	simm.s32 @!p0 $0x19400;
	s2 =	simm.s32 @!p0 $0x0;
	s7 =	rddreg [dreg:$0x1];
	[tilespmem:$0x19400] =	vst v14  }
0x389: {  	[hbm4b:s7+s2] =	stream.linear.scatter @!p0 [tilespmem:s6], [sflag:$0x3], $0x80, $0x38;
	[tilespmem:$0x19C80] =	vst v63  }
0x38a: {  	s2 =	simm.s32 @!p0 $0x3  }
0x38b: {  	_ =	swait.ge @!p0 [sflag:s2], $0x80  }
0x38c: {  	s5 =	sadd.s32 $0x1, s5;
	s0 =	rddreg [dreg:$0x9]  }
0x38d: {  	p1 =	sne.s32 s5, s0  }
.Ltmp14:
0x38e: {  	_ = 	snop;
	(pc) =	sbr.rel @p1 .LBB2_1-.Ltmp14, $3  }
0x38f: {  	_ =	sdelay $0x1  }
0x390: {  	[sflag:s2] =	ssyncset.done @!p0 $0x0  }
0x391: {  	[sflag:s2] =	ssyncadd.s32 @!p0 $0xFFFFFF80  }
0x392: {  	_ =	sfence.sel $0x180000  }
0x393: {  	[bflag:$0x0] =	sbarrier.arrive $0xFFFF  }
0x394: {  	_ =	strace $0x90000047  }
0x395: {  	s0 =	stileid.u32;
	[bflag:$0x2] =	sbarrier.arrive $0xFFFF  }
0x396: {  	p0 =	sne.s32 s0, $0x0;
	s0 =	rddreg [dreg:$0x3]  }
0x397: {  	s0 =	sadd.s32 @!p0 $0x100000, s0  }
0x398: {  	[sflag:s0] =	ssyncadd.tile.s32 @!p0 $0x1;
	_ =	shalt  }
.Lfunc_end2:
_tile_overlayer_lowered:
.L_overlay_start_2:
0x399: {  	(tag) =	ssettag $0x2  }
0x39a: {  	s0 =	rddreg [dreg:$0x0];
	s2 =	stileid.u32  }
0x39b: {  	s1 =	rddreg [dreg:$0x1];
	p0 =	sne.s32 s2, $0x0  }
0x39c: {  	s3 =	rddreg [dreg:$0x2];
	[bflag:$0x3] =	sbarrier.arrive $0xFFFF;
	s2 =	simm.s32 @!p0 $0x1C03  }
0x39d: {  	[timem:s3], [sflag:s2] =	dma.local @!p0 [hbm:s0], s1  }
0x39e: {  	s0 =	simm.s32 @!p0 $0x3  }
0x39f: {  	_ =	swait.ge @!p0 [sflag:s0], s1  }
0x3a0: {  	s1 =	ssub.s32 @!p0 $0x0, s1;
	[sflag:s0] =	ssyncset.done @!p0 $0x0  }
0x3a1: {  	[sflag:s0] =	ssyncadd.s32 @!p0 s1  }
0x3a2: {  	[bflag:$0x3] =	sbarrier.arrive $0xFFFF  }
0x3a3: {  	_ =	shalt  }

</sc_bundles>
